<compile_context>
chip_gen: v7x
topology: tpu7x:2x2x1
jax: 0.10.2.dev20260603
libtpu: 0.0.44.dev20260713+nightly
codegen_flags: <defaults>
</compile_context>

<pallas_src>
import functools
import jax
import jax.numpy as jnp
from jax import lax
from jax.experimental import pallas as pl
from jax.experimental.pallas import tpu as pltpu
from jax.experimental.pallas import tpu_sc as plsc

_NC, _NS = 2, 16
_NW = _NC * _NS
_CHUNK = 16 * 1024
_NBUF = 3


def _sc_body(x_hbm, pos_hbm, out_hbm, xb0, xb1, xb2, pb0, pb1, pb2,
             xsem, psem, osem):
    xbuf = (xb0, xb1, xb2)
    pbuf = (pb0, pb1, pb2)
    wid = lax.axis_index("s") * _NC + lax.axis_index("c")
    total = x_hbm.shape[0]
    posn = pos_hbm.shape[0]
    per_w = total // _NW
    nch = per_w // _CHUNK
    base = wid * per_w

    def load(ch):
        slot = ch % _NBUF
        off = base + ch * _CHUNK
        poff = lax.rem(off, posn)
        pltpu.async_copy(x_hbm.at[pl.ds(off, _CHUNK)], xbuf[slot],
                         xsem.at[slot])
        pltpu.async_copy(pos_hbm.at[pl.ds(poff, _CHUNK)], pbuf[slot],
                         psem.at[slot])

    for j in range(_NBUF):
        load(j)

    for ch in range(nch):
        slot = ch % _NBUF
        off = base + ch * _CHUNK
        if ch >= 1 and ch + 2 < nch:
            prev_slot = (ch - 1) % _NBUF
            prev_off = base + (ch - 1) * _CHUNK
            pltpu.make_async_copy(
                pbuf[prev_slot], out_hbm.at[pl.ds(prev_off, _CHUNK)],
                osem.at[prev_slot],
            ).wait()
            load(ch + 2)
        pltpu.make_async_copy(
            x_hbm.at[pl.ds(off, _CHUNK)], xbuf[slot], xsem.at[slot]
        ).wait()
        pltpu.make_async_copy(
            pos_hbm.at[pl.ds(lax.rem(off, posn), _CHUNK)], pbuf[slot],
            psem.at[slot],
        ).wait()

        def body(i, carry, slot=slot):
            for k in range(8):
                sl = pl.ds(i * 128 + k * 16, 16)
                plsc.addupdate(pbuf[slot].at[sl], xbuf[slot][sl])
            return carry

        lax.fori_loop(0, _CHUNK // 128, body, 0)
        pltpu.async_copy(pbuf[slot], out_hbm.at[pl.ds(off, _CHUNK)],
                         osem.at[slot])

    for ch in range(nch - 3, nch):
        slot = ch % _NBUF
        off = base + ch * _CHUNK
        pltpu.make_async_copy(
            pbuf[slot], out_hbm.at[pl.ds(off, _CHUNK)], osem.at[slot]
        ).wait()


def kernel(X, pos_embedding):
    B, L, D = X.shape
    mesh = plsc.VectorSubcoreMesh(core_axis_name="c", subcore_axis_name="s")
    run = functools.partial(
        pl.kernel, _sc_body, mesh=mesh,
        out_type=jax.ShapeDtypeStruct((B * L * D,), X.dtype),
        scratch_types=(
            [pltpu.VMEM((_CHUNK,), X.dtype)] * 6
            + [pltpu.SemaphoreType.DMA((_NBUF,))] * 3
        ),
    )()
    out = run(X.reshape(-1), pos_embedding.reshape(-1))
    return out.reshape(B, L, D)

# --- scband reference (transcript-rebuilt; emitter-appended) ---
"""Pipeline reference for scband-positional-encoding-learned-14491219656896 (READ-ONLY COPY).

The authoritative reference and input builder live on the scoring server;
editing this copy changes nothing except your own understanding.
"""

import jax, jax.numpy as jnp
import numpy as np

B, L, D = 4, 2048, 1024
MAX_LEN = 2048

def setup_inputs(seed: int = 0) -> dict:
    key = jax.random.key(seed)
    k1, k2 = jax.random.split(key)
    X = jax.random.normal(k1, (B, L, D), dtype=jnp.float32)
    pos_embedding = jax.random.normal(k2, (MAX_LEN, D), dtype=jnp.float32) * 0.02
    return {"X": X, "pos_embedding": pos_embedding}

def reference(X, pos_embedding):
    # position = arange(0, L).unsqueeze(0).repeat(B, 1)
    Bx, Lx, Dx = X.shape
    position = jnp.tile(jnp.arange(Lx, dtype=jnp.int32)[None, :], (Bx, 1))  # [B, L]
    # embedding lookup: gather rows of pos_embedding
    pos_emb = jnp.take(pos_embedding, position, axis=0)  # [B, L, D]
    out = X + pos_emb
    # dropout p=0.0 -> identity
    return out

if __name__ == "__main__":
    import jax
    _d = setup_inputs()
    print(jax.jit(kernel)(*tuple(_d.values())))

</pallas_src>

<mosaic_0001>
#map = affine_map<(d0, d1) -> (0)>
module attributes {stable_mosaic.version = 14 : i64} {
  func.func @_sc_body(%arg0: i32, %arg1: i32, %arg2: memref<8388608xf32, #tpu.memory_space<hbm>>, %arg3: memref<2097152xf32, #tpu.memory_space<hbm>>, %arg4: memref<8388608xf32, #tpu.memory_space<hbm>>, %arg5: memref<16384xf32, #tpu.memory_space<vmem>>, %arg6: memref<16384xf32, #tpu.memory_space<vmem>>, %arg7: memref<16384xf32, #tpu.memory_space<vmem>>, %arg8: memref<16384xf32, #tpu.memory_space<vmem>>, %arg9: memref<16384xf32, #tpu.memory_space<vmem>>, %arg10: memref<16384xf32, #tpu.memory_space<vmem>>, %arg11: memref<3x!tpu.dma_semaphore, #tpu.memory_space<semaphore_mem>>, %arg12: memref<3x!tpu.dma_semaphore, #tpu.memory_space<semaphore_mem>>, %arg13: memref<3x!tpu.dma_semaphore, #tpu.memory_space<semaphore_mem>>) attributes {dimension_semantics = [#tpu.dimension_semantics<core_parallel>, #tpu.dimension_semantics<subcore_parallel>], iteration_bounds = array<i64: 2, 16>, scalar_prefetch = 0 : i64, scratch_operands = 9 : i64, tpu.core_type = #tpu.core_type<sc_vector_subcore>, window_params = [{transform_indices = #map}, {transform_indices = #map}, {transform_indices = #map}]} {
    %mul3A = arith.constant 2 : i32
    %mul3A_0 = arith.muli %arg1, %mul3A : i32
    %add3A = arith.addi %mul3A_0, %arg0 : i32
    %mul3A_1 = arith.constant 262144 : i32
    %mul3A_2 = arith.muli %add3A, %mul3A_1 : i32
    %add3A_3 = arith.constant 0 : i32
    %add3A_4 = arith.addi %mul3A_2, %add3A_3 : i32
    %rem3A = arith.constant 2097152 : i32
    %rem3A_5 = arith.remsi %add3A_4, %rem3A : i32
    %dma_start3A = arith.constant 0 : i32
    %dma_start3A_6 = tpu.memref_slice %arg2[%add3A_4] : memref<8388608xf32, #tpu.memory_space<hbm>> -> memref<16384xf32, #tpu.memory_space<hbm>>
    %dma_start3A_7 = tpu.memref_slice %arg11[%dma_start3A] : memref<3x!tpu.dma_semaphore, #tpu.memory_space<semaphore_mem>> -> memref<1x!tpu.dma_semaphore, #tpu.memory_space<semaphore_mem>>
    %dma_start3A_8 = tpu.memref_squeeze %dma_start3A_7 : memref<1x!tpu.dma_semaphore, #tpu.memory_space<semaphore_mem>> -> memref<!tpu.dma_semaphore, #tpu.memory_space<semaphore_mem>>
    %dma_start3A_9 = tpu.memref_slice %arg2[%add3A_4] : memref<8388608xf32, #tpu.memory_space<hbm>> -> memref<16384xf32, #tpu.memory_space<hbm>>
    tpu.enqueue_dma source(%dma_start3A_9 : memref<16384xf32, #tpu.memory_space<hbm>>) target(%arg5 : memref<16384xf32, #tpu.memory_space<vmem>>) target_semaphore(%dma_start3A_8 : memref<!tpu.dma_semaphore, #tpu.memory_space<semaphore_mem>>)
    %dma_start3A_10 = arith.constant 0 : i32
    %dma_start3A_11 = tpu.memref_slice %arg3[%rem3A_5] : memref<2097152xf32, #tpu.memory_space<hbm>> -> memref<16384xf32, #tpu.memory_space<hbm>>
    %dma_start3A_12 = tpu.memref_slice %arg12[%dma_start3A_10] : memref<3x!tpu.dma_semaphore, #tpu.memory_space<semaphore_mem>> -> memref<1x!tpu.dma_semaphore, #tpu.memory_space<semaphore_mem>>
    %dma_start3A_13 = tpu.memref_squeeze %dma_start3A_12 : memref<1x!tpu.dma_semaphore, #tpu.memory_space<semaphore_mem>> -> memref<!tpu.dma_semaphore, #tpu.memory_space<semaphore_mem>>
    %dma_start3A_14 = tpu.memref_slice %arg3[%rem3A_5] : memref<2097152xf32, #tpu.memory_space<hbm>> -> memref<16384xf32, #tpu.memory_space<hbm>>
    tpu.enqueue_dma source(%dma_start3A_14 : memref<16384xf32, #tpu.memory_space<hbm>>) target(%arg8 : memref<16384xf32, #tpu.memory_space<vmem>>) target_semaphore(%dma_start3A_13 : memref<!tpu.dma_semaphore, #tpu.memory_space<semaphore_mem>>)
    %add3A_15 = arith.constant 16384 : i32
    %add3A_16 = arith.addi %mul3A_2, %add3A_15 : i32
    %rem3A_17 = arith.constant 2097152 : i32
    %rem3A_18 = arith.remsi %add3A_16, %rem3A_17 : i32
    %dma_start3A_19 = arith.constant 1 : i32
    %dma_start3A_20 = tpu.memref_slice %arg2[%add3A_16] : memref<8388608xf32, #tpu.memory_space<hbm>> -> memref<16384xf32, #tpu.memory_space<hbm>>
    %dma_start3A_21 = tpu.memref_slice %arg11[%dma_start3A_19] : memref<3x!tpu.dma_semaphore, #tpu.memory_space<semaphore_mem>> -> memref<1x!tpu.dma_semaphore, #tpu.memory_space<semaphore_mem>>
    %dma_start3A_22 = tpu.memref_squeeze %dma_start3A_21 : memref<1x!tpu.dma_semaphore, #tpu.memory_space<semaphore_mem>> -> memref<!tpu.dma_semaphore, #tpu.memory_space<semaphore_mem>>
    %dma_start3A_23 = tpu.memref_slice %arg2[%add3A_16] : memref<8388608xf32, #tpu.memory_space<hbm>> -> memref<16384xf32, #tpu.memory_space<hbm>>
    tpu.enqueue_dma source(%dma_start3A_23 : memref<16384xf32, #tpu.memory_space<hbm>>) target(%arg6 : memref<16384xf32, #tpu.memory_space<vmem>>) target_semaphore(%dma_start3A_22 : memref<!tpu.dma_semaphore, #tpu.memory_space<semaphore_mem>>)
    %dma_start3A_24 = arith.constant 1 : i32
    %dma_start3A_25 = tpu.memref_slice %arg3[%rem3A_18] : memref<2097152xf32, #tpu.memory_space<hbm>> -> memref<16384xf32, #tpu.memory_space<hbm>>
    %dma_start3A_26 = tpu.memref_slice %arg12[%dma_start3A_24] : memref<3x!tpu.dma_semaphore, #tpu.memory_space<semaphore_mem>> -> memref<1x!tpu.dma_semaphore, #tpu.memory_space<semaphore_mem>>
    %dma_start3A_27 = tpu.memref_squeeze %dma_start3A_26 : memref<1x!tpu.dma_semaphore, #tpu.memory_space<semaphore_mem>> -> memref<!tpu.dma_semaphore, #tpu.memory_space<semaphore_mem>>
    %dma_start3A_28 = tpu.memref_slice %arg3[%rem3A_18] : memref<2097152xf32, #tpu.memory_space<hbm>> -> memref<16384xf32, #tpu.memory_space<hbm>>
    tpu.enqueue_dma source(%dma_start3A_28 : memref<16384xf32, #tpu.memory_space<hbm>>) target(%arg9 : memref<16384xf32, #tpu.memory_space<vmem>>) target_semaphore(%dma_start3A_27 : memref<!tpu.dma_semaphore, #tpu.memory_space<semaphore_mem>>)
    %add3A_29 = arith.constant 32768 : i32
    %add3A_30 = arith.addi %mul3A_2, %add3A_29 : i32
    %rem3A_31 = arith.constant 2097152 : i32
    %rem3A_32 = arith.remsi %add3A_30, %rem3A_31 : i32
    %dma_start3A_33 = arith.constant 2 : i32
    %dma_start3A_34 = tpu.memref_slice %arg2[%add3A_30] : memref<8388608xf32, #tpu.memory_space<hbm>> -> memref<16384xf32, #tpu.memory_space<hbm>>
    %dma_start3A_35 = tpu.memref_slice %arg11[%dma_start3A_33] : memref<3x!tpu.dma_semaphore, #tpu.memory_space<semaphore_mem>> -> memref<1x!tpu.dma_semaphore, #tpu.memory_space<semaphore_mem>>
    %dma_start3A_36 = tpu.memref_squeeze %dma_start3A_35 : memref<1x!tpu.dma_semaphore, #tpu.memory_space<semaphore_mem>> -> memref<!tpu.dma_semaphore, #tpu.memory_space<semaphore_mem>>
    %dma_start3A_37 = tpu.memref_slice %arg2[%add3A_30] : memref<8388608xf32, #tpu.memory_space<hbm>> -> memref<16384xf32, #tpu.memory_space<hbm>>
    tpu.enqueue_dma source(%dma_start3A_37 : memref<16384xf32, #tpu.memory_space<hbm>>) target(%arg7 : memref<16384xf32, #tpu.memory_space<vmem>>) target_semaphore(%dma_start3A_36 : memref<!tpu.dma_semaphore, #tpu.memory_space<semaphore_mem>>)
    %dma_start3A_38 = arith.constant 2 : i32
    %dma_start3A_39 = tpu.memref_slice %arg3[%rem3A_32] : memref<2097152xf32, #tpu.memory_space<hbm>> -> memref<16384xf32, #tpu.memory_space<hbm>>
    %dma_start3A_40 = tpu.memref_slice %arg12[%dma_start3A_38] : memref<3x!tpu.dma_semaphore, #tpu.memory_space<semaphore_mem>> -> memref<1x!tpu.dma_semaphore, #tpu.memory_space<semaphore_mem>>
    %dma_start3A_41 = tpu.memref_squeeze %dma_start3A_40 : memref<1x!tpu.dma_semaphore, #tpu.memory_space<semaphore_mem>> -> memref<!tpu.dma_semaphore, #tpu.memory_space<semaphore_mem>>
    %dma_start3A_42 = tpu.memref_slice %arg3[%rem3A_32] : memref<2097152xf32, #tpu.memory_space<hbm>> -> memref<16384xf32, #tpu.memory_space<hbm>>
    tpu.enqueue_dma source(%dma_start3A_42 : memref<16384xf32, #tpu.memory_space<hbm>>) target(%arg10 : memref<16384xf32, #tpu.memory_space<vmem>>) target_semaphore(%dma_start3A_41 : memref<!tpu.dma_semaphore, #tpu.memory_space<semaphore_mem>>)
    %add3A_43 = arith.constant 0 : i32
    %add3A_44 = arith.addi %mul3A_2, %add3A_43 : i32
    %dma_wait3A = arith.constant 0 : i32
    %dma_wait3A_45 = tpu.memref_slice %arg2[%add3A_44] : memref<8388608xf32, #tpu.memory_space<hbm>> -> memref<16384xf32, #tpu.memory_space<hbm>>
    %dma_wait3A_46 = tpu.memref_slice %arg11[%dma_wait3A] : memref<3x!tpu.dma_semaphore, #tpu.memory_space<semaphore_mem>> -> memref<1x!tpu.dma_semaphore, #tpu.memory_space<semaphore_mem>>
    %dma_wait3A_47 = tpu.memref_squeeze %dma_wait3A_46 : memref<1x!tpu.dma_semaphore, #tpu.memory_space<semaphore_mem>> -> memref<!tpu.dma_semaphore, #tpu.memory_space<semaphore_mem>>
    %dma_wait3A_48 = tpu.memref_slice %arg2[%add3A_44] : memref<8388608xf32, #tpu.memory_space<hbm>> -> memref<16384xf32, #tpu.memory_space<hbm>>
    tpu.wait_dma2 semaphore(%dma_wait3A_47 : memref<!tpu.dma_semaphore, #tpu.memory_space<semaphore_mem>>) src(%dma_wait3A_48 : memref<16384xf32, #tpu.memory_space<hbm>>) dst(%arg5 : memref<16384xf32, #tpu.memory_space<vmem>>)
    %rem3A_49 = arith.constant 2097152 : i32
    %rem3A_50 = arith.remsi %add3A_44, %rem3A_49 : i32
    %dma_wait3A_51 = arith.constant 0 : i32
    %dma_wait3A_52 = tpu.memref_slice %arg3[%rem3A_50] : memref<2097152xf32, #tpu.memory_space<hbm>> -> memref<16384xf32, #tpu.memory_space<hbm>>
    %dma_wait3A_53 = tpu.memref_slice %arg12[%dma_wait3A_51] : memref<3x!tpu.dma_semaphore, #tpu.memory_space<semaphore_mem>> -> memref<1x!tpu.dma_semaphore, #tpu.memory_space<semaphore_mem>>
    %dma_wait3A_54 = tpu.memref_squeeze %dma_wait3A_53 : memref<1x!tpu.dma_semaphore, #tpu.memory_space<semaphore_mem>> -> memref<!tpu.dma_semaphore, #tpu.memory_space<semaphore_mem>>
    %dma_wait3A_55 = tpu.memref_slice %arg3[%rem3A_50] : memref<2097152xf32, #tpu.memory_space<hbm>> -> memref<16384xf32, #tpu.memory_space<hbm>>
    tpu.wait_dma2 semaphore(%dma_wait3A_54 : memref<!tpu.dma_semaphore, #tpu.memory_space<semaphore_mem>>) src(%dma_wait3A_55 : memref<16384xf32, #tpu.memory_space<hbm>>) dst(%arg8 : memref<16384xf32, #tpu.memory_space<vmem>>)
    %scan3A = arith.constant 0 : i32
    %scan3A_56 = arith.constant 0 : i32
    %scan3A_57 = arith.constant 128 : i32
    %scan3A_58 = arith.addi %scan3A_56, %scan3A_57 : i32
    %scan3A_59 = arith.constant 1 : i32
    scf.for %scan3A_735 = %scan3A_56 to %scan3A_58 step %scan3A_59  : i32 {
      %mul3A_736 = arith.constant 128 : i32
      %mul3A_737 = arith.muli %scan3A_735, %mul3A_736 : i32
      %add3A_738 = arith.constant 0 : i32
      %add3A_739 = arith.addi %mul3A_737, %add3A_738 : i32
      %get3A = arith.index_cast %add3A_739 : i32 to index
      %get3A_740 = tpu.vector_load %arg5[%get3A] {strides = array<i32>} : memref<16384xf32, #tpu.memory_space<vmem>>, vector<16xf32>,
      %get3A_741 = vector.shape_cast %get3A_740 : vector<16xf32> to vector<16xf32>
      %swap3A = arith.index_cast %add3A_739 : i32 to index
      %swap3A_742 = tpu.vector_load %arg8[%swap3A] {strides = array<i32>} : memref<16384xf32, #tpu.memory_space<vmem>>, vector<16xf32>,
      %swap3A_743 = vector.shape_cast %swap3A_742 : vector<16xf32> to vector<16xf32>
      %swap3A_744 = vector.shape_cast %get3A_741 : vector<16xf32> to vector<16xf32>
      tpu.vector_store %arg8[%swap3A], %swap3A_744 {add = true, strides = array<i32>} : memref<16384xf32, #tpu.memory_space<vmem>>, vector<16xf32>,
      %mul3A_745 = arith.constant 128 : i32
      %mul3A_746 = arith.muli %scan3A_735, %mul3A_745 : i32
      %add3A_747 = arith.constant 16 : i32
      %add3A_748 = arith.addi %mul3A_746, %add3A_747 : i32
      %get3A_749 = arith.index_cast %add3A_748 : i32 to index
      %get3A_750 = tpu.vector_load %arg5[%get3A_749] {strides = array<i32>} : memref<16384xf32, #tpu.memory_space<vmem>>, vector<16xf32>,
      %get3A_751 = vector.shape_cast %get3A_750 : vector<16xf32> to vector<16xf32>
      %swap3A_752 = arith.index_cast %add3A_748 : i32 to index
      %swap3A_753 = tpu.vector_load %arg8[%swap3A_752] {strides = array<i32>} : memref<16384xf32, #tpu.memory_space<vmem>>, vector<16xf32>,
      %swap3A_754 = vector.shape_cast %swap3A_753 : vector<16xf32> to vector<16xf32>
      %swap3A_755 = vector.shape_cast %get3A_751 : vector<16xf32> to vector<16xf32>
      tpu.vector_store %arg8[%swap3A_752], %swap3A_755 {add = true, strides = array<i32>} : memref<16384xf32, #tpu.memory_space<vmem>>, vector<16xf32>,
      %mul3A_756 = arith.constant 128 : i32
      %mul3A_757 = arith.muli %scan3A_735, %mul3A_756 : i32
      %add3A_758 = arith.constant 32 : i32
      %add3A_759 = arith.addi %mul3A_757, %add3A_758 : i32
      %get3A_760 = arith.index_cast %add3A_759 : i32 to index
      %get3A_761 = tpu.vector_load %arg5[%get3A_760] {strides = array<i32>} : memref<16384xf32, #tpu.memory_space<vmem>>, vector<16xf32>,
      %get3A_762 = vector.shape_cast %get3A_761 : vector<16xf32> to vector<16xf32>
      %swap3A_763 = arith.index_cast %add3A_759 : i32 to index
      %swap3A_764 = tpu.vector_load %arg8[%swap3A_763] {strides = array<i32>} : memref<16384xf32, #tpu.memory_space<vmem>>, vector<16xf32>,
      %swap3A_765 = vector.shape_cast %swap3A_764 : vector<16xf32> to vector<16xf32>
      %swap3A_766 = vector.shape_cast %get3A_762 : vector<16xf32> to vector<16xf32>
      tpu.vector_store %arg8[%swap3A_763], %swap3A_766 {add = true, strides = array<i32>} : memref<16384xf32, #tpu.memory_space<vmem>>, vector<16xf32>,
      %mul3A_767 = arith.constant 128 : i32
      %mul3A_768 = arith.muli %scan3A_735, %mul3A_767 : i32
      %add3A_769 = arith.constant 48 : i32
      %add3A_770 = arith.addi %mul3A_768, %add3A_769 : i32
      %get3A_771 = arith.index_cast %add3A_770 : i32 to index
      %get3A_772 = tpu.vector_load %arg5[%get3A_771] {strides = array<i32>} : memref<16384xf32, #tpu.memory_space<vmem>>, vector<16xf32>,
      %get3A_773 = vector.shape_cast %get3A_772 : vector<16xf32> to vector<16xf32>
      %swap3A_774 = arith.index_cast %add3A_770 : i32 to index
      %swap3A_775 = tpu.vector_load %arg8[%swap3A_774] {strides = array<i32>} : memref<16384xf32, #tpu.memory_space<vmem>>, vector<16xf32>,
      %swap3A_776 = vector.shape_cast %swap3A_775 : vector<16xf32> to vector<16xf32>
      %swap3A_777 = vector.shape_cast %get3A_773 : vector<16xf32> to vector<16xf32>
      tpu.vector_store %arg8[%swap3A_774], %swap3A_777 {add = true, strides = array<i32>} : memref<16384xf32, #tpu.memory_space<vmem>>, vector<16xf32>,
      %mul3A_778 = arith.constant 128 : i32
      %mul3A_779 = arith.muli %scan3A_735, %mul3A_778 : i32
      %add3A_780 = arith.constant 64 : i32
      %add3A_781 = arith.addi %mul3A_779, %add3A_780 : i32
      %get3A_782 = arith.index_cast %add3A_781 : i32 to index
      %get3A_783 = tpu.vector_load %arg5[%get3A_782] {strides = array<i32>} : memref<16384xf32, #tpu.memory_space<vmem>>, vector<16xf32>,
      %get3A_784 = vector.shape_cast %get3A_783 : vector<16xf32> to vector<16xf32>
      %swap3A_785 = arith.index_cast %add3A_781 : i32 to index
      %swap3A_786 = tpu.vector_load %arg8[%swap3A_785] {strides = array<i32>} : memref<16384xf32, #tpu.memory_space<vmem>>, vector<16xf32>,
      %swap3A_787 = vector.shape_cast %swap3A_786 : vector<16xf32> to vector<16xf32>
      %swap3A_788 = vector.shape_cast %get3A_784 : vector<16xf32> to vector<16xf32>
      tpu.vector_store %arg8[%swap3A_785], %swap3A_788 {add = true, strides = array<i32>} : memref<16384xf32, #tpu.memory_space<vmem>>, vector<16xf32>,
      %mul3A_789 = arith.constant 128 : i32
      %mul3A_790 = arith.muli %scan3A_735, %mul3A_789 : i32
      %add3A_791 = arith.constant 80 : i32
      %add3A_792 = arith.addi %mul3A_790, %add3A_791 : i32
      %get3A_793 = arith.index_cast %add3A_792 : i32 to index
      %get3A_794 = tpu.vector_load %arg5[%get3A_793] {strides = array<i32>} : memref<16384xf32, #tpu.memory_space<vmem>>, vector<16xf32>,
      %get3A_795 = vector.shape_cast %get3A_794 : vector<16xf32> to vector<16xf32>
      %swap3A_796 = arith.index_cast %add3A_792 : i32 to index
      %swap3A_797 = tpu.vector_load %arg8[%swap3A_796] {strides = array<i32>} : memref<16384xf32, #tpu.memory_space<vmem>>, vector<16xf32>,
      %swap3A_798 = vector.shape_cast %swap3A_797 : vector<16xf32> to vector<16xf32>
      %swap3A_799 = vector.shape_cast %get3A_795 : vector<16xf32> to vector<16xf32>
      tpu.vector_store %arg8[%swap3A_796], %swap3A_799 {add = true, strides = array<i32>} : memref<16384xf32, #tpu.memory_space<vmem>>, vector<16xf32>,
      %mul3A_800 = arith.constant 128 : i32
      %mul3A_801 = arith.muli %scan3A_735, %mul3A_800 : i32
      %add3A_802 = arith.constant 96 : i32
      %add3A_803 = arith.addi %mul3A_801, %add3A_802 : i32
      %get3A_804 = arith.index_cast %add3A_803 : i32 to index
      %get3A_805 = tpu.vector_load %arg5[%get3A_804] {strides = array<i32>} : memref<16384xf32, #tpu.memory_space<vmem>>, vector<16xf32>,
      %get3A_806 = vector.shape_cast %get3A_805 : vector<16xf32> to vector<16xf32>
      %swap3A_807 = arith.index_cast %add3A_803 : i32 to index
      %swap3A_808 = tpu.vector_load %arg8[%swap3A_807] {strides = array<i32>} : memref<16384xf32, #tpu.memory_space<vmem>>, vector<16xf32>,
      %swap3A_809 = vector.shape_cast %swap3A_808 : vector<16xf32> to vector<16xf32>
      %swap3A_810 = vector.shape_cast %get3A_806 : vector<16xf32> to vector<16xf32>
      tpu.vector_store %arg8[%swap3A_807], %swap3A_810 {add = true, strides = array<i32>} : memref<16384xf32, #tpu.memory_space<vmem>>, vector<16xf32>,
      %mul3A_811 = arith.constant 128 : i32
      %mul3A_812 = arith.muli %scan3A_735, %mul3A_811 : i32
      %add3A_813 = arith.constant 112 : i32
      %add3A_814 = arith.addi %mul3A_812, %add3A_813 : i32
      %get3A_815 = arith.index_cast %add3A_814 : i32 to index
      %get3A_816 = tpu.vector_load %arg5[%get3A_815] {strides = array<i32>} : memref<16384xf32, #tpu.memory_space<vmem>>, vector<16xf32>,
      %get3A_817 = vector.shape_cast %get3A_816 : vector<16xf32> to vector<16xf32>
      %swap3A_818 = arith.index_cast %add3A_814 : i32 to index
      %swap3A_819 = tpu.vector_load %arg8[%swap3A_818] {strides = array<i32>} : memref<16384xf32, #tpu.memory_space<vmem>>, vector<16xf32>,
      %swap3A_820 = vector.shape_cast %swap3A_819 : vector<16xf32> to vector<16xf32>
      %swap3A_821 = vector.shape_cast %get3A_817 : vector<16xf32> to vector<16xf32>
      tpu.vector_store %arg8[%swap3A_818], %swap3A_821 {add = true, strides = array<i32>} : memref<16384xf32, #tpu.memory_space<vmem>>, vector<16xf32>,
    }
    %scan3A_60 = arith.constant 128 : i32
    %dma_start3A_61 = arith.constant 0 : i32
    %dma_start3A_62 = tpu.memref_slice %arg4[%add3A_44] : memref<8388608xf32, #tpu.memory_space<hbm>> -> memref<16384xf32, #tpu.memory_space<hbm>>
    %dma_start3A_63 = tpu.memref_slice %arg13[%dma_start3A_61] : memref<3x!tpu.dma_semaphore, #tpu.memory_space<semaphore_mem>> -> memref<1x!tpu.dma_semaphore, #tpu.memory_space<semaphore_mem>>
    %dma_start3A_64 = tpu.memref_squeeze %dma_start3A_63 : memref<1x!tpu.dma_semaphore, #tpu.memory_space<semaphore_mem>> -> memref<!tpu.dma_semaphore, #tpu.memory_space<semaphore_mem>>
    %dma_start3A_65 = tpu.memref_slice %arg4[%add3A_44] : memref<8388608xf32, #tpu.memory_space<hbm>> -> memref<16384xf32, #tpu.memory_space<hbm>>
    tpu.enqueue_dma source(%arg8 : memref<16384xf32, #tpu.memory_space<vmem>>) target(%dma_start3A_65 : memref<16384xf32, #tpu.memory_space<hbm>>) target_semaphore(%dma_start3A_64 : memref<!tpu.dma_semaphore, #tpu.memory_space<semaphore_mem>>)
    %add3A_66 = arith.constant 16384 : i32
    %add3A_67 = arith.addi %mul3A_2, %add3A_66 : i32
    %add3A_68 = arith.constant 0 : i32
    %add3A_69 = arith.addi %mul3A_2, %add3A_68 : i32
    %dma_wait3A_70 = arith.constant 0 : i32
    %dma_wait3A_71 = tpu.memref_slice %arg4[%add3A_69] : memref<8388608xf32, #tpu.memory_space<hbm>> -> memref<16384xf32, #tpu.memory_space<hbm>>
    %dma_wait3A_72 = tpu.memref_slice %arg13[%dma_wait3A_70] : memref<3x!tpu.dma_semaphore, #tpu.memory_space<semaphore_mem>> -> memref<1x!tpu.dma_semaphore, #tpu.memory_space<semaphore_mem>>
    %dma_wait3A_73 = tpu.memref_squeeze %dma_wait3A_72 : memref<1x!tpu.dma_semaphore, #tpu.memory_space<semaphore_mem>> -> memref<!tpu.dma_semaphore, #tpu.memory_space<semaphore_mem>>
    %dma_wait3A_74 = tpu.memref_slice %arg4[%add3A_69] : memref<8388608xf32, #tpu.memory_space<hbm>> -> memref<16384xf32, #tpu.memory_space<hbm>>
    tpu.wait_dma2 semaphore(%dma_wait3A_73 : memref<!tpu.dma_semaphore, #tpu.memory_space<semaphore_mem>>) src(%arg8 : memref<16384xf32, #tpu.memory_space<vmem>>) dst(%dma_wait3A_74 : memref<16384xf32, #tpu.memory_space<hbm>>)
    %add3A_75 = arith.constant 49152 : i32
    %add3A_76 = arith.addi %mul3A_2, %add3A_75 : i32
    %rem3A_77 = arith.constant 2097152 : i32
    %rem3A_78 = arith.remsi %add3A_76, %rem3A_77 : i32
    %dma_start3A_79 = arith.constant 0 : i32
    %dma_start3A_80 = tpu.memref_slice %arg2[%add3A_76] : memref<8388608xf32, #tpu.memory_space<hbm>> -> memref<16384xf32, #tpu.memory_space<hbm>>
    %dma_start3A_81 = tpu.memref_slice %arg11[%dma_start3A_79] : memref<3x!tpu.dma_semaphore, #tpu.memory_space<semaphore_mem>> -> memref<1x!tpu.dma_semaphore, #tpu.memory_space<semaphore_mem>>
    %dma_start3A_82 = tpu.memref_squeeze %dma_start3A_81 : memref<1x!tpu.dma_semaphore, #tpu.memory_space<semaphore_mem>> -> memref<!tpu.dma_semaphore, #tpu.memory_space<semaphore_mem>>
    %dma_start3A_83 = tpu.memref_slice %arg2[%add3A_76] : memref<8388608xf32, #tpu.memory_space<hbm>> -> memref<16384xf32, #tpu.memory_space<hbm>>
    tpu.enqueue_dma source(%dma_start3A_83 : memref<16384xf32, #tpu.memory_space<hbm>>) target(%arg5 : memref<16384xf32, #tpu.memory_space<vmem>>) target_semaphore(%dma_start3A_82 : memref<!tpu.dma_semaphore, #tpu.memory_space<semaphore_mem>>)
    %dma_start3A_84 = arith.constant 0 : i32
    %dma_start3A_85 = tpu.memref_slice %arg3[%rem3A_78] : memref<2097152xf32, #tpu.memory_space<hbm>> -> memref<16384xf32, #tpu.memory_space<hbm>>
    %dma_start3A_86 = tpu.memref_slice %arg12[%dma_start3A_84] : memref<3x!tpu.dma_semaphore, #tpu.memory_space<semaphore_mem>> -> memref<1x!tpu.dma_semaphore, #tpu.memory_space<semaphore_mem>>
    %dma_start3A_87 = tpu.memref_squeeze %dma_start3A_86 : memref<1x!tpu.dma_semaphore, #tpu.memory_space<semaphore_mem>> -> memref<!tpu.dma_semaphore, #tpu.memory_space<semaphore_mem>>
    %dma_start3A_88 = tpu.memref_slice %arg3[%rem3A_78] : memref<2097152xf32, #tpu.memory_space<hbm>> -> memref<16384xf32, #tpu.memory_space<hbm>>
    tpu.enqueue_dma source(%dma_start3A_88 : memref<16384xf32, #tpu.memory_space<hbm>>) target(%arg8 : memref<16384xf32, #tpu.memory_space<vmem>>) target_semaphore(%dma_start3A_87 : memref<!tpu.dma_semaphore, #tpu.memory_space<semaphore_mem>>)
    %dma_wait3A_89 = arith.constant 1 : i32
    %dma_wait3A_90 = tpu.memref_slice %arg2[%add3A_67] : memref<8388608xf32, #tpu.memory_space<hbm>> -> memref<16384xf32, #tpu.memory_space<hbm>>
    %dma_wait3A_91 = tpu.memref_slice %arg11[%dma_wait3A_89] : memref<3x!tpu.dma_semaphore, #tpu.memory_space<semaphore_mem>> -> memref<1x!tpu.dma_semaphore, #tpu.memory_space<semaphore_mem>>
    %dma_wait3A_92 = tpu.memref_squeeze %dma_wait3A_91 : memref<1x!tpu.dma_semaphore, #tpu.memory_space<semaphore_mem>> -> memref<!tpu.dma_semaphore, #tpu.memory_space<semaphore_mem>>
    %dma_wait3A_93 = tpu.memref_slice %arg2[%add3A_67] : memref<8388608xf32, #tpu.memory_space<hbm>> -> memref<16384xf32, #tpu.memory_space<hbm>>
    tpu.wait_dma2 semaphore(%dma_wait3A_92 : memref<!tpu.dma_semaphore, #tpu.memory_space<semaphore_mem>>) src(%dma_wait3A_93 : memref<16384xf32, #tpu.memory_space<hbm>>) dst(%arg6 : memref<16384xf32, #tpu.memory_space<vmem>>)
    %rem3A_94 = arith.constant 2097152 : i32
    %rem3A_95 = arith.remsi %add3A_67, %rem3A_94 : i32
    %dma_wait3A_96 = arith.constant 1 : i32
    %dma_wait3A_97 = tpu.memref_slice %arg3[%rem3A_95] : memref<2097152xf32, #tpu.memory_space<hbm>> -> memref<16384xf32, #tpu.memory_space<hbm>>
    %dma_wait3A_98 = tpu.memref_slice %arg12[%dma_wait3A_96] : memref<3x!tpu.dma_semaphore, #tpu.memory_space<semaphore_mem>> -> memref<1x!tpu.dma_semaphore, #tpu.memory_space<semaphore_mem>>
    %dma_wait3A_99 = tpu.memref_squeeze %dma_wait3A_98 : memref<1x!tpu.dma_semaphore, #tpu.memory_space<semaphore_mem>> -> memref<!tpu.dma_semaphore, #tpu.memory_space<semaphore_mem>>
    %dma_wait3A_100 = tpu.memref_slice %arg3[%rem3A_95] : memref<2097152xf32, #tpu.memory_space<hbm>> -> memref<16384xf32, #tpu.memory_space<hbm>>
    tpu.wait_dma2 semaphore(%dma_wait3A_99 : memref<!tpu.dma_semaphore, #tpu.memory_space<semaphore_mem>>) src(%dma_wait3A_100 : memref<16384xf32, #tpu.memory_space<hbm>>) dst(%arg9 : memref<16384xf32, #tpu.memory_space<vmem>>)
    %scan3A_101 = arith.constant 0 : i32
    %scan3A_102 = arith.constant 0 : i32
    %scan3A_103 = arith.constant 128 : i32
    %scan3A_104 = arith.addi %scan3A_102, %scan3A_103 : i32
    %scan3A_105 = arith.constant 1 : i32
    scf.for %scan3A_735 = %scan3A_102 to %scan3A_104 step %scan3A_105  : i32 {
      %mul3A_736 = arith.constant 128 : i32
      %mul3A_737 = arith.muli %scan3A_735, %mul3A_736 : i32
      %add3A_738 = arith.constant 0 : i32
      %add3A_739 = arith.addi %mul3A_737, %add3A_738 : i32
      %get3A = arith.index_cast %add3A_739 : i32 to index
      %get3A_740 = tpu.vector_load %arg6[%get3A] {strides = array<i32>} : memref<16384xf32, #tpu.memory_space<vmem>>, vector<16xf32>,
      %get3A_741 = vector.shape_cast %get3A_740 : vector<16xf32> to vector<16xf32>
      %swap3A = arith.index_cast %add3A_739 : i32 to index
      %swap3A_742 = tpu.vector_load %arg9[%swap3A] {strides = array<i32>} : memref<16384xf32, #tpu.memory_space<vmem>>, vector<16xf32>,
      %swap3A_743 = vector.shape_cast %swap3A_742 : vector<16xf32> to vector<16xf32>
      %swap3A_744 = vector.shape_cast %get3A_741 : vector<16xf32> to vector<16xf32>
      tpu.vector_store %arg9[%swap3A], %swap3A_744 {add = true, strides = array<i32>} : memref<16384xf32, #tpu.memory_space<vmem>>, vector<16xf32>,
      %mul3A_745 = arith.constant 128 : i32
      %mul3A_746 = arith.muli %scan3A_735, %mul3A_745 : i32
      %add3A_747 = arith.constant 16 : i32
      %add3A_748 = arith.addi %mul3A_746, %add3A_747 : i32
      %get3A_749 = arith.index_cast %add3A_748 : i32 to index
      %get3A_750 = tpu.vector_load %arg6[%get3A_749] {strides = array<i32>} : memref<16384xf32, #tpu.memory_space<vmem>>, vector<16xf32>,
      %get3A_751 = vector.shape_cast %get3A_750 : vector<16xf32> to vector<16xf32>
      %swap3A_752 = arith.index_cast %add3A_748 : i32 to index
      %swap3A_753 = tpu.vector_load %arg9[%swap3A_752] {strides = array<i32>} : memref<16384xf32, #tpu.memory_space<vmem>>, vector<16xf32>,
      %swap3A_754 = vector.shape_cast %swap3A_753 : vector<16xf32> to vector<16xf32>
      %swap3A_755 = vector.shape_cast %get3A_751 : vector<16xf32> to vector<16xf32>
      tpu.vector_store %arg9[%swap3A_752], %swap3A_755 {add = true, strides = array<i32>} : memref<16384xf32, #tpu.memory_space<vmem>>, vector<16xf32>,
      %mul3A_756 = arith.constant 128 : i32
      %mul3A_757 = arith.muli %scan3A_735, %mul3A_756 : i32
      %add3A_758 = arith.constant 32 : i32
      %add3A_759 = arith.addi %mul3A_757, %add3A_758 : i32
      %get3A_760 = arith.index_cast %add3A_759 : i32 to index
      %get3A_761 = tpu.vector_load %arg6[%get3A_760] {strides = array<i32>} : memref<16384xf32, #tpu.memory_space<vmem>>, vector<16xf32>,
      %get3A_762 = vector.shape_cast %get3A_761 : vector<16xf32> to vector<16xf32>
      %swap3A_763 = arith.index_cast %add3A_759 : i32 to index
      %swap3A_764 = tpu.vector_load %arg9[%swap3A_763] {strides = array<i32>} : memref<16384xf32, #tpu.memory_space<vmem>>, vector<16xf32>,
      %swap3A_765 = vector.shape_cast %swap3A_764 : vector<16xf32> to vector<16xf32>
      %swap3A_766 = vector.shape_cast %get3A_762 : vector<16xf32> to vector<16xf32>
      tpu.vector_store %arg9[%swap3A_763], %swap3A_766 {add = true, strides = array<i32>} : memref<16384xf32, #tpu.memory_space<vmem>>, vector<16xf32>,
      %mul3A_767 = arith.constant 128 : i32
      %mul3A_768 = arith.muli %scan3A_735, %mul3A_767 : i32
      %add3A_769 = arith.constant 48 : i32
      %add3A_770 = arith.addi %mul3A_768, %add3A_769 : i32
      %get3A_771 = arith.index_cast %add3A_770 : i32 to index
      %get3A_772 = tpu.vector_load %arg6[%get3A_771] {strides = array<i32>} : memref<16384xf32, #tpu.memory_space<vmem>>, vector<16xf32>,
      %get3A_773 = vector.shape_cast %get3A_772 : vector<16xf32> to vector<16xf32>
      %swap3A_774 = arith.index_cast %add3A_770 : i32 to index
      %swap3A_775 = tpu.vector_load %arg9[%swap3A_774] {strides = array<i32>} : memref<16384xf32, #tpu.memory_space<vmem>>, vector<16xf32>,
      %swap3A_776 = vector.shape_cast %swap3A_775 : vector<16xf32> to vector<16xf32>
      %swap3A_777 = vector.shape_cast %get3A_773 : vector<16xf32> to vector<16xf32>
      tpu.vector_store %arg9[%swap3A_774], %swap3A_777 {add = true, strides = array<i32>} : memref<16384xf32, #tpu.memory_space<vmem>>, vector<16xf32>,
      %mul3A_778 = arith.constant 128 : i32
      %mul3A_779 = arith.muli %scan3A_735, %mul3A_778 : i32
      %add3A_780 = arith.constant 64 : i32
      %add3A_781 = arith.addi %mul3A_779, %add3A_780 : i32
      %get3A_782 = arith.index_cast %add3A_781 : i32 to index
      %get3A_783 = tpu.vector_load %arg6[%get3A_782] {strides = array<i32>} : memref<16384xf32, #tpu.memory_space<vmem>>, vector<16xf32>,
      %get3A_784 = vector.shape_cast %get3A_783 : vector<16xf32> to vector<16xf32>
      %swap3A_785 = arith.index_cast %add3A_781 : i32 to index
      %swap3A_786 = tpu.vector_load %arg9[%swap3A_785] {strides = array<i32>} : memref<16384xf32, #tpu.memory_space<vmem>>, vector<16xf32>,
      %swap3A_787 = vector.shape_cast %swap3A_786 : vector<16xf32> to vector<16xf32>
      %swap3A_788 = vector.shape_cast %get3A_784 : vector<16xf32> to vector<16xf32>
      tpu.vector_store %arg9[%swap3A_785], %swap3A_788 {add = true, strides = array<i32>} : memref<16384xf32, #tpu.memory_space<vmem>>, vector<16xf32>,
      %mul3A_789 = arith.constant 128 : i32
      %mul3A_790 = arith.muli %scan3A_735, %mul3A_789 : i32
      %add3A_791 = arith.constant 80 : i32
      %add3A_792 = arith.addi %mul3A_790, %add3A_791 : i32
      %get3A_793 = arith.index_cast %add3A_792 : i32 to index
      %get3A_794 = tpu.vector_load %arg6[%get3A_793] {strides = array<i32>} : memref<16384xf32, #tpu.memory_space<vmem>>, vector<16xf32>,
      %get3A_795 = vector.shape_cast %get3A_794 : vector<16xf32> to vector<16xf32>
      %swap3A_796 = arith.index_cast %add3A_792 : i32 to index
      %swap3A_797 = tpu.vector_load %arg9[%swap3A_796] {strides = array<i32>} : memref<16384xf32, #tpu.memory_space<vmem>>, vector<16xf32>,
      %swap3A_798 = vector.shape_cast %swap3A_797 : vector<16xf32> to vector<16xf32>
      %swap3A_799 = vector.shape_cast %get3A_795 : vector<16xf32> to vector<16xf32>
      tpu.vector_store %arg9[%swap3A_796], %swap3A_799 {add = true, strides = array<i32>} : memref<16384xf32, #tpu.memory_space<vmem>>, vector<16xf32>,
      %mul3A_800 = arith.constant 128 : i32
      %mul3A_801 = arith.muli %scan3A_735, %mul3A_800 : i32
      %add3A_802 = arith.constant 96 : i32
      %add3A_803 = arith.addi %mul3A_801, %add3A_802 : i32
      %get3A_804 = arith.index_cast %add3A_803 : i32 to index
      %get3A_805 = tpu.vector_load %arg6[%get3A_804] {strides = array<i32>} : memref<16384xf32, #tpu.memory_space<vmem>>, vector<16xf32>,
      %get3A_806 = vector.shape_cast %get3A_805 : vector<16xf32> to vector<16xf32>
      %swap3A_807 = arith.index_cast %add3A_803 : i32 to index
      %swap3A_808 = tpu.vector_load %arg9[%swap3A_807] {strides = array<i32>} : memref<16384xf32, #tpu.memory_space<vmem>>, vector<16xf32>,
      %swap3A_809 = vector.shape_cast %swap3A_808 : vector<16xf32> to vector<16xf32>
      %swap3A_810 = vector.shape_cast %get3A_806 : vector<16xf32> to vector<16xf32>
      tpu.vector_store %arg9[%swap3A_807], %swap3A_810 {add = true, strides = array<i32>} : memref<16384xf32, #tpu.memory_space<vmem>>, vector<16xf32>,
      %mul3A_811 = arith.constant 128 : i32
      %mul3A_812 = arith.muli %scan3A_735, %mul3A_811 : i32
      %add3A_813 = arith.constant 112 : i32
      %add3A_814 = arith.addi %mul3A_812, %add3A_813 : i32
      %get3A_815 = arith.index_cast %add3A_814 : i32 to index
      %get3A_816 = tpu.vector_load %arg6[%get3A_815] {strides = array<i32>} : memref<16384xf32, #tpu.memory_space<vmem>>, vector<16xf32>,
      %get3A_817 = vector.shape_cast %get3A_816 : vector<16xf32> to vector<16xf32>
      %swap3A_818 = arith.index_cast %add3A_814 : i32 to index
      %swap3A_819 = tpu.vector_load %arg9[%swap3A_818] {strides = array<i32>} : memref<16384xf32, #tpu.memory_space<vmem>>, vector<16xf32>,
      %swap3A_820 = vector.shape_cast %swap3A_819 : vector<16xf32> to vector<16xf32>
      %swap3A_821 = vector.shape_cast %get3A_817 : vector<16xf32> to vector<16xf32>
      tpu.vector_store %arg9[%swap3A_818], %swap3A_821 {add = true, strides = array<i32>} : memref<16384xf32, #tpu.memory_space<vmem>>, vector<16xf32>,
    }
    %scan3A_106 = arith.constant 128 : i32
    %dma_start3A_107 = arith.constant 1 : i32
    %dma_start3A_108 = tpu.memref_slice %arg4[%add3A_67] : memref<8388608xf32, #tpu.memory_space<hbm>> -> memref<16384xf32, #tpu.memory_space<hbm>>
    %dma_start3A_109 = tpu.memref_slice %arg13[%dma_start3A_107] : memref<3x!tpu.dma_semaphore, #tpu.memory_space<semaphore_mem>> -> memref<1x!tpu.dma_semaphore, #tpu.memory_space<semaphore_mem>>
    %dma_start3A_110 = tpu.memref_squeeze %dma_start3A_109 : memref<1x!tpu.dma_semaphore, #tpu.memory_space<semaphore_mem>> -> memref<!tpu.dma_semaphore, #tpu.memory_space<semaphore_mem>>
    %dma_start3A_111 = tpu.memref_slice %arg4[%add3A_67] : memref<8388608xf32, #tpu.memory_space<hbm>> -> memref<16384xf32, #tpu.memory_space<hbm>>
    tpu.enqueue_dma source(%arg9 : memref<16384xf32, #tpu.memory_space<vmem>>) target(%dma_start3A_111 : memref<16384xf32, #tpu.memory_space<hbm>>) target_semaphore(%dma_start3A_110 : memref<!tpu.dma_semaphore, #tpu.memory_space<semaphore_mem>>)
    %add3A_112 = arith.constant 32768 : i32
    %add3A_113 = arith.addi %mul3A_2, %add3A_112 : i32
    %add3A_114 = arith.constant 16384 : i32
    %add3A_115 = arith.addi %mul3A_2, %add3A_114 : i32
    %dma_wait3A_116 = arith.constant 1 : i32
    %dma_wait3A_117 = tpu.memref_slice %arg4[%add3A_115] : memref<8388608xf32, #tpu.memory_space<hbm>> -> memref<16384xf32, #tpu.memory_space<hbm>>
    %dma_wait3A_118 = tpu.memref_slice %arg13[%dma_wait3A_116] : memref<3x!tpu.dma_semaphore, #tpu.memory_space<semaphore_mem>> -> memref<1x!tpu.dma_semaphore, #tpu.memory_space<semaphore_mem>>
    %dma_wait3A_119 = tpu.memref_squeeze %dma_wait3A_118 : memref<1x!tpu.dma_semaphore, #tpu.memory_space<semaphore_mem>> -> memref<!tpu.dma_semaphore, #tpu.memory_space<semaphore_mem>>
    %dma_wait3A_120 = tpu.memref_slice %arg4[%add3A_115] : memref<8388608xf32, #tpu.memory_space<hbm>> -> memref<16384xf32, #tpu.memory_space<hbm>>
    tpu.wait_dma2 semaphore(%dma_wait3A_119 : memref<!tpu.dma_semaphore, #tpu.memory_space<semaphore_mem>>) src(%arg9 : memref<16384xf32, #tpu.memory_space<vmem>>) dst(%dma_wait3A_120 : memref<16384xf32, #tpu.memory_space<hbm>>)
    %add3A_121 = arith.constant 65536 : i32
    %add3A_122 = arith.addi %mul3A_2, %add3A_121 : i32
    %rem3A_123 = arith.constant 2097152 : i32
    %rem3A_124 = arith.remsi %add3A_122, %rem3A_123 : i32
    %dma_start3A_125 = arith.constant 1 : i32
    %dma_start3A_126 = tpu.memref_slice %arg2[%add3A_122] : memref<8388608xf32, #tpu.memory_space<hbm>> -> memref<16384xf32, #tpu.memory_space<hbm>>
    %dma_start3A_127 = tpu.memref_slice %arg11[%dma_start3A_125] : memref<3x!tpu.dma_semaphore, #tpu.memory_space<semaphore_mem>> -> memref<1x!tpu.dma_semaphore, #tpu.memory_space<semaphore_mem>>
    %dma_start3A_128 = tpu.memref_squeeze %dma_start3A_127 : memref<1x!tpu.dma_semaphore, #tpu.memory_space<semaphore_mem>> -> memref<!tpu.dma_semaphore, #tpu.memory_space<semaphore_mem>>
    %dma_start3A_129 = tpu.memref_slice %arg2[%add3A_122] : memref<8388608xf32, #tpu.memory_space<hbm>> -> memref<16384xf32, #tpu.memory_space<hbm>>
    tpu.enqueue_dma source(%dma_start3A_129 : memref<16384xf32, #tpu.memory_space<hbm>>) target(%arg6 : memref<16384xf32, #tpu.memory_space<vmem>>) target_semaphore(%dma_start3A_128 : memref<!tpu.dma_semaphore, #tpu.memory_space<semaphore_mem>>)
    %dma_start3A_130 = arith.constant 1 : i32
    %dma_start3A_131 = tpu.memref_slice %arg3[%rem3A_124] : memref<2097152xf32, #tpu.memory_space<hbm>> -> memref<16384xf32, #tpu.memory_space<hbm>>
    %dma_start3A_132 = tpu.memref_slice %arg12[%dma_start3A_130] : memref<3x!tpu.dma_semaphore, #tpu.memory_space<semaphore_mem>> -> memref<1x!tpu.dma_semaphore, #tpu.memory_space<semaphore_mem>>
    %dma_start3A_133 = tpu.memref_squeeze %dma_start3A_132 : memref<1x!tpu.dma_semaphore, #tpu.memory_space<semaphore_mem>> -> memref<!tpu.dma_semaphore, #tpu.memory_space<semaphore_mem>>
    %dma_start3A_134 = tpu.memref_slice %arg3[%rem3A_124] : memref<2097152xf32, #tpu.memory_space<hbm>> -> memref<16384xf32, #tpu.memory_space<hbm>>
    tpu.enqueue_dma source(%dma_start3A_134 : memref<16384xf32, #tpu.memory_space<hbm>>) target(%arg9 : memref<16384xf32, #tpu.memory_space<vmem>>) target_semaphore(%dma_start3A_133 : memref<!tpu.dma_semaphore, #tpu.memory_space<semaphore_mem>>)
    %dma_wait3A_135 = arith.constant 2 : i32
    %dma_wait3A_136 = tpu.memref_slice %arg2[%add3A_113] : memref<8388608xf32, #tpu.memory_space<hbm>> -> memref<16384xf32, #tpu.memory_space<hbm>>
    %dma_wait3A_137 = tpu.memref_slice %arg11[%dma_wait3A_135] : memref<3x!tpu.dma_semaphore, #tpu.memory_space<semaphore_mem>> -> memref<1x!tpu.dma_semaphore, #tpu.memory_space<semaphore_mem>>
    %dma_wait3A_138 = tpu.memref_squeeze %dma_wait3A_137 : memref<1x!tpu.dma_semaphore, #tpu.memory_space<semaphore_mem>> -> memref<!tpu.dma_semaphore, #tpu.memory_space<semaphore_mem>>
    %dma_wait3A_139 = tpu.memref_slice %arg2[%add3A_113] : memref<8388608xf32, #tpu.memory_space<hbm>> -> memref<16384xf32, #tpu.memory_space<hbm>>
    tpu.wait_dma2 semaphore(%dma_wait3A_138 : memref<!tpu.dma_semaphore, #tpu.memory_space<semaphore_mem>>) src(%dma_wait3A_139 : memref<16384xf32, #tpu.memory_space<hbm>>) dst(%arg7 : memref<16384xf32, #tpu.memory_space<vmem>>)
    %rem3A_140 = arith.constant 2097152 : i32
    %rem3A_141 = arith.remsi %add3A_113, %rem3A_140 : i32
    %dma_wait3A_142 = arith.constant 2 : i32
    %dma_wait3A_143 = tpu.memref_slice %arg3[%rem3A_141] : memref<2097152xf32, #tpu.memory_space<hbm>> -> memref<16384xf32, #tpu.memory_space<hbm>>
    %dma_wait3A_144 = tpu.memref_slice %arg12[%dma_wait3A_142] : memref<3x!tpu.dma_semaphore, #tpu.memory_space<semaphore_mem>> -> memref<1x!tpu.dma_semaphore, #tpu.memory_space<semaphore_mem>>
    %dma_wait3A_145 = tpu.memref_squeeze %dma_wait3A_144 : memref<1x!tpu.dma_semaphore, #tpu.memory_space<semaphore_mem>> -> memref<!tpu.dma_semaphore, #tpu.memory_space<semaphore_mem>>
    %dma_wait3A_146 = tpu.memref_slice %arg3[%rem3A_141] : memref<2097152xf32, #tpu.memory_space<hbm>> -> memref<16384xf32, #tpu.memory_space<hbm>>
    tpu.wait_dma2 semaphore(%dma_wait3A_145 : memref<!tpu.dma_semaphore, #tpu.memory_space<semaphore_mem>>) src(%dma_wait3A_146 : memref<16384xf32, #tpu.memory_space<hbm>>) dst(%arg10 : memref<16384xf32, #tpu.memory_space<vmem>>)
    %scan3A_147 = arith.constant 0 : i32
    %scan3A_148 = arith.constant 0 : i32
    %scan3A_149 = arith.constant 128 : i32
    %scan3A_150 = arith.addi %scan3A_148, %scan3A_149 : i32
    %scan3A_151 = arith.constant 1 : i32
    scf.for %scan3A_735 = %scan3A_148 to %scan3A_150 step %scan3A_151  : i32 {
      %mul3A_736 = arith.constant 128 : i32
      %mul3A_737 = arith.muli %scan3A_735, %mul3A_736 : i32
      %add3A_738 = arith.constant 0 : i32
      %add3A_739 = arith.addi %mul3A_737, %add3A_738 : i32
      %get3A = arith.index_cast %add3A_739 : i32 to index
      %get3A_740 = tpu.vector_load %arg7[%get3A] {strides = array<i32>} : memref<16384xf32, #tpu.memory_space<vmem>>, vector<16xf32>,
      %get3A_741 = vector.shape_cast %get3A_740 : vector<16xf32> to vector<16xf32>
      %swap3A = arith.index_cast %add3A_739 : i32 to index
      %swap3A_742 = tpu.vector_load %arg10[%swap3A] {strides = array<i32>} : memref<16384xf32, #tpu.memory_space<vmem>>, vector<16xf32>,
      %swap3A_743 = vector.shape_cast %swap3A_742 : vector<16xf32> to vector<16xf32>
      %swap3A_744 = vector.shape_cast %get3A_741 : vector<16xf32> to vector<16xf32>
      tpu.vector_store %arg10[%swap3A], %swap3A_744 {add = true, strides = array<i32>} : memref<16384xf32, #tpu.memory_space<vmem>>, vector<16xf32>,
      %mul3A_745 = arith.constant 128 : i32
      %mul3A_746 = arith.muli %scan3A_735, %mul3A_745 : i32
      %add3A_747 = arith.constant 16 : i32
      %add3A_748 = arith.addi %mul3A_746, %add3A_747 : i32
      %get3A_749 = arith.index_cast %add3A_748 : i32 to index
      %get3A_750 = tpu.vector_load %arg7[%get3A_749] {strides = array<i32>} : memref<16384xf32, #tpu.memory_space<vmem>>, vector<16xf32>,
      %get3A_751 = vector.shape_cast %get3A_750 : vector<16xf32> to vector<16xf32>
      %swap3A_752 = arith.index_cast %add3A_748 : i32 to index
      %swap3A_753 = tpu.vector_load %arg10[%swap3A_752] {strides = array<i32>} : memref<16384xf32, #tpu.memory_space<vmem>>, vector<16xf32>,
      %swap3A_754 = vector.shape_cast %swap3A_753 : vector<16xf32> to vector<16xf32>
      %swap3A_755 = vector.shape_cast %get3A_751 : vector<16xf32> to vector<16xf32>
      tpu.vector_store %arg10[%swap3A_752], %swap3A_755 {add = true, strides = array<i32>} : memref<16384xf32, #tpu.memory_space<vmem>>, vector<16xf32>,
      %mul3A_756 = arith.constant 128 : i32
      %mul3A_757 = arith.muli %scan3A_735, %mul3A_756 : i32
      %add3A_758 = arith.constant 32 : i32
      %add3A_759 = arith.addi %mul3A_757, %add3A_758 : i32
      %get3A_760 = arith.index_cast %add3A_759 : i32 to index
      %get3A_761 = tpu.vector_load %arg7[%get3A_760] {strides = array<i32>} : memref<16384xf32, #tpu.memory_space<vmem>>, vector<16xf32>,
      %get3A_762 = vector.shape_cast %get3A_761 : vector<16xf32> to vector<16xf32>
      %swap3A_763 = arith.index_cast %add3A_759 : i32 to index
      %swap3A_764 = tpu.vector_load %arg10[%swap3A_763] {strides = array<i32>} : memref<16384xf32, #tpu.memory_space<vmem>>, vector<16xf32>,
      %swap3A_765 = vector.shape_cast %swap3A_764 : vector<16xf32> to vector<16xf32>
      %swap3A_766 = vector.shape_cast %get3A_762 : vector<16xf32> to vector<16xf32>
      tpu.vector_store %arg10[%swap3A_763], %swap3A_766 {add = true, strides = array<i32>} : memref<16384xf32, #tpu.memory_space<vmem>>, vector<16xf32>,
      %mul3A_767 = arith.constant 128 : i32
      %mul3A_768 = arith.muli %scan3A_735, %mul3A_767 : i32
      %add3A_769 = arith.constant 48 : i32
      %add3A_770 = arith.addi %mul3A_768, %add3A_769 : i32
      %get3A_771 = arith.index_cast %add3A_770 : i32 to index
      %get3A_772 = tpu.vector_load %arg7[%get3A_771] {strides = array<i32>} : memref<16384xf32, #tpu.memory_space<vmem>>, vector<16xf32>,
      %get3A_773 = vector.shape_cast %get3A_772 : vector<16xf32> to vector<16xf32>
      %swap3A_774 = arith.index_cast %add3A_770 : i32 to index
      %swap3A_775 = tpu.vector_load %arg10[%swap3A_774] {strides = array<i32>} : memref<16384xf32, #tpu.memory_space<vmem>>, vector<16xf32>,
      %swap3A_776 = vector.shape_cast %swap3A_775 : vector<16xf32> to vector<16xf32>
      %swap3A_777 = vector.shape_cast %get3A_773 : vector<16xf32> to vector<16xf32>
      tpu.vector_store %arg10[%swap3A_774], %swap3A_777 {add = true, strides = array<i32>} : memref<16384xf32, #tpu.memory_space<vmem>>, vector<16xf32>,
      %mul3A_778 = arith.constant 128 : i32
      %mul3A_779 = arith.muli %scan3A_735, %mul3A_778 : i32
      %add3A_780 = arith.constant 64 : i32
      %add3A_781 = arith.addi %mul3A_779, %add3A_780 : i32
      %get3A_782 = arith.index_cast %add3A_781 : i32 to index
      %get3A_783 = tpu.vector_load %arg7[%get3A_782] {strides = array<i32>} : memref<16384xf32, #tpu.memory_space<vmem>>, vector<16xf32>,
      %get3A_784 = vector.shape_cast %get3A_783 : vector<16xf32> to vector<16xf32>
      %swap3A_785 = arith.index_cast %add3A_781 : i32 to index
      %swap3A_786 = tpu.vector_load %arg10[%swap3A_785] {strides = array<i32>} : memref<16384xf32, #tpu.memory_space<vmem>>, vector<16xf32>,
      %swap3A_787 = vector.shape_cast %swap3A_786 : vector<16xf32> to vector<16xf32>
      %swap3A_788 = vector.shape_cast %get3A_784 : vector<16xf32> to vector<16xf32>
      tpu.vector_store %arg10[%swap3A_785], %swap3A_788 {add = true, strides = array<i32>} : memref<16384xf32, #tpu.memory_space<vmem>>, vector<16xf32>,
      %mul3A_789 = arith.constant 128 : i32
      %mul3A_790 = arith.muli %scan3A_735, %mul3A_789 : i32
      %add3A_791 = arith.constant 80 : i32
      %add3A_792 = arith.addi %mul3A_790, %add3A_791 : i32
      %get3A_793 = arith.index_cast %add3A_792 : i32 to index
      %get3A_794 = tpu.vector_load %arg7[%get3A_793] {strides = array<i32>} : memref<16384xf32, #tpu.memory_space<vmem>>, vector<16xf32>,
      %get3A_795 = vector.shape_cast %get3A_794 : vector<16xf32> to vector<16xf32>
      %swap3A_796 = arith.index_cast %add3A_792 : i32 to index
      %swap3A_797 = tpu.vector_load %arg10[%swap3A_796] {strides = array<i32>} : memref<16384xf32, #tpu.memory_space<vmem>>, vector<16xf32>,
      %swap3A_798 = vector.shape_cast %swap3A_797 : vector<16xf32> to vector<16xf32>
      %swap3A_799 = vector.shape_cast %get3A_795 : vector<16xf32> to vector<16xf32>
      tpu.vector_store %arg10[%swap3A_796], %swap3A_799 {add = true, strides = array<i32>} : memref<16384xf32, #tpu.memory_space<vmem>>, vector<16xf32>,
      %mul3A_800 = arith.constant 128 : i32
      %mul3A_801 = arith.muli %scan3A_735, %mul3A_800 : i32
      %add3A_802 = arith.constant 96 : i32
      %add3A_803 = arith.addi %mul3A_801, %add3A_802 : i32
      %get3A_804 = arith.index_cast %add3A_803 : i32 to index
      %get3A_805 = tpu.vector_load %arg7[%get3A_804] {strides = array<i32>} : memref<16384xf32, #tpu.memory_space<vmem>>, vector<16xf32>,
      %get3A_806 = vector.shape_cast %get3A_805 : vector<16xf32> to vector<16xf32>
      %swap3A_807 = arith.index_cast %add3A_803 : i32 to index
      %swap3A_808 = tpu.vector_load %arg10[%swap3A_807] {strides = array<i32>} : memref<16384xf32, #tpu.memory_space<vmem>>, vector<16xf32>,
      %swap3A_809 = vector.shape_cast %swap3A_808 : vector<16xf32> to vector<16xf32>
      %swap3A_810 = vector.shape_cast %get3A_806 : vector<16xf32> to vector<16xf32>
      tpu.vector_store %arg10[%swap3A_807], %swap3A_810 {add = true, strides = array<i32>} : memref<16384xf32, #tpu.memory_space<vmem>>, vector<16xf32>,
      %mul3A_811 = arith.constant 128 : i32
      %mul3A_812 = arith.muli %scan3A_735, %mul3A_811 : i32
      %add3A_813 = arith.constant 112 : i32
      %add3A_814 = arith.addi %mul3A_812, %add3A_813 : i32
      %get3A_815 = arith.index_cast %add3A_814 : i32 to index
      %get3A_816 = tpu.vector_load %arg7[%get3A_815] {strides = array<i32>} : memref<16384xf32, #tpu.memory_space<vmem>>, vector<16xf32>,
      %get3A_817 = vector.shape_cast %get3A_816 : vector<16xf32> to vector<16xf32>
      %swap3A_818 = arith.index_cast %add3A_814 : i32 to index
      %swap3A_819 = tpu.vector_load %arg10[%swap3A_818] {strides = array<i32>} : memref<16384xf32, #tpu.memory_space<vmem>>, vector<16xf32>,
      %swap3A_820 = vector.shape_cast %swap3A_819 : vector<16xf32> to vector<16xf32>
      %swap3A_821 = vector.shape_cast %get3A_817 : vector<16xf32> to vector<16xf32>
      tpu.vector_store %arg10[%swap3A_818], %swap3A_821 {add = true, strides = array<i32>} : memref<16384xf32, #tpu.memory_space<vmem>>, vector<16xf32>,
    }
    %scan3A_152 = arith.constant 128 : i32
    %dma_start3A_153 = arith.constant 2 : i32
    %dma_start3A_154 = tpu.memref_slice %arg4[%add3A_113] : memref<8388608xf32, #tpu.memory_space<hbm>> -> memref<16384xf32, #tpu.memory_space<hbm>>
    %dma_start3A_155 = tpu.memref_slice %arg13[%dma_start3A_153] : memref<3x!tpu.dma_semaphore, #tpu.memory_space<semaphore_mem>> -> memref<1x!tpu.dma_semaphore, #tpu.memory_space<semaphore_mem>>
    %dma_start3A_156 = tpu.memref_squeeze %dma_start3A_155 : memref<1x!tpu.dma_semaphore, #tpu.memory_space<semaphore_mem>> -> memref<!tpu.dma_semaphore, #tpu.memory_space<semaphore_mem>>
    %dma_start3A_157 = tpu.memref_slice %arg4[%add3A_113] : memref<8388608xf32, #tpu.memory_space<hbm>> -> memref<16384xf32, #tpu.memory_space<hbm>>
    tpu.enqueue_dma source(%arg10 : memref<16384xf32, #tpu.memory_space<vmem>>) target(%dma_start3A_157 : memref<16384xf32, #tpu.memory_space<hbm>>) target_semaphore(%dma_start3A_156 : memref<!tpu.dma_semaphore, #tpu.memory_space<semaphore_mem>>)
    %add3A_158 = arith.constant 49152 : i32
    %add3A_159 = arith.addi %mul3A_2, %add3A_158 : i32
    %add3A_160 = arith.constant 32768 : i32
    %add3A_161 = arith.addi %mul3A_2, %add3A_160 : i32
    %dma_wait3A_162 = arith.constant 2 : i32
    %dma_wait3A_163 = tpu.memref_slice %arg4[%add3A_161] : memref<8388608xf32, #tpu.memory_space<hbm>> -> memref<16384xf32, #tpu.memory_space<hbm>>
    %dma_wait3A_164 = tpu.memref_slice %arg13[%dma_wait3A_162] : memref<3x!tpu.dma_semaphore, #tpu.memory_space<semaphore_mem>> -> memref<1x!tpu.dma_semaphore, #tpu.memory_space<semaphore_mem>>
    %dma_wait3A_165 = tpu.memref_squeeze %dma_wait3A_164 : memref<1x!tpu.dma_semaphore, #tpu.memory_space<semaphore_mem>> -> memref<!tpu.dma_semaphore, #tpu.memory_space<semaphore_mem>>
    %dma_wait3A_166 = tpu.memref_slice %arg4[%add3A_161] : memref<8388608xf32, #tpu.memory_space<hbm>> -> memref<16384xf32, #tpu.memory_space<hbm>>
    tpu.wait_dma2 semaphore(%dma_wait3A_165 : memref<!tpu.dma_semaphore, #tpu.memory_space<semaphore_mem>>) src(%arg10 : memref<16384xf32, #tpu.memory_space<vmem>>) dst(%dma_wait3A_166 : memref<16384xf32, #tpu.memory_space<hbm>>)
    %add3A_167 = arith.constant 81920 : i32
    %add3A_168 = arith.addi %mul3A_2, %add3A_167 : i32
    %rem3A_169 = arith.constant 2097152 : i32
    %rem3A_170 = arith.remsi %add3A_168, %rem3A_169 : i32
    %dma_start3A_171 = arith.constant 2 : i32
    %dma_start3A_172 = tpu.memref_slice %arg2[%add3A_168] : memref<8388608xf32, #tpu.memory_space<hbm>> -> memref<16384xf32, #tpu.memory_space<hbm>>
    %dma_start3A_173 = tpu.memref_slice %arg11[%dma_start3A_171] : memref<3x!tpu.dma_semaphore, #tpu.memory_space<semaphore_mem>> -> memref<1x!tpu.dma_semaphore, #tpu.memory_space<semaphore_mem>>
    %dma_start3A_174 = tpu.memref_squeeze %dma_start3A_173 : memref<1x!tpu.dma_semaphore, #tpu.memory_space<semaphore_mem>> -> memref<!tpu.dma_semaphore, #tpu.memory_space<semaphore_mem>>
    %dma_start3A_175 = tpu.memref_slice %arg2[%add3A_168] : memref<8388608xf32, #tpu.memory_space<hbm>> -> memref<16384xf32, #tpu.memory_space<hbm>>
    tpu.enqueue_dma source(%dma_start3A_175 : memref<16384xf32, #tpu.memory_space<hbm>>) target(%arg7 : memref<16384xf32, #tpu.memory_space<vmem>>) target_semaphore(%dma_start3A_174 : memref<!tpu.dma_semaphore, #tpu.memory_space<semaphore_mem>>)
    %dma_start3A_176 = arith.constant 2 : i32
    %dma_start3A_177 = tpu.memref_slice %arg3[%rem3A_170] : memref<2097152xf32, #tpu.memory_space<hbm>> -> memref<16384xf32, #tpu.memory_space<hbm>>
    %dma_start3A_178 = tpu.memref_slice %arg12[%dma_start3A_176] : memref<3x!tpu.dma_semaphore, #tpu.memory_space<semaphore_mem>> -> memref<1x!tpu.dma_semaphore, #tpu.memory_space<semaphore_mem>>
    %dma_start3A_179 = tpu.memref_squeeze %dma_start3A_178 : memref<1x!tpu.dma_semaphore, #tpu.memory_space<semaphore_mem>> -> memref<!tpu.dma_semaphore, #tpu.memory_space<semaphore_mem>>
    %dma_start3A_180 = tpu.memref_slice %arg3[%rem3A_170] : memref<2097152xf32, #tpu.memory_space<hbm>> -> memref<16384xf32, #tpu.memory_space<hbm>>
    tpu.enqueue_dma source(%dma_start3A_180 : memref<16384xf32, #tpu.memory_space<hbm>>) target(%arg10 : memref<16384xf32, #tpu.memory_space<vmem>>) target_semaphore(%dma_start3A_179 : memref<!tpu.dma_semaphore, #tpu.memory_space<semaphore_mem>>)
    %dma_wait3A_181 = arith.constant 0 : i32
    %dma_wait3A_182 = tpu.memref_slice %arg2[%add3A_159] : memref<8388608xf32, #tpu.memory_space<hbm>> -> memref<16384xf32, #tpu.memory_space<hbm>>
    %dma_wait3A_183 = tpu.memref_slice %arg11[%dma_wait3A_181] : memref<3x!tpu.dma_semaphore, #tpu.memory_space<semaphore_mem>> -> memref<1x!tpu.dma_semaphore, #tpu.memory_space<semaphore_mem>>
    %dma_wait3A_184 = tpu.memref_squeeze %dma_wait3A_183 : memref<1x!tpu.dma_semaphore, #tpu.memory_space<semaphore_mem>> -> memref<!tpu.dma_semaphore, #tpu.memory_space<semaphore_mem>>
    %dma_wait3A_185 = tpu.memref_slice %arg2[%add3A_159] : memref<8388608xf32, #tpu.memory_space<hbm>> -> memref<16384xf32, #tpu.memory_space<hbm>>
    tpu.wait_dma2 semaphore(%dma_wait3A_184 : memref<!tpu.dma_semaphore, #tpu.memory_space<semaphore_mem>>) src(%dma_wait3A_185 : memref<16384xf32, #tpu.memory_space<hbm>>) dst(%arg5 : memref<16384xf32, #tpu.memory_space<vmem>>)
    %rem3A_186 = arith.constant 2097152 : i32
    %rem3A_187 = arith.remsi %add3A_159, %rem3A_186 : i32
    %dma_wait3A_188 = arith.constant 0 : i32
    %dma_wait3A_189 = tpu.memref_slice %arg3[%rem3A_187] : memref<2097152xf32, #tpu.memory_space<hbm>> -> memref<16384xf32, #tpu.memory_space<hbm>>
    %dma_wait3A_190 = tpu.memref_slice %arg12[%dma_wait3A_188] : memref<3x!tpu.dma_semaphore, #tpu.memory_space<semaphore_mem>> -> memref<1x!tpu.dma_semaphore, #tpu.memory_space<semaphore_mem>>
    %dma_wait3A_191 = tpu.memref_squeeze %dma_wait3A_190 : memref<1x!tpu.dma_semaphore, #tpu.memory_space<semaphore_mem>> -> memref<!tpu.dma_semaphore, #tpu.memory_space<semaphore_mem>>
    %dma_wait3A_192 = tpu.memref_slice %arg3[%rem3A_187] : memref<2097152xf32, #tpu.memory_space<hbm>> -> memref<16384xf32, #tpu.memory_space<hbm>>
    tpu.wait_dma2 semaphore(%dma_wait3A_191 : memref<!tpu.dma_semaphore, #tpu.memory_space<semaphore_mem>>) src(%dma_wait3A_192 : memref<16384xf32, #tpu.memory_space<hbm>>) dst(%arg8 : memref<16384xf32, #tpu.memory_space<vmem>>)
    %scan3A_193 = arith.constant 0 : i32
    %scan3A_194 = arith.constant 0 : i32
    %scan3A_195 = arith.constant 128 : i32
    %scan3A_196 = arith.addi %scan3A_194, %scan3A_195 : i32
    %scan3A_197 = arith.constant 1 : i32
    scf.for %scan3A_735 = %scan3A_194 to %scan3A_196 step %scan3A_197  : i32 {
      %mul3A_736 = arith.constant 128 : i32
      %mul3A_737 = arith.muli %scan3A_735, %mul3A_736 : i32
      %add3A_738 = arith.constant 0 : i32
      %add3A_739 = arith.addi %mul3A_737, %add3A_738 : i32
      %get3A = arith.index_cast %add3A_739 : i32 to index
      %get3A_740 = tpu.vector_load %arg5[%get3A] {strides = array<i32>} : memref<16384xf32, #tpu.memory_space<vmem>>, vector<16xf32>,
      %get3A_741 = vector.shape_cast %get3A_740 : vector<16xf32> to vector<16xf32>
      %swap3A = arith.index_cast %add3A_739 : i32 to index
      %swap3A_742 = tpu.vector_load %arg8[%swap3A] {strides = array<i32>} : memref<16384xf32, #tpu.memory_space<vmem>>, vector<16xf32>,
      %swap3A_743 = vector.shape_cast %swap3A_742 : vector<16xf32> to vector<16xf32>
      %swap3A_744 = vector.shape_cast %get3A_741 : vector<16xf32> to vector<16xf32>
      tpu.vector_store %arg8[%swap3A], %swap3A_744 {add = true, strides = array<i32>} : memref<16384xf32, #tpu.memory_space<vmem>>, vector<16xf32>,
      %mul3A_745 = arith.constant 128 : i32
      %mul3A_746 = arith.muli %scan3A_735, %mul3A_745 : i32
      %add3A_747 = arith.constant 16 : i32
      %add3A_748 = arith.addi %mul3A_746, %add3A_747 : i32
      %get3A_749 = arith.index_cast %add3A_748 : i32 to index
      %get3A_750 = tpu.vector_load %arg5[%get3A_749] {strides = array<i32>} : memref<16384xf32, #tpu.memory_space<vmem>>, vector<16xf32>,
      %get3A_751 = vector.shape_cast %get3A_750 : vector<16xf32> to vector<16xf32>
      %swap3A_752 = arith.index_cast %add3A_748 : i32 to index
      %swap3A_753 = tpu.vector_load %arg8[%swap3A_752] {strides = array<i32>} : memref<16384xf32, #tpu.memory_space<vmem>>, vector<16xf32>,
      %swap3A_754 = vector.shape_cast %swap3A_753 : vector<16xf32> to vector<16xf32>
      %swap3A_755 = vector.shape_cast %get3A_751 : vector<16xf32> to vector<16xf32>
      tpu.vector_store %arg8[%swap3A_752], %swap3A_755 {add = true, strides = array<i32>} : memref<16384xf32, #tpu.memory_space<vmem>>, vector<16xf32>,
      %mul3A_756 = arith.constant 128 : i32
      %mul3A_757 = arith.muli %scan3A_735, %mul3A_756 : i32
      %add3A_758 = arith.constant 32 : i32
      %add3A_759 = arith.addi %mul3A_757, %add3A_758 : i32
      %get3A_760 = arith.index_cast %add3A_759 : i32 to index
      %get3A_761 = tpu.vector_load %arg5[%get3A_760] {strides = array<i32>} : memref<16384xf32, #tpu.memory_space<vmem>>, vector<16xf32>,
      %get3A_762 = vector.shape_cast %get3A_761 : vector<16xf32> to vector<16xf32>
      %swap3A_763 = arith.index_cast %add3A_759 : i32 to index
      %swap3A_764 = tpu.vector_load %arg8[%swap3A_763] {strides = array<i32>} : memref<16384xf32, #tpu.memory_space<vmem>>, vector<16xf32>,
      %swap3A_765 = vector.shape_cast %swap3A_764 : vector<16xf32> to vector<16xf32>
      %swap3A_766 = vector.shape_cast %get3A_762 : vector<16xf32> to vector<16xf32>
      tpu.vector_store %arg8[%swap3A_763], %swap3A_766 {add = true, strides = array<i32>} : memref<16384xf32, #tpu.memory_space<vmem>>, vector<16xf32>,
      %mul3A_767 = arith.constant 128 : i32
      %mul3A_768 = arith.muli %scan3A_735, %mul3A_767 : i32
      %add3A_769 = arith.constant 48 : i32
      %add3A_770 = arith.addi %mul3A_768, %add3A_769 : i32
      %get3A_771 = arith.index_cast %add3A_770 : i32 to index
      %get3A_772 = tpu.vector_load %arg5[%get3A_771] {strides = array<i32>} : memref<16384xf32, #tpu.memory_space<vmem>>, vector<16xf32>,
      %get3A_773 = vector.shape_cast %get3A_772 : vector<16xf32> to vector<16xf32>
      %swap3A_774 = arith.index_cast %add3A_770 : i32 to index
      %swap3A_775 = tpu.vector_load %arg8[%swap3A_774] {strides = array<i32>} : memref<16384xf32, #tpu.memory_space<vmem>>, vector<16xf32>,
      %swap3A_776 = vector.shape_cast %swap3A_775 : vector<16xf32> to vector<16xf32>
      %swap3A_777 = vector.shape_cast %get3A_773 : vector<16xf32> to vector<16xf32>
      tpu.vector_store %arg8[%swap3A_774], %swap3A_777 {add = true, strides = array<i32>} : memref<16384xf32, #tpu.memory_space<vmem>>, vector<16xf32>,
      %mul3A_778 = arith.constant 128 : i32
      %mul3A_779 = arith.muli %scan3A_735, %mul3A_778 : i32
      %add3A_780 = arith.constant 64 : i32
      %add3A_781 = arith.addi %mul3A_779, %add3A_780 : i32
      %get3A_782 = arith.index_cast %add3A_781 : i32 to index
      %get3A_783 = tpu.vector_load %arg5[%get3A_782] {strides = array<i32>} : memref<16384xf32, #tpu.memory_space<vmem>>, vector<16xf32>,
      %get3A_784 = vector.shape_cast %get3A_783 : vector<16xf32> to vector<16xf32>
      %swap3A_785 = arith.index_cast %add3A_781 : i32 to index
      %swap3A_786 = tpu.vector_load %arg8[%swap3A_785] {strides = array<i32>} : memref<16384xf32, #tpu.memory_space<vmem>>, vector<16xf32>,
      %swap3A_787 = vector.shape_cast %swap3A_786 : vector<16xf32> to vector<16xf32>
      %swap3A_788 = vector.shape_cast %get3A_784 : vector<16xf32> to vector<16xf32>
      tpu.vector_store %arg8[%swap3A_785], %swap3A_788 {add = true, strides = array<i32>} : memref<16384xf32, #tpu.memory_space<vmem>>, vector<16xf32>,
      %mul3A_789 = arith.constant 128 : i32
      %mul3A_790 = arith.muli %scan3A_735, %mul3A_789 : i32
      %add3A_791 = arith.constant 80 : i32
      %add3A_792 = arith.addi %mul3A_790, %add3A_791 : i32
      %get3A_793 = arith.index_cast %add3A_792 : i32 to index
      %get3A_794 = tpu.vector_load %arg5[%get3A_793] {strides = array<i32>} : memref<16384xf32, #tpu.memory_space<vmem>>, vector<16xf32>,
      %get3A_795 = vector.shape_cast %get3A_794 : vector<16xf32> to vector<16xf32>
      %swap3A_796 = arith.index_cast %add3A_792 : i32 to index
      %swap3A_797 = tpu.vector_load %arg8[%swap3A_796] {strides = array<i32>} : memref<16384xf32, #tpu.memory_space<vmem>>, vector<16xf32>,
      %swap3A_798 = vector.shape_cast %swap3A_797 : vector<16xf32> to vector<16xf32>
      %swap3A_799 = vector.shape_cast %get3A_795 : vector<16xf32> to vector<16xf32>
      tpu.vector_store %arg8[%swap3A_796], %swap3A_799 {add = true, strides = array<i32>} : memref<16384xf32, #tpu.memory_space<vmem>>, vector<16xf32>,
      %mul3A_800 = arith.constant 128 : i32
      %mul3A_801 = arith.muli %scan3A_735, %mul3A_800 : i32
      %add3A_802 = arith.constant 96 : i32
      %add3A_803 = arith.addi %mul3A_801, %add3A_802 : i32
      %get3A_804 = arith.index_cast %add3A_803 : i32 to index
      %get3A_805 = tpu.vector_load %arg5[%get3A_804] {strides = array<i32>} : memref<16384xf32, #tpu.memory_space<vmem>>, vector<16xf32>,
      %get3A_806 = vector.shape_cast %get3A_805 : vector<16xf32> to vector<16xf32>
      %swap3A_807 = arith.index_cast %add3A_803 : i32 to index
      %swap3A_808 = tpu.vector_load %arg8[%swap3A_807] {strides = array<i32>} : memref<16384xf32, #tpu.memory_space<vmem>>, vector<16xf32>,
      %swap3A_809 = vector.shape_cast %swap3A_808 : vector<16xf32> to vector<16xf32>
      %swap3A_810 = vector.shape_cast %get3A_806 : vector<16xf32> to vector<16xf32>
      tpu.vector_store %arg8[%swap3A_807], %swap3A_810 {add = true, strides = array<i32>} : memref<16384xf32, #tpu.memory_space<vmem>>, vector<16xf32>,
      %mul3A_811 = arith.constant 128 : i32
      %mul3A_812 = arith.muli %scan3A_735, %mul3A_811 : i32
      %add3A_813 = arith.constant 112 : i32
      %add3A_814 = arith.addi %mul3A_812, %add3A_813 : i32
      %get3A_815 = arith.index_cast %add3A_814 : i32 to index
      %get3A_816 = tpu.vector_load %arg5[%get3A_815] {strides = array<i32>} : memref<16384xf32, #tpu.memory_space<vmem>>, vector<16xf32>,
      %get3A_817 = vector.shape_cast %get3A_816 : vector<16xf32> to vector<16xf32>
      %swap3A_818 = arith.index_cast %add3A_814 : i32 to index
      %swap3A_819 = tpu.vector_load %arg8[%swap3A_818] {strides = array<i32>} : memref<16384xf32, #tpu.memory_space<vmem>>, vector<16xf32>,
      %swap3A_820 = vector.shape_cast %swap3A_819 : vector<16xf32> to vector<16xf32>
      %swap3A_821 = vector.shape_cast %get3A_817 : vector<16xf32> to vector<16xf32>
      tpu.vector_store %arg8[%swap3A_818], %swap3A_821 {add = true, strides = array<i32>} : memref<16384xf32, #tpu.memory_space<vmem>>, vector<16xf32>,
    }
    %scan3A_198 = arith.constant 128 : i32
    %dma_start3A_199 = arith.constant 0 : i32
    %dma_start3A_200 = tpu.memref_slice %arg4[%add3A_159] : memref<8388608xf32, #tpu.memory_space<hbm>> -> memref<16384xf32, #tpu.memory_space<hbm>>
    %dma_start3A_201 = tpu.memref_slice %arg13[%dma_start3A_199] : memref<3x!tpu.dma_semaphore, #tpu.memory_space<semaphore_mem>> -> memref<1x!tpu.dma_semaphore, #tpu.memory_space<semaphore_mem>>
    %dma_start3A_202 = tpu.memref_squeeze %dma_start3A_201 : memref<1x!tpu.dma_semaphore, #tpu.memory_space<semaphore_mem>> -> memref<!tpu.dma_semaphore, #tpu.memory_space<semaphore_mem>>
    %dma_start3A_203 = tpu.memref_slice %arg4[%add3A_159] : memref<8388608xf32, #tpu.memory_space<hbm>> -> memref<16384xf32, #tpu.memory_space<hbm>>
    tpu.enqueue_dma source(%arg8 : memref<16384xf32, #tpu.memory_space<vmem>>) target(%dma_start3A_203 : memref<16384xf32, #tpu.memory_space<hbm>>) target_semaphore(%dma_start3A_202 : memref<!tpu.dma_semaphore, #tpu.memory_space<semaphore_mem>>)
    %add3A_204 = arith.constant 65536 : i32
    %add3A_205 = arith.addi %mul3A_2, %add3A_204 : i32
    %add3A_206 = arith.constant 49152 : i32
    %add3A_207 = arith.addi %mul3A_2, %add3A_206 : i32
    %dma_wait3A_208 = arith.constant 0 : i32
    %dma_wait3A_209 = tpu.memref_slice %arg4[%add3A_207] : memref<8388608xf32, #tpu.memory_space<hbm>> -> memref<16384xf32, #tpu.memory_space<hbm>>
    %dma_wait3A_210 = tpu.memref_slice %arg13[%dma_wait3A_208] : memref<3x!tpu.dma_semaphore, #tpu.memory_space<semaphore_mem>> -> memref<1x!tpu.dma_semaphore, #tpu.memory_space<semaphore_mem>>
    %dma_wait3A_211 = tpu.memref_squeeze %dma_wait3A_210 : memref<1x!tpu.dma_semaphore, #tpu.memory_space<semaphore_mem>> -> memref<!tpu.dma_semaphore, #tpu.memory_space<semaphore_mem>>
    %dma_wait3A_212 = tpu.memref_slice %arg4[%add3A_207] : memref<8388608xf32, #tpu.memory_space<hbm>> -> memref<16384xf32, #tpu.memory_space<hbm>>
    tpu.wait_dma2 semaphore(%dma_wait3A_211 : memref<!tpu.dma_semaphore, #tpu.memory_space<semaphore_mem>>) src(%arg8 : memref<16384xf32, #tpu.memory_space<vmem>>) dst(%dma_wait3A_212 : memref<16384xf32, #tpu.memory_space<hbm>>)
    %add3A_213 = arith.constant 98304 : i32
    %add3A_214 = arith.addi %mul3A_2, %add3A_213 : i32
    %rem3A_215 = arith.constant 2097152 : i32
    %rem3A_216 = arith.remsi %add3A_214, %rem3A_215 : i32
    %dma_start3A_217 = arith.constant 0 : i32
    %dma_start3A_218 = tpu.memref_slice %arg2[%add3A_214] : memref<8388608xf32, #tpu.memory_space<hbm>> -> memref<16384xf32, #tpu.memory_space<hbm>>
    %dma_start3A_219 = tpu.memref_slice %arg11[%dma_start3A_217] : memref<3x!tpu.dma_semaphore, #tpu.memory_space<semaphore_mem>> -> memref<1x!tpu.dma_semaphore, #tpu.memory_space<semaphore_mem>>
    %dma_start3A_220 = tpu.memref_squeeze %dma_start3A_219 : memref<1x!tpu.dma_semaphore, #tpu.memory_space<semaphore_mem>> -> memref<!tpu.dma_semaphore, #tpu.memory_space<semaphore_mem>>
    %dma_start3A_221 = tpu.memref_slice %arg2[%add3A_214] : memref<8388608xf32, #tpu.memory_space<hbm>> -> memref<16384xf32, #tpu.memory_space<hbm>>
    tpu.enqueue_dma source(%dma_start3A_221 : memref<16384xf32, #tpu.memory_space<hbm>>) target(%arg5 : memref<16384xf32, #tpu.memory_space<vmem>>) target_semaphore(%dma_start3A_220 : memref<!tpu.dma_semaphore, #tpu.memory_space<semaphore_mem>>)
    %dma_start3A_222 = arith.constant 0 : i32
    %dma_start3A_223 = tpu.memref_slice %arg3[%rem3A_216] : memref<2097152xf32, #tpu.memory_space<hbm>> -> memref<16384xf32, #tpu.memory_space<hbm>>
    %dma_start3A_224 = tpu.memref_slice %arg12[%dma_start3A_222] : memref<3x!tpu.dma_semaphore, #tpu.memory_space<semaphore_mem>> -> memref<1x!tpu.dma_semaphore, #tpu.memory_space<semaphore_mem>>
    %dma_start3A_225 = tpu.memref_squeeze %dma_start3A_224 : memref<1x!tpu.dma_semaphore, #tpu.memory_space<semaphore_mem>> -> memref<!tpu.dma_semaphore, #tpu.memory_space<semaphore_mem>>
    %dma_start3A_226 = tpu.memref_slice %arg3[%rem3A_216] : memref<2097152xf32, #tpu.memory_space<hbm>> -> memref<16384xf32, #tpu.memory_space<hbm>>
    tpu.enqueue_dma source(%dma_start3A_226 : memref<16384xf32, #tpu.memory_space<hbm>>) target(%arg8 : memref<16384xf32, #tpu.memory_space<vmem>>) target_semaphore(%dma_start3A_225 : memref<!tpu.dma_semaphore, #tpu.memory_space<semaphore_mem>>)
    %dma_wait3A_227 = arith.constant 1 : i32
    %dma_wait3A_228 = tpu.memref_slice %arg2[%add3A_205] : memref<8388608xf32, #tpu.memory_space<hbm>> -> memref<16384xf32, #tpu.memory_space<hbm>>
    %dma_wait3A_229 = tpu.memref_slice %arg11[%dma_wait3A_227] : memref<3x!tpu.dma_semaphore, #tpu.memory_space<semaphore_mem>> -> memref<1x!tpu.dma_semaphore, #tpu.memory_space<semaphore_mem>>
    %dma_wait3A_230 = tpu.memref_squeeze %dma_wait3A_229 : memref<1x!tpu.dma_semaphore, #tpu.memory_space<semaphore_mem>> -> memref<!tpu.dma_semaphore, #tpu.memory_space<semaphore_mem>>
    %dma_wait3A_231 = tpu.memref_slice %arg2[%add3A_205] : memref<8388608xf32, #tpu.memory_space<hbm>> -> memref<16384xf32, #tpu.memory_space<hbm>>
    tpu.wait_dma2 semaphore(%dma_wait3A_230 : memref<!tpu.dma_semaphore, #tpu.memory_space<semaphore_mem>>) src(%dma_wait3A_231 : memref<16384xf32, #tpu.memory_space<hbm>>) dst(%arg6 : memref<16384xf32, #tpu.memory_space<vmem>>)
    %rem3A_232 = arith.constant 2097152 : i32
    %rem3A_233 = arith.remsi %add3A_205, %rem3A_232 : i32
    %dma_wait3A_234 = arith.constant 1 : i32
    %dma_wait3A_235 = tpu.memref_slice %arg3[%rem3A_233] : memref<2097152xf32, #tpu.memory_space<hbm>> -> memref<16384xf32, #tpu.memory_space<hbm>>
    %dma_wait3A_236 = tpu.memref_slice %arg12[%dma_wait3A_234] : memref<3x!tpu.dma_semaphore, #tpu.memory_space<semaphore_mem>> -> memref<1x!tpu.dma_semaphore, #tpu.memory_space<semaphore_mem>>
    %dma_wait3A_237 = tpu.memref_squeeze %dma_wait3A_236 : memref<1x!tpu.dma_semaphore, #tpu.memory_space<semaphore_mem>> -> memref<!tpu.dma_semaphore, #tpu.memory_space<semaphore_mem>>
    %dma_wait3A_238 = tpu.memref_slice %arg3[%rem3A_233] : memref<2097152xf32, #tpu.memory_space<hbm>> -> memref<16384xf32, #tpu.memory_space<hbm>>
    tpu.wait_dma2 semaphore(%dma_wait3A_237 : memref<!tpu.dma_semaphore, #tpu.memory_space<semaphore_mem>>) src(%dma_wait3A_238 : memref<16384xf32, #tpu.memory_space<hbm>>) dst(%arg9 : memref<16384xf32, #tpu.memory_space<vmem>>)
    %scan3A_239 = arith.constant 0 : i32
    %scan3A_240 = arith.constant 0 : i32
    %scan3A_241 = arith.constant 128 : i32
    %scan3A_242 = arith.addi %scan3A_240, %scan3A_241 : i32
    %scan3A_243 = arith.constant 1 : i32
    scf.for %scan3A_735 = %scan3A_240 to %scan3A_242 step %scan3A_243  : i32 {
      %mul3A_736 = arith.constant 128 : i32
      %mul3A_737 = arith.muli %scan3A_735, %mul3A_736 : i32
      %add3A_738 = arith.constant 0 : i32
      %add3A_739 = arith.addi %mul3A_737, %add3A_738 : i32
      %get3A = arith.index_cast %add3A_739 : i32 to index
      %get3A_740 = tpu.vector_load %arg6[%get3A] {strides = array<i32>} : memref<16384xf32, #tpu.memory_space<vmem>>, vector<16xf32>,
      %get3A_741 = vector.shape_cast %get3A_740 : vector<16xf32> to vector<16xf32>
      %swap3A = arith.index_cast %add3A_739 : i32 to index
      %swap3A_742 = tpu.vector_load %arg9[%swap3A] {strides = array<i32>} : memref<16384xf32, #tpu.memory_space<vmem>>, vector<16xf32>,
      %swap3A_743 = vector.shape_cast %swap3A_742 : vector<16xf32> to vector<16xf32>
      %swap3A_744 = vector.shape_cast %get3A_741 : vector<16xf32> to vector<16xf32>
      tpu.vector_store %arg9[%swap3A], %swap3A_744 {add = true, strides = array<i32>} : memref<16384xf32, #tpu.memory_space<vmem>>, vector<16xf32>,
      %mul3A_745 = arith.constant 128 : i32
      %mul3A_746 = arith.muli %scan3A_735, %mul3A_745 : i32
      %add3A_747 = arith.constant 16 : i32
      %add3A_748 = arith.addi %mul3A_746, %add3A_747 : i32
      %get3A_749 = arith.index_cast %add3A_748 : i32 to index
      %get3A_750 = tpu.vector_load %arg6[%get3A_749] {strides = array<i32>} : memref<16384xf32, #tpu.memory_space<vmem>>, vector<16xf32>,
      %get3A_751 = vector.shape_cast %get3A_750 : vector<16xf32> to vector<16xf32>
      %swap3A_752 = arith.index_cast %add3A_748 : i32 to index
      %swap3A_753 = tpu.vector_load %arg9[%swap3A_752] {strides = array<i32>} : memref<16384xf32, #tpu.memory_space<vmem>>, vector<16xf32>,
      %swap3A_754 = vector.shape_cast %swap3A_753 : vector<16xf32> to vector<16xf32>
      %swap3A_755 = vector.shape_cast %get3A_751 : vector<16xf32> to vector<16xf32>
      tpu.vector_store %arg9[%swap3A_752], %swap3A_755 {add = true, strides = array<i32>} : memref<16384xf32, #tpu.memory_space<vmem>>, vector<16xf32>,
      %mul3A_756 = arith.constant 128 : i32
      %mul3A_757 = arith.muli %scan3A_735, %mul3A_756 : i32
      %add3A_758 = arith.constant 32 : i32
      %add3A_759 = arith.addi %mul3A_757, %add3A_758 : i32
      %get3A_760 = arith.index_cast %add3A_759 : i32 to index
      %get3A_761 = tpu.vector_load %arg6[%get3A_760] {strides = array<i32>} : memref<16384xf32, #tpu.memory_space<vmem>>, vector<16xf32>,
      %get3A_762 = vector.shape_cast %get3A_761 : vector<16xf32> to vector<16xf32>
      %swap3A_763 = arith.index_cast %add3A_759 : i32 to index
      %swap3A_764 = tpu.vector_load %arg9[%swap3A_763] {strides = array<i32>} : memref<16384xf32, #tpu.memory_space<vmem>>, vector<16xf32>,
      %swap3A_765 = vector.shape_cast %swap3A_764 : vector<16xf32> to vector<16xf32>
      %swap3A_766 = vector.shape_cast %get3A_762 : vector<16xf32> to vector<16xf32>
      tpu.vector_store %arg9[%swap3A_763], %swap3A_766 {add = true, strides = array<i32>} : memref<16384xf32, #tpu.memory_space<vmem>>, vector<16xf32>,
      %mul3A_767 = arith.constant 128 : i32
      %mul3A_768 = arith.muli %scan3A_735, %mul3A_767 : i32
      %add3A_769 = arith.constant 48 : i32
      %add3A_770 = arith.addi %mul3A_768, %add3A_769 : i32
      %get3A_771 = arith.index_cast %add3A_770 : i32 to index
      %get3A_772 = tpu.vector_load %arg6[%get3A_771] {strides = array<i32>} : memref<16384xf32, #tpu.memory_space<vmem>>, vector<16xf32>,
      %get3A_773 = vector.shape_cast %get3A_772 : vector<16xf32> to vector<16xf32>
      %swap3A_774 = arith.index_cast %add3A_770 : i32 to index
      %swap3A_775 = tpu.vector_load %arg9[%swap3A_774] {strides = array<i32>} : memref<16384xf32, #tpu.memory_space<vmem>>, vector<16xf32>,
      %swap3A_776 = vector.shape_cast %swap3A_775 : vector<16xf32> to vector<16xf32>
      %swap3A_777 = vector.shape_cast %get3A_773 : vector<16xf32> to vector<16xf32>
      tpu.vector_store %arg9[%swap3A_774], %swap3A_777 {add = true, strides = array<i32>} : memref<16384xf32, #tpu.memory_space<vmem>>, vector<16xf32>,
      %mul3A_778 = arith.constant 128 : i32
      %mul3A_779 = arith.muli %scan3A_735, %mul3A_778 : i32
      %add3A_780 = arith.constant 64 : i32
      %add3A_781 = arith.addi %mul3A_779, %add3A_780 : i32
      %get3A_782 = arith.index_cast %add3A_781 : i32 to index
      %get3A_783 = tpu.vector_load %arg6[%get3A_782] {strides = array<i32>} : memref<16384xf32, #tpu.memory_space<vmem>>, vector<16xf32>,
      %get3A_784 = vector.shape_cast %get3A_783 : vector<16xf32> to vector<16xf32>
      %swap3A_785 = arith.index_cast %add3A_781 : i32 to index
      %swap3A_786 = tpu.vector_load %arg9[%swap3A_785] {strides = array<i32>} : memref<16384xf32, #tpu.memory_space<vmem>>, vector<16xf32>,
      %swap3A_787 = vector.shape_cast %swap3A_786 : vector<16xf32> to vector<16xf32>
      %swap3A_788 = vector.shape_cast %get3A_784 : vector<16xf32> to vector<16xf32>
      tpu.vector_store %arg9[%swap3A_785], %swap3A_788 {add = true, strides = array<i32>} : memref<16384xf32, #tpu.memory_space<vmem>>, vector<16xf32>,
      %mul3A_789 = arith.constant 128 : i32
      %mul3A_790 = arith.muli %scan3A_735, %mul3A_789 : i32
      %add3A_791 = arith.constant 80 : i32
      %add3A_792 = arith.addi %mul3A_790, %add3A_791 : i32
      %get3A_793 = arith.index_cast %add3A_792 : i32 to index
      %get3A_794 = tpu.vector_load %arg6[%get3A_793] {strides = array<i32>} : memref<16384xf32, #tpu.memory_space<vmem>>, vector<16xf32>,
      %get3A_795 = vector.shape_cast %get3A_794 : vector<16xf32> to vector<16xf32>
      %swap3A_796 = arith.index_cast %add3A_792 : i32 to index
      %swap3A_797 = tpu.vector_load %arg9[%swap3A_796] {strides = array<i32>} : memref<16384xf32, #tpu.memory_space<vmem>>, vector<16xf32>,
      %swap3A_798 = vector.shape_cast %swap3A_797 : vector<16xf32> to vector<16xf32>
      %swap3A_799 = vector.shape_cast %get3A_795 : vector<16xf32> to vector<16xf32>
      tpu.vector_store %arg9[%swap3A_796], %swap3A_799 {add = true, strides = array<i32>} : memref<16384xf32, #tpu.memory_space<vmem>>, vector<16xf32>,
      %mul3A_800 = arith.constant 128 : i32
      %mul3A_801 = arith.muli %scan3A_735, %mul3A_800 : i32
      %add3A_802 = arith.constant 96 : i32
      %add3A_803 = arith.addi %mul3A_801, %add3A_802 : i32
      %get3A_804 = arith.index_cast %add3A_803 : i32 to index
      %get3A_805 = tpu.vector_load %arg6[%get3A_804] {strides = array<i32>} : memref<16384xf32, #tpu.memory_space<vmem>>, vector<16xf32>,
      %get3A_806 = vector.shape_cast %get3A_805 : vector<16xf32> to vector<16xf32>
      %swap3A_807 = arith.index_cast %add3A_803 : i32 to index
      %swap3A_808 = tpu.vector_load %arg9[%swap3A_807] {strides = array<i32>} : memref<16384xf32, #tpu.memory_space<vmem>>, vector<16xf32>,
      %swap3A_809 = vector.shape_cast %swap3A_808 : vector<16xf32> to vector<16xf32>
      %swap3A_810 = vector.shape_cast %get3A_806 : vector<16xf32> to vector<16xf32>
      tpu.vector_store %arg9[%swap3A_807], %swap3A_810 {add = true, strides = array<i32>} : memref<16384xf32, #tpu.memory_space<vmem>>, vector<16xf32>,
      %mul3A_811 = arith.constant 128 : i32
      %mul3A_812 = arith.muli %scan3A_735, %mul3A_811 : i32
      %add3A_813 = arith.constant 112 : i32
      %add3A_814 = arith.addi %mul3A_812, %add3A_813 : i32
      %get3A_815 = arith.index_cast %add3A_814 : i32 to index
      %get3A_816 = tpu.vector_load %arg6[%get3A_815] {strides = array<i32>} : memref<16384xf32, #tpu.memory_space<vmem>>, vector<16xf32>,
      %get3A_817 = vector.shape_cast %get3A_816 : vector<16xf32> to vector<16xf32>
      %swap3A_818 = arith.index_cast %add3A_814 : i32 to index
      %swap3A_819 = tpu.vector_load %arg9[%swap3A_818] {strides = array<i32>} : memref<16384xf32, #tpu.memory_space<vmem>>, vector<16xf32>,
      %swap3A_820 = vector.shape_cast %swap3A_819 : vector<16xf32> to vector<16xf32>
      %swap3A_821 = vector.shape_cast %get3A_817 : vector<16xf32> to vector<16xf32>
      tpu.vector_store %arg9[%swap3A_818], %swap3A_821 {add = true, strides = array<i32>} : memref<16384xf32, #tpu.memory_space<vmem>>, vector<16xf32>,
    }
    %scan3A_244 = arith.constant 128 : i32
    %dma_start3A_245 = arith.constant 1 : i32
    %dma_start3A_246 = tpu.memref_slice %arg4[%add3A_205] : memref<8388608xf32, #tpu.memory_space<hbm>> -> memref<16384xf32, #tpu.memory_space<hbm>>
    %dma_start3A_247 = tpu.memref_slice %arg13[%dma_start3A_245] : memref<3x!tpu.dma_semaphore, #tpu.memory_space<semaphore_mem>> -> memref<1x!tpu.dma_semaphore, #tpu.memory_space<semaphore_mem>>
    %dma_start3A_248 = tpu.memref_squeeze %dma_start3A_247 : memref<1x!tpu.dma_semaphore, #tpu.memory_space<semaphore_mem>> -> memref<!tpu.dma_semaphore, #tpu.memory_space<semaphore_mem>>
    %dma_start3A_249 = tpu.memref_slice %arg4[%add3A_205] : memref<8388608xf32, #tpu.memory_space<hbm>> -> memref<16384xf32, #tpu.memory_space<hbm>>
    tpu.enqueue_dma source(%arg9 : memref<16384xf32, #tpu.memory_space<vmem>>) target(%dma_start3A_249 : memref<16384xf32, #tpu.memory_space<hbm>>) target_semaphore(%dma_start3A_248 : memref<!tpu.dma_semaphore, #tpu.memory_space<semaphore_mem>>)
    %add3A_250 = arith.constant 81920 : i32
    %add3A_251 = arith.addi %mul3A_2, %add3A_250 : i32
    %add3A_252 = arith.constant 65536 : i32
    %add3A_253 = arith.addi %mul3A_2, %add3A_252 : i32
    %dma_wait3A_254 = arith.constant 1 : i32
    %dma_wait3A_255 = tpu.memref_slice %arg4[%add3A_253] : memref<8388608xf32, #tpu.memory_space<hbm>> -> memref<16384xf32, #tpu.memory_space<hbm>>
    %dma_wait3A_256 = tpu.memref_slice %arg13[%dma_wait3A_254] : memref<3x!tpu.dma_semaphore, #tpu.memory_space<semaphore_mem>> -> memref<1x!tpu.dma_semaphore, #tpu.memory_space<semaphore_mem>>
    %dma_wait3A_257 = tpu.memref_squeeze %dma_wait3A_256 : memref<1x!tpu.dma_semaphore, #tpu.memory_space<semaphore_mem>> -> memref<!tpu.dma_semaphore, #tpu.memory_space<semaphore_mem>>
    %dma_wait3A_258 = tpu.memref_slice %arg4[%add3A_253] : memref<8388608xf32, #tpu.memory_space<hbm>> -> memref<16384xf32, #tpu.memory_space<hbm>>
    tpu.wait_dma2 semaphore(%dma_wait3A_257 : memref<!tpu.dma_semaphore, #tpu.memory_space<semaphore_mem>>) src(%arg9 : memref<16384xf32, #tpu.memory_space<vmem>>) dst(%dma_wait3A_258 : memref<16384xf32, #tpu.memory_space<hbm>>)
    %add3A_259 = arith.constant 114688 : i32
    %add3A_260 = arith.addi %mul3A_2, %add3A_259 : i32
    %rem3A_261 = arith.constant 2097152 : i32
    %rem3A_262 = arith.remsi %add3A_260, %rem3A_261 : i32
    %dma_start3A_263 = arith.constant 1 : i32
    %dma_start3A_264 = tpu.memref_slice %arg2[%add3A_260] : memref<8388608xf32, #tpu.memory_space<hbm>> -> memref<16384xf32, #tpu.memory_space<hbm>>
    %dma_start3A_265 = tpu.memref_slice %arg11[%dma_start3A_263] : memref<3x!tpu.dma_semaphore, #tpu.memory_space<semaphore_mem>> -> memref<1x!tpu.dma_semaphore, #tpu.memory_space<semaphore_mem>>
    %dma_start3A_266 = tpu.memref_squeeze %dma_start3A_265 : memref<1x!tpu.dma_semaphore, #tpu.memory_space<semaphore_mem>> -> memref<!tpu.dma_semaphore, #tpu.memory_space<semaphore_mem>>
    %dma_start3A_267 = tpu.memref_slice %arg2[%add3A_260] : memref<8388608xf32, #tpu.memory_space<hbm>> -> memref<16384xf32, #tpu.memory_space<hbm>>
    tpu.enqueue_dma source(%dma_start3A_267 : memref<16384xf32, #tpu.memory_space<hbm>>) target(%arg6 : memref<16384xf32, #tpu.memory_space<vmem>>) target_semaphore(%dma_start3A_266 : memref<!tpu.dma_semaphore, #tpu.memory_space<semaphore_mem>>)
    %dma_start3A_268 = arith.constant 1 : i32
    %dma_start3A_269 = tpu.memref_slice %arg3[%rem3A_262] : memref<2097152xf32, #tpu.memory_space<hbm>> -> memref<16384xf32, #tpu.memory_space<hbm>>
    %dma_start3A_270 = tpu.memref_slice %arg12[%dma_start3A_268] : memref<3x!tpu.dma_semaphore, #tpu.memory_space<semaphore_mem>> -> memref<1x!tpu.dma_semaphore, #tpu.memory_space<semaphore_mem>>
    %dma_start3A_271 = tpu.memref_squeeze %dma_start3A_270 : memref<1x!tpu.dma_semaphore, #tpu.memory_space<semaphore_mem>> -> memref<!tpu.dma_semaphore, #tpu.memory_space<semaphore_mem>>
    %dma_start3A_272 = tpu.memref_slice %arg3[%rem3A_262] : memref<2097152xf32, #tpu.memory_space<hbm>> -> memref<16384xf32, #tpu.memory_space<hbm>>
    tpu.enqueue_dma source(%dma_start3A_272 : memref<16384xf32, #tpu.memory_space<hbm>>) target(%arg9 : memref<16384xf32, #tpu.memory_space<vmem>>) target_semaphore(%dma_start3A_271 : memref<!tpu.dma_semaphore, #tpu.memory_space<semaphore_mem>>)
    %dma_wait3A_273 = arith.constant 2 : i32
    %dma_wait3A_274 = tpu.memref_slice %arg2[%add3A_251] : memref<8388608xf32, #tpu.memory_space<hbm>> -> memref<16384xf32, #tpu.memory_space<hbm>>
    %dma_wait3A_275 = tpu.memref_slice %arg11[%dma_wait3A_273] : memref<3x!tpu.dma_semaphore, #tpu.memory_space<semaphore_mem>> -> memref<1x!tpu.dma_semaphore, #tpu.memory_space<semaphore_mem>>
    %dma_wait3A_276 = tpu.memref_squeeze %dma_wait3A_275 : memref<1x!tpu.dma_semaphore, #tpu.memory_space<semaphore_mem>> -> memref<!tpu.dma_semaphore, #tpu.memory_space<semaphore_mem>>
    %dma_wait3A_277 = tpu.memref_slice %arg2[%add3A_251] : memref<8388608xf32, #tpu.memory_space<hbm>> -> memref<16384xf32, #tpu.memory_space<hbm>>
    tpu.wait_dma2 semaphore(%dma_wait3A_276 : memref<!tpu.dma_semaphore, #tpu.memory_space<semaphore_mem>>) src(%dma_wait3A_277 : memref<16384xf32, #tpu.memory_space<hbm>>) dst(%arg7 : memref<16384xf32, #tpu.memory_space<vmem>>)
    %rem3A_278 = arith.constant 2097152 : i32
    %rem3A_279 = arith.remsi %add3A_251, %rem3A_278 : i32
    %dma_wait3A_280 = arith.constant 2 : i32
    %dma_wait3A_281 = tpu.memref_slice %arg3[%rem3A_279] : memref<2097152xf32, #tpu.memory_space<hbm>> -> memref<16384xf32, #tpu.memory_space<hbm>>
    %dma_wait3A_282 = tpu.memref_slice %arg12[%dma_wait3A_280] : memref<3x!tpu.dma_semaphore, #tpu.memory_space<semaphore_mem>> -> memref<1x!tpu.dma_semaphore, #tpu.memory_space<semaphore_mem>>
    %dma_wait3A_283 = tpu.memref_squeeze %dma_wait3A_282 : memref<1x!tpu.dma_semaphore, #tpu.memory_space<semaphore_mem>> -> memref<!tpu.dma_semaphore, #tpu.memory_space<semaphore_mem>>
    %dma_wait3A_284 = tpu.memref_slice %arg3[%rem3A_279] : memref<2097152xf32, #tpu.memory_space<hbm>> -> memref<16384xf32, #tpu.memory_space<hbm>>
    tpu.wait_dma2 semaphore(%dma_wait3A_283 : memref<!tpu.dma_semaphore, #tpu.memory_space<semaphore_mem>>) src(%dma_wait3A_284 : memref<16384xf32, #tpu.memory_space<hbm>>) dst(%arg10 : memref<16384xf32, #tpu.memory_space<vmem>>)
    %scan3A_285 = arith.constant 0 : i32
    %scan3A_286 = arith.constant 0 : i32
    %scan3A_287 = arith.constant 128 : i32
    %scan3A_288 = arith.addi %scan3A_286, %scan3A_287 : i32
    %scan3A_289 = arith.constant 1 : i32
    scf.for %scan3A_735 = %scan3A_286 to %scan3A_288 step %scan3A_289  : i32 {
      %mul3A_736 = arith.constant 128 : i32
      %mul3A_737 = arith.muli %scan3A_735, %mul3A_736 : i32
      %add3A_738 = arith.constant 0 : i32
      %add3A_739 = arith.addi %mul3A_737, %add3A_738 : i32
      %get3A = arith.index_cast %add3A_739 : i32 to index
      %get3A_740 = tpu.vector_load %arg7[%get3A] {strides = array<i32>} : memref<16384xf32, #tpu.memory_space<vmem>>, vector<16xf32>,
      %get3A_741 = vector.shape_cast %get3A_740 : vector<16xf32> to vector<16xf32>
      %swap3A = arith.index_cast %add3A_739 : i32 to index
      %swap3A_742 = tpu.vector_load %arg10[%swap3A] {strides = array<i32>} : memref<16384xf32, #tpu.memory_space<vmem>>, vector<16xf32>,
      %swap3A_743 = vector.shape_cast %swap3A_742 : vector<16xf32> to vector<16xf32>
      %swap3A_744 = vector.shape_cast %get3A_741 : vector<16xf32> to vector<16xf32>
      tpu.vector_store %arg10[%swap3A], %swap3A_744 {add = true, strides = array<i32>} : memref<16384xf32, #tpu.memory_space<vmem>>, vector<16xf32>,
      %mul3A_745 = arith.constant 128 : i32
      %mul3A_746 = arith.muli %scan3A_735, %mul3A_745 : i32
      %add3A_747 = arith.constant 16 : i32
      %add3A_748 = arith.addi %mul3A_746, %add3A_747 : i32
      %get3A_749 = arith.index_cast %add3A_748 : i32 to index
      %get3A_750 = tpu.vector_load %arg7[%get3A_749] {strides = array<i32>} : memref<16384xf32, #tpu.memory_space<vmem>>, vector<16xf32>,
      %get3A_751 = vector.shape_cast %get3A_750 : vector<16xf32> to vector<16xf32>
      %swap3A_752 = arith.index_cast %add3A_748 : i32 to index
      %swap3A_753 = tpu.vector_load %arg10[%swap3A_752] {strides = array<i32>} : memref<16384xf32, #tpu.memory_space<vmem>>, vector<16xf32>,
      %swap3A_754 = vector.shape_cast %swap3A_753 : vector<16xf32> to vector<16xf32>
      %swap3A_755 = vector.shape_cast %get3A_751 : vector<16xf32> to vector<16xf32>
      tpu.vector_store %arg10[%swap3A_752], %swap3A_755 {add = true, strides = array<i32>} : memref<16384xf32, #tpu.memory_space<vmem>>, vector<16xf32>,
      %mul3A_756 = arith.constant 128 : i32
      %mul3A_757 = arith.muli %scan3A_735, %mul3A_756 : i32
      %add3A_758 = arith.constant 32 : i32
      %add3A_759 = arith.addi %mul3A_757, %add3A_758 : i32
      %get3A_760 = arith.index_cast %add3A_759 : i32 to index
      %get3A_761 = tpu.vector_load %arg7[%get3A_760] {strides = array<i32>} : memref<16384xf32, #tpu.memory_space<vmem>>, vector<16xf32>,
      %get3A_762 = vector.shape_cast %get3A_761 : vector<16xf32> to vector<16xf32>
      %swap3A_763 = arith.index_cast %add3A_759 : i32 to index
      %swap3A_764 = tpu.vector_load %arg10[%swap3A_763] {strides = array<i32>} : memref<16384xf32, #tpu.memory_space<vmem>>, vector<16xf32>,
      %swap3A_765 = vector.shape_cast %swap3A_764 : vector<16xf32> to vector<16xf32>
      %swap3A_766 = vector.shape_cast %get3A_762 : vector<16xf32> to vector<16xf32>
      tpu.vector_store %arg10[%swap3A_763], %swap3A_766 {add = true, strides = array<i32>} : memref<16384xf32, #tpu.memory_space<vmem>>, vector<16xf32>,
      %mul3A_767 = arith.constant 128 : i32
      %mul3A_768 = arith.muli %scan3A_735, %mul3A_767 : i32
      %add3A_769 = arith.constant 48 : i32
      %add3A_770 = arith.addi %mul3A_768, %add3A_769 : i32
      %get3A_771 = arith.index_cast %add3A_770 : i32 to index
      %get3A_772 = tpu.vector_load %arg7[%get3A_771] {strides = array<i32>} : memref<16384xf32, #tpu.memory_space<vmem>>, vector<16xf32>,
      %get3A_773 = vector.shape_cast %get3A_772 : vector<16xf32> to vector<16xf32>
      %swap3A_774 = arith.index_cast %add3A_770 : i32 to index
      %swap3A_775 = tpu.vector_load %arg10[%swap3A_774] {strides = array<i32>} : memref<16384xf32, #tpu.memory_space<vmem>>, vector<16xf32>,
      %swap3A_776 = vector.shape_cast %swap3A_775 : vector<16xf32> to vector<16xf32>
      %swap3A_777 = vector.shape_cast %get3A_773 : vector<16xf32> to vector<16xf32>
      tpu.vector_store %arg10[%swap3A_774], %swap3A_777 {add = true, strides = array<i32>} : memref<16384xf32, #tpu.memory_space<vmem>>, vector<16xf32>,
      %mul3A_778 = arith.constant 128 : i32
      %mul3A_779 = arith.muli %scan3A_735, %mul3A_778 : i32
      %add3A_780 = arith.constant 64 : i32
      %add3A_781 = arith.addi %mul3A_779, %add3A_780 : i32
      %get3A_782 = arith.index_cast %add3A_781 : i32 to index
      %get3A_783 = tpu.vector_load %arg7[%get3A_782] {strides = array<i32>} : memref<16384xf32, #tpu.memory_space<vmem>>, vector<16xf32>,
      %get3A_784 = vector.shape_cast %get3A_783 : vector<16xf32> to vector<16xf32>
      %swap3A_785 = arith.index_cast %add3A_781 : i32 to index
      %swap3A_786 = tpu.vector_load %arg10[%swap3A_785] {strides = array<i32>} : memref<16384xf32, #tpu.memory_space<vmem>>, vector<16xf32>,
      %swap3A_787 = vector.shape_cast %swap3A_786 : vector<16xf32> to vector<16xf32>
      %swap3A_788 = vector.shape_cast %get3A_784 : vector<16xf32> to vector<16xf32>
      tpu.vector_store %arg10[%swap3A_785], %swap3A_788 {add = true, strides = array<i32>} : memref<16384xf32, #tpu.memory_space<vmem>>, vector<16xf32>,
      %mul3A_789 = arith.constant 128 : i32
      %mul3A_790 = arith.muli %scan3A_735, %mul3A_789 : i32
      %add3A_791 = arith.constant 80 : i32
      %add3A_792 = arith.addi %mul3A_790, %add3A_791 : i32
      %get3A_793 = arith.index_cast %add3A_792 : i32 to index
      %get3A_794 = tpu.vector_load %arg7[%get3A_793] {strides = array<i32>} : memref<16384xf32, #tpu.memory_space<vmem>>, vector<16xf32>,
      %get3A_795 = vector.shape_cast %get3A_794 : vector<16xf32> to vector<16xf32>
      %swap3A_796 = arith.index_cast %add3A_792 : i32 to index
      %swap3A_797 = tpu.vector_load %arg10[%swap3A_796] {strides = array<i32>} : memref<16384xf32, #tpu.memory_space<vmem>>, vector<16xf32>,
      %swap3A_798 = vector.shape_cast %swap3A_797 : vector<16xf32> to vector<16xf32>
      %swap3A_799 = vector.shape_cast %get3A_795 : vector<16xf32> to vector<16xf32>
      tpu.vector_store %arg10[%swap3A_796], %swap3A_799 {add = true, strides = array<i32>} : memref<16384xf32, #tpu.memory_space<vmem>>, vector<16xf32>,
      %mul3A_800 = arith.constant 128 : i32
      %mul3A_801 = arith.muli %scan3A_735, %mul3A_800 : i32
      %add3A_802 = arith.constant 96 : i32
      %add3A_803 = arith.addi %mul3A_801, %add3A_802 : i32
      %get3A_804 = arith.index_cast %add3A_803 : i32 to index
      %get3A_805 = tpu.vector_load %arg7[%get3A_804] {strides = array<i32>} : memref<16384xf32, #tpu.memory_space<vmem>>, vector<16xf32>,
      %get3A_806 = vector.shape_cast %get3A_805 : vector<16xf32> to vector<16xf32>
      %swap3A_807 = arith.index_cast %add3A_803 : i32 to index
      %swap3A_808 = tpu.vector_load %arg10[%swap3A_807] {strides = array<i32>} : memref<16384xf32, #tpu.memory_space<vmem>>, vector<16xf32>,
      %swap3A_809 = vector.shape_cast %swap3A_808 : vector<16xf32> to vector<16xf32>
      %swap3A_810 = vector.shape_cast %get3A_806 : vector<16xf32> to vector<16xf32>
      tpu.vector_store %arg10[%swap3A_807], %swap3A_810 {add = true, strides = array<i32>} : memref<16384xf32, #tpu.memory_space<vmem>>, vector<16xf32>,
      %mul3A_811 = arith.constant 128 : i32
      %mul3A_812 = arith.muli %scan3A_735, %mul3A_811 : i32
      %add3A_813 = arith.constant 112 : i32
      %add3A_814 = arith.addi %mul3A_812, %add3A_813 : i32
      %get3A_815 = arith.index_cast %add3A_814 : i32 to index
      %get3A_816 = tpu.vector_load %arg7[%get3A_815] {strides = array<i32>} : memref<16384xf32, #tpu.memory_space<vmem>>, vector<16xf32>,
      %get3A_817 = vector.shape_cast %get3A_816 : vector<16xf32> to vector<16xf32>
      %swap3A_818 = arith.index_cast %add3A_814 : i32 to index
      %swap3A_819 = tpu.vector_load %arg10[%swap3A_818] {strides = array<i32>} : memref<16384xf32, #tpu.memory_space<vmem>>, vector<16xf32>,
      %swap3A_820 = vector.shape_cast %swap3A_819 : vector<16xf32> to vector<16xf32>
      %swap3A_821 = vector.shape_cast %get3A_817 : vector<16xf32> to vector<16xf32>
      tpu.vector_store %arg10[%swap3A_818], %swap3A_821 {add = true, strides = array<i32>} : memref<16384xf32, #tpu.memory_space<vmem>>, vector<16xf32>,
    }
    %scan3A_290 = arith.constant 128 : i32
    %dma_start3A_291 = arith.constant 2 : i32
    %dma_start3A_292 = tpu.memref_slice %arg4[%add3A_251] : memref<8388608xf32, #tpu.memory_space<hbm>> -> memref<16384xf32, #tpu.memory_space<hbm>>
    %dma_start3A_293 = tpu.memref_slice %arg13[%dma_start3A_291] : memref<3x!tpu.dma_semaphore, #tpu.memory_space<semaphore_mem>> -> memref<1x!tpu.dma_semaphore, #tpu.memory_space<semaphore_mem>>
    %dma_start3A_294 = tpu.memref_squeeze %dma_start3A_293 : memref<1x!tpu.dma_semaphore, #tpu.memory_space<semaphore_mem>> -> memref<!tpu.dma_semaphore, #tpu.memory_space<semaphore_mem>>
    %dma_start3A_295 = tpu.memref_slice %arg4[%add3A_251] : memref<8388608xf32, #tpu.memory_space<hbm>> -> memref<16384xf32, #tpu.memory_space<hbm>>
    tpu.enqueue_dma source(%arg10 : memref<16384xf32, #tpu.memory_space<vmem>>) target(%dma_start3A_295 : memref<16384xf32, #tpu.memory_space<hbm>>) target_semaphore(%dma_start3A_294 : memref<!tpu.dma_semaphore, #tpu.memory_space<semaphore_mem>>)
    %add3A_296 = arith.constant 98304 : i32
    %add3A_297 = arith.addi %mul3A_2, %add3A_296 : i32
    %add3A_298 = arith.constant 81920 : i32
    %add3A_299 = arith.addi %mul3A_2, %add3A_298 : i32
    %dma_wait3A_300 = arith.constant 2 : i32
    %dma_wait3A_301 = tpu.memref_slice %arg4[%add3A_299] : memref<8388608xf32, #tpu.memory_space<hbm>> -> memref<16384xf32, #tpu.memory_space<hbm>>
    %dma_wait3A_302 = tpu.memref_slice %arg13[%dma_wait3A_300] : memref<3x!tpu.dma_semaphore, #tpu.memory_space<semaphore_mem>> -> memref<1x!tpu.dma_semaphore, #tpu.memory_space<semaphore_mem>>
    %dma_wait3A_303 = tpu.memref_squeeze %dma_wait3A_302 : memref<1x!tpu.dma_semaphore, #tpu.memory_space<semaphore_mem>> -> memref<!tpu.dma_semaphore, #tpu.memory_space<semaphore_mem>>
    %dma_wait3A_304 = tpu.memref_slice %arg4[%add3A_299] : memref<8388608xf32, #tpu.memory_space<hbm>> -> memref<16384xf32, #tpu.memory_space<hbm>>
    tpu.wait_dma2 semaphore(%dma_wait3A_303 : memref<!tpu.dma_semaphore, #tpu.memory_space<semaphore_mem>>) src(%arg10 : memref<16384xf32, #tpu.memory_space<vmem>>) dst(%dma_wait3A_304 : memref<16384xf32, #tpu.memory_space<hbm>>)
    %add3A_305 = arith.constant 131072 : i32
    %add3A_306 = arith.addi %mul3A_2, %add3A_305 : i32
    %rem3A_307 = arith.constant 2097152 : i32
    %rem3A_308 = arith.remsi %add3A_306, %rem3A_307 : i32
    %dma_start3A_309 = arith.constant 2 : i32
    %dma_start3A_310 = tpu.memref_slice %arg2[%add3A_306] : memref<8388608xf32, #tpu.memory_space<hbm>> -> memref<16384xf32, #tpu.memory_space<hbm>>
    %dma_start3A_311 = tpu.memref_slice %arg11[%dma_start3A_309] : memref<3x!tpu.dma_semaphore, #tpu.memory_space<semaphore_mem>> -> memref<1x!tpu.dma_semaphore, #tpu.memory_space<semaphore_mem>>
    %dma_start3A_312 = tpu.memref_squeeze %dma_start3A_311 : memref<1x!tpu.dma_semaphore, #tpu.memory_space<semaphore_mem>> -> memref<!tpu.dma_semaphore, #tpu.memory_space<semaphore_mem>>
    %dma_start3A_313 = tpu.memref_slice %arg2[%add3A_306] : memref<8388608xf32, #tpu.memory_space<hbm>> -> memref<16384xf32, #tpu.memory_space<hbm>>
    tpu.enqueue_dma source(%dma_start3A_313 : memref<16384xf32, #tpu.memory_space<hbm>>) target(%arg7 : memref<16384xf32, #tpu.memory_space<vmem>>) target_semaphore(%dma_start3A_312 : memref<!tpu.dma_semaphore, #tpu.memory_space<semaphore_mem>>)
    %dma_start3A_314 = arith.constant 2 : i32
    %dma_start3A_315 = tpu.memref_slice %arg3[%rem3A_308] : memref<2097152xf32, #tpu.memory_space<hbm>> -> memref<16384xf32, #tpu.memory_space<hbm>>
    %dma_start3A_316 = tpu.memref_slice %arg12[%dma_start3A_314] : memref<3x!tpu.dma_semaphore, #tpu.memory_space<semaphore_mem>> -> memref<1x!tpu.dma_semaphore, #tpu.memory_space<semaphore_mem>>
    %dma_start3A_317 = tpu.memref_squeeze %dma_start3A_316 : memref<1x!tpu.dma_semaphore, #tpu.memory_space<semaphore_mem>> -> memref<!tpu.dma_semaphore, #tpu.memory_space<semaphore_mem>>
    %dma_start3A_318 = tpu.memref_slice %arg3[%rem3A_308] : memref<2097152xf32, #tpu.memory_space<hbm>> -> memref<16384xf32, #tpu.memory_space<hbm>>
    tpu.enqueue_dma source(%dma_start3A_318 : memref<16384xf32, #tpu.memory_space<hbm>>) target(%arg10 : memref<16384xf32, #tpu.memory_space<vmem>>) target_semaphore(%dma_start3A_317 : memref<!tpu.dma_semaphore, #tpu.memory_space<semaphore_mem>>)
    %dma_wait3A_319 = arith.constant 0 : i32
    %dma_wait3A_320 = tpu.memref_slice %arg2[%add3A_297] : memref<8388608xf32, #tpu.memory_space<hbm>> -> memref<16384xf32, #tpu.memory_space<hbm>>
    %dma_wait3A_321 = tpu.memref_slice %arg11[%dma_wait3A_319] : memref<3x!tpu.dma_semaphore, #tpu.memory_space<semaphore_mem>> -> memref<1x!tpu.dma_semaphore, #tpu.memory_space<semaphore_mem>>
    %dma_wait3A_322 = tpu.memref_squeeze %dma_wait3A_321 : memref<1x!tpu.dma_semaphore, #tpu.memory_space<semaphore_mem>> -> memref<!tpu.dma_semaphore, #tpu.memory_space<semaphore_mem>>
    %dma_wait3A_323 = tpu.memref_slice %arg2[%add3A_297] : memref<8388608xf32, #tpu.memory_space<hbm>> -> memref<16384xf32, #tpu.memory_space<hbm>>
    tpu.wait_dma2 semaphore(%dma_wait3A_322 : memref<!tpu.dma_semaphore, #tpu.memory_space<semaphore_mem>>) src(%dma_wait3A_323 : memref<16384xf32, #tpu.memory_space<hbm>>) dst(%arg5 : memref<16384xf32, #tpu.memory_space<vmem>>)
    %rem3A_324 = arith.constant 2097152 : i32
    %rem3A_325 = arith.remsi %add3A_297, %rem3A_324 : i32
    %dma_wait3A_326 = arith.constant 0 : i32
    %dma_wait3A_327 = tpu.memref_slice %arg3[%rem3A_325] : memref<2097152xf32, #tpu.memory_space<hbm>> -> memref<16384xf32, #tpu.memory_space<hbm>>
    %dma_wait3A_328 = tpu.memref_slice %arg12[%dma_wait3A_326] : memref<3x!tpu.dma_semaphore, #tpu.memory_space<semaphore_mem>> -> memref<1x!tpu.dma_semaphore, #tpu.memory_space<semaphore_mem>>
    %dma_wait3A_329 = tpu.memref_squeeze %dma_wait3A_328 : memref<1x!tpu.dma_semaphore, #tpu.memory_space<semaphore_mem>> -> memref<!tpu.dma_semaphore, #tpu.memory_space<semaphore_mem>>
    %dma_wait3A_330 = tpu.memref_slice %arg3[%rem3A_325] : memref<2097152xf32, #tpu.memory_space<hbm>> -> memref<16384xf32, #tpu.memory_space<hbm>>
    tpu.wait_dma2 semaphore(%dma_wait3A_329 : memref<!tpu.dma_semaphore, #tpu.memory_space<semaphore_mem>>) src(%dma_wait3A_330 : memref<16384xf32, #tpu.memory_space<hbm>>) dst(%arg8 : memref<16384xf32, #tpu.memory_space<vmem>>)
    %scan3A_331 = arith.constant 0 : i32
    %scan3A_332 = arith.constant 0 : i32
    %scan3A_333 = arith.constant 128 : i32
    %scan3A_334 = arith.addi %scan3A_332, %scan3A_333 : i32
    %scan3A_335 = arith.constant 1 : i32
    scf.for %scan3A_735 = %scan3A_332 to %scan3A_334 step %scan3A_335  : i32 {
      %mul3A_736 = arith.constant 128 : i32
      %mul3A_737 = arith.muli %scan3A_735, %mul3A_736 : i32
      %add3A_738 = arith.constant 0 : i32
      %add3A_739 = arith.addi %mul3A_737, %add3A_738 : i32
      %get3A = arith.index_cast %add3A_739 : i32 to index
      %get3A_740 = tpu.vector_load %arg5[%get3A] {strides = array<i32>} : memref<16384xf32, #tpu.memory_space<vmem>>, vector<16xf32>,
      %get3A_741 = vector.shape_cast %get3A_740 : vector<16xf32> to vector<16xf32>
      %swap3A = arith.index_cast %add3A_739 : i32 to index
      %swap3A_742 = tpu.vector_load %arg8[%swap3A] {strides = array<i32>} : memref<16384xf32, #tpu.memory_space<vmem>>, vector<16xf32>,
      %swap3A_743 = vector.shape_cast %swap3A_742 : vector<16xf32> to vector<16xf32>
      %swap3A_744 = vector.shape_cast %get3A_741 : vector<16xf32> to vector<16xf32>
      tpu.vector_store %arg8[%swap3A], %swap3A_744 {add = true, strides = array<i32>} : memref<16384xf32, #tpu.memory_space<vmem>>, vector<16xf32>,
      %mul3A_745 = arith.constant 128 : i32
      %mul3A_746 = arith.muli %scan3A_735, %mul3A_745 : i32
      %add3A_747 = arith.constant 16 : i32
      %add3A_748 = arith.addi %mul3A_746, %add3A_747 : i32
      %get3A_749 = arith.index_cast %add3A_748 : i32 to index
      %get3A_750 = tpu.vector_load %arg5[%get3A_749] {strides = array<i32>} : memref<16384xf32, #tpu.memory_space<vmem>>, vector<16xf32>,
      %get3A_751 = vector.shape_cast %get3A_750 : vector<16xf32> to vector<16xf32>
      %swap3A_752 = arith.index_cast %add3A_748 : i32 to index
      %swap3A_753 = tpu.vector_load %arg8[%swap3A_752] {strides = array<i32>} : memref<16384xf32, #tpu.memory_space<vmem>>, vector<16xf32>,
      %swap3A_754 = vector.shape_cast %swap3A_753 : vector<16xf32> to vector<16xf32>
      %swap3A_755 = vector.shape_cast %get3A_751 : vector<16xf32> to vector<16xf32>
      tpu.vector_store %arg8[%swap3A_752], %swap3A_755 {add = true, strides = array<i32>} : memref<16384xf32, #tpu.memory_space<vmem>>, vector<16xf32>,
      %mul3A_756 = arith.constant 128 : i32
      %mul3A_757 = arith.muli %scan3A_735, %mul3A_756 : i32
      %add3A_758 = arith.constant 32 : i32
      %add3A_759 = arith.addi %mul3A_757, %add3A_758 : i32
      %get3A_760 = arith.index_cast %add3A_759 : i32 to index
      %get3A_761 = tpu.vector_load %arg5[%get3A_760] {strides = array<i32>} : memref<16384xf32, #tpu.memory_space<vmem>>, vector<16xf32>,
      %get3A_762 = vector.shape_cast %get3A_761 : vector<16xf32> to vector<16xf32>
      %swap3A_763 = arith.index_cast %add3A_759 : i32 to index
      %swap3A_764 = tpu.vector_load %arg8[%swap3A_763] {strides = array<i32>} : memref<16384xf32, #tpu.memory_space<vmem>>, vector<16xf32>,
      %swap3A_765 = vector.shape_cast %swap3A_764 : vector<16xf32> to vector<16xf32>
      %swap3A_766 = vector.shape_cast %get3A_762 : vector<16xf32> to vector<16xf32>
      tpu.vector_store %arg8[%swap3A_763], %swap3A_766 {add = true, strides = array<i32>} : memref<16384xf32, #tpu.memory_space<vmem>>, vector<16xf32>,
      %mul3A_767 = arith.constant 128 : i32
      %mul3A_768 = arith.muli %scan3A_735, %mul3A_767 : i32
      %add3A_769 = arith.constant 48 : i32
      %add3A_770 = arith.addi %mul3A_768, %add3A_769 : i32
      %get3A_771 = arith.index_cast %add3A_770 : i32 to index
      %get3A_772 = tpu.vector_load %arg5[%get3A_771] {strides = array<i32>} : memref<16384xf32, #tpu.memory_space<vmem>>, vector<16xf32>,
      %get3A_773 = vector.shape_cast %get3A_772 : vector<16xf32> to vector<16xf32>
      %swap3A_774 = arith.index_cast %add3A_770 : i32 to index
      %swap3A_775 = tpu.vector_load %arg8[%swap3A_774] {strides = array<i32>} : memref<16384xf32, #tpu.memory_space<vmem>>, vector<16xf32>,
      %swap3A_776 = vector.shape_cast %swap3A_775 : vector<16xf32> to vector<16xf32>
      %swap3A_777 = vector.shape_cast %get3A_773 : vector<16xf32> to vector<16xf32>
      tpu.vector_store %arg8[%swap3A_774], %swap3A_777 {add = true, strides = array<i32>} : memref<16384xf32, #tpu.memory_space<vmem>>, vector<16xf32>,
      %mul3A_778 = arith.constant 128 : i32
      %mul3A_779 = arith.muli %scan3A_735, %mul3A_778 : i32
      %add3A_780 = arith.constant 64 : i32
      %add3A_781 = arith.addi %mul3A_779, %add3A_780 : i32
      %get3A_782 = arith.index_cast %add3A_781 : i32 to index
      %get3A_783 = tpu.vector_load %arg5[%get3A_782] {strides = array<i32>} : memref<16384xf32, #tpu.memory_space<vmem>>, vector<16xf32>,
      %get3A_784 = vector.shape_cast %get3A_783 : vector<16xf32> to vector<16xf32>
      %swap3A_785 = arith.index_cast %add3A_781 : i32 to index
      %swap3A_786 = tpu.vector_load %arg8[%swap3A_785] {strides = array<i32>} : memref<16384xf32, #tpu.memory_space<vmem>>, vector<16xf32>,
      %swap3A_787 = vector.shape_cast %swap3A_786 : vector<16xf32> to vector<16xf32>
      %swap3A_788 = vector.shape_cast %get3A_784 : vector<16xf32> to vector<16xf32>
      tpu.vector_store %arg8[%swap3A_785], %swap3A_788 {add = true, strides = array<i32>} : memref<16384xf32, #tpu.memory_space<vmem>>, vector<16xf32>,
      %mul3A_789 = arith.constant 128 : i32
      %mul3A_790 = arith.muli %scan3A_735, %mul3A_789 : i32
      %add3A_791 = arith.constant 80 : i32
      %add3A_792 = arith.addi %mul3A_790, %add3A_791 : i32
      %get3A_793 = arith.index_cast %add3A_792 : i32 to index
      %get3A_794 = tpu.vector_load %arg5[%get3A_793] {strides = array<i32>} : memref<16384xf32, #tpu.memory_space<vmem>>, vector<16xf32>,
      %get3A_795 = vector.shape_cast %get3A_794 : vector<16xf32> to vector<16xf32>
      %swap3A_796 = arith.index_cast %add3A_792 : i32 to index
      %swap3A_797 = tpu.vector_load %arg8[%swap3A_796] {strides = array<i32>} : memref<16384xf32, #tpu.memory_space<vmem>>, vector<16xf32>,
      %swap3A_798 = vector.shape_cast %swap3A_797 : vector<16xf32> to vector<16xf32>
      %swap3A_799 = vector.shape_cast %get3A_795 : vector<16xf32> to vector<16xf32>
      tpu.vector_store %arg8[%swap3A_796], %swap3A_799 {add = true, strides = array<i32>} : memref<16384xf32, #tpu.memory_space<vmem>>, vector<16xf32>,
      %mul3A_800 = arith.constant 128 : i32
      %mul3A_801 = arith.muli %scan3A_735, %mul3A_800 : i32
      %add3A_802 = arith.constant 96 : i32
      %add3A_803 = arith.addi %mul3A_801, %add3A_802 : i32
      %get3A_804 = arith.index_cast %add3A_803 : i32 to index
      %get3A_805 = tpu.vector_load %arg5[%get3A_804] {strides = array<i32>} : memref<16384xf32, #tpu.memory_space<vmem>>, vector<16xf32>,
      %get3A_806 = vector.shape_cast %get3A_805 : vector<16xf32> to vector<16xf32>
      %swap3A_807 = arith.index_cast %add3A_803 : i32 to index
      %swap3A_808 = tpu.vector_load %arg8[%swap3A_807] {strides = array<i32>} : memref<16384xf32, #tpu.memory_space<vmem>>, vector<16xf32>,
      %swap3A_809 = vector.shape_cast %swap3A_808 : vector<16xf32> to vector<16xf32>
      %swap3A_810 = vector.shape_cast %get3A_806 : vector<16xf32> to vector<16xf32>
      tpu.vector_store %arg8[%swap3A_807], %swap3A_810 {add = true, strides = array<i32>} : memref<16384xf32, #tpu.memory_space<vmem>>, vector<16xf32>,
      %mul3A_811 = arith.constant 128 : i32
      %mul3A_812 = arith.muli %scan3A_735, %mul3A_811 : i32
      %add3A_813 = arith.constant 112 : i32
      %add3A_814 = arith.addi %mul3A_812, %add3A_813 : i32
      %get3A_815 = arith.index_cast %add3A_814 : i32 to index
      %get3A_816 = tpu.vector_load %arg5[%get3A_815] {strides = array<i32>} : memref<16384xf32, #tpu.memory_space<vmem>>, vector<16xf32>,
      %get3A_817 = vector.shape_cast %get3A_816 : vector<16xf32> to vector<16xf32>
      %swap3A_818 = arith.index_cast %add3A_814 : i32 to index
      %swap3A_819 = tpu.vector_load %arg8[%swap3A_818] {strides = array<i32>} : memref<16384xf32, #tpu.memory_space<vmem>>, vector<16xf32>,
      %swap3A_820 = vector.shape_cast %swap3A_819 : vector<16xf32> to vector<16xf32>
      %swap3A_821 = vector.shape_cast %get3A_817 : vector<16xf32> to vector<16xf32>
      tpu.vector_store %arg8[%swap3A_818], %swap3A_821 {add = true, strides = array<i32>} : memref<16384xf32, #tpu.memory_space<vmem>>, vector<16xf32>,
    }
    %scan3A_336 = arith.constant 128 : i32
    %dma_start3A_337 = arith.constant 0 : i32
    %dma_start3A_338 = tpu.memref_slice %arg4[%add3A_297] : memref<8388608xf32, #tpu.memory_space<hbm>> -> memref<16384xf32, #tpu.memory_space<hbm>>
    %dma_start3A_339 = tpu.memref_slice %arg13[%dma_start3A_337] : memref<3x!tpu.dma_semaphore, #tpu.memory_space<semaphore_mem>> -> memref<1x!tpu.dma_semaphore, #tpu.memory_space<semaphore_mem>>
    %dma_start3A_340 = tpu.memref_squeeze %dma_start3A_339 : memref<1x!tpu.dma_semaphore, #tpu.memory_space<semaphore_mem>> -> memref<!tpu.dma_semaphore, #tpu.memory_space<semaphore_mem>>
    %dma_start3A_341 = tpu.memref_slice %arg4[%add3A_297] : memref<8388608xf32, #tpu.memory_space<hbm>> -> memref<16384xf32, #tpu.memory_space<hbm>>
    tpu.enqueue_dma source(%arg8 : memref<16384xf32, #tpu.memory_space<vmem>>) target(%dma_start3A_341 : memref<16384xf32, #tpu.memory_space<hbm>>) target_semaphore(%dma_start3A_340 : memref<!tpu.dma_semaphore, #tpu.memory_space<semaphore_mem>>)
    %add3A_342 = arith.constant 114688 : i32
    %add3A_343 = arith.addi %mul3A_2, %add3A_342 : i32
    %add3A_344 = arith.constant 98304 : i32
    %add3A_345 = arith.addi %mul3A_2, %add3A_344 : i32
    %dma_wait3A_346 = arith.constant 0 : i32
    %dma_wait3A_347 = tpu.memref_slice %arg4[%add3A_345] : memref<8388608xf32, #tpu.memory_space<hbm>> -> memref<16384xf32, #tpu.memory_space<hbm>>
    %dma_wait3A_348 = tpu.memref_slice %arg13[%dma_wait3A_346] : memref<3x!tpu.dma_semaphore, #tpu.memory_space<semaphore_mem>> -> memref<1x!tpu.dma_semaphore, #tpu.memory_space<semaphore_mem>>
    %dma_wait3A_349 = tpu.memref_squeeze %dma_wait3A_348 : memref<1x!tpu.dma_semaphore, #tpu.memory_space<semaphore_mem>> -> memref<!tpu.dma_semaphore, #tpu.memory_space<semaphore_mem>>
    %dma_wait3A_350 = tpu.memref_slice %arg4[%add3A_345] : memref<8388608xf32, #tpu.memory_space<hbm>> -> memref<16384xf32, #tpu.memory_space<hbm>>
    tpu.wait_dma2 semaphore(%dma_wait3A_349 : memref<!tpu.dma_semaphore, #tpu.memory_space<semaphore_mem>>) src(%arg8 : memref<16384xf32, #tpu.memory_space<vmem>>) dst(%dma_wait3A_350 : memref<16384xf32, #tpu.memory_space<hbm>>)
    %add3A_351 = arith.constant 147456 : i32
    %add3A_352 = arith.addi %mul3A_2, %add3A_351 : i32
    %rem3A_353 = arith.constant 2097152 : i32
    %rem3A_354 = arith.remsi %add3A_352, %rem3A_353 : i32
    %dma_start3A_355 = arith.constant 0 : i32
    %dma_start3A_356 = tpu.memref_slice %arg2[%add3A_352] : memref<8388608xf32, #tpu.memory_space<hbm>> -> memref<16384xf32, #tpu.memory_space<hbm>>
    %dma_start3A_357 = tpu.memref_slice %arg11[%dma_start3A_355] : memref<3x!tpu.dma_semaphore, #tpu.memory_space<semaphore_mem>> -> memref<1x!tpu.dma_semaphore, #tpu.memory_space<semaphore_mem>>
    %dma_start3A_358 = tpu.memref_squeeze %dma_start3A_357 : memref<1x!tpu.dma_semaphore, #tpu.memory_space<semaphore_mem>> -> memref<!tpu.dma_semaphore, #tpu.memory_space<semaphore_mem>>
    %dma_start3A_359 = tpu.memref_slice %arg2[%add3A_352] : memref<8388608xf32, #tpu.memory_space<hbm>> -> memref<16384xf32, #tpu.memory_space<hbm>>
    tpu.enqueue_dma source(%dma_start3A_359 : memref<16384xf32, #tpu.memory_space<hbm>>) target(%arg5 : memref<16384xf32, #tpu.memory_space<vmem>>) target_semaphore(%dma_start3A_358 : memref<!tpu.dma_semaphore, #tpu.memory_space<semaphore_mem>>)
    %dma_start3A_360 = arith.constant 0 : i32
    %dma_start3A_361 = tpu.memref_slice %arg3[%rem3A_354] : memref<2097152xf32, #tpu.memory_space<hbm>> -> memref<16384xf32, #tpu.memory_space<hbm>>
    %dma_start3A_362 = tpu.memref_slice %arg12[%dma_start3A_360] : memref<3x!tpu.dma_semaphore, #tpu.memory_space<semaphore_mem>> -> memref<1x!tpu.dma_semaphore, #tpu.memory_space<semaphore_mem>>
    %dma_start3A_363 = tpu.memref_squeeze %dma_start3A_362 : memref<1x!tpu.dma_semaphore, #tpu.memory_space<semaphore_mem>> -> memref<!tpu.dma_semaphore, #tpu.memory_space<semaphore_mem>>
    %dma_start3A_364 = tpu.memref_slice %arg3[%rem3A_354] : memref<2097152xf32, #tpu.memory_space<hbm>> -> memref<16384xf32, #tpu.memory_space<hbm>>
    tpu.enqueue_dma source(%dma_start3A_364 : memref<16384xf32, #tpu.memory_space<hbm>>) target(%arg8 : memref<16384xf32, #tpu.memory_space<vmem>>) target_semaphore(%dma_start3A_363 : memref<!tpu.dma_semaphore, #tpu.memory_space<semaphore_mem>>)
    %dma_wait3A_365 = arith.constant 1 : i32
    %dma_wait3A_366 = tpu.memref_slice %arg2[%add3A_343] : memref<8388608xf32, #tpu.memory_space<hbm>> -> memref<16384xf32, #tpu.memory_space<hbm>>
    %dma_wait3A_367 = tpu.memref_slice %arg11[%dma_wait3A_365] : memref<3x!tpu.dma_semaphore, #tpu.memory_space<semaphore_mem>> -> memref<1x!tpu.dma_semaphore, #tpu.memory_space<semaphore_mem>>
    %dma_wait3A_368 = tpu.memref_squeeze %dma_wait3A_367 : memref<1x!tpu.dma_semaphore, #tpu.memory_space<semaphore_mem>> -> memref<!tpu.dma_semaphore, #tpu.memory_space<semaphore_mem>>
    %dma_wait3A_369 = tpu.memref_slice %arg2[%add3A_343] : memref<8388608xf32, #tpu.memory_space<hbm>> -> memref<16384xf32, #tpu.memory_space<hbm>>
    tpu.wait_dma2 semaphore(%dma_wait3A_368 : memref<!tpu.dma_semaphore, #tpu.memory_space<semaphore_mem>>) src(%dma_wait3A_369 : memref<16384xf32, #tpu.memory_space<hbm>>) dst(%arg6 : memref<16384xf32, #tpu.memory_space<vmem>>)
    %rem3A_370 = arith.constant 2097152 : i32
    %rem3A_371 = arith.remsi %add3A_343, %rem3A_370 : i32
    %dma_wait3A_372 = arith.constant 1 : i32
    %dma_wait3A_373 = tpu.memref_slice %arg3[%rem3A_371] : memref<2097152xf32, #tpu.memory_space<hbm>> -> memref<16384xf32, #tpu.memory_space<hbm>>
    %dma_wait3A_374 = tpu.memref_slice %arg12[%dma_wait3A_372] : memref<3x!tpu.dma_semaphore, #tpu.memory_space<semaphore_mem>> -> memref<1x!tpu.dma_semaphore, #tpu.memory_space<semaphore_mem>>
    %dma_wait3A_375 = tpu.memref_squeeze %dma_wait3A_374 : memref<1x!tpu.dma_semaphore, #tpu.memory_space<semaphore_mem>> -> memref<!tpu.dma_semaphore, #tpu.memory_space<semaphore_mem>>
    %dma_wait3A_376 = tpu.memref_slice %arg3[%rem3A_371] : memref<2097152xf32, #tpu.memory_space<hbm>> -> memref<16384xf32, #tpu.memory_space<hbm>>
    tpu.wait_dma2 semaphore(%dma_wait3A_375 : memref<!tpu.dma_semaphore, #tpu.memory_space<semaphore_mem>>) src(%dma_wait3A_376 : memref<16384xf32, #tpu.memory_space<hbm>>) dst(%arg9 : memref<16384xf32, #tpu.memory_space<vmem>>)
    %scan3A_377 = arith.constant 0 : i32
    %scan3A_378 = arith.constant 0 : i32
    %scan3A_379 = arith.constant 128 : i32
    %scan3A_380 = arith.addi %scan3A_378, %scan3A_379 : i32
    %scan3A_381 = arith.constant 1 : i32
    scf.for %scan3A_735 = %scan3A_378 to %scan3A_380 step %scan3A_381  : i32 {
      %mul3A_736 = arith.constant 128 : i32
      %mul3A_737 = arith.muli %scan3A_735, %mul3A_736 : i32
      %add3A_738 = arith.constant 0 : i32
      %add3A_739 = arith.addi %mul3A_737, %add3A_738 : i32
      %get3A = arith.index_cast %add3A_739 : i32 to index
      %get3A_740 = tpu.vector_load %arg6[%get3A] {strides = array<i32>} : memref<16384xf32, #tpu.memory_space<vmem>>, vector<16xf32>,
      %get3A_741 = vector.shape_cast %get3A_740 : vector<16xf32> to vector<16xf32>
      %swap3A = arith.index_cast %add3A_739 : i32 to index
      %swap3A_742 = tpu.vector_load %arg9[%swap3A] {strides = array<i32>} : memref<16384xf32, #tpu.memory_space<vmem>>, vector<16xf32>,
      %swap3A_743 = vector.shape_cast %swap3A_742 : vector<16xf32> to vector<16xf32>
      %swap3A_744 = vector.shape_cast %get3A_741 : vector<16xf32> to vector<16xf32>
      tpu.vector_store %arg9[%swap3A], %swap3A_744 {add = true, strides = array<i32>} : memref<16384xf32, #tpu.memory_space<vmem>>, vector<16xf32>,
      %mul3A_745 = arith.constant 128 : i32
      %mul3A_746 = arith.muli %scan3A_735, %mul3A_745 : i32
      %add3A_747 = arith.constant 16 : i32
      %add3A_748 = arith.addi %mul3A_746, %add3A_747 : i32
      %get3A_749 = arith.index_cast %add3A_748 : i32 to index
      %get3A_750 = tpu.vector_load %arg6[%get3A_749] {strides = array<i32>} : memref<16384xf32, #tpu.memory_space<vmem>>, vector<16xf32>,
      %get3A_751 = vector.shape_cast %get3A_750 : vector<16xf32> to vector<16xf32>
      %swap3A_752 = arith.index_cast %add3A_748 : i32 to index
      %swap3A_753 = tpu.vector_load %arg9[%swap3A_752] {strides = array<i32>} : memref<16384xf32, #tpu.memory_space<vmem>>, vector<16xf32>,
      %swap3A_754 = vector.shape_cast %swap3A_753 : vector<16xf32> to vector<16xf32>
      %swap3A_755 = vector.shape_cast %get3A_751 : vector<16xf32> to vector<16xf32>
      tpu.vector_store %arg9[%swap3A_752], %swap3A_755 {add = true, strides = array<i32>} : memref<16384xf32, #tpu.memory_space<vmem>>, vector<16xf32>,
      %mul3A_756 = arith.constant 128 : i32
      %mul3A_757 = arith.muli %scan3A_735, %mul3A_756 : i32
      %add3A_758 = arith.constant 32 : i32
      %add3A_759 = arith.addi %mul3A_757, %add3A_758 : i32
      %get3A_760 = arith.index_cast %add3A_759 : i32 to index
      %get3A_761 = tpu.vector_load %arg6[%get3A_760] {strides = array<i32>} : memref<16384xf32, #tpu.memory_space<vmem>>, vector<16xf32>,
      %get3A_762 = vector.shape_cast %get3A_761 : vector<16xf32> to vector<16xf32>
      %swap3A_763 = arith.index_cast %add3A_759 : i32 to index
      %swap3A_764 = tpu.vector_load %arg9[%swap3A_763] {strides = array<i32>} : memref<16384xf32, #tpu.memory_space<vmem>>, vector<16xf32>,
      %swap3A_765 = vector.shape_cast %swap3A_764 : vector<16xf32> to vector<16xf32>
      %swap3A_766 = vector.shape_cast %get3A_762 : vector<16xf32> to vector<16xf32>
      tpu.vector_store %arg9[%swap3A_763], %swap3A_766 {add = true, strides = array<i32>} : memref<16384xf32, #tpu.memory_space<vmem>>, vector<16xf32>,
      %mul3A_767 = arith.constant 128 : i32
      %mul3A_768 = arith.muli %scan3A_735, %mul3A_767 : i32
      %add3A_769 = arith.constant 48 : i32
      %add3A_770 = arith.addi %mul3A_768, %add3A_769 : i32
      %get3A_771 = arith.index_cast %add3A_770 : i32 to index
      %get3A_772 = tpu.vector_load %arg6[%get3A_771] {strides = array<i32>} : memref<16384xf32, #tpu.memory_space<vmem>>, vector<16xf32>,
      %get3A_773 = vector.shape_cast %get3A_772 : vector<16xf32> to vector<16xf32>
      %swap3A_774 = arith.index_cast %add3A_770 : i32 to index
      %swap3A_775 = tpu.vector_load %arg9[%swap3A_774] {strides = array<i32>} : memref<16384xf32, #tpu.memory_space<vmem>>, vector<16xf32>,
      %swap3A_776 = vector.shape_cast %swap3A_775 : vector<16xf32> to vector<16xf32>
      %swap3A_777 = vector.shape_cast %get3A_773 : vector<16xf32> to vector<16xf32>
      tpu.vector_store %arg9[%swap3A_774], %swap3A_777 {add = true, strides = array<i32>} : memref<16384xf32, #tpu.memory_space<vmem>>, vector<16xf32>,
      %mul3A_778 = arith.constant 128 : i32
      %mul3A_779 = arith.muli %scan3A_735, %mul3A_778 : i32
      %add3A_780 = arith.constant 64 : i32
      %add3A_781 = arith.addi %mul3A_779, %add3A_780 : i32
      %get3A_782 = arith.index_cast %add3A_781 : i32 to index
      %get3A_783 = tpu.vector_load %arg6[%get3A_782] {strides = array<i32>} : memref<16384xf32, #tpu.memory_space<vmem>>, vector<16xf32>,
      %get3A_784 = vector.shape_cast %get3A_783 : vector<16xf32> to vector<16xf32>
      %swap3A_785 = arith.index_cast %add3A_781 : i32 to index
      %swap3A_786 = tpu.vector_load %arg9[%swap3A_785] {strides = array<i32>} : memref<16384xf32, #tpu.memory_space<vmem>>, vector<16xf32>,
      %swap3A_787 = vector.shape_cast %swap3A_786 : vector<16xf32> to vector<16xf32>
      %swap3A_788 = vector.shape_cast %get3A_784 : vector<16xf32> to vector<16xf32>
      tpu.vector_store %arg9[%swap3A_785], %swap3A_788 {add = true, strides = array<i32>} : memref<16384xf32, #tpu.memory_space<vmem>>, vector<16xf32>,
      %mul3A_789 = arith.constant 128 : i32
      %mul3A_790 = arith.muli %scan3A_735, %mul3A_789 : i32
      %add3A_791 = arith.constant 80 : i32
      %add3A_792 = arith.addi %mul3A_790, %add3A_791 : i32
      %get3A_793 = arith.index_cast %add3A_792 : i32 to index
      %get3A_794 = tpu.vector_load %arg6[%get3A_793] {strides = array<i32>} : memref<16384xf32, #tpu.memory_space<vmem>>, vector<16xf32>,
      %get3A_795 = vector.shape_cast %get3A_794 : vector<16xf32> to vector<16xf32>
      %swap3A_796 = arith.index_cast %add3A_792 : i32 to index
      %swap3A_797 = tpu.vector_load %arg9[%swap3A_796] {strides = array<i32>} : memref<16384xf32, #tpu.memory_space<vmem>>, vector<16xf32>,
      %swap3A_798 = vector.shape_cast %swap3A_797 : vector<16xf32> to vector<16xf32>
      %swap3A_799 = vector.shape_cast %get3A_795 : vector<16xf32> to vector<16xf32>
      tpu.vector_store %arg9[%swap3A_796], %swap3A_799 {add = true, strides = array<i32>} : memref<16384xf32, #tpu.memory_space<vmem>>, vector<16xf32>,
      %mul3A_800 = arith.constant 128 : i32
      %mul3A_801 = arith.muli %scan3A_735, %mul3A_800 : i32
      %add3A_802 = arith.constant 96 : i32
      %add3A_803 = arith.addi %mul3A_801, %add3A_802 : i32
      %get3A_804 = arith.index_cast %add3A_803 : i32 to index
      %get3A_805 = tpu.vector_load %arg6[%get3A_804] {strides = array<i32>} : memref<16384xf32, #tpu.memory_space<vmem>>, vector<16xf32>,
      %get3A_806 = vector.shape_cast %get3A_805 : vector<16xf32> to vector<16xf32>
      %swap3A_807 = arith.index_cast %add3A_803 : i32 to index
      %swap3A_808 = tpu.vector_load %arg9[%swap3A_807] {strides = array<i32>} : memref<16384xf32, #tpu.memory_space<vmem>>, vector<16xf32>,
      %swap3A_809 = vector.shape_cast %swap3A_808 : vector<16xf32> to vector<16xf32>
      %swap3A_810 = vector.shape_cast %get3A_806 : vector<16xf32> to vector<16xf32>
      tpu.vector_store %arg9[%swap3A_807], %swap3A_810 {add = true, strides = array<i32>} : memref<16384xf32, #tpu.memory_space<vmem>>, vector<16xf32>,
      %mul3A_811 = arith.constant 128 : i32
      %mul3A_812 = arith.muli %scan3A_735, %mul3A_811 : i32
      %add3A_813 = arith.constant 112 : i32
      %add3A_814 = arith.addi %mul3A_812, %add3A_813 : i32
      %get3A_815 = arith.index_cast %add3A_814 : i32 to index
      %get3A_816 = tpu.vector_load %arg6[%get3A_815] {strides = array<i32>} : memref<16384xf32, #tpu.memory_space<vmem>>, vector<16xf32>,
      %get3A_817 = vector.shape_cast %get3A_816 : vector<16xf32> to vector<16xf32>
      %swap3A_818 = arith.index_cast %add3A_814 : i32 to index
      %swap3A_819 = tpu.vector_load %arg9[%swap3A_818] {strides = array<i32>} : memref<16384xf32, #tpu.memory_space<vmem>>, vector<16xf32>,
      %swap3A_820 = vector.shape_cast %swap3A_819 : vector<16xf32> to vector<16xf32>
      %swap3A_821 = vector.shape_cast %get3A_817 : vector<16xf32> to vector<16xf32>
      tpu.vector_store %arg9[%swap3A_818], %swap3A_821 {add = true, strides = array<i32>} : memref<16384xf32, #tpu.memory_space<vmem>>, vector<16xf32>,
    }
    %scan3A_382 = arith.constant 128 : i32
    %dma_start3A_383 = arith.constant 1 : i32
    %dma_start3A_384 = tpu.memref_slice %arg4[%add3A_343] : memref<8388608xf32, #tpu.memory_space<hbm>> -> memref<16384xf32, #tpu.memory_space<hbm>>
    %dma_start3A_385 = tpu.memref_slice %arg13[%dma_start3A_383] : memref<3x!tpu.dma_semaphore, #tpu.memory_space<semaphore_mem>> -> memref<1x!tpu.dma_semaphore, #tpu.memory_space<semaphore_mem>>
    %dma_start3A_386 = tpu.memref_squeeze %dma_start3A_385 : memref<1x!tpu.dma_semaphore, #tpu.memory_space<semaphore_mem>> -> memref<!tpu.dma_semaphore, #tpu.memory_space<semaphore_mem>>
    %dma_start3A_387 = tpu.memref_slice %arg4[%add3A_343] : memref<8388608xf32, #tpu.memory_space<hbm>> -> memref<16384xf32, #tpu.memory_space<hbm>>
    tpu.enqueue_dma source(%arg9 : memref<16384xf32, #tpu.memory_space<vmem>>) target(%dma_start3A_387 : memref<16384xf32, #tpu.memory_space<hbm>>) target_semaphore(%dma_start3A_386 : memref<!tpu.dma_semaphore, #tpu.memory_space<semaphore_mem>>)
    %add3A_388 = arith.constant 131072 : i32
    %add3A_389 = arith.addi %mul3A_2, %add3A_388 : i32
    %add3A_390 = arith.constant 114688 : i32
    %add3A_391 = arith.addi %mul3A_2, %add3A_390 : i32
    %dma_wait3A_392 = arith.constant 1 : i32
    %dma_wait3A_393 = tpu.memref_slice %arg4[%add3A_391] : memref<8388608xf32, #tpu.memory_space<hbm>> -> memref<16384xf32, #tpu.memory_space<hbm>>
    %dma_wait3A_394 = tpu.memref_slice %arg13[%dma_wait3A_392] : memref<3x!tpu.dma_semaphore, #tpu.memory_space<semaphore_mem>> -> memref<1x!tpu.dma_semaphore, #tpu.memory_space<semaphore_mem>>
    %dma_wait3A_395 = tpu.memref_squeeze %dma_wait3A_394 : memref<1x!tpu.dma_semaphore, #tpu.memory_space<semaphore_mem>> -> memref<!tpu.dma_semaphore, #tpu.memory_space<semaphore_mem>>
    %dma_wait3A_396 = tpu.memref_slice %arg4[%add3A_391] : memref<8388608xf32, #tpu.memory_space<hbm>> -> memref<16384xf32, #tpu.memory_space<hbm>>
    tpu.wait_dma2 semaphore(%dma_wait3A_395 : memref<!tpu.dma_semaphore, #tpu.memory_space<semaphore_mem>>) src(%arg9 : memref<16384xf32, #tpu.memory_space<vmem>>) dst(%dma_wait3A_396 : memref<16384xf32, #tpu.memory_space<hbm>>)
    %add3A_397 = arith.constant 163840 : i32
    %add3A_398 = arith.addi %mul3A_2, %add3A_397 : i32
    %rem3A_399 = arith.constant 2097152 : i32
    %rem3A_400 = arith.remsi %add3A_398, %rem3A_399 : i32
    %dma_start3A_401 = arith.constant 1 : i32
    %dma_start3A_402 = tpu.memref_slice %arg2[%add3A_398] : memref<8388608xf32, #tpu.memory_space<hbm>> -> memref<16384xf32, #tpu.memory_space<hbm>>
    %dma_start3A_403 = tpu.memref_slice %arg11[%dma_start3A_401] : memref<3x!tpu.dma_semaphore, #tpu.memory_space<semaphore_mem>> -> memref<1x!tpu.dma_semaphore, #tpu.memory_space<semaphore_mem>>
    %dma_start3A_404 = tpu.memref_squeeze %dma_start3A_403 : memref<1x!tpu.dma_semaphore, #tpu.memory_space<semaphore_mem>> -> memref<!tpu.dma_semaphore, #tpu.memory_space<semaphore_mem>>
    %dma_start3A_405 = tpu.memref_slice %arg2[%add3A_398] : memref<8388608xf32, #tpu.memory_space<hbm>> -> memref<16384xf32, #tpu.memory_space<hbm>>
    tpu.enqueue_dma source(%dma_start3A_405 : memref<16384xf32, #tpu.memory_space<hbm>>) target(%arg6 : memref<16384xf32, #tpu.memory_space<vmem>>) target_semaphore(%dma_start3A_404 : memref<!tpu.dma_semaphore, #tpu.memory_space<semaphore_mem>>)
    %dma_start3A_406 = arith.constant 1 : i32
    %dma_start3A_407 = tpu.memref_slice %arg3[%rem3A_400] : memref<2097152xf32, #tpu.memory_space<hbm>> -> memref<16384xf32, #tpu.memory_space<hbm>>
    %dma_start3A_408 = tpu.memref_slice %arg12[%dma_start3A_406] : memref<3x!tpu.dma_semaphore, #tpu.memory_space<semaphore_mem>> -> memref<1x!tpu.dma_semaphore, #tpu.memory_space<semaphore_mem>>
    %dma_start3A_409 = tpu.memref_squeeze %dma_start3A_408 : memref<1x!tpu.dma_semaphore, #tpu.memory_space<semaphore_mem>> -> memref<!tpu.dma_semaphore, #tpu.memory_space<semaphore_mem>>
    %dma_start3A_410 = tpu.memref_slice %arg3[%rem3A_400] : memref<2097152xf32, #tpu.memory_space<hbm>> -> memref<16384xf32, #tpu.memory_space<hbm>>
    tpu.enqueue_dma source(%dma_start3A_410 : memref<16384xf32, #tpu.memory_space<hbm>>) target(%arg9 : memref<16384xf32, #tpu.memory_space<vmem>>) target_semaphore(%dma_start3A_409 : memref<!tpu.dma_semaphore, #tpu.memory_space<semaphore_mem>>)
    %dma_wait3A_411 = arith.constant 2 : i32
    %dma_wait3A_412 = tpu.memref_slice %arg2[%add3A_389] : memref<8388608xf32, #tpu.memory_space<hbm>> -> memref<16384xf32, #tpu.memory_space<hbm>>
    %dma_wait3A_413 = tpu.memref_slice %arg11[%dma_wait3A_411] : memref<3x!tpu.dma_semaphore, #tpu.memory_space<semaphore_mem>> -> memref<1x!tpu.dma_semaphore, #tpu.memory_space<semaphore_mem>>
    %dma_wait3A_414 = tpu.memref_squeeze %dma_wait3A_413 : memref<1x!tpu.dma_semaphore, #tpu.memory_space<semaphore_mem>> -> memref<!tpu.dma_semaphore, #tpu.memory_space<semaphore_mem>>
    %dma_wait3A_415 = tpu.memref_slice %arg2[%add3A_389] : memref<8388608xf32, #tpu.memory_space<hbm>> -> memref<16384xf32, #tpu.memory_space<hbm>>
    tpu.wait_dma2 semaphore(%dma_wait3A_414 : memref<!tpu.dma_semaphore, #tpu.memory_space<semaphore_mem>>) src(%dma_wait3A_415 : memref<16384xf32, #tpu.memory_space<hbm>>) dst(%arg7 : memref<16384xf32, #tpu.memory_space<vmem>>)
    %rem3A_416 = arith.constant 2097152 : i32
    %rem3A_417 = arith.remsi %add3A_389, %rem3A_416 : i32
    %dma_wait3A_418 = arith.constant 2 : i32
    %dma_wait3A_419 = tpu.memref_slice %arg3[%rem3A_417] : memref<2097152xf32, #tpu.memory_space<hbm>> -> memref<16384xf32, #tpu.memory_space<hbm>>
    %dma_wait3A_420 = tpu.memref_slice %arg12[%dma_wait3A_418] : memref<3x!tpu.dma_semaphore, #tpu.memory_space<semaphore_mem>> -> memref<1x!tpu.dma_semaphore, #tpu.memory_space<semaphore_mem>>
    %dma_wait3A_421 = tpu.memref_squeeze %dma_wait3A_420 : memref<1x!tpu.dma_semaphore, #tpu.memory_space<semaphore_mem>> -> memref<!tpu.dma_semaphore, #tpu.memory_space<semaphore_mem>>
    %dma_wait3A_422 = tpu.memref_slice %arg3[%rem3A_417] : memref<2097152xf32, #tpu.memory_space<hbm>> -> memref<16384xf32, #tpu.memory_space<hbm>>
    tpu.wait_dma2 semaphore(%dma_wait3A_421 : memref<!tpu.dma_semaphore, #tpu.memory_space<semaphore_mem>>) src(%dma_wait3A_422 : memref<16384xf32, #tpu.memory_space<hbm>>) dst(%arg10 : memref<16384xf32, #tpu.memory_space<vmem>>)
    %scan3A_423 = arith.constant 0 : i32
    %scan3A_424 = arith.constant 0 : i32
    %scan3A_425 = arith.constant 128 : i32
    %scan3A_426 = arith.addi %scan3A_424, %scan3A_425 : i32
    %scan3A_427 = arith.constant 1 : i32
    scf.for %scan3A_735 = %scan3A_424 to %scan3A_426 step %scan3A_427  : i32 {
      %mul3A_736 = arith.constant 128 : i32
      %mul3A_737 = arith.muli %scan3A_735, %mul3A_736 : i32
      %add3A_738 = arith.constant 0 : i32
      %add3A_739 = arith.addi %mul3A_737, %add3A_738 : i32
      %get3A = arith.index_cast %add3A_739 : i32 to index
      %get3A_740 = tpu.vector_load %arg7[%get3A] {strides = array<i32>} : memref<16384xf32, #tpu.memory_space<vmem>>, vector<16xf32>,
      %get3A_741 = vector.shape_cast %get3A_740 : vector<16xf32> to vector<16xf32>
      %swap3A = arith.index_cast %add3A_739 : i32 to index
      %swap3A_742 = tpu.vector_load %arg10[%swap3A] {strides = array<i32>} : memref<16384xf32, #tpu.memory_space<vmem>>, vector<16xf32>,
      %swap3A_743 = vector.shape_cast %swap3A_742 : vector<16xf32> to vector<16xf32>
      %swap3A_744 = vector.shape_cast %get3A_741 : vector<16xf32> to vector<16xf32>
      tpu.vector_store %arg10[%swap3A], %swap3A_744 {add = true, strides = array<i32>} : memref<16384xf32, #tpu.memory_space<vmem>>, vector<16xf32>,
      %mul3A_745 = arith.constant 128 : i32
      %mul3A_746 = arith.muli %scan3A_735, %mul3A_745 : i32
      %add3A_747 = arith.constant 16 : i32
      %add3A_748 = arith.addi %mul3A_746, %add3A_747 : i32
      %get3A_749 = arith.index_cast %add3A_748 : i32 to index
      %get3A_750 = tpu.vector_load %arg7[%get3A_749] {strides = array<i32>} : memref<16384xf32, #tpu.memory_space<vmem>>, vector<16xf32>,
      %get3A_751 = vector.shape_cast %get3A_750 : vector<16xf32> to vector<16xf32>
      %swap3A_752 = arith.index_cast %add3A_748 : i32 to index
      %swap3A_753 = tpu.vector_load %arg10[%swap3A_752] {strides = array<i32>} : memref<16384xf32, #tpu.memory_space<vmem>>, vector<16xf32>,
      %swap3A_754 = vector.shape_cast %swap3A_753 : vector<16xf32> to vector<16xf32>
      %swap3A_755 = vector.shape_cast %get3A_751 : vector<16xf32> to vector<16xf32>
      tpu.vector_store %arg10[%swap3A_752], %swap3A_755 {add = true, strides = array<i32>} : memref<16384xf32, #tpu.memory_space<vmem>>, vector<16xf32>,
      %mul3A_756 = arith.constant 128 : i32
      %mul3A_757 = arith.muli %scan3A_735, %mul3A_756 : i32
      %add3A_758 = arith.constant 32 : i32
      %add3A_759 = arith.addi %mul3A_757, %add3A_758 : i32
      %get3A_760 = arith.index_cast %add3A_759 : i32 to index
      %get3A_761 = tpu.vector_load %arg7[%get3A_760] {strides = array<i32>} : memref<16384xf32, #tpu.memory_space<vmem>>, vector<16xf32>,
      %get3A_762 = vector.shape_cast %get3A_761 : vector<16xf32> to vector<16xf32>
      %swap3A_763 = arith.index_cast %add3A_759 : i32 to index
      %swap3A_764 = tpu.vector_load %arg10[%swap3A_763] {strides = array<i32>} : memref<16384xf32, #tpu.memory_space<vmem>>, vector<16xf32>,
      %swap3A_765 = vector.shape_cast %swap3A_764 : vector<16xf32> to vector<16xf32>
      %swap3A_766 = vector.shape_cast %get3A_762 : vector<16xf32> to vector<16xf32>
      tpu.vector_store %arg10[%swap3A_763], %swap3A_766 {add = true, strides = array<i32>} : memref<16384xf32, #tpu.memory_space<vmem>>, vector<16xf32>,
      %mul3A_767 = arith.constant 128 : i32
      %mul3A_768 = arith.muli %scan3A_735, %mul3A_767 : i32
      %add3A_769 = arith.constant 48 : i32
      %add3A_770 = arith.addi %mul3A_768, %add3A_769 : i32
      %get3A_771 = arith.index_cast %add3A_770 : i32 to index
      %get3A_772 = tpu.vector_load %arg7[%get3A_771] {strides = array<i32>} : memref<16384xf32, #tpu.memory_space<vmem>>, vector<16xf32>,
      %get3A_773 = vector.shape_cast %get3A_772 : vector<16xf32> to vector<16xf32>
      %swap3A_774 = arith.index_cast %add3A_770 : i32 to index
      %swap3A_775 = tpu.vector_load %arg10[%swap3A_774] {strides = array<i32>} : memref<16384xf32, #tpu.memory_space<vmem>>, vector<16xf32>,
      %swap3A_776 = vector.shape_cast %swap3A_775 : vector<16xf32> to vector<16xf32>
      %swap3A_777 = vector.shape_cast %get3A_773 : vector<16xf32> to vector<16xf32>
      tpu.vector_store %arg10[%swap3A_774], %swap3A_777 {add = true, strides = array<i32>} : memref<16384xf32, #tpu.memory_space<vmem>>, vector<16xf32>,
      %mul3A_778 = arith.constant 128 : i32
      %mul3A_779 = arith.muli %scan3A_735, %mul3A_778 : i32
      %add3A_780 = arith.constant 64 : i32
      %add3A_781 = arith.addi %mul3A_779, %add3A_780 : i32
      %get3A_782 = arith.index_cast %add3A_781 : i32 to index
      %get3A_783 = tpu.vector_load %arg7[%get3A_782] {strides = array<i32>} : memref<16384xf32, #tpu.memory_space<vmem>>, vector<16xf32>,
      %get3A_784 = vector.shape_cast %get3A_783 : vector<16xf32> to vector<16xf32>
      %swap3A_785 = arith.index_cast %add3A_781 : i32 to index
      %swap3A_786 = tpu.vector_load %arg10[%swap3A_785] {strides = array<i32>} : memref<16384xf32, #tpu.memory_space<vmem>>, vector<16xf32>,
      %swap3A_787 = vector.shape_cast %swap3A_786 : vector<16xf32> to vector<16xf32>
      %swap3A_788 = vector.shape_cast %get3A_784 : vector<16xf32> to vector<16xf32>
      tpu.vector_store %arg10[%swap3A_785], %swap3A_788 {add = true, strides = array<i32>} : memref<16384xf32, #tpu.memory_space<vmem>>, vector<16xf32>,
      %mul3A_789 = arith.constant 128 : i32
      %mul3A_790 = arith.muli %scan3A_735, %mul3A_789 : i32
      %add3A_791 = arith.constant 80 : i32
      %add3A_792 = arith.addi %mul3A_790, %add3A_791 : i32
      %get3A_793 = arith.index_cast %add3A_792 : i32 to index
      %get3A_794 = tpu.vector_load %arg7[%get3A_793] {strides = array<i32>} : memref<16384xf32, #tpu.memory_space<vmem>>, vector<16xf32>,
      %get3A_795 = vector.shape_cast %get3A_794 : vector<16xf32> to vector<16xf32>
      %swap3A_796 = arith.index_cast %add3A_792 : i32 to index
      %swap3A_797 = tpu.vector_load %arg10[%swap3A_796] {strides = array<i32>} : memref<16384xf32, #tpu.memory_space<vmem>>, vector<16xf32>,
      %swap3A_798 = vector.shape_cast %swap3A_797 : vector<16xf32> to vector<16xf32>
      %swap3A_799 = vector.shape_cast %get3A_795 : vector<16xf32> to vector<16xf32>
      tpu.vector_store %arg10[%swap3A_796], %swap3A_799 {add = true, strides = array<i32>} : memref<16384xf32, #tpu.memory_space<vmem>>, vector<16xf32>,
      %mul3A_800 = arith.constant 128 : i32
      %mul3A_801 = arith.muli %scan3A_735, %mul3A_800 : i32
      %add3A_802 = arith.constant 96 : i32
      %add3A_803 = arith.addi %mul3A_801, %add3A_802 : i32
      %get3A_804 = arith.index_cast %add3A_803 : i32 to index
      %get3A_805 = tpu.vector_load %arg7[%get3A_804] {strides = array<i32>} : memref<16384xf32, #tpu.memory_space<vmem>>, vector<16xf32>,
      %get3A_806 = vector.shape_cast %get3A_805 : vector<16xf32> to vector<16xf32>
      %swap3A_807 = arith.index_cast %add3A_803 : i32 to index
      %swap3A_808 = tpu.vector_load %arg10[%swap3A_807] {strides = array<i32>} : memref<16384xf32, #tpu.memory_space<vmem>>, vector<16xf32>,
      %swap3A_809 = vector.shape_cast %swap3A_808 : vector<16xf32> to vector<16xf32>
      %swap3A_810 = vector.shape_cast %get3A_806 : vector<16xf32> to vector<16xf32>
      tpu.vector_store %arg10[%swap3A_807], %swap3A_810 {add = true, strides = array<i32>} : memref<16384xf32, #tpu.memory_space<vmem>>, vector<16xf32>,
      %mul3A_811 = arith.constant 128 : i32
      %mul3A_812 = arith.muli %scan3A_735, %mul3A_811 : i32
      %add3A_813 = arith.constant 112 : i32
      %add3A_814 = arith.addi %mul3A_812, %add3A_813 : i32
      %get3A_815 = arith.index_cast %add3A_814 : i32 to index
      %get3A_816 = tpu.vector_load %arg7[%get3A_815] {strides = array<i32>} : memref<16384xf32, #tpu.memory_space<vmem>>, vector<16xf32>,
      %get3A_817 = vector.shape_cast %get3A_816 : vector<16xf32> to vector<16xf32>
      %swap3A_818 = arith.index_cast %add3A_814 : i32 to index
      %swap3A_819 = tpu.vector_load %arg10[%swap3A_818] {strides = array<i32>} : memref<16384xf32, #tpu.memory_space<vmem>>, vector<16xf32>,
      %swap3A_820 = vector.shape_cast %swap3A_819 : vector<16xf32> to vector<16xf32>
      %swap3A_821 = vector.shape_cast %get3A_817 : vector<16xf32> to vector<16xf32>
      tpu.vector_store %arg10[%swap3A_818], %swap3A_821 {add = true, strides = array<i32>} : memref<16384xf32, #tpu.memory_space<vmem>>, vector<16xf32>,
    }
    %scan3A_428 = arith.constant 128 : i32
    %dma_start3A_429 = arith.constant 2 : i32
    %dma_start3A_430 = tpu.memref_slice %arg4[%add3A_389] : memref<8388608xf32, #tpu.memory_space<hbm>> -> memref<16384xf32, #tpu.memory_space<hbm>>
    %dma_start3A_431 = tpu.memref_slice %arg13[%dma_start3A_429] : memref<3x!tpu.dma_semaphore, #tpu.memory_space<semaphore_mem>> -> memref<1x!tpu.dma_semaphore, #tpu.memory_space<semaphore_mem>>
    %dma_start3A_432 = tpu.memref_squeeze %dma_start3A_431 : memref<1x!tpu.dma_semaphore, #tpu.memory_space<semaphore_mem>> -> memref<!tpu.dma_semaphore, #tpu.memory_space<semaphore_mem>>
    %dma_start3A_433 = tpu.memref_slice %arg4[%add3A_389] : memref<8388608xf32, #tpu.memory_space<hbm>> -> memref<16384xf32, #tpu.memory_space<hbm>>
    tpu.enqueue_dma source(%arg10 : memref<16384xf32, #tpu.memory_space<vmem>>) target(%dma_start3A_433 : memref<16384xf32, #tpu.memory_space<hbm>>) target_semaphore(%dma_start3A_432 : memref<!tpu.dma_semaphore, #tpu.memory_space<semaphore_mem>>)
    %add3A_434 = arith.constant 147456 : i32
    %add3A_435 = arith.addi %mul3A_2, %add3A_434 : i32
    %add3A_436 = arith.constant 131072 : i32
    %add3A_437 = arith.addi %mul3A_2, %add3A_436 : i32
    %dma_wait3A_438 = arith.constant 2 : i32
    %dma_wait3A_439 = tpu.memref_slice %arg4[%add3A_437] : memref<8388608xf32, #tpu.memory_space<hbm>> -> memref<16384xf32, #tpu.memory_space<hbm>>
    %dma_wait3A_440 = tpu.memref_slice %arg13[%dma_wait3A_438] : memref<3x!tpu.dma_semaphore, #tpu.memory_space<semaphore_mem>> -> memref<1x!tpu.dma_semaphore, #tpu.memory_space<semaphore_mem>>
    %dma_wait3A_441 = tpu.memref_squeeze %dma_wait3A_440 : memref<1x!tpu.dma_semaphore, #tpu.memory_space<semaphore_mem>> -> memref<!tpu.dma_semaphore, #tpu.memory_space<semaphore_mem>>
    %dma_wait3A_442 = tpu.memref_slice %arg4[%add3A_437] : memref<8388608xf32, #tpu.memory_space<hbm>> -> memref<16384xf32, #tpu.memory_space<hbm>>
    tpu.wait_dma2 semaphore(%dma_wait3A_441 : memref<!tpu.dma_semaphore, #tpu.memory_space<semaphore_mem>>) src(%arg10 : memref<16384xf32, #tpu.memory_space<vmem>>) dst(%dma_wait3A_442 : memref<16384xf32, #tpu.memory_space<hbm>>)
    %add3A_443 = arith.constant 180224 : i32
    %add3A_444 = arith.addi %mul3A_2, %add3A_443 : i32
    %rem3A_445 = arith.constant 2097152 : i32
    %rem3A_446 = arith.remsi %add3A_444, %rem3A_445 : i32
    %dma_start3A_447 = arith.constant 2 : i32
    %dma_start3A_448 = tpu.memref_slice %arg2[%add3A_444] : memref<8388608xf32, #tpu.memory_space<hbm>> -> memref<16384xf32, #tpu.memory_space<hbm>>
    %dma_start3A_449 = tpu.memref_slice %arg11[%dma_start3A_447] : memref<3x!tpu.dma_semaphore, #tpu.memory_space<semaphore_mem>> -> memref<1x!tpu.dma_semaphore, #tpu.memory_space<semaphore_mem>>
    %dma_start3A_450 = tpu.memref_squeeze %dma_start3A_449 : memref<1x!tpu.dma_semaphore, #tpu.memory_space<semaphore_mem>> -> memref<!tpu.dma_semaphore, #tpu.memory_space<semaphore_mem>>
    %dma_start3A_451 = tpu.memref_slice %arg2[%add3A_444] : memref<8388608xf32, #tpu.memory_space<hbm>> -> memref<16384xf32, #tpu.memory_space<hbm>>
    tpu.enqueue_dma source(%dma_start3A_451 : memref<16384xf32, #tpu.memory_space<hbm>>) target(%arg7 : memref<16384xf32, #tpu.memory_space<vmem>>) target_semaphore(%dma_start3A_450 : memref<!tpu.dma_semaphore, #tpu.memory_space<semaphore_mem>>)
    %dma_start3A_452 = arith.constant 2 : i32
    %dma_start3A_453 = tpu.memref_slice %arg3[%rem3A_446] : memref<2097152xf32, #tpu.memory_space<hbm>> -> memref<16384xf32, #tpu.memory_space<hbm>>
    %dma_start3A_454 = tpu.memref_slice %arg12[%dma_start3A_452] : memref<3x!tpu.dma_semaphore, #tpu.memory_space<semaphore_mem>> -> memref<1x!tpu.dma_semaphore, #tpu.memory_space<semaphore_mem>>
    %dma_start3A_455 = tpu.memref_squeeze %dma_start3A_454 : memref<1x!tpu.dma_semaphore, #tpu.memory_space<semaphore_mem>> -> memref<!tpu.dma_semaphore, #tpu.memory_space<semaphore_mem>>
    %dma_start3A_456 = tpu.memref_slice %arg3[%rem3A_446] : memref<2097152xf32, #tpu.memory_space<hbm>> -> memref<16384xf32, #tpu.memory_space<hbm>>
    tpu.enqueue_dma source(%dma_start3A_456 : memref<16384xf32, #tpu.memory_space<hbm>>) target(%arg10 : memref<16384xf32, #tpu.memory_space<vmem>>) target_semaphore(%dma_start3A_455 : memref<!tpu.dma_semaphore, #tpu.memory_space<semaphore_mem>>)
    %dma_wait3A_457 = arith.constant 0 : i32
    %dma_wait3A_458 = tpu.memref_slice %arg2[%add3A_435] : memref<8388608xf32, #tpu.memory_space<hbm>> -> memref<16384xf32, #tpu.memory_space<hbm>>
    %dma_wait3A_459 = tpu.memref_slice %arg11[%dma_wait3A_457] : memref<3x!tpu.dma_semaphore, #tpu.memory_space<semaphore_mem>> -> memref<1x!tpu.dma_semaphore, #tpu.memory_space<semaphore_mem>>
    %dma_wait3A_460 = tpu.memref_squeeze %dma_wait3A_459 : memref<1x!tpu.dma_semaphore, #tpu.memory_space<semaphore_mem>> -> memref<!tpu.dma_semaphore, #tpu.memory_space<semaphore_mem>>
    %dma_wait3A_461 = tpu.memref_slice %arg2[%add3A_435] : memref<8388608xf32, #tpu.memory_space<hbm>> -> memref<16384xf32, #tpu.memory_space<hbm>>
    tpu.wait_dma2 semaphore(%dma_wait3A_460 : memref<!tpu.dma_semaphore, #tpu.memory_space<semaphore_mem>>) src(%dma_wait3A_461 : memref<16384xf32, #tpu.memory_space<hbm>>) dst(%arg5 : memref<16384xf32, #tpu.memory_space<vmem>>)
    %rem3A_462 = arith.constant 2097152 : i32
    %rem3A_463 = arith.remsi %add3A_435, %rem3A_462 : i32
    %dma_wait3A_464 = arith.constant 0 : i32
    %dma_wait3A_465 = tpu.memref_slice %arg3[%rem3A_463] : memref<2097152xf32, #tpu.memory_space<hbm>> -> memref<16384xf32, #tpu.memory_space<hbm>>
    %dma_wait3A_466 = tpu.memref_slice %arg12[%dma_wait3A_464] : memref<3x!tpu.dma_semaphore, #tpu.memory_space<semaphore_mem>> -> memref<1x!tpu.dma_semaphore, #tpu.memory_space<semaphore_mem>>
    %dma_wait3A_467 = tpu.memref_squeeze %dma_wait3A_466 : memref<1x!tpu.dma_semaphore, #tpu.memory_space<semaphore_mem>> -> memref<!tpu.dma_semaphore, #tpu.memory_space<semaphore_mem>>
    %dma_wait3A_468 = tpu.memref_slice %arg3[%rem3A_463] : memref<2097152xf32, #tpu.memory_space<hbm>> -> memref<16384xf32, #tpu.memory_space<hbm>>
    tpu.wait_dma2 semaphore(%dma_wait3A_467 : memref<!tpu.dma_semaphore, #tpu.memory_space<semaphore_mem>>) src(%dma_wait3A_468 : memref<16384xf32, #tpu.memory_space<hbm>>) dst(%arg8 : memref<16384xf32, #tpu.memory_space<vmem>>)
    %scan3A_469 = arith.constant 0 : i32
    %scan3A_470 = arith.constant 0 : i32
    %scan3A_471 = arith.constant 128 : i32
    %scan3A_472 = arith.addi %scan3A_470, %scan3A_471 : i32
    %scan3A_473 = arith.constant 1 : i32
    scf.for %scan3A_735 = %scan3A_470 to %scan3A_472 step %scan3A_473  : i32 {
      %mul3A_736 = arith.constant 128 : i32
      %mul3A_737 = arith.muli %scan3A_735, %mul3A_736 : i32
      %add3A_738 = arith.constant 0 : i32
      %add3A_739 = arith.addi %mul3A_737, %add3A_738 : i32
      %get3A = arith.index_cast %add3A_739 : i32 to index
      %get3A_740 = tpu.vector_load %arg5[%get3A] {strides = array<i32>} : memref<16384xf32, #tpu.memory_space<vmem>>, vector<16xf32>,
      %get3A_741 = vector.shape_cast %get3A_740 : vector<16xf32> to vector<16xf32>
      %swap3A = arith.index_cast %add3A_739 : i32 to index
      %swap3A_742 = tpu.vector_load %arg8[%swap3A] {strides = array<i32>} : memref<16384xf32, #tpu.memory_space<vmem>>, vector<16xf32>,
      %swap3A_743 = vector.shape_cast %swap3A_742 : vector<16xf32> to vector<16xf32>
      %swap3A_744 = vector.shape_cast %get3A_741 : vector<16xf32> to vector<16xf32>
      tpu.vector_store %arg8[%swap3A], %swap3A_744 {add = true, strides = array<i32>} : memref<16384xf32, #tpu.memory_space<vmem>>, vector<16xf32>,
      %mul3A_745 = arith.constant 128 : i32
      %mul3A_746 = arith.muli %scan3A_735, %mul3A_745 : i32
      %add3A_747 = arith.constant 16 : i32
      %add3A_748 = arith.addi %mul3A_746, %add3A_747 : i32
      %get3A_749 = arith.index_cast %add3A_748 : i32 to index
      %get3A_750 = tpu.vector_load %arg5[%get3A_749] {strides = array<i32>} : memref<16384xf32, #tpu.memory_space<vmem>>, vector<16xf32>,
      %get3A_751 = vector.shape_cast %get3A_750 : vector<16xf32> to vector<16xf32>
      %swap3A_752 = arith.index_cast %add3A_748 : i32 to index
      %swap3A_753 = tpu.vector_load %arg8[%swap3A_752] {strides = array<i32>} : memref<16384xf32, #tpu.memory_space<vmem>>, vector<16xf32>,
      %swap3A_754 = vector.shape_cast %swap3A_753 : vector<16xf32> to vector<16xf32>
      %swap3A_755 = vector.shape_cast %get3A_751 : vector<16xf32> to vector<16xf32>
      tpu.vector_store %arg8[%swap3A_752], %swap3A_755 {add = true, strides = array<i32>} : memref<16384xf32, #tpu.memory_space<vmem>>, vector<16xf32>,
      %mul3A_756 = arith.constant 128 : i32
      %mul3A_757 = arith.muli %scan3A_735, %mul3A_756 : i32
      %add3A_758 = arith.constant 32 : i32
      %add3A_759 = arith.addi %mul3A_757, %add3A_758 : i32
      %get3A_760 = arith.index_cast %add3A_759 : i32 to index
      %get3A_761 = tpu.vector_load %arg5[%get3A_760] {strides = array<i32>} : memref<16384xf32, #tpu.memory_space<vmem>>, vector<16xf32>,
      %get3A_762 = vector.shape_cast %get3A_761 : vector<16xf32> to vector<16xf32>
      %swap3A_763 = arith.index_cast %add3A_759 : i32 to index
      %swap3A_764 = tpu.vector_load %arg8[%swap3A_763] {strides = array<i32>} : memref<16384xf32, #tpu.memory_space<vmem>>, vector<16xf32>,
      %swap3A_765 = vector.shape_cast %swap3A_764 : vector<16xf32> to vector<16xf32>
      %swap3A_766 = vector.shape_cast %get3A_762 : vector<16xf32> to vector<16xf32>
      tpu.vector_store %arg8[%swap3A_763], %swap3A_766 {add = true, strides = array<i32>} : memref<16384xf32, #tpu.memory_space<vmem>>, vector<16xf32>,
      %mul3A_767 = arith.constant 128 : i32
      %mul3A_768 = arith.muli %scan3A_735, %mul3A_767 : i32
      %add3A_769 = arith.constant 48 : i32
      %add3A_770 = arith.addi %mul3A_768, %add3A_769 : i32
      %get3A_771 = arith.index_cast %add3A_770 : i32 to index
      %get3A_772 = tpu.vector_load %arg5[%get3A_771] {strides = array<i32>} : memref<16384xf32, #tpu.memory_space<vmem>>, vector<16xf32>,
      %get3A_773 = vector.shape_cast %get3A_772 : vector<16xf32> to vector<16xf32>
      %swap3A_774 = arith.index_cast %add3A_770 : i32 to index
      %swap3A_775 = tpu.vector_load %arg8[%swap3A_774] {strides = array<i32>} : memref<16384xf32, #tpu.memory_space<vmem>>, vector<16xf32>,
      %swap3A_776 = vector.shape_cast %swap3A_775 : vector<16xf32> to vector<16xf32>
      %swap3A_777 = vector.shape_cast %get3A_773 : vector<16xf32> to vector<16xf32>
      tpu.vector_store %arg8[%swap3A_774], %swap3A_777 {add = true, strides = array<i32>} : memref<16384xf32, #tpu.memory_space<vmem>>, vector<16xf32>,
      %mul3A_778 = arith.constant 128 : i32
      %mul3A_779 = arith.muli %scan3A_735, %mul3A_778 : i32
      %add3A_780 = arith.constant 64 : i32
      %add3A_781 = arith.addi %mul3A_779, %add3A_780 : i32
      %get3A_782 = arith.index_cast %add3A_781 : i32 to index
      %get3A_783 = tpu.vector_load %arg5[%get3A_782] {strides = array<i32>} : memref<16384xf32, #tpu.memory_space<vmem>>, vector<16xf32>,
      %get3A_784 = vector.shape_cast %get3A_783 : vector<16xf32> to vector<16xf32>
      %swap3A_785 = arith.index_cast %add3A_781 : i32 to index
      %swap3A_786 = tpu.vector_load %arg8[%swap3A_785] {strides = array<i32>} : memref<16384xf32, #tpu.memory_space<vmem>>, vector<16xf32>,
      %swap3A_787 = vector.shape_cast %swap3A_786 : vector<16xf32> to vector<16xf32>
      %swap3A_788 = vector.shape_cast %get3A_784 : vector<16xf32> to vector<16xf32>
      tpu.vector_store %arg8[%swap3A_785], %swap3A_788 {add = true, strides = array<i32>} : memref<16384xf32, #tpu.memory_space<vmem>>, vector<16xf32>,
      %mul3A_789 = arith.constant 128 : i32
      %mul3A_790 = arith.muli %scan3A_735, %mul3A_789 : i32
      %add3A_791 = arith.constant 80 : i32
      %add3A_792 = arith.addi %mul3A_790, %add3A_791 : i32
      %get3A_793 = arith.index_cast %add3A_792 : i32 to index
      %get3A_794 = tpu.vector_load %arg5[%get3A_793] {strides = array<i32>} : memref<16384xf32, #tpu.memory_space<vmem>>, vector<16xf32>,
      %get3A_795 = vector.shape_cast %get3A_794 : vector<16xf32> to vector<16xf32>
      %swap3A_796 = arith.index_cast %add3A_792 : i32 to index
      %swap3A_797 = tpu.vector_load %arg8[%swap3A_796] {strides = array<i32>} : memref<16384xf32, #tpu.memory_space<vmem>>, vector<16xf32>,
      %swap3A_798 = vector.shape_cast %swap3A_797 : vector<16xf32> to vector<16xf32>
      %swap3A_799 = vector.shape_cast %get3A_795 : vector<16xf32> to vector<16xf32>
      tpu.vector_store %arg8[%swap3A_796], %swap3A_799 {add = true, strides = array<i32>} : memref<16384xf32, #tpu.memory_space<vmem>>, vector<16xf32>,
      %mul3A_800 = arith.constant 128 : i32
      %mul3A_801 = arith.muli %scan3A_735, %mul3A_800 : i32
      %add3A_802 = arith.constant 96 : i32
      %add3A_803 = arith.addi %mul3A_801, %add3A_802 : i32
      %get3A_804 = arith.index_cast %add3A_803 : i32 to index
      %get3A_805 = tpu.vector_load %arg5[%get3A_804] {strides = array<i32>} : memref<16384xf32, #tpu.memory_space<vmem>>, vector<16xf32>,
      %get3A_806 = vector.shape_cast %get3A_805 : vector<16xf32> to vector<16xf32>
      %swap3A_807 = arith.index_cast %add3A_803 : i32 to index
      %swap3A_808 = tpu.vector_load %arg8[%swap3A_807] {strides = array<i32>} : memref<16384xf32, #tpu.memory_space<vmem>>, vector<16xf32>,
      %swap3A_809 = vector.shape_cast %swap3A_808 : vector<16xf32> to vector<16xf32>
      %swap3A_810 = vector.shape_cast %get3A_806 : vector<16xf32> to vector<16xf32>
      tpu.vector_store %arg8[%swap3A_807], %swap3A_810 {add = true, strides = array<i32>} : memref<16384xf32, #tpu.memory_space<vmem>>, vector<16xf32>,
      %mul3A_811 = arith.constant 128 : i32
      %mul3A_812 = arith.muli %scan3A_735, %mul3A_811 : i32
      %add3A_813 = arith.constant 112 : i32
      %add3A_814 = arith.addi %mul3A_812, %add3A_813 : i32
      %get3A_815 = arith.index_cast %add3A_814 : i32 to index
      %get3A_816 = tpu.vector_load %arg5[%get3A_815] {strides = array<i32>} : memref<16384xf32, #tpu.memory_space<vmem>>, vector<16xf32>,
      %get3A_817 = vector.shape_cast %get3A_816 : vector<16xf32> to vector<16xf32>
      %swap3A_818 = arith.index_cast %add3A_814 : i32 to index
      %swap3A_819 = tpu.vector_load %arg8[%swap3A_818] {strides = array<i32>} : memref<16384xf32, #tpu.memory_space<vmem>>, vector<16xf32>,
      %swap3A_820 = vector.shape_cast %swap3A_819 : vector<16xf32> to vector<16xf32>
      %swap3A_821 = vector.shape_cast %get3A_817 : vector<16xf32> to vector<16xf32>
      tpu.vector_store %arg8[%swap3A_818], %swap3A_821 {add = true, strides = array<i32>} : memref<16384xf32, #tpu.memory_space<vmem>>, vector<16xf32>,
    }
    %scan3A_474 = arith.constant 128 : i32
    %dma_start3A_475 = arith.constant 0 : i32
    %dma_start3A_476 = tpu.memref_slice %arg4[%add3A_435] : memref<8388608xf32, #tpu.memory_space<hbm>> -> memref<16384xf32, #tpu.memory_space<hbm>>
    %dma_start3A_477 = tpu.memref_slice %arg13[%dma_start3A_475] : memref<3x!tpu.dma_semaphore, #tpu.memory_space<semaphore_mem>> -> memref<1x!tpu.dma_semaphore, #tpu.memory_space<semaphore_mem>>
    %dma_start3A_478 = tpu.memref_squeeze %dma_start3A_477 : memref<1x!tpu.dma_semaphore, #tpu.memory_space<semaphore_mem>> -> memref<!tpu.dma_semaphore, #tpu.memory_space<semaphore_mem>>
    %dma_start3A_479 = tpu.memref_slice %arg4[%add3A_435] : memref<8388608xf32, #tpu.memory_space<hbm>> -> memref<16384xf32, #tpu.memory_space<hbm>>
    tpu.enqueue_dma source(%arg8 : memref<16384xf32, #tpu.memory_space<vmem>>) target(%dma_start3A_479 : memref<16384xf32, #tpu.memory_space<hbm>>) target_semaphore(%dma_start3A_478 : memref<!tpu.dma_semaphore, #tpu.memory_space<semaphore_mem>>)
    %add3A_480 = arith.constant 163840 : i32
    %add3A_481 = arith.addi %mul3A_2, %add3A_480 : i32
    %add3A_482 = arith.constant 147456 : i32
    %add3A_483 = arith.addi %mul3A_2, %add3A_482 : i32
    %dma_wait3A_484 = arith.constant 0 : i32
    %dma_wait3A_485 = tpu.memref_slice %arg4[%add3A_483] : memref<8388608xf32, #tpu.memory_space<hbm>> -> memref<16384xf32, #tpu.memory_space<hbm>>
    %dma_wait3A_486 = tpu.memref_slice %arg13[%dma_wait3A_484] : memref<3x!tpu.dma_semaphore, #tpu.memory_space<semaphore_mem>> -> memref<1x!tpu.dma_semaphore, #tpu.memory_space<semaphore_mem>>
    %dma_wait3A_487 = tpu.memref_squeeze %dma_wait3A_486 : memref<1x!tpu.dma_semaphore, #tpu.memory_space<semaphore_mem>> -> memref<!tpu.dma_semaphore, #tpu.memory_space<semaphore_mem>>
    %dma_wait3A_488 = tpu.memref_slice %arg4[%add3A_483] : memref<8388608xf32, #tpu.memory_space<hbm>> -> memref<16384xf32, #tpu.memory_space<hbm>>
    tpu.wait_dma2 semaphore(%dma_wait3A_487 : memref<!tpu.dma_semaphore, #tpu.memory_space<semaphore_mem>>) src(%arg8 : memref<16384xf32, #tpu.memory_space<vmem>>) dst(%dma_wait3A_488 : memref<16384xf32, #tpu.memory_space<hbm>>)
    %add3A_489 = arith.constant 196608 : i32
    %add3A_490 = arith.addi %mul3A_2, %add3A_489 : i32
    %rem3A_491 = arith.constant 2097152 : i32
    %rem3A_492 = arith.remsi %add3A_490, %rem3A_491 : i32
    %dma_start3A_493 = arith.constant 0 : i32
    %dma_start3A_494 = tpu.memref_slice %arg2[%add3A_490] : memref<8388608xf32, #tpu.memory_space<hbm>> -> memref<16384xf32, #tpu.memory_space<hbm>>
    %dma_start3A_495 = tpu.memref_slice %arg11[%dma_start3A_493] : memref<3x!tpu.dma_semaphore, #tpu.memory_space<semaphore_mem>> -> memref<1x!tpu.dma_semaphore, #tpu.memory_space<semaphore_mem>>
    %dma_start3A_496 = tpu.memref_squeeze %dma_start3A_495 : memref<1x!tpu.dma_semaphore, #tpu.memory_space<semaphore_mem>> -> memref<!tpu.dma_semaphore, #tpu.memory_space<semaphore_mem>>
    %dma_start3A_497 = tpu.memref_slice %arg2[%add3A_490] : memref<8388608xf32, #tpu.memory_space<hbm>> -> memref<16384xf32, #tpu.memory_space<hbm>>
    tpu.enqueue_dma source(%dma_start3A_497 : memref<16384xf32, #tpu.memory_space<hbm>>) target(%arg5 : memref<16384xf32, #tpu.memory_space<vmem>>) target_semaphore(%dma_start3A_496 : memref<!tpu.dma_semaphore, #tpu.memory_space<semaphore_mem>>)
    %dma_start3A_498 = arith.constant 0 : i32
    %dma_start3A_499 = tpu.memref_slice %arg3[%rem3A_492] : memref<2097152xf32, #tpu.memory_space<hbm>> -> memref<16384xf32, #tpu.memory_space<hbm>>
    %dma_start3A_500 = tpu.memref_slice %arg12[%dma_start3A_498] : memref<3x!tpu.dma_semaphore, #tpu.memory_space<semaphore_mem>> -> memref<1x!tpu.dma_semaphore, #tpu.memory_space<semaphore_mem>>
    %dma_start3A_501 = tpu.memref_squeeze %dma_start3A_500 : memref<1x!tpu.dma_semaphore, #tpu.memory_space<semaphore_mem>> -> memref<!tpu.dma_semaphore, #tpu.memory_space<semaphore_mem>>
    %dma_start3A_502 = tpu.memref_slice %arg3[%rem3A_492] : memref<2097152xf32, #tpu.memory_space<hbm>> -> memref<16384xf32, #tpu.memory_space<hbm>>
    tpu.enqueue_dma source(%dma_start3A_502 : memref<16384xf32, #tpu.memory_space<hbm>>) target(%arg8 : memref<16384xf32, #tpu.memory_space<vmem>>) target_semaphore(%dma_start3A_501 : memref<!tpu.dma_semaphore, #tpu.memory_space<semaphore_mem>>)
    %dma_wait3A_503 = arith.constant 1 : i32
    %dma_wait3A_504 = tpu.memref_slice %arg2[%add3A_481] : memref<8388608xf32, #tpu.memory_space<hbm>> -> memref<16384xf32, #tpu.memory_space<hbm>>
    %dma_wait3A_505 = tpu.memref_slice %arg11[%dma_wait3A_503] : memref<3x!tpu.dma_semaphore, #tpu.memory_space<semaphore_mem>> -> memref<1x!tpu.dma_semaphore, #tpu.memory_space<semaphore_mem>>
    %dma_wait3A_506 = tpu.memref_squeeze %dma_wait3A_505 : memref<1x!tpu.dma_semaphore, #tpu.memory_space<semaphore_mem>> -> memref<!tpu.dma_semaphore, #tpu.memory_space<semaphore_mem>>
    %dma_wait3A_507 = tpu.memref_slice %arg2[%add3A_481] : memref<8388608xf32, #tpu.memory_space<hbm>> -> memref<16384xf32, #tpu.memory_space<hbm>>
    tpu.wait_dma2 semaphore(%dma_wait3A_506 : memref<!tpu.dma_semaphore, #tpu.memory_space<semaphore_mem>>) src(%dma_wait3A_507 : memref<16384xf32, #tpu.memory_space<hbm>>) dst(%arg6 : memref<16384xf32, #tpu.memory_space<vmem>>)
    %rem3A_508 = arith.constant 2097152 : i32
    %rem3A_509 = arith.remsi %add3A_481, %rem3A_508 : i32
    %dma_wait3A_510 = arith.constant 1 : i32
    %dma_wait3A_511 = tpu.memref_slice %arg3[%rem3A_509] : memref<2097152xf32, #tpu.memory_space<hbm>> -> memref<16384xf32, #tpu.memory_space<hbm>>
    %dma_wait3A_512 = tpu.memref_slice %arg12[%dma_wait3A_510] : memref<3x!tpu.dma_semaphore, #tpu.memory_space<semaphore_mem>> -> memref<1x!tpu.dma_semaphore, #tpu.memory_space<semaphore_mem>>
    %dma_wait3A_513 = tpu.memref_squeeze %dma_wait3A_512 : memref<1x!tpu.dma_semaphore, #tpu.memory_space<semaphore_mem>> -> memref<!tpu.dma_semaphore, #tpu.memory_space<semaphore_mem>>
    %dma_wait3A_514 = tpu.memref_slice %arg3[%rem3A_509] : memref<2097152xf32, #tpu.memory_space<hbm>> -> memref<16384xf32, #tpu.memory_space<hbm>>
    tpu.wait_dma2 semaphore(%dma_wait3A_513 : memref<!tpu.dma_semaphore, #tpu.memory_space<semaphore_mem>>) src(%dma_wait3A_514 : memref<16384xf32, #tpu.memory_space<hbm>>) dst(%arg9 : memref<16384xf32, #tpu.memory_space<vmem>>)
    %scan3A_515 = arith.constant 0 : i32
    %scan3A_516 = arith.constant 0 : i32
    %scan3A_517 = arith.constant 128 : i32
    %scan3A_518 = arith.addi %scan3A_516, %scan3A_517 : i32
    %scan3A_519 = arith.constant 1 : i32
    scf.for %scan3A_735 = %scan3A_516 to %scan3A_518 step %scan3A_519  : i32 {
      %mul3A_736 = arith.constant 128 : i32
      %mul3A_737 = arith.muli %scan3A_735, %mul3A_736 : i32
      %add3A_738 = arith.constant 0 : i32
      %add3A_739 = arith.addi %mul3A_737, %add3A_738 : i32
      %get3A = arith.index_cast %add3A_739 : i32 to index
      %get3A_740 = tpu.vector_load %arg6[%get3A] {strides = array<i32>} : memref<16384xf32, #tpu.memory_space<vmem>>, vector<16xf32>,
      %get3A_741 = vector.shape_cast %get3A_740 : vector<16xf32> to vector<16xf32>
      %swap3A = arith.index_cast %add3A_739 : i32 to index
      %swap3A_742 = tpu.vector_load %arg9[%swap3A] {strides = array<i32>} : memref<16384xf32, #tpu.memory_space<vmem>>, vector<16xf32>,
      %swap3A_743 = vector.shape_cast %swap3A_742 : vector<16xf32> to vector<16xf32>
      %swap3A_744 = vector.shape_cast %get3A_741 : vector<16xf32> to vector<16xf32>
      tpu.vector_store %arg9[%swap3A], %swap3A_744 {add = true, strides = array<i32>} : memref<16384xf32, #tpu.memory_space<vmem>>, vector<16xf32>,
      %mul3A_745 = arith.constant 128 : i32
      %mul3A_746 = arith.muli %scan3A_735, %mul3A_745 : i32
      %add3A_747 = arith.constant 16 : i32
      %add3A_748 = arith.addi %mul3A_746, %add3A_747 : i32
      %get3A_749 = arith.index_cast %add3A_748 : i32 to index
      %get3A_750 = tpu.vector_load %arg6[%get3A_749] {strides = array<i32>} : memref<16384xf32, #tpu.memory_space<vmem>>, vector<16xf32>,
      %get3A_751 = vector.shape_cast %get3A_750 : vector<16xf32> to vector<16xf32>
      %swap3A_752 = arith.index_cast %add3A_748 : i32 to index
      %swap3A_753 = tpu.vector_load %arg9[%swap3A_752] {strides = array<i32>} : memref<16384xf32, #tpu.memory_space<vmem>>, vector<16xf32>,
      %swap3A_754 = vector.shape_cast %swap3A_753 : vector<16xf32> to vector<16xf32>
      %swap3A_755 = vector.shape_cast %get3A_751 : vector<16xf32> to vector<16xf32>
      tpu.vector_store %arg9[%swap3A_752], %swap3A_755 {add = true, strides = array<i32>} : memref<16384xf32, #tpu.memory_space<vmem>>, vector<16xf32>,
      %mul3A_756 = arith.constant 128 : i32
      %mul3A_757 = arith.muli %scan3A_735, %mul3A_756 : i32
      %add3A_758 = arith.constant 32 : i32
      %add3A_759 = arith.addi %mul3A_757, %add3A_758 : i32
      %get3A_760 = arith.index_cast %add3A_759 : i32 to index
      %get3A_761 = tpu.vector_load %arg6[%get3A_760] {strides = array<i32>} : memref<16384xf32, #tpu.memory_space<vmem>>, vector<16xf32>,
      %get3A_762 = vector.shape_cast %get3A_761 : vector<16xf32> to vector<16xf32>
      %swap3A_763 = arith.index_cast %add3A_759 : i32 to index
      %swap3A_764 = tpu.vector_load %arg9[%swap3A_763] {strides = array<i32>} : memref<16384xf32, #tpu.memory_space<vmem>>, vector<16xf32>,
      %swap3A_765 = vector.shape_cast %swap3A_764 : vector<16xf32> to vector<16xf32>
      %swap3A_766 = vector.shape_cast %get3A_762 : vector<16xf32> to vector<16xf32>
      tpu.vector_store %arg9[%swap3A_763], %swap3A_766 {add = true, strides = array<i32>} : memref<16384xf32, #tpu.memory_space<vmem>>, vector<16xf32>,
      %mul3A_767 = arith.constant 128 : i32
      %mul3A_768 = arith.muli %scan3A_735, %mul3A_767 : i32
      %add3A_769 = arith.constant 48 : i32
      %add3A_770 = arith.addi %mul3A_768, %add3A_769 : i32
      %get3A_771 = arith.index_cast %add3A_770 : i32 to index
      %get3A_772 = tpu.vector_load %arg6[%get3A_771] {strides = array<i32>} : memref<16384xf32, #tpu.memory_space<vmem>>, vector<16xf32>,
      %get3A_773 = vector.shape_cast %get3A_772 : vector<16xf32> to vector<16xf32>
      %swap3A_774 = arith.index_cast %add3A_770 : i32 to index
      %swap3A_775 = tpu.vector_load %arg9[%swap3A_774] {strides = array<i32>} : memref<16384xf32, #tpu.memory_space<vmem>>, vector<16xf32>,
      %swap3A_776 = vector.shape_cast %swap3A_775 : vector<16xf32> to vector<16xf32>
      %swap3A_777 = vector.shape_cast %get3A_773 : vector<16xf32> to vector<16xf32>
      tpu.vector_store %arg9[%swap3A_774], %swap3A_777 {add = true, strides = array<i32>} : memref<16384xf32, #tpu.memory_space<vmem>>, vector<16xf32>,
      %mul3A_778 = arith.constant 128 : i32
      %mul3A_779 = arith.muli %scan3A_735, %mul3A_778 : i32
      %add3A_780 = arith.constant 64 : i32
      %add3A_781 = arith.addi %mul3A_779, %add3A_780 : i32
      %get3A_782 = arith.index_cast %add3A_781 : i32 to index
      %get3A_783 = tpu.vector_load %arg6[%get3A_782] {strides = array<i32>} : memref<16384xf32, #tpu.memory_space<vmem>>, vector<16xf32>,
      %get3A_784 = vector.shape_cast %get3A_783 : vector<16xf32> to vector<16xf32>
      %swap3A_785 = arith.index_cast %add3A_781 : i32 to index
      %swap3A_786 = tpu.vector_load %arg9[%swap3A_785] {strides = array<i32>} : memref<16384xf32, #tpu.memory_space<vmem>>, vector<16xf32>,
      %swap3A_787 = vector.shape_cast %swap3A_786 : vector<16xf32> to vector<16xf32>
      %swap3A_788 = vector.shape_cast %get3A_784 : vector<16xf32> to vector<16xf32>
      tpu.vector_store %arg9[%swap3A_785], %swap3A_788 {add = true, strides = array<i32>} : memref<16384xf32, #tpu.memory_space<vmem>>, vector<16xf32>,
      %mul3A_789 = arith.constant 128 : i32
      %mul3A_790 = arith.muli %scan3A_735, %mul3A_789 : i32
      %add3A_791 = arith.constant 80 : i32
      %add3A_792 = arith.addi %mul3A_790, %add3A_791 : i32
      %get3A_793 = arith.index_cast %add3A_792 : i32 to index
      %get3A_794 = tpu.vector_load %arg6[%get3A_793] {strides = array<i32>} : memref<16384xf32, #tpu.memory_space<vmem>>, vector<16xf32>,
      %get3A_795 = vector.shape_cast %get3A_794 : vector<16xf32> to vector<16xf32>
      %swap3A_796 = arith.index_cast %add3A_792 : i32 to index
      %swap3A_797 = tpu.vector_load %arg9[%swap3A_796] {strides = array<i32>} : memref<16384xf32, #tpu.memory_space<vmem>>, vector<16xf32>,
      %swap3A_798 = vector.shape_cast %swap3A_797 : vector<16xf32> to vector<16xf32>
      %swap3A_799 = vector.shape_cast %get3A_795 : vector<16xf32> to vector<16xf32>
      tpu.vector_store %arg9[%swap3A_796], %swap3A_799 {add = true, strides = array<i32>} : memref<16384xf32, #tpu.memory_space<vmem>>, vector<16xf32>,
      %mul3A_800 = arith.constant 128 : i32
      %mul3A_801 = arith.muli %scan3A_735, %mul3A_800 : i32
      %add3A_802 = arith.constant 96 : i32
      %add3A_803 = arith.addi %mul3A_801, %add3A_802 : i32
      %get3A_804 = arith.index_cast %add3A_803 : i32 to index
      %get3A_805 = tpu.vector_load %arg6[%get3A_804] {strides = array<i32>} : memref<16384xf32, #tpu.memory_space<vmem>>, vector<16xf32>,
      %get3A_806 = vector.shape_cast %get3A_805 : vector<16xf32> to vector<16xf32>
      %swap3A_807 = arith.index_cast %add3A_803 : i32 to index
      %swap3A_808 = tpu.vector_load %arg9[%swap3A_807] {strides = array<i32>} : memref<16384xf32, #tpu.memory_space<vmem>>, vector<16xf32>,
      %swap3A_809 = vector.shape_cast %swap3A_808 : vector<16xf32> to vector<16xf32>
      %swap3A_810 = vector.shape_cast %get3A_806 : vector<16xf32> to vector<16xf32>
      tpu.vector_store %arg9[%swap3A_807], %swap3A_810 {add = true, strides = array<i32>} : memref<16384xf32, #tpu.memory_space<vmem>>, vector<16xf32>,
      %mul3A_811 = arith.constant 128 : i32
      %mul3A_812 = arith.muli %scan3A_735, %mul3A_811 : i32
      %add3A_813 = arith.constant 112 : i32
      %add3A_814 = arith.addi %mul3A_812, %add3A_813 : i32
      %get3A_815 = arith.index_cast %add3A_814 : i32 to index
      %get3A_816 = tpu.vector_load %arg6[%get3A_815] {strides = array<i32>} : memref<16384xf32, #tpu.memory_space<vmem>>, vector<16xf32>,
      %get3A_817 = vector.shape_cast %get3A_816 : vector<16xf32> to vector<16xf32>
      %swap3A_818 = arith.index_cast %add3A_814 : i32 to index
      %swap3A_819 = tpu.vector_load %arg9[%swap3A_818] {strides = array<i32>} : memref<16384xf32, #tpu.memory_space<vmem>>, vector<16xf32>,
      %swap3A_820 = vector.shape_cast %swap3A_819 : vector<16xf32> to vector<16xf32>
      %swap3A_821 = vector.shape_cast %get3A_817 : vector<16xf32> to vector<16xf32>
      tpu.vector_store %arg9[%swap3A_818], %swap3A_821 {add = true, strides = array<i32>} : memref<16384xf32, #tpu.memory_space<vmem>>, vector<16xf32>,
    }
    %scan3A_520 = arith.constant 128 : i32
    %dma_start3A_521 = arith.constant 1 : i32
    %dma_start3A_522 = tpu.memref_slice %arg4[%add3A_481] : memref<8388608xf32, #tpu.memory_space<hbm>> -> memref<16384xf32, #tpu.memory_space<hbm>>
    %dma_start3A_523 = tpu.memref_slice %arg13[%dma_start3A_521] : memref<3x!tpu.dma_semaphore, #tpu.memory_space<semaphore_mem>> -> memref<1x!tpu.dma_semaphore, #tpu.memory_space<semaphore_mem>>
    %dma_start3A_524 = tpu.memref_squeeze %dma_start3A_523 : memref<1x!tpu.dma_semaphore, #tpu.memory_space<semaphore_mem>> -> memref<!tpu.dma_semaphore, #tpu.memory_space<semaphore_mem>>
    %dma_start3A_525 = tpu.memref_slice %arg4[%add3A_481] : memref<8388608xf32, #tpu.memory_space<hbm>> -> memref<16384xf32, #tpu.memory_space<hbm>>
    tpu.enqueue_dma source(%arg9 : memref<16384xf32, #tpu.memory_space<vmem>>) target(%dma_start3A_525 : memref<16384xf32, #tpu.memory_space<hbm>>) target_semaphore(%dma_start3A_524 : memref<!tpu.dma_semaphore, #tpu.memory_space<semaphore_mem>>)
    %add3A_526 = arith.constant 180224 : i32
    %add3A_527 = arith.addi %mul3A_2, %add3A_526 : i32
    %add3A_528 = arith.constant 163840 : i32
    %add3A_529 = arith.addi %mul3A_2, %add3A_528 : i32
    %dma_wait3A_530 = arith.constant 1 : i32
    %dma_wait3A_531 = tpu.memref_slice %arg4[%add3A_529] : memref<8388608xf32, #tpu.memory_space<hbm>> -> memref<16384xf32, #tpu.memory_space<hbm>>
    %dma_wait3A_532 = tpu.memref_slice %arg13[%dma_wait3A_530] : memref<3x!tpu.dma_semaphore, #tpu.memory_space<semaphore_mem>> -> memref<1x!tpu.dma_semaphore, #tpu.memory_space<semaphore_mem>>
    %dma_wait3A_533 = tpu.memref_squeeze %dma_wait3A_532 : memref<1x!tpu.dma_semaphore, #tpu.memory_space<semaphore_mem>> -> memref<!tpu.dma_semaphore, #tpu.memory_space<semaphore_mem>>
    %dma_wait3A_534 = tpu.memref_slice %arg4[%add3A_529] : memref<8388608xf32, #tpu.memory_space<hbm>> -> memref<16384xf32, #tpu.memory_space<hbm>>
    tpu.wait_dma2 semaphore(%dma_wait3A_533 : memref<!tpu.dma_semaphore, #tpu.memory_space<semaphore_mem>>) src(%arg9 : memref<16384xf32, #tpu.memory_space<vmem>>) dst(%dma_wait3A_534 : memref<16384xf32, #tpu.memory_space<hbm>>)
    %add3A_535 = arith.constant 212992 : i32
    %add3A_536 = arith.addi %mul3A_2, %add3A_535 : i32
    %rem3A_537 = arith.constant 2097152 : i32
    %rem3A_538 = arith.remsi %add3A_536, %rem3A_537 : i32
    %dma_start3A_539 = arith.constant 1 : i32
    %dma_start3A_540 = tpu.memref_slice %arg2[%add3A_536] : memref<8388608xf32, #tpu.memory_space<hbm>> -> memref<16384xf32, #tpu.memory_space<hbm>>
    %dma_start3A_541 = tpu.memref_slice %arg11[%dma_start3A_539] : memref<3x!tpu.dma_semaphore, #tpu.memory_space<semaphore_mem>> -> memref<1x!tpu.dma_semaphore, #tpu.memory_space<semaphore_mem>>
    %dma_start3A_542 = tpu.memref_squeeze %dma_start3A_541 : memref<1x!tpu.dma_semaphore, #tpu.memory_space<semaphore_mem>> -> memref<!tpu.dma_semaphore, #tpu.memory_space<semaphore_mem>>
    %dma_start3A_543 = tpu.memref_slice %arg2[%add3A_536] : memref<8388608xf32, #tpu.memory_space<hbm>> -> memref<16384xf32, #tpu.memory_space<hbm>>
    tpu.enqueue_dma source(%dma_start3A_543 : memref<16384xf32, #tpu.memory_space<hbm>>) target(%arg6 : memref<16384xf32, #tpu.memory_space<vmem>>) target_semaphore(%dma_start3A_542 : memref<!tpu.dma_semaphore, #tpu.memory_space<semaphore_mem>>)
    %dma_start3A_544 = arith.constant 1 : i32
    %dma_start3A_545 = tpu.memref_slice %arg3[%rem3A_538] : memref<2097152xf32, #tpu.memory_space<hbm>> -> memref<16384xf32, #tpu.memory_space<hbm>>
    %dma_start3A_546 = tpu.memref_slice %arg12[%dma_start3A_544] : memref<3x!tpu.dma_semaphore, #tpu.memory_space<semaphore_mem>> -> memref<1x!tpu.dma_semaphore, #tpu.memory_space<semaphore_mem>>
    %dma_start3A_547 = tpu.memref_squeeze %dma_start3A_546 : memref<1x!tpu.dma_semaphore, #tpu.memory_space<semaphore_mem>> -> memref<!tpu.dma_semaphore, #tpu.memory_space<semaphore_mem>>
    %dma_start3A_548 = tpu.memref_slice %arg3[%rem3A_538] : memref<2097152xf32, #tpu.memory_space<hbm>> -> memref<16384xf32, #tpu.memory_space<hbm>>
    tpu.enqueue_dma source(%dma_start3A_548 : memref<16384xf32, #tpu.memory_space<hbm>>) target(%arg9 : memref<16384xf32, #tpu.memory_space<vmem>>) target_semaphore(%dma_start3A_547 : memref<!tpu.dma_semaphore, #tpu.memory_space<semaphore_mem>>)
    %dma_wait3A_549 = arith.constant 2 : i32
    %dma_wait3A_550 = tpu.memref_slice %arg2[%add3A_527] : memref<8388608xf32, #tpu.memory_space<hbm>> -> memref<16384xf32, #tpu.memory_space<hbm>>
    %dma_wait3A_551 = tpu.memref_slice %arg11[%dma_wait3A_549] : memref<3x!tpu.dma_semaphore, #tpu.memory_space<semaphore_mem>> -> memref<1x!tpu.dma_semaphore, #tpu.memory_space<semaphore_mem>>
    %dma_wait3A_552 = tpu.memref_squeeze %dma_wait3A_551 : memref<1x!tpu.dma_semaphore, #tpu.memory_space<semaphore_mem>> -> memref<!tpu.dma_semaphore, #tpu.memory_space<semaphore_mem>>
    %dma_wait3A_553 = tpu.memref_slice %arg2[%add3A_527] : memref<8388608xf32, #tpu.memory_space<hbm>> -> memref<16384xf32, #tpu.memory_space<hbm>>
    tpu.wait_dma2 semaphore(%dma_wait3A_552 : memref<!tpu.dma_semaphore, #tpu.memory_space<semaphore_mem>>) src(%dma_wait3A_553 : memref<16384xf32, #tpu.memory_space<hbm>>) dst(%arg7 : memref<16384xf32, #tpu.memory_space<vmem>>)
    %rem3A_554 = arith.constant 2097152 : i32
    %rem3A_555 = arith.remsi %add3A_527, %rem3A_554 : i32
    %dma_wait3A_556 = arith.constant 2 : i32
    %dma_wait3A_557 = tpu.memref_slice %arg3[%rem3A_555] : memref<2097152xf32, #tpu.memory_space<hbm>> -> memref<16384xf32, #tpu.memory_space<hbm>>
    %dma_wait3A_558 = tpu.memref_slice %arg12[%dma_wait3A_556] : memref<3x!tpu.dma_semaphore, #tpu.memory_space<semaphore_mem>> -> memref<1x!tpu.dma_semaphore, #tpu.memory_space<semaphore_mem>>
    %dma_wait3A_559 = tpu.memref_squeeze %dma_wait3A_558 : memref<1x!tpu.dma_semaphore, #tpu.memory_space<semaphore_mem>> -> memref<!tpu.dma_semaphore, #tpu.memory_space<semaphore_mem>>
    %dma_wait3A_560 = tpu.memref_slice %arg3[%rem3A_555] : memref<2097152xf32, #tpu.memory_space<hbm>> -> memref<16384xf32, #tpu.memory_space<hbm>>
    tpu.wait_dma2 semaphore(%dma_wait3A_559 : memref<!tpu.dma_semaphore, #tpu.memory_space<semaphore_mem>>) src(%dma_wait3A_560 : memref<16384xf32, #tpu.memory_space<hbm>>) dst(%arg10 : memref<16384xf32, #tpu.memory_space<vmem>>)
    %scan3A_561 = arith.constant 0 : i32
    %scan3A_562 = arith.constant 0 : i32
    %scan3A_563 = arith.constant 128 : i32
    %scan3A_564 = arith.addi %scan3A_562, %scan3A_563 : i32
    %scan3A_565 = arith.constant 1 : i32
    scf.for %scan3A_735 = %scan3A_562 to %scan3A_564 step %scan3A_565  : i32 {
      %mul3A_736 = arith.constant 128 : i32
      %mul3A_737 = arith.muli %scan3A_735, %mul3A_736 : i32
      %add3A_738 = arith.constant 0 : i32
      %add3A_739 = arith.addi %mul3A_737, %add3A_738 : i32
      %get3A = arith.index_cast %add3A_739 : i32 to index
      %get3A_740 = tpu.vector_load %arg7[%get3A] {strides = array<i32>} : memref<16384xf32, #tpu.memory_space<vmem>>, vector<16xf32>,
      %get3A_741 = vector.shape_cast %get3A_740 : vector<16xf32> to vector<16xf32>
      %swap3A = arith.index_cast %add3A_739 : i32 to index
      %swap3A_742 = tpu.vector_load %arg10[%swap3A] {strides = array<i32>} : memref<16384xf32, #tpu.memory_space<vmem>>, vector<16xf32>,
      %swap3A_743 = vector.shape_cast %swap3A_742 : vector<16xf32> to vector<16xf32>
      %swap3A_744 = vector.shape_cast %get3A_741 : vector<16xf32> to vector<16xf32>
      tpu.vector_store %arg10[%swap3A], %swap3A_744 {add = true, strides = array<i32>} : memref<16384xf32, #tpu.memory_space<vmem>>, vector<16xf32>,
      %mul3A_745 = arith.constant 128 : i32
      %mul3A_746 = arith.muli %scan3A_735, %mul3A_745 : i32
      %add3A_747 = arith.constant 16 : i32
      %add3A_748 = arith.addi %mul3A_746, %add3A_747 : i32
      %get3A_749 = arith.index_cast %add3A_748 : i32 to index
      %get3A_750 = tpu.vector_load %arg7[%get3A_749] {strides = array<i32>} : memref<16384xf32, #tpu.memory_space<vmem>>, vector<16xf32>,
      %get3A_751 = vector.shape_cast %get3A_750 : vector<16xf32> to vector<16xf32>
      %swap3A_752 = arith.index_cast %add3A_748 : i32 to index
      %swap3A_753 = tpu.vector_load %arg10[%swap3A_752] {strides = array<i32>} : memref<16384xf32, #tpu.memory_space<vmem>>, vector<16xf32>,
      %swap3A_754 = vector.shape_cast %swap3A_753 : vector<16xf32> to vector<16xf32>
      %swap3A_755 = vector.shape_cast %get3A_751 : vector<16xf32> to vector<16xf32>
      tpu.vector_store %arg10[%swap3A_752], %swap3A_755 {add = true, strides = array<i32>} : memref<16384xf32, #tpu.memory_space<vmem>>, vector<16xf32>,
      %mul3A_756 = arith.constant 128 : i32
      %mul3A_757 = arith.muli %scan3A_735, %mul3A_756 : i32
      %add3A_758 = arith.constant 32 : i32
      %add3A_759 = arith.addi %mul3A_757, %add3A_758 : i32
      %get3A_760 = arith.index_cast %add3A_759 : i32 to index
      %get3A_761 = tpu.vector_load %arg7[%get3A_760] {strides = array<i32>} : memref<16384xf32, #tpu.memory_space<vmem>>, vector<16xf32>,
      %get3A_762 = vector.shape_cast %get3A_761 : vector<16xf32> to vector<16xf32>
      %swap3A_763 = arith.index_cast %add3A_759 : i32 to index
      %swap3A_764 = tpu.vector_load %arg10[%swap3A_763] {strides = array<i32>} : memref<16384xf32, #tpu.memory_space<vmem>>, vector<16xf32>,
      %swap3A_765 = vector.shape_cast %swap3A_764 : vector<16xf32> to vector<16xf32>
      %swap3A_766 = vector.shape_cast %get3A_762 : vector<16xf32> to vector<16xf32>
      tpu.vector_store %arg10[%swap3A_763], %swap3A_766 {add = true, strides = array<i32>} : memref<16384xf32, #tpu.memory_space<vmem>>, vector<16xf32>,
      %mul3A_767 = arith.constant 128 : i32
      %mul3A_768 = arith.muli %scan3A_735, %mul3A_767 : i32
      %add3A_769 = arith.constant 48 : i32
      %add3A_770 = arith.addi %mul3A_768, %add3A_769 : i32
      %get3A_771 = arith.index_cast %add3A_770 : i32 to index
      %get3A_772 = tpu.vector_load %arg7[%get3A_771] {strides = array<i32>} : memref<16384xf32, #tpu.memory_space<vmem>>, vector<16xf32>,
      %get3A_773 = vector.shape_cast %get3A_772 : vector<16xf32> to vector<16xf32>
      %swap3A_774 = arith.index_cast %add3A_770 : i32 to index
      %swap3A_775 = tpu.vector_load %arg10[%swap3A_774] {strides = array<i32>} : memref<16384xf32, #tpu.memory_space<vmem>>, vector<16xf32>,
      %swap3A_776 = vector.shape_cast %swap3A_775 : vector<16xf32> to vector<16xf32>
      %swap3A_777 = vector.shape_cast %get3A_773 : vector<16xf32> to vector<16xf32>
      tpu.vector_store %arg10[%swap3A_774], %swap3A_777 {add = true, strides = array<i32>} : memref<16384xf32, #tpu.memory_space<vmem>>, vector<16xf32>,
      %mul3A_778 = arith.constant 128 : i32
      %mul3A_779 = arith.muli %scan3A_735, %mul3A_778 : i32
      %add3A_780 = arith.constant 64 : i32
      %add3A_781 = arith.addi %mul3A_779, %add3A_780 : i32
      %get3A_782 = arith.index_cast %add3A_781 : i32 to index
      %get3A_783 = tpu.vector_load %arg7[%get3A_782] {strides = array<i32>} : memref<16384xf32, #tpu.memory_space<vmem>>, vector<16xf32>,
      %get3A_784 = vector.shape_cast %get3A_783 : vector<16xf32> to vector<16xf32>
      %swap3A_785 = arith.index_cast %add3A_781 : i32 to index
      %swap3A_786 = tpu.vector_load %arg10[%swap3A_785] {strides = array<i32>} : memref<16384xf32, #tpu.memory_space<vmem>>, vector<16xf32>,
      %swap3A_787 = vector.shape_cast %swap3A_786 : vector<16xf32> to vector<16xf32>
      %swap3A_788 = vector.shape_cast %get3A_784 : vector<16xf32> to vector<16xf32>
      tpu.vector_store %arg10[%swap3A_785], %swap3A_788 {add = true, strides = array<i32>} : memref<16384xf32, #tpu.memory_space<vmem>>, vector<16xf32>,
      %mul3A_789 = arith.constant 128 : i32
      %mul3A_790 = arith.muli %scan3A_735, %mul3A_789 : i32
      %add3A_791 = arith.constant 80 : i32
      %add3A_792 = arith.addi %mul3A_790, %add3A_791 : i32
      %get3A_793 = arith.index_cast %add3A_792 : i32 to index
      %get3A_794 = tpu.vector_load %arg7[%get3A_793] {strides = array<i32>} : memref<16384xf32, #tpu.memory_space<vmem>>, vector<16xf32>,
      %get3A_795 = vector.shape_cast %get3A_794 : vector<16xf32> to vector<16xf32>
      %swap3A_796 = arith.index_cast %add3A_792 : i32 to index
      %swap3A_797 = tpu.vector_load %arg10[%swap3A_796] {strides = array<i32>} : memref<16384xf32, #tpu.memory_space<vmem>>, vector<16xf32>,
      %swap3A_798 = vector.shape_cast %swap3A_797 : vector<16xf32> to vector<16xf32>
      %swap3A_799 = vector.shape_cast %get3A_795 : vector<16xf32> to vector<16xf32>
      tpu.vector_store %arg10[%swap3A_796], %swap3A_799 {add = true, strides = array<i32>} : memref<16384xf32, #tpu.memory_space<vmem>>, vector<16xf32>,
      %mul3A_800 = arith.constant 128 : i32
      %mul3A_801 = arith.muli %scan3A_735, %mul3A_800 : i32
      %add3A_802 = arith.constant 96 : i32
      %add3A_803 = arith.addi %mul3A_801, %add3A_802 : i32
      %get3A_804 = arith.index_cast %add3A_803 : i32 to index
      %get3A_805 = tpu.vector_load %arg7[%get3A_804] {strides = array<i32>} : memref<16384xf32, #tpu.memory_space<vmem>>, vector<16xf32>,
      %get3A_806 = vector.shape_cast %get3A_805 : vector<16xf32> to vector<16xf32>
      %swap3A_807 = arith.index_cast %add3A_803 : i32 to index
      %swap3A_808 = tpu.vector_load %arg10[%swap3A_807] {strides = array<i32>} : memref<16384xf32, #tpu.memory_space<vmem>>, vector<16xf32>,
      %swap3A_809 = vector.shape_cast %swap3A_808 : vector<16xf32> to vector<16xf32>
      %swap3A_810 = vector.shape_cast %get3A_806 : vector<16xf32> to vector<16xf32>
      tpu.vector_store %arg10[%swap3A_807], %swap3A_810 {add = true, strides = array<i32>} : memref<16384xf32, #tpu.memory_space<vmem>>, vector<16xf32>,
      %mul3A_811 = arith.constant 128 : i32
      %mul3A_812 = arith.muli %scan3A_735, %mul3A_811 : i32
      %add3A_813 = arith.constant 112 : i32
      %add3A_814 = arith.addi %mul3A_812, %add3A_813 : i32
      %get3A_815 = arith.index_cast %add3A_814 : i32 to index
      %get3A_816 = tpu.vector_load %arg7[%get3A_815] {strides = array<i32>} : memref<16384xf32, #tpu.memory_space<vmem>>, vector<16xf32>,
      %get3A_817 = vector.shape_cast %get3A_816 : vector<16xf32> to vector<16xf32>
      %swap3A_818 = arith.index_cast %add3A_814 : i32 to index
      %swap3A_819 = tpu.vector_load %arg10[%swap3A_818] {strides = array<i32>} : memref<16384xf32, #tpu.memory_space<vmem>>, vector<16xf32>,
      %swap3A_820 = vector.shape_cast %swap3A_819 : vector<16xf32> to vector<16xf32>
      %swap3A_821 = vector.shape_cast %get3A_817 : vector<16xf32> to vector<16xf32>
      tpu.vector_store %arg10[%swap3A_818], %swap3A_821 {add = true, strides = array<i32>} : memref<16384xf32, #tpu.memory_space<vmem>>, vector<16xf32>,
    }
    %scan3A_566 = arith.constant 128 : i32
    %dma_start3A_567 = arith.constant 2 : i32
    %dma_start3A_568 = tpu.memref_slice %arg4[%add3A_527] : memref<8388608xf32, #tpu.memory_space<hbm>> -> memref<16384xf32, #tpu.memory_space<hbm>>
    %dma_start3A_569 = tpu.memref_slice %arg13[%dma_start3A_567] : memref<3x!tpu.dma_semaphore, #tpu.memory_space<semaphore_mem>> -> memref<1x!tpu.dma_semaphore, #tpu.memory_space<semaphore_mem>>
    %dma_start3A_570 = tpu.memref_squeeze %dma_start3A_569 : memref<1x!tpu.dma_semaphore, #tpu.memory_space<semaphore_mem>> -> memref<!tpu.dma_semaphore, #tpu.memory_space<semaphore_mem>>
    %dma_start3A_571 = tpu.memref_slice %arg4[%add3A_527] : memref<8388608xf32, #tpu.memory_space<hbm>> -> memref<16384xf32, #tpu.memory_space<hbm>>
    tpu.enqueue_dma source(%arg10 : memref<16384xf32, #tpu.memory_space<vmem>>) target(%dma_start3A_571 : memref<16384xf32, #tpu.memory_space<hbm>>) target_semaphore(%dma_start3A_570 : memref<!tpu.dma_semaphore, #tpu.memory_space<semaphore_mem>>)
    %add3A_572 = arith.constant 196608 : i32
    %add3A_573 = arith.addi %mul3A_2, %add3A_572 : i32
    %add3A_574 = arith.constant 180224 : i32
    %add3A_575 = arith.addi %mul3A_2, %add3A_574 : i32
    %dma_wait3A_576 = arith.constant 2 : i32
    %dma_wait3A_577 = tpu.memref_slice %arg4[%add3A_575] : memref<8388608xf32, #tpu.memory_space<hbm>> -> memref<16384xf32, #tpu.memory_space<hbm>>
    %dma_wait3A_578 = tpu.memref_slice %arg13[%dma_wait3A_576] : memref<3x!tpu.dma_semaphore, #tpu.memory_space<semaphore_mem>> -> memref<1x!tpu.dma_semaphore, #tpu.memory_space<semaphore_mem>>
    %dma_wait3A_579 = tpu.memref_squeeze %dma_wait3A_578 : memref<1x!tpu.dma_semaphore, #tpu.memory_space<semaphore_mem>> -> memref<!tpu.dma_semaphore, #tpu.memory_space<semaphore_mem>>
    %dma_wait3A_580 = tpu.memref_slice %arg4[%add3A_575] : memref<8388608xf32, #tpu.memory_space<hbm>> -> memref<16384xf32, #tpu.memory_space<hbm>>
    tpu.wait_dma2 semaphore(%dma_wait3A_579 : memref<!tpu.dma_semaphore, #tpu.memory_space<semaphore_mem>>) src(%arg10 : memref<16384xf32, #tpu.memory_space<vmem>>) dst(%dma_wait3A_580 : memref<16384xf32, #tpu.memory_space<hbm>>)
    %add3A_581 = arith.constant 229376 : i32
    %add3A_582 = arith.addi %mul3A_2, %add3A_581 : i32
    %rem3A_583 = arith.constant 2097152 : i32
    %rem3A_584 = arith.remsi %add3A_582, %rem3A_583 : i32
    %dma_start3A_585 = arith.constant 2 : i32
    %dma_start3A_586 = tpu.memref_slice %arg2[%add3A_582] : memref<8388608xf32, #tpu.memory_space<hbm>> -> memref<16384xf32, #tpu.memory_space<hbm>>
    %dma_start3A_587 = tpu.memref_slice %arg11[%dma_start3A_585] : memref<3x!tpu.dma_semaphore, #tpu.memory_space<semaphore_mem>> -> memref<1x!tpu.dma_semaphore, #tpu.memory_space<semaphore_mem>>
    %dma_start3A_588 = tpu.memref_squeeze %dma_start3A_587 : memref<1x!tpu.dma_semaphore, #tpu.memory_space<semaphore_mem>> -> memref<!tpu.dma_semaphore, #tpu.memory_space<semaphore_mem>>
    %dma_start3A_589 = tpu.memref_slice %arg2[%add3A_582] : memref<8388608xf32, #tpu.memory_space<hbm>> -> memref<16384xf32, #tpu.memory_space<hbm>>
    tpu.enqueue_dma source(%dma_start3A_589 : memref<16384xf32, #tpu.memory_space<hbm>>) target(%arg7 : memref<16384xf32, #tpu.memory_space<vmem>>) target_semaphore(%dma_start3A_588 : memref<!tpu.dma_semaphore, #tpu.memory_space<semaphore_mem>>)
    %dma_start3A_590 = arith.constant 2 : i32
    %dma_start3A_591 = tpu.memref_slice %arg3[%rem3A_584] : memref<2097152xf32, #tpu.memory_space<hbm>> -> memref<16384xf32, #tpu.memory_space<hbm>>
    %dma_start3A_592 = tpu.memref_slice %arg12[%dma_start3A_590] : memref<3x!tpu.dma_semaphore, #tpu.memory_space<semaphore_mem>> -> memref<1x!tpu.dma_semaphore, #tpu.memory_space<semaphore_mem>>
    %dma_start3A_593 = tpu.memref_squeeze %dma_start3A_592 : memref<1x!tpu.dma_semaphore, #tpu.memory_space<semaphore_mem>> -> memref<!tpu.dma_semaphore, #tpu.memory_space<semaphore_mem>>
    %dma_start3A_594 = tpu.memref_slice %arg3[%rem3A_584] : memref<2097152xf32, #tpu.memory_space<hbm>> -> memref<16384xf32, #tpu.memory_space<hbm>>
    tpu.enqueue_dma source(%dma_start3A_594 : memref<16384xf32, #tpu.memory_space<hbm>>) target(%arg10 : memref<16384xf32, #tpu.memory_space<vmem>>) target_semaphore(%dma_start3A_593 : memref<!tpu.dma_semaphore, #tpu.memory_space<semaphore_mem>>)
    %dma_wait3A_595 = arith.constant 0 : i32
    %dma_wait3A_596 = tpu.memref_slice %arg2[%add3A_573] : memref<8388608xf32, #tpu.memory_space<hbm>> -> memref<16384xf32, #tpu.memory_space<hbm>>
    %dma_wait3A_597 = tpu.memref_slice %arg11[%dma_wait3A_595] : memref<3x!tpu.dma_semaphore, #tpu.memory_space<semaphore_mem>> -> memref<1x!tpu.dma_semaphore, #tpu.memory_space<semaphore_mem>>
    %dma_wait3A_598 = tpu.memref_squeeze %dma_wait3A_597 : memref<1x!tpu.dma_semaphore, #tpu.memory_space<semaphore_mem>> -> memref<!tpu.dma_semaphore, #tpu.memory_space<semaphore_mem>>
    %dma_wait3A_599 = tpu.memref_slice %arg2[%add3A_573] : memref<8388608xf32, #tpu.memory_space<hbm>> -> memref<16384xf32, #tpu.memory_space<hbm>>
    tpu.wait_dma2 semaphore(%dma_wait3A_598 : memref<!tpu.dma_semaphore, #tpu.memory_space<semaphore_mem>>) src(%dma_wait3A_599 : memref<16384xf32, #tpu.memory_space<hbm>>) dst(%arg5 : memref<16384xf32, #tpu.memory_space<vmem>>)
    %rem3A_600 = arith.constant 2097152 : i32
    %rem3A_601 = arith.remsi %add3A_573, %rem3A_600 : i32
    %dma_wait3A_602 = arith.constant 0 : i32
    %dma_wait3A_603 = tpu.memref_slice %arg3[%rem3A_601] : memref<2097152xf32, #tpu.memory_space<hbm>> -> memref<16384xf32, #tpu.memory_space<hbm>>
    %dma_wait3A_604 = tpu.memref_slice %arg12[%dma_wait3A_602] : memref<3x!tpu.dma_semaphore, #tpu.memory_space<semaphore_mem>> -> memref<1x!tpu.dma_semaphore, #tpu.memory_space<semaphore_mem>>
    %dma_wait3A_605 = tpu.memref_squeeze %dma_wait3A_604 : memref<1x!tpu.dma_semaphore, #tpu.memory_space<semaphore_mem>> -> memref<!tpu.dma_semaphore, #tpu.memory_space<semaphore_mem>>
    %dma_wait3A_606 = tpu.memref_slice %arg3[%rem3A_601] : memref<2097152xf32, #tpu.memory_space<hbm>> -> memref<16384xf32, #tpu.memory_space<hbm>>
    tpu.wait_dma2 semaphore(%dma_wait3A_605 : memref<!tpu.dma_semaphore, #tpu.memory_space<semaphore_mem>>) src(%dma_wait3A_606 : memref<16384xf32, #tpu.memory_space<hbm>>) dst(%arg8 : memref<16384xf32, #tpu.memory_space<vmem>>)
    %scan3A_607 = arith.constant 0 : i32
    %scan3A_608 = arith.constant 0 : i32
    %scan3A_609 = arith.constant 128 : i32
    %scan3A_610 = arith.addi %scan3A_608, %scan3A_609 : i32
    %scan3A_611 = arith.constant 1 : i32
    scf.for %scan3A_735 = %scan3A_608 to %scan3A_610 step %scan3A_611  : i32 {
      %mul3A_736 = arith.constant 128 : i32
      %mul3A_737 = arith.muli %scan3A_735, %mul3A_736 : i32
      %add3A_738 = arith.constant 0 : i32
      %add3A_739 = arith.addi %mul3A_737, %add3A_738 : i32
      %get3A = arith.index_cast %add3A_739 : i32 to index
      %get3A_740 = tpu.vector_load %arg5[%get3A] {strides = array<i32>} : memref<16384xf32, #tpu.memory_space<vmem>>, vector<16xf32>,
      %get3A_741 = vector.shape_cast %get3A_740 : vector<16xf32> to vector<16xf32>
      %swap3A = arith.index_cast %add3A_739 : i32 to index
      %swap3A_742 = tpu.vector_load %arg8[%swap3A] {strides = array<i32>} : memref<16384xf32, #tpu.memory_space<vmem>>, vector<16xf32>,
      %swap3A_743 = vector.shape_cast %swap3A_742 : vector<16xf32> to vector<16xf32>
      %swap3A_744 = vector.shape_cast %get3A_741 : vector<16xf32> to vector<16xf32>
      tpu.vector_store %arg8[%swap3A], %swap3A_744 {add = true, strides = array<i32>} : memref<16384xf32, #tpu.memory_space<vmem>>, vector<16xf32>,
      %mul3A_745 = arith.constant 128 : i32
      %mul3A_746 = arith.muli %scan3A_735, %mul3A_745 : i32
      %add3A_747 = arith.constant 16 : i32
      %add3A_748 = arith.addi %mul3A_746, %add3A_747 : i32
      %get3A_749 = arith.index_cast %add3A_748 : i32 to index
      %get3A_750 = tpu.vector_load %arg5[%get3A_749] {strides = array<i32>} : memref<16384xf32, #tpu.memory_space<vmem>>, vector<16xf32>,
      %get3A_751 = vector.shape_cast %get3A_750 : vector<16xf32> to vector<16xf32>
      %swap3A_752 = arith.index_cast %add3A_748 : i32 to index
      %swap3A_753 = tpu.vector_load %arg8[%swap3A_752] {strides = array<i32>} : memref<16384xf32, #tpu.memory_space<vmem>>, vector<16xf32>,
      %swap3A_754 = vector.shape_cast %swap3A_753 : vector<16xf32> to vector<16xf32>
      %swap3A_755 = vector.shape_cast %get3A_751 : vector<16xf32> to vector<16xf32>
      tpu.vector_store %arg8[%swap3A_752], %swap3A_755 {add = true, strides = array<i32>} : memref<16384xf32, #tpu.memory_space<vmem>>, vector<16xf32>,
      %mul3A_756 = arith.constant 128 : i32
      %mul3A_757 = arith.muli %scan3A_735, %mul3A_756 : i32
      %add3A_758 = arith.constant 32 : i32
      %add3A_759 = arith.addi %mul3A_757, %add3A_758 : i32
      %get3A_760 = arith.index_cast %add3A_759 : i32 to index
      %get3A_761 = tpu.vector_load %arg5[%get3A_760] {strides = array<i32>} : memref<16384xf32, #tpu.memory_space<vmem>>, vector<16xf32>,
      %get3A_762 = vector.shape_cast %get3A_761 : vector<16xf32> to vector<16xf32>
      %swap3A_763 = arith.index_cast %add3A_759 : i32 to index
      %swap3A_764 = tpu.vector_load %arg8[%swap3A_763] {strides = array<i32>} : memref<16384xf32, #tpu.memory_space<vmem>>, vector<16xf32>,
      %swap3A_765 = vector.shape_cast %swap3A_764 : vector<16xf32> to vector<16xf32>
      %swap3A_766 = vector.shape_cast %get3A_762 : vector<16xf32> to vector<16xf32>
      tpu.vector_store %arg8[%swap3A_763], %swap3A_766 {add = true, strides = array<i32>} : memref<16384xf32, #tpu.memory_space<vmem>>, vector<16xf32>,
      %mul3A_767 = arith.constant 128 : i32
      %mul3A_768 = arith.muli %scan3A_735, %mul3A_767 : i32
      %add3A_769 = arith.constant 48 : i32
      %add3A_770 = arith.addi %mul3A_768, %add3A_769 : i32
      %get3A_771 = arith.index_cast %add3A_770 : i32 to index
      %get3A_772 = tpu.vector_load %arg5[%get3A_771] {strides = array<i32>} : memref<16384xf32, #tpu.memory_space<vmem>>, vector<16xf32>,
      %get3A_773 = vector.shape_cast %get3A_772 : vector<16xf32> to vector<16xf32>
      %swap3A_774 = arith.index_cast %add3A_770 : i32 to index
      %swap3A_775 = tpu.vector_load %arg8[%swap3A_774] {strides = array<i32>} : memref<16384xf32, #tpu.memory_space<vmem>>, vector<16xf32>,
      %swap3A_776 = vector.shape_cast %swap3A_775 : vector<16xf32> to vector<16xf32>
      %swap3A_777 = vector.shape_cast %get3A_773 : vector<16xf32> to vector<16xf32>
      tpu.vector_store %arg8[%swap3A_774], %swap3A_777 {add = true, strides = array<i32>} : memref<16384xf32, #tpu.memory_space<vmem>>, vector<16xf32>,
      %mul3A_778 = arith.constant 128 : i32
      %mul3A_779 = arith.muli %scan3A_735, %mul3A_778 : i32
      %add3A_780 = arith.constant 64 : i32
      %add3A_781 = arith.addi %mul3A_779, %add3A_780 : i32
      %get3A_782 = arith.index_cast %add3A_781 : i32 to index
      %get3A_783 = tpu.vector_load %arg5[%get3A_782] {strides = array<i32>} : memref<16384xf32, #tpu.memory_space<vmem>>, vector<16xf32>,
      %get3A_784 = vector.shape_cast %get3A_783 : vector<16xf32> to vector<16xf32>
      %swap3A_785 = arith.index_cast %add3A_781 : i32 to index
      %swap3A_786 = tpu.vector_load %arg8[%swap3A_785] {strides = array<i32>} : memref<16384xf32, #tpu.memory_space<vmem>>, vector<16xf32>,
      %swap3A_787 = vector.shape_cast %swap3A_786 : vector<16xf32> to vector<16xf32>
      %swap3A_788 = vector.shape_cast %get3A_784 : vector<16xf32> to vector<16xf32>
      tpu.vector_store %arg8[%swap3A_785], %swap3A_788 {add = true, strides = array<i32>} : memref<16384xf32, #tpu.memory_space<vmem>>, vector<16xf32>,
      %mul3A_789 = arith.constant 128 : i32
      %mul3A_790 = arith.muli %scan3A_735, %mul3A_789 : i32
      %add3A_791 = arith.constant 80 : i32
      %add3A_792 = arith.addi %mul3A_790, %add3A_791 : i32
      %get3A_793 = arith.index_cast %add3A_792 : i32 to index
      %get3A_794 = tpu.vector_load %arg5[%get3A_793] {strides = array<i32>} : memref<16384xf32, #tpu.memory_space<vmem>>, vector<16xf32>,
      %get3A_795 = vector.shape_cast %get3A_794 : vector<16xf32> to vector<16xf32>
      %swap3A_796 = arith.index_cast %add3A_792 : i32 to index
      %swap3A_797 = tpu.vector_load %arg8[%swap3A_796] {strides = array<i32>} : memref<16384xf32, #tpu.memory_space<vmem>>, vector<16xf32>,
      %swap3A_798 = vector.shape_cast %swap3A_797 : vector<16xf32> to vector<16xf32>
      %swap3A_799 = vector.shape_cast %get3A_795 : vector<16xf32> to vector<16xf32>
      tpu.vector_store %arg8[%swap3A_796], %swap3A_799 {add = true, strides = array<i32>} : memref<16384xf32, #tpu.memory_space<vmem>>, vector<16xf32>,
      %mul3A_800 = arith.constant 128 : i32
      %mul3A_801 = arith.muli %scan3A_735, %mul3A_800 : i32
      %add3A_802 = arith.constant 96 : i32
      %add3A_803 = arith.addi %mul3A_801, %add3A_802 : i32
      %get3A_804 = arith.index_cast %add3A_803 : i32 to index
      %get3A_805 = tpu.vector_load %arg5[%get3A_804] {strides = array<i32>} : memref<16384xf32, #tpu.memory_space<vmem>>, vector<16xf32>,
      %get3A_806 = vector.shape_cast %get3A_805 : vector<16xf32> to vector<16xf32>
      %swap3A_807 = arith.index_cast %add3A_803 : i32 to index
      %swap3A_808 = tpu.vector_load %arg8[%swap3A_807] {strides = array<i32>} : memref<16384xf32, #tpu.memory_space<vmem>>, vector<16xf32>,
      %swap3A_809 = vector.shape_cast %swap3A_808 : vector<16xf32> to vector<16xf32>
      %swap3A_810 = vector.shape_cast %get3A_806 : vector<16xf32> to vector<16xf32>
      tpu.vector_store %arg8[%swap3A_807], %swap3A_810 {add = true, strides = array<i32>} : memref<16384xf32, #tpu.memory_space<vmem>>, vector<16xf32>,
      %mul3A_811 = arith.constant 128 : i32
      %mul3A_812 = arith.muli %scan3A_735, %mul3A_811 : i32
      %add3A_813 = arith.constant 112 : i32
      %add3A_814 = arith.addi %mul3A_812, %add3A_813 : i32
      %get3A_815 = arith.index_cast %add3A_814 : i32 to index
      %get3A_816 = tpu.vector_load %arg5[%get3A_815] {strides = array<i32>} : memref<16384xf32, #tpu.memory_space<vmem>>, vector<16xf32>,
      %get3A_817 = vector.shape_cast %get3A_816 : vector<16xf32> to vector<16xf32>
      %swap3A_818 = arith.index_cast %add3A_814 : i32 to index
      %swap3A_819 = tpu.vector_load %arg8[%swap3A_818] {strides = array<i32>} : memref<16384xf32, #tpu.memory_space<vmem>>, vector<16xf32>,
      %swap3A_820 = vector.shape_cast %swap3A_819 : vector<16xf32> to vector<16xf32>
      %swap3A_821 = vector.shape_cast %get3A_817 : vector<16xf32> to vector<16xf32>
      tpu.vector_store %arg8[%swap3A_818], %swap3A_821 {add = true, strides = array<i32>} : memref<16384xf32, #tpu.memory_space<vmem>>, vector<16xf32>,
    }
    %scan3A_612 = arith.constant 128 : i32
    %dma_start3A_613 = arith.constant 0 : i32
    %dma_start3A_614 = tpu.memref_slice %arg4[%add3A_573] : memref<8388608xf32, #tpu.memory_space<hbm>> -> memref<16384xf32, #tpu.memory_space<hbm>>
    %dma_start3A_615 = tpu.memref_slice %arg13[%dma_start3A_613] : memref<3x!tpu.dma_semaphore, #tpu.memory_space<semaphore_mem>> -> memref<1x!tpu.dma_semaphore, #tpu.memory_space<semaphore_mem>>
    %dma_start3A_616 = tpu.memref_squeeze %dma_start3A_615 : memref<1x!tpu.dma_semaphore, #tpu.memory_space<semaphore_mem>> -> memref<!tpu.dma_semaphore, #tpu.memory_space<semaphore_mem>>
    %dma_start3A_617 = tpu.memref_slice %arg4[%add3A_573] : memref<8388608xf32, #tpu.memory_space<hbm>> -> memref<16384xf32, #tpu.memory_space<hbm>>
    tpu.enqueue_dma source(%arg8 : memref<16384xf32, #tpu.memory_space<vmem>>) target(%dma_start3A_617 : memref<16384xf32, #tpu.memory_space<hbm>>) target_semaphore(%dma_start3A_616 : memref<!tpu.dma_semaphore, #tpu.memory_space<semaphore_mem>>)
    %add3A_618 = arith.constant 212992 : i32
    %add3A_619 = arith.addi %mul3A_2, %add3A_618 : i32
    %add3A_620 = arith.constant 196608 : i32
    %add3A_621 = arith.addi %mul3A_2, %add3A_620 : i32
    %dma_wait3A_622 = arith.constant 0 : i32
    %dma_wait3A_623 = tpu.memref_slice %arg4[%add3A_621] : memref<8388608xf32, #tpu.memory_space<hbm>> -> memref<16384xf32, #tpu.memory_space<hbm>>
    %dma_wait3A_624 = tpu.memref_slice %arg13[%dma_wait3A_622] : memref<3x!tpu.dma_semaphore, #tpu.memory_space<semaphore_mem>> -> memref<1x!tpu.dma_semaphore, #tpu.memory_space<semaphore_mem>>
    %dma_wait3A_625 = tpu.memref_squeeze %dma_wait3A_624 : memref<1x!tpu.dma_semaphore, #tpu.memory_space<semaphore_mem>> -> memref<!tpu.dma_semaphore, #tpu.memory_space<semaphore_mem>>
    %dma_wait3A_626 = tpu.memref_slice %arg4[%add3A_621] : memref<8388608xf32, #tpu.memory_space<hbm>> -> memref<16384xf32, #tpu.memory_space<hbm>>
    tpu.wait_dma2 semaphore(%dma_wait3A_625 : memref<!tpu.dma_semaphore, #tpu.memory_space<semaphore_mem>>) src(%arg8 : memref<16384xf32, #tpu.memory_space<vmem>>) dst(%dma_wait3A_626 : memref<16384xf32, #tpu.memory_space<hbm>>)
    %add3A_627 = arith.constant 245760 : i32
    %add3A_628 = arith.addi %mul3A_2, %add3A_627 : i32
    %rem3A_629 = arith.constant 2097152 : i32
    %rem3A_630 = arith.remsi %add3A_628, %rem3A_629 : i32
    %dma_start3A_631 = arith.constant 0 : i32
    %dma_start3A_632 = tpu.memref_slice %arg2[%add3A_628] : memref<8388608xf32, #tpu.memory_space<hbm>> -> memref<16384xf32, #tpu.memory_space<hbm>>
    %dma_start3A_633 = tpu.memref_slice %arg11[%dma_start3A_631] : memref<3x!tpu.dma_semaphore, #tpu.memory_space<semaphore_mem>> -> memref<1x!tpu.dma_semaphore, #tpu.memory_space<semaphore_mem>>
    %dma_start3A_634 = tpu.memref_squeeze %dma_start3A_633 : memref<1x!tpu.dma_semaphore, #tpu.memory_space<semaphore_mem>> -> memref<!tpu.dma_semaphore, #tpu.memory_space<semaphore_mem>>
    %dma_start3A_635 = tpu.memref_slice %arg2[%add3A_628] : memref<8388608xf32, #tpu.memory_space<hbm>> -> memref<16384xf32, #tpu.memory_space<hbm>>
    tpu.enqueue_dma source(%dma_start3A_635 : memref<16384xf32, #tpu.memory_space<hbm>>) target(%arg5 : memref<16384xf32, #tpu.memory_space<vmem>>) target_semaphore(%dma_start3A_634 : memref<!tpu.dma_semaphore, #tpu.memory_space<semaphore_mem>>)
    %dma_start3A_636 = arith.constant 0 : i32
    %dma_start3A_637 = tpu.memref_slice %arg3[%rem3A_630] : memref<2097152xf32, #tpu.memory_space<hbm>> -> memref<16384xf32, #tpu.memory_space<hbm>>
    %dma_start3A_638 = tpu.memref_slice %arg12[%dma_start3A_636] : memref<3x!tpu.dma_semaphore, #tpu.memory_space<semaphore_mem>> -> memref<1x!tpu.dma_semaphore, #tpu.memory_space<semaphore_mem>>
    %dma_start3A_639 = tpu.memref_squeeze %dma_start3A_638 : memref<1x!tpu.dma_semaphore, #tpu.memory_space<semaphore_mem>> -> memref<!tpu.dma_semaphore, #tpu.memory_space<semaphore_mem>>
    %dma_start3A_640 = tpu.memref_slice %arg3[%rem3A_630] : memref<2097152xf32, #tpu.memory_space<hbm>> -> memref<16384xf32, #tpu.memory_space<hbm>>
    tpu.enqueue_dma source(%dma_start3A_640 : memref<16384xf32, #tpu.memory_space<hbm>>) target(%arg8 : memref<16384xf32, #tpu.memory_space<vmem>>) target_semaphore(%dma_start3A_639 : memref<!tpu.dma_semaphore, #tpu.memory_space<semaphore_mem>>)
    %dma_wait3A_641 = arith.constant 1 : i32
    %dma_wait3A_642 = tpu.memref_slice %arg2[%add3A_619] : memref<8388608xf32, #tpu.memory_space<hbm>> -> memref<16384xf32, #tpu.memory_space<hbm>>
    %dma_wait3A_643 = tpu.memref_slice %arg11[%dma_wait3A_641] : memref<3x!tpu.dma_semaphore, #tpu.memory_space<semaphore_mem>> -> memref<1x!tpu.dma_semaphore, #tpu.memory_space<semaphore_mem>>
    %dma_wait3A_644 = tpu.memref_squeeze %dma_wait3A_643 : memref<1x!tpu.dma_semaphore, #tpu.memory_space<semaphore_mem>> -> memref<!tpu.dma_semaphore, #tpu.memory_space<semaphore_mem>>
    %dma_wait3A_645 = tpu.memref_slice %arg2[%add3A_619] : memref<8388608xf32, #tpu.memory_space<hbm>> -> memref<16384xf32, #tpu.memory_space<hbm>>
    tpu.wait_dma2 semaphore(%dma_wait3A_644 : memref<!tpu.dma_semaphore, #tpu.memory_space<semaphore_mem>>) src(%dma_wait3A_645 : memref<16384xf32, #tpu.memory_space<hbm>>) dst(%arg6 : memref<16384xf32, #tpu.memory_space<vmem>>)
    %rem3A_646 = arith.constant 2097152 : i32
    %rem3A_647 = arith.remsi %add3A_619, %rem3A_646 : i32
    %dma_wait3A_648 = arith.constant 1 : i32
    %dma_wait3A_649 = tpu.memref_slice %arg3[%rem3A_647] : memref<2097152xf32, #tpu.memory_space<hbm>> -> memref<16384xf32, #tpu.memory_space<hbm>>
    %dma_wait3A_650 = tpu.memref_slice %arg12[%dma_wait3A_648] : memref<3x!tpu.dma_semaphore, #tpu.memory_space<semaphore_mem>> -> memref<1x!tpu.dma_semaphore, #tpu.memory_space<semaphore_mem>>
    %dma_wait3A_651 = tpu.memref_squeeze %dma_wait3A_650 : memref<1x!tpu.dma_semaphore, #tpu.memory_space<semaphore_mem>> -> memref<!tpu.dma_semaphore, #tpu.memory_space<semaphore_mem>>
    %dma_wait3A_652 = tpu.memref_slice %arg3[%rem3A_647] : memref<2097152xf32, #tpu.memory_space<hbm>> -> memref<16384xf32, #tpu.memory_space<hbm>>
    tpu.wait_dma2 semaphore(%dma_wait3A_651 : memref<!tpu.dma_semaphore, #tpu.memory_space<semaphore_mem>>) src(%dma_wait3A_652 : memref<16384xf32, #tpu.memory_space<hbm>>) dst(%arg9 : memref<16384xf32, #tpu.memory_space<vmem>>)
    %scan3A_653 = arith.constant 0 : i32
    %scan3A_654 = arith.constant 0 : i32
    %scan3A_655 = arith.constant 128 : i32
    %scan3A_656 = arith.addi %scan3A_654, %scan3A_655 : i32
    %scan3A_657 = arith.constant 1 : i32
    scf.for %scan3A_735 = %scan3A_654 to %scan3A_656 step %scan3A_657  : i32 {
      %mul3A_736 = arith.constant 128 : i32
      %mul3A_737 = arith.muli %scan3A_735, %mul3A_736 : i32
      %add3A_738 = arith.constant 0 : i32
      %add3A_739 = arith.addi %mul3A_737, %add3A_738 : i32
      %get3A = arith.index_cast %add3A_739 : i32 to index
      %get3A_740 = tpu.vector_load %arg6[%get3A] {strides = array<i32>} : memref<16384xf32, #tpu.memory_space<vmem>>, vector<16xf32>,
      %get3A_741 = vector.shape_cast %get3A_740 : vector<16xf32> to vector<16xf32>
      %swap3A = arith.index_cast %add3A_739 : i32 to index
      %swap3A_742 = tpu.vector_load %arg9[%swap3A] {strides = array<i32>} : memref<16384xf32, #tpu.memory_space<vmem>>, vector<16xf32>,
      %swap3A_743 = vector.shape_cast %swap3A_742 : vector<16xf32> to vector<16xf32>
      %swap3A_744 = vector.shape_cast %get3A_741 : vector<16xf32> to vector<16xf32>
      tpu.vector_store %arg9[%swap3A], %swap3A_744 {add = true, strides = array<i32>} : memref<16384xf32, #tpu.memory_space<vmem>>, vector<16xf32>,
      %mul3A_745 = arith.constant 128 : i32
      %mul3A_746 = arith.muli %scan3A_735, %mul3A_745 : i32
      %add3A_747 = arith.constant 16 : i32
      %add3A_748 = arith.addi %mul3A_746, %add3A_747 : i32
      %get3A_749 = arith.index_cast %add3A_748 : i32 to index
      %get3A_750 = tpu.vector_load %arg6[%get3A_749] {strides = array<i32>} : memref<16384xf32, #tpu.memory_space<vmem>>, vector<16xf32>,
      %get3A_751 = vector.shape_cast %get3A_750 : vector<16xf32> to vector<16xf32>
      %swap3A_752 = arith.index_cast %add3A_748 : i32 to index
      %swap3A_753 = tpu.vector_load %arg9[%swap3A_752] {strides = array<i32>} : memref<16384xf32, #tpu.memory_space<vmem>>, vector<16xf32>,
      %swap3A_754 = vector.shape_cast %swap3A_753 : vector<16xf32> to vector<16xf32>
      %swap3A_755 = vector.shape_cast %get3A_751 : vector<16xf32> to vector<16xf32>
      tpu.vector_store %arg9[%swap3A_752], %swap3A_755 {add = true, strides = array<i32>} : memref<16384xf32, #tpu.memory_space<vmem>>, vector<16xf32>,
      %mul3A_756 = arith.constant 128 : i32
      %mul3A_757 = arith.muli %scan3A_735, %mul3A_756 : i32
      %add3A_758 = arith.constant 32 : i32
      %add3A_759 = arith.addi %mul3A_757, %add3A_758 : i32
      %get3A_760 = arith.index_cast %add3A_759 : i32 to index
      %get3A_761 = tpu.vector_load %arg6[%get3A_760] {strides = array<i32>} : memref<16384xf32, #tpu.memory_space<vmem>>, vector<16xf32>,
      %get3A_762 = vector.shape_cast %get3A_761 : vector<16xf32> to vector<16xf32>
      %swap3A_763 = arith.index_cast %add3A_759 : i32 to index
      %swap3A_764 = tpu.vector_load %arg9[%swap3A_763] {strides = array<i32>} : memref<16384xf32, #tpu.memory_space<vmem>>, vector<16xf32>,
      %swap3A_765 = vector.shape_cast %swap3A_764 : vector<16xf32> to vector<16xf32>
      %swap3A_766 = vector.shape_cast %get3A_762 : vector<16xf32> to vector<16xf32>
      tpu.vector_store %arg9[%swap3A_763], %swap3A_766 {add = true, strides = array<i32>} : memref<16384xf32, #tpu.memory_space<vmem>>, vector<16xf32>,
      %mul3A_767 = arith.constant 128 : i32
      %mul3A_768 = arith.muli %scan3A_735, %mul3A_767 : i32
      %add3A_769 = arith.constant 48 : i32
      %add3A_770 = arith.addi %mul3A_768, %add3A_769 : i32
      %get3A_771 = arith.index_cast %add3A_770 : i32 to index
      %get3A_772 = tpu.vector_load %arg6[%get3A_771] {strides = array<i32>} : memref<16384xf32, #tpu.memory_space<vmem>>, vector<16xf32>,
      %get3A_773 = vector.shape_cast %get3A_772 : vector<16xf32> to vector<16xf32>
      %swap3A_774 = arith.index_cast %add3A_770 : i32 to index
      %swap3A_775 = tpu.vector_load %arg9[%swap3A_774] {strides = array<i32>} : memref<16384xf32, #tpu.memory_space<vmem>>, vector<16xf32>,
      %swap3A_776 = vector.shape_cast %swap3A_775 : vector<16xf32> to vector<16xf32>
      %swap3A_777 = vector.shape_cast %get3A_773 : vector<16xf32> to vector<16xf32>
      tpu.vector_store %arg9[%swap3A_774], %swap3A_777 {add = true, strides = array<i32>} : memref<16384xf32, #tpu.memory_space<vmem>>, vector<16xf32>,
      %mul3A_778 = arith.constant 128 : i32
      %mul3A_779 = arith.muli %scan3A_735, %mul3A_778 : i32
      %add3A_780 = arith.constant 64 : i32
      %add3A_781 = arith.addi %mul3A_779, %add3A_780 : i32
      %get3A_782 = arith.index_cast %add3A_781 : i32 to index
      %get3A_783 = tpu.vector_load %arg6[%get3A_782] {strides = array<i32>} : memref<16384xf32, #tpu.memory_space<vmem>>, vector<16xf32>,
      %get3A_784 = vector.shape_cast %get3A_783 : vector<16xf32> to vector<16xf32>
      %swap3A_785 = arith.index_cast %add3A_781 : i32 to index
      %swap3A_786 = tpu.vector_load %arg9[%swap3A_785] {strides = array<i32>} : memref<16384xf32, #tpu.memory_space<vmem>>, vector<16xf32>,
      %swap3A_787 = vector.shape_cast %swap3A_786 : vector<16xf32> to vector<16xf32>
      %swap3A_788 = vector.shape_cast %get3A_784 : vector<16xf32> to vector<16xf32>
      tpu.vector_store %arg9[%swap3A_785], %swap3A_788 {add = true, strides = array<i32>} : memref<16384xf32, #tpu.memory_space<vmem>>, vector<16xf32>,
      %mul3A_789 = arith.constant 128 : i32
      %mul3A_790 = arith.muli %scan3A_735, %mul3A_789 : i32
      %add3A_791 = arith.constant 80 : i32
      %add3A_792 = arith.addi %mul3A_790, %add3A_791 : i32
      %get3A_793 = arith.index_cast %add3A_792 : i32 to index
      %get3A_794 = tpu.vector_load %arg6[%get3A_793] {strides = array<i32>} : memref<16384xf32, #tpu.memory_space<vmem>>, vector<16xf32>,
      %get3A_795 = vector.shape_cast %get3A_794 : vector<16xf32> to vector<16xf32>
      %swap3A_796 = arith.index_cast %add3A_792 : i32 to index
      %swap3A_797 = tpu.vector_load %arg9[%swap3A_796] {strides = array<i32>} : memref<16384xf32, #tpu.memory_space<vmem>>, vector<16xf32>,
      %swap3A_798 = vector.shape_cast %swap3A_797 : vector<16xf32> to vector<16xf32>
      %swap3A_799 = vector.shape_cast %get3A_795 : vector<16xf32> to vector<16xf32>
      tpu.vector_store %arg9[%swap3A_796], %swap3A_799 {add = true, strides = array<i32>} : memref<16384xf32, #tpu.memory_space<vmem>>, vector<16xf32>,
      %mul3A_800 = arith.constant 128 : i32
      %mul3A_801 = arith.muli %scan3A_735, %mul3A_800 : i32
      %add3A_802 = arith.constant 96 : i32
      %add3A_803 = arith.addi %mul3A_801, %add3A_802 : i32
      %get3A_804 = arith.index_cast %add3A_803 : i32 to index
      %get3A_805 = tpu.vector_load %arg6[%get3A_804] {strides = array<i32>} : memref<16384xf32, #tpu.memory_space<vmem>>, vector<16xf32>,
      %get3A_806 = vector.shape_cast %get3A_805 : vector<16xf32> to vector<16xf32>
      %swap3A_807 = arith.index_cast %add3A_803 : i32 to index
      %swap3A_808 = tpu.vector_load %arg9[%swap3A_807] {strides = array<i32>} : memref<16384xf32, #tpu.memory_space<vmem>>, vector<16xf32>,
      %swap3A_809 = vector.shape_cast %swap3A_808 : vector<16xf32> to vector<16xf32>
      %swap3A_810 = vector.shape_cast %get3A_806 : vector<16xf32> to vector<16xf32>
      tpu.vector_store %arg9[%swap3A_807], %swap3A_810 {add = true, strides = array<i32>} : memref<16384xf32, #tpu.memory_space<vmem>>, vector<16xf32>,
      %mul3A_811 = arith.constant 128 : i32
      %mul3A_812 = arith.muli %scan3A_735, %mul3A_811 : i32
      %add3A_813 = arith.constant 112 : i32
      %add3A_814 = arith.addi %mul3A_812, %add3A_813 : i32
      %get3A_815 = arith.index_cast %add3A_814 : i32 to index
      %get3A_816 = tpu.vector_load %arg6[%get3A_815] {strides = array<i32>} : memref<16384xf32, #tpu.memory_space<vmem>>, vector<16xf32>,
      %get3A_817 = vector.shape_cast %get3A_816 : vector<16xf32> to vector<16xf32>
      %swap3A_818 = arith.index_cast %add3A_814 : i32 to index
      %swap3A_819 = tpu.vector_load %arg9[%swap3A_818] {strides = array<i32>} : memref<16384xf32, #tpu.memory_space<vmem>>, vector<16xf32>,
      %swap3A_820 = vector.shape_cast %swap3A_819 : vector<16xf32> to vector<16xf32>
      %swap3A_821 = vector.shape_cast %get3A_817 : vector<16xf32> to vector<16xf32>
      tpu.vector_store %arg9[%swap3A_818], %swap3A_821 {add = true, strides = array<i32>} : memref<16384xf32, #tpu.memory_space<vmem>>, vector<16xf32>,
    }
    %scan3A_658 = arith.constant 128 : i32
    %dma_start3A_659 = arith.constant 1 : i32
    %dma_start3A_660 = tpu.memref_slice %arg4[%add3A_619] : memref<8388608xf32, #tpu.memory_space<hbm>> -> memref<16384xf32, #tpu.memory_space<hbm>>
    %dma_start3A_661 = tpu.memref_slice %arg13[%dma_start3A_659] : memref<3x!tpu.dma_semaphore, #tpu.memory_space<semaphore_mem>> -> memref<1x!tpu.dma_semaphore, #tpu.memory_space<semaphore_mem>>
    %dma_start3A_662 = tpu.memref_squeeze %dma_start3A_661 : memref<1x!tpu.dma_semaphore, #tpu.memory_space<semaphore_mem>> -> memref<!tpu.dma_semaphore, #tpu.memory_space<semaphore_mem>>
    %dma_start3A_663 = tpu.memref_slice %arg4[%add3A_619] : memref<8388608xf32, #tpu.memory_space<hbm>> -> memref<16384xf32, #tpu.memory_space<hbm>>
    tpu.enqueue_dma source(%arg9 : memref<16384xf32, #tpu.memory_space<vmem>>) target(%dma_start3A_663 : memref<16384xf32, #tpu.memory_space<hbm>>) target_semaphore(%dma_start3A_662 : memref<!tpu.dma_semaphore, #tpu.memory_space<semaphore_mem>>)
    %add3A_664 = arith.constant 229376 : i32
    %add3A_665 = arith.addi %mul3A_2, %add3A_664 : i32
    %dma_wait3A_666 = arith.constant 2 : i32
    %dma_wait3A_667 = tpu.memref_slice %arg2[%add3A_665] : memref<8388608xf32, #tpu.memory_space<hbm>> -> memref<16384xf32, #tpu.memory_space<hbm>>
    %dma_wait3A_668 = tpu.memref_slice %arg11[%dma_wait3A_666] : memref<3x!tpu.dma_semaphore, #tpu.memory_space<semaphore_mem>> -> memref<1x!tpu.dma_semaphore, #tpu.memory_space<semaphore_mem>>
    %dma_wait3A_669 = tpu.memref_squeeze %dma_wait3A_668 : memref<1x!tpu.dma_semaphore, #tpu.memory_space<semaphore_mem>> -> memref<!tpu.dma_semaphore, #tpu.memory_space<semaphore_mem>>
    %dma_wait3A_670 = tpu.memref_slice %arg2[%add3A_665] : memref<8388608xf32, #tpu.memory_space<hbm>> -> memref<16384xf32, #tpu.memory_space<hbm>>
    tpu.wait_dma2 semaphore(%dma_wait3A_669 : memref<!tpu.dma_semaphore, #tpu.memory_space<semaphore_mem>>) src(%dma_wait3A_670 : memref<16384xf32, #tpu.memory_space<hbm>>) dst(%arg7 : memref<16384xf32, #tpu.memory_space<vmem>>)
    %rem3A_671 = arith.constant 2097152 : i32
    %rem3A_672 = arith.remsi %add3A_665, %rem3A_671 : i32
    %dma_wait3A_673 = arith.constant 2 : i32
    %dma_wait3A_674 = tpu.memref_slice %arg3[%rem3A_672] : memref<2097152xf32, #tpu.memory_space<hbm>> -> memref<16384xf32, #tpu.memory_space<hbm>>
    %dma_wait3A_675 = tpu.memref_slice %arg12[%dma_wait3A_673] : memref<3x!tpu.dma_semaphore, #tpu.memory_space<semaphore_mem>> -> memref<1x!tpu.dma_semaphore, #tpu.memory_space<semaphore_mem>>
    %dma_wait3A_676 = tpu.memref_squeeze %dma_wait3A_675 : memref<1x!tpu.dma_semaphore, #tpu.memory_space<semaphore_mem>> -> memref<!tpu.dma_semaphore, #tpu.memory_space<semaphore_mem>>
    %dma_wait3A_677 = tpu.memref_slice %arg3[%rem3A_672] : memref<2097152xf32, #tpu.memory_space<hbm>> -> memref<16384xf32, #tpu.memory_space<hbm>>
    tpu.wait_dma2 semaphore(%dma_wait3A_676 : memref<!tpu.dma_semaphore, #tpu.memory_space<semaphore_mem>>) src(%dma_wait3A_677 : memref<16384xf32, #tpu.memory_space<hbm>>) dst(%arg10 : memref<16384xf32, #tpu.memory_space<vmem>>)
    %scan3A_678 = arith.constant 0 : i32
    %scan3A_679 = arith.constant 0 : i32
    %scan3A_680 = arith.constant 128 : i32
    %scan3A_681 = arith.addi %scan3A_679, %scan3A_680 : i32
    %scan3A_682 = arith.constant 1 : i32
    scf.for %scan3A_735 = %scan3A_679 to %scan3A_681 step %scan3A_682  : i32 {
      %mul3A_736 = arith.constant 128 : i32
      %mul3A_737 = arith.muli %scan3A_735, %mul3A_736 : i32
      %add3A_738 = arith.constant 0 : i32
      %add3A_739 = arith.addi %mul3A_737, %add3A_738 : i32
      %get3A = arith.index_cast %add3A_739 : i32 to index
      %get3A_740 = tpu.vector_load %arg7[%get3A] {strides = array<i32>} : memref<16384xf32, #tpu.memory_space<vmem>>, vector<16xf32>,
      %get3A_741 = vector.shape_cast %get3A_740 : vector<16xf32> to vector<16xf32>
      %swap3A = arith.index_cast %add3A_739 : i32 to index
      %swap3A_742 = tpu.vector_load %arg10[%swap3A] {strides = array<i32>} : memref<16384xf32, #tpu.memory_space<vmem>>, vector<16xf32>,
      %swap3A_743 = vector.shape_cast %swap3A_742 : vector<16xf32> to vector<16xf32>
      %swap3A_744 = vector.shape_cast %get3A_741 : vector<16xf32> to vector<16xf32>
      tpu.vector_store %arg10[%swap3A], %swap3A_744 {add = true, strides = array<i32>} : memref<16384xf32, #tpu.memory_space<vmem>>, vector<16xf32>,
      %mul3A_745 = arith.constant 128 : i32
      %mul3A_746 = arith.muli %scan3A_735, %mul3A_745 : i32
      %add3A_747 = arith.constant 16 : i32
      %add3A_748 = arith.addi %mul3A_746, %add3A_747 : i32
      %get3A_749 = arith.index_cast %add3A_748 : i32 to index
      %get3A_750 = tpu.vector_load %arg7[%get3A_749] {strides = array<i32>} : memref<16384xf32, #tpu.memory_space<vmem>>, vector<16xf32>,
      %get3A_751 = vector.shape_cast %get3A_750 : vector<16xf32> to vector<16xf32>
      %swap3A_752 = arith.index_cast %add3A_748 : i32 to index
      %swap3A_753 = tpu.vector_load %arg10[%swap3A_752] {strides = array<i32>} : memref<16384xf32, #tpu.memory_space<vmem>>, vector<16xf32>,
      %swap3A_754 = vector.shape_cast %swap3A_753 : vector<16xf32> to vector<16xf32>
      %swap3A_755 = vector.shape_cast %get3A_751 : vector<16xf32> to vector<16xf32>
      tpu.vector_store %arg10[%swap3A_752], %swap3A_755 {add = true, strides = array<i32>} : memref<16384xf32, #tpu.memory_space<vmem>>, vector<16xf32>,
      %mul3A_756 = arith.constant 128 : i32
      %mul3A_757 = arith.muli %scan3A_735, %mul3A_756 : i32
      %add3A_758 = arith.constant 32 : i32
      %add3A_759 = arith.addi %mul3A_757, %add3A_758 : i32
      %get3A_760 = arith.index_cast %add3A_759 : i32 to index
      %get3A_761 = tpu.vector_load %arg7[%get3A_760] {strides = array<i32>} : memref<16384xf32, #tpu.memory_space<vmem>>, vector<16xf32>,
      %get3A_762 = vector.shape_cast %get3A_761 : vector<16xf32> to vector<16xf32>
      %swap3A_763 = arith.index_cast %add3A_759 : i32 to index
      %swap3A_764 = tpu.vector_load %arg10[%swap3A_763] {strides = array<i32>} : memref<16384xf32, #tpu.memory_space<vmem>>, vector<16xf32>,
      %swap3A_765 = vector.shape_cast %swap3A_764 : vector<16xf32> to vector<16xf32>
      %swap3A_766 = vector.shape_cast %get3A_762 : vector<16xf32> to vector<16xf32>
      tpu.vector_store %arg10[%swap3A_763], %swap3A_766 {add = true, strides = array<i32>} : memref<16384xf32, #tpu.memory_space<vmem>>, vector<16xf32>,
      %mul3A_767 = arith.constant 128 : i32
      %mul3A_768 = arith.muli %scan3A_735, %mul3A_767 : i32
      %add3A_769 = arith.constant 48 : i32
      %add3A_770 = arith.addi %mul3A_768, %add3A_769 : i32
      %get3A_771 = arith.index_cast %add3A_770 : i32 to index
      %get3A_772 = tpu.vector_load %arg7[%get3A_771] {strides = array<i32>} : memref<16384xf32, #tpu.memory_space<vmem>>, vector<16xf32>,
      %get3A_773 = vector.shape_cast %get3A_772 : vector<16xf32> to vector<16xf32>
      %swap3A_774 = arith.index_cast %add3A_770 : i32 to index
      %swap3A_775 = tpu.vector_load %arg10[%swap3A_774] {strides = array<i32>} : memref<16384xf32, #tpu.memory_space<vmem>>, vector<16xf32>,
      %swap3A_776 = vector.shape_cast %swap3A_775 : vector<16xf32> to vector<16xf32>
      %swap3A_777 = vector.shape_cast %get3A_773 : vector<16xf32> to vector<16xf32>
      tpu.vector_store %arg10[%swap3A_774], %swap3A_777 {add = true, strides = array<i32>} : memref<16384xf32, #tpu.memory_space<vmem>>, vector<16xf32>,
      %mul3A_778 = arith.constant 128 : i32
      %mul3A_779 = arith.muli %scan3A_735, %mul3A_778 : i32
      %add3A_780 = arith.constant 64 : i32
      %add3A_781 = arith.addi %mul3A_779, %add3A_780 : i32
      %get3A_782 = arith.index_cast %add3A_781 : i32 to index
      %get3A_783 = tpu.vector_load %arg7[%get3A_782] {strides = array<i32>} : memref<16384xf32, #tpu.memory_space<vmem>>, vector<16xf32>,
      %get3A_784 = vector.shape_cast %get3A_783 : vector<16xf32> to vector<16xf32>
      %swap3A_785 = arith.index_cast %add3A_781 : i32 to index
      %swap3A_786 = tpu.vector_load %arg10[%swap3A_785] {strides = array<i32>} : memref<16384xf32, #tpu.memory_space<vmem>>, vector<16xf32>,
      %swap3A_787 = vector.shape_cast %swap3A_786 : vector<16xf32> to vector<16xf32>
      %swap3A_788 = vector.shape_cast %get3A_784 : vector<16xf32> to vector<16xf32>
      tpu.vector_store %arg10[%swap3A_785], %swap3A_788 {add = true, strides = array<i32>} : memref<16384xf32, #tpu.memory_space<vmem>>, vector<16xf32>,
      %mul3A_789 = arith.constant 128 : i32
      %mul3A_790 = arith.muli %scan3A_735, %mul3A_789 : i32
      %add3A_791 = arith.constant 80 : i32
      %add3A_792 = arith.addi %mul3A_790, %add3A_791 : i32
      %get3A_793 = arith.index_cast %add3A_792 : i32 to index
      %get3A_794 = tpu.vector_load %arg7[%get3A_793] {strides = array<i32>} : memref<16384xf32, #tpu.memory_space<vmem>>, vector<16xf32>,
      %get3A_795 = vector.shape_cast %get3A_794 : vector<16xf32> to vector<16xf32>
      %swap3A_796 = arith.index_cast %add3A_792 : i32 to index
      %swap3A_797 = tpu.vector_load %arg10[%swap3A_796] {strides = array<i32>} : memref<16384xf32, #tpu.memory_space<vmem>>, vector<16xf32>,
      %swap3A_798 = vector.shape_cast %swap3A_797 : vector<16xf32> to vector<16xf32>
      %swap3A_799 = vector.shape_cast %get3A_795 : vector<16xf32> to vector<16xf32>
      tpu.vector_store %arg10[%swap3A_796], %swap3A_799 {add = true, strides = array<i32>} : memref<16384xf32, #tpu.memory_space<vmem>>, vector<16xf32>,
      %mul3A_800 = arith.constant 128 : i32
      %mul3A_801 = arith.muli %scan3A_735, %mul3A_800 : i32
      %add3A_802 = arith.constant 96 : i32
      %add3A_803 = arith.addi %mul3A_801, %add3A_802 : i32
      %get3A_804 = arith.index_cast %add3A_803 : i32 to index
      %get3A_805 = tpu.vector_load %arg7[%get3A_804] {strides = array<i32>} : memref<16384xf32, #tpu.memory_space<vmem>>, vector<16xf32>,
      %get3A_806 = vector.shape_cast %get3A_805 : vector<16xf32> to vector<16xf32>
      %swap3A_807 = arith.index_cast %add3A_803 : i32 to index
      %swap3A_808 = tpu.vector_load %arg10[%swap3A_807] {strides = array<i32>} : memref<16384xf32, #tpu.memory_space<vmem>>, vector<16xf32>,
      %swap3A_809 = vector.shape_cast %swap3A_808 : vector<16xf32> to vector<16xf32>
      %swap3A_810 = vector.shape_cast %get3A_806 : vector<16xf32> to vector<16xf32>
      tpu.vector_store %arg10[%swap3A_807], %swap3A_810 {add = true, strides = array<i32>} : memref<16384xf32, #tpu.memory_space<vmem>>, vector<16xf32>,
      %mul3A_811 = arith.constant 128 : i32
      %mul3A_812 = arith.muli %scan3A_735, %mul3A_811 : i32
      %add3A_813 = arith.constant 112 : i32
      %add3A_814 = arith.addi %mul3A_812, %add3A_813 : i32
      %get3A_815 = arith.index_cast %add3A_814 : i32 to index
      %get3A_816 = tpu.vector_load %arg7[%get3A_815] {strides = array<i32>} : memref<16384xf32, #tpu.memory_space<vmem>>, vector<16xf32>,
      %get3A_817 = vector.shape_cast %get3A_816 : vector<16xf32> to vector<16xf32>
      %swap3A_818 = arith.index_cast %add3A_814 : i32 to index
      %swap3A_819 = tpu.vector_load %arg10[%swap3A_818] {strides = array<i32>} : memref<16384xf32, #tpu.memory_space<vmem>>, vector<16xf32>,
      %swap3A_820 = vector.shape_cast %swap3A_819 : vector<16xf32> to vector<16xf32>
      %swap3A_821 = vector.shape_cast %get3A_817 : vector<16xf32> to vector<16xf32>
      tpu.vector_store %arg10[%swap3A_818], %swap3A_821 {add = true, strides = array<i32>} : memref<16384xf32, #tpu.memory_space<vmem>>, vector<16xf32>,
    }
    %scan3A_683 = arith.constant 128 : i32
    %dma_start3A_684 = arith.constant 2 : i32
    %dma_start3A_685 = tpu.memref_slice %arg4[%add3A_665] : memref<8388608xf32, #tpu.memory_space<hbm>> -> memref<16384xf32, #tpu.memory_space<hbm>>
    %dma_start3A_686 = tpu.memref_slice %arg13[%dma_start3A_684] : memref<3x!tpu.dma_semaphore, #tpu.memory_space<semaphore_mem>> -> memref<1x!tpu.dma_semaphore, #tpu.memory_space<semaphore_mem>>
    %dma_start3A_687 = tpu.memref_squeeze %dma_start3A_686 : memref<1x!tpu.dma_semaphore, #tpu.memory_space<semaphore_mem>> -> memref<!tpu.dma_semaphore, #tpu.memory_space<semaphore_mem>>
    %dma_start3A_688 = tpu.memref_slice %arg4[%add3A_665] : memref<8388608xf32, #tpu.memory_space<hbm>> -> memref<16384xf32, #tpu.memory_space<hbm>>
    tpu.enqueue_dma source(%arg10 : memref<16384xf32, #tpu.memory_space<vmem>>) target(%dma_start3A_688 : memref<16384xf32, #tpu.memory_space<hbm>>) target_semaphore(%dma_start3A_687 : memref<!tpu.dma_semaphore, #tpu.memory_space<semaphore_mem>>)
    %add3A_689 = arith.constant 245760 : i32
    %add3A_690 = arith.addi %mul3A_2, %add3A_689 : i32
    %dma_wait3A_691 = arith.constant 0 : i32
    %dma_wait3A_692 = tpu.memref_slice %arg2[%add3A_690] : memref<8388608xf32, #tpu.memory_space<hbm>> -> memref<16384xf32, #tpu.memory_space<hbm>>
    %dma_wait3A_693 = tpu.memref_slice %arg11[%dma_wait3A_691] : memref<3x!tpu.dma_semaphore, #tpu.memory_space<semaphore_mem>> -> memref<1x!tpu.dma_semaphore, #tpu.memory_space<semaphore_mem>>
    %dma_wait3A_694 = tpu.memref_squeeze %dma_wait3A_693 : memref<1x!tpu.dma_semaphore, #tpu.memory_space<semaphore_mem>> -> memref<!tpu.dma_semaphore, #tpu.memory_space<semaphore_mem>>
    %dma_wait3A_695 = tpu.memref_slice %arg2[%add3A_690] : memref<8388608xf32, #tpu.memory_space<hbm>> -> memref<16384xf32, #tpu.memory_space<hbm>>
    tpu.wait_dma2 semaphore(%dma_wait3A_694 : memref<!tpu.dma_semaphore, #tpu.memory_space<semaphore_mem>>) src(%dma_wait3A_695 : memref<16384xf32, #tpu.memory_space<hbm>>) dst(%arg5 : memref<16384xf32, #tpu.memory_space<vmem>>)
    %rem3A_696 = arith.constant 2097152 : i32
    %rem3A_697 = arith.remsi %add3A_690, %rem3A_696 : i32
    %dma_wait3A_698 = arith.constant 0 : i32
    %dma_wait3A_699 = tpu.memref_slice %arg3[%rem3A_697] : memref<2097152xf32, #tpu.memory_space<hbm>> -> memref<16384xf32, #tpu.memory_space<hbm>>
    %dma_wait3A_700 = tpu.memref_slice %arg12[%dma_wait3A_698] : memref<3x!tpu.dma_semaphore, #tpu.memory_space<semaphore_mem>> -> memref<1x!tpu.dma_semaphore, #tpu.memory_space<semaphore_mem>>
    %dma_wait3A_701 = tpu.memref_squeeze %dma_wait3A_700 : memref<1x!tpu.dma_semaphore, #tpu.memory_space<semaphore_mem>> -> memref<!tpu.dma_semaphore, #tpu.memory_space<semaphore_mem>>
    %dma_wait3A_702 = tpu.memref_slice %arg3[%rem3A_697] : memref<2097152xf32, #tpu.memory_space<hbm>> -> memref<16384xf32, #tpu.memory_space<hbm>>
    tpu.wait_dma2 semaphore(%dma_wait3A_701 : memref<!tpu.dma_semaphore, #tpu.memory_space<semaphore_mem>>) src(%dma_wait3A_702 : memref<16384xf32, #tpu.memory_space<hbm>>) dst(%arg8 : memref<16384xf32, #tpu.memory_space<vmem>>)
    %scan3A_703 = arith.constant 0 : i32
    %scan3A_704 = arith.constant 0 : i32
    %scan3A_705 = arith.constant 128 : i32
    %scan3A_706 = arith.addi %scan3A_704, %scan3A_705 : i32
    %scan3A_707 = arith.constant 1 : i32
    scf.for %scan3A_735 = %scan3A_704 to %scan3A_706 step %scan3A_707  : i32 {
      %mul3A_736 = arith.constant 128 : i32
      %mul3A_737 = arith.muli %scan3A_735, %mul3A_736 : i32
      %add3A_738 = arith.constant 0 : i32
      %add3A_739 = arith.addi %mul3A_737, %add3A_738 : i32
      %get3A = arith.index_cast %add3A_739 : i32 to index
      %get3A_740 = tpu.vector_load %arg5[%get3A] {strides = array<i32>} : memref<16384xf32, #tpu.memory_space<vmem>>, vector<16xf32>,
      %get3A_741 = vector.shape_cast %get3A_740 : vector<16xf32> to vector<16xf32>
      %swap3A = arith.index_cast %add3A_739 : i32 to index
      %swap3A_742 = tpu.vector_load %arg8[%swap3A] {strides = array<i32>} : memref<16384xf32, #tpu.memory_space<vmem>>, vector<16xf32>,
      %swap3A_743 = vector.shape_cast %swap3A_742 : vector<16xf32> to vector<16xf32>
      %swap3A_744 = vector.shape_cast %get3A_741 : vector<16xf32> to vector<16xf32>
      tpu.vector_store %arg8[%swap3A], %swap3A_744 {add = true, strides = array<i32>} : memref<16384xf32, #tpu.memory_space<vmem>>, vector<16xf32>,
      %mul3A_745 = arith.constant 128 : i32
      %mul3A_746 = arith.muli %scan3A_735, %mul3A_745 : i32
      %add3A_747 = arith.constant 16 : i32
      %add3A_748 = arith.addi %mul3A_746, %add3A_747 : i32
      %get3A_749 = arith.index_cast %add3A_748 : i32 to index
      %get3A_750 = tpu.vector_load %arg5[%get3A_749] {strides = array<i32>} : memref<16384xf32, #tpu.memory_space<vmem>>, vector<16xf32>,
      %get3A_751 = vector.shape_cast %get3A_750 : vector<16xf32> to vector<16xf32>
      %swap3A_752 = arith.index_cast %add3A_748 : i32 to index
      %swap3A_753 = tpu.vector_load %arg8[%swap3A_752] {strides = array<i32>} : memref<16384xf32, #tpu.memory_space<vmem>>, vector<16xf32>,
      %swap3A_754 = vector.shape_cast %swap3A_753 : vector<16xf32> to vector<16xf32>
      %swap3A_755 = vector.shape_cast %get3A_751 : vector<16xf32> to vector<16xf32>
      tpu.vector_store %arg8[%swap3A_752], %swap3A_755 {add = true, strides = array<i32>} : memref<16384xf32, #tpu.memory_space<vmem>>, vector<16xf32>,
      %mul3A_756 = arith.constant 128 : i32
      %mul3A_757 = arith.muli %scan3A_735, %mul3A_756 : i32
      %add3A_758 = arith.constant 32 : i32
      %add3A_759 = arith.addi %mul3A_757, %add3A_758 : i32
      %get3A_760 = arith.index_cast %add3A_759 : i32 to index
      %get3A_761 = tpu.vector_load %arg5[%get3A_760] {strides = array<i32>} : memref<16384xf32, #tpu.memory_space<vmem>>, vector<16xf32>,
      %get3A_762 = vector.shape_cast %get3A_761 : vector<16xf32> to vector<16xf32>
      %swap3A_763 = arith.index_cast %add3A_759 : i32 to index
      %swap3A_764 = tpu.vector_load %arg8[%swap3A_763] {strides = array<i32>} : memref<16384xf32, #tpu.memory_space<vmem>>, vector<16xf32>,
      %swap3A_765 = vector.shape_cast %swap3A_764 : vector<16xf32> to vector<16xf32>
      %swap3A_766 = vector.shape_cast %get3A_762 : vector<16xf32> to vector<16xf32>
      tpu.vector_store %arg8[%swap3A_763], %swap3A_766 {add = true, strides = array<i32>} : memref<16384xf32, #tpu.memory_space<vmem>>, vector<16xf32>,
      %mul3A_767 = arith.constant 128 : i32
      %mul3A_768 = arith.muli %scan3A_735, %mul3A_767 : i32
      %add3A_769 = arith.constant 48 : i32
      %add3A_770 = arith.addi %mul3A_768, %add3A_769 : i32
      %get3A_771 = arith.index_cast %add3A_770 : i32 to index
      %get3A_772 = tpu.vector_load %arg5[%get3A_771] {strides = array<i32>} : memref<16384xf32, #tpu.memory_space<vmem>>, vector<16xf32>,
      %get3A_773 = vector.shape_cast %get3A_772 : vector<16xf32> to vector<16xf32>
      %swap3A_774 = arith.index_cast %add3A_770 : i32 to index
      %swap3A_775 = tpu.vector_load %arg8[%swap3A_774] {strides = array<i32>} : memref<16384xf32, #tpu.memory_space<vmem>>, vector<16xf32>,
      %swap3A_776 = vector.shape_cast %swap3A_775 : vector<16xf32> to vector<16xf32>
      %swap3A_777 = vector.shape_cast %get3A_773 : vector<16xf32> to vector<16xf32>
      tpu.vector_store %arg8[%swap3A_774], %swap3A_777 {add = true, strides = array<i32>} : memref<16384xf32, #tpu.memory_space<vmem>>, vector<16xf32>,
      %mul3A_778 = arith.constant 128 : i32
      %mul3A_779 = arith.muli %scan3A_735, %mul3A_778 : i32
      %add3A_780 = arith.constant 64 : i32
      %add3A_781 = arith.addi %mul3A_779, %add3A_780 : i32
      %get3A_782 = arith.index_cast %add3A_781 : i32 to index
      %get3A_783 = tpu.vector_load %arg5[%get3A_782] {strides = array<i32>} : memref<16384xf32, #tpu.memory_space<vmem>>, vector<16xf32>,
      %get3A_784 = vector.shape_cast %get3A_783 : vector<16xf32> to vector<16xf32>
      %swap3A_785 = arith.index_cast %add3A_781 : i32 to index
      %swap3A_786 = tpu.vector_load %arg8[%swap3A_785] {strides = array<i32>} : memref<16384xf32, #tpu.memory_space<vmem>>, vector<16xf32>,
      %swap3A_787 = vector.shape_cast %swap3A_786 : vector<16xf32> to vector<16xf32>
      %swap3A_788 = vector.shape_cast %get3A_784 : vector<16xf32> to vector<16xf32>
      tpu.vector_store %arg8[%swap3A_785], %swap3A_788 {add = true, strides = array<i32>} : memref<16384xf32, #tpu.memory_space<vmem>>, vector<16xf32>,
      %mul3A_789 = arith.constant 128 : i32
      %mul3A_790 = arith.muli %scan3A_735, %mul3A_789 : i32
      %add3A_791 = arith.constant 80 : i32
      %add3A_792 = arith.addi %mul3A_790, %add3A_791 : i32
      %get3A_793 = arith.index_cast %add3A_792 : i32 to index
      %get3A_794 = tpu.vector_load %arg5[%get3A_793] {strides = array<i32>} : memref<16384xf32, #tpu.memory_space<vmem>>, vector<16xf32>,
      %get3A_795 = vector.shape_cast %get3A_794 : vector<16xf32> to vector<16xf32>
      %swap3A_796 = arith.index_cast %add3A_792 : i32 to index
      %swap3A_797 = tpu.vector_load %arg8[%swap3A_796] {strides = array<i32>} : memref<16384xf32, #tpu.memory_space<vmem>>, vector<16xf32>,
      %swap3A_798 = vector.shape_cast %swap3A_797 : vector<16xf32> to vector<16xf32>
      %swap3A_799 = vector.shape_cast %get3A_795 : vector<16xf32> to vector<16xf32>
      tpu.vector_store %arg8[%swap3A_796], %swap3A_799 {add = true, strides = array<i32>} : memref<16384xf32, #tpu.memory_space<vmem>>, vector<16xf32>,
      %mul3A_800 = arith.constant 128 : i32
      %mul3A_801 = arith.muli %scan3A_735, %mul3A_800 : i32
      %add3A_802 = arith.constant 96 : i32
      %add3A_803 = arith.addi %mul3A_801, %add3A_802 : i32
      %get3A_804 = arith.index_cast %add3A_803 : i32 to index
      %get3A_805 = tpu.vector_load %arg5[%get3A_804] {strides = array<i32>} : memref<16384xf32, #tpu.memory_space<vmem>>, vector<16xf32>,
      %get3A_806 = vector.shape_cast %get3A_805 : vector<16xf32> to vector<16xf32>
      %swap3A_807 = arith.index_cast %add3A_803 : i32 to index
      %swap3A_808 = tpu.vector_load %arg8[%swap3A_807] {strides = array<i32>} : memref<16384xf32, #tpu.memory_space<vmem>>, vector<16xf32>,
      %swap3A_809 = vector.shape_cast %swap3A_808 : vector<16xf32> to vector<16xf32>
      %swap3A_810 = vector.shape_cast %get3A_806 : vector<16xf32> to vector<16xf32>
      tpu.vector_store %arg8[%swap3A_807], %swap3A_810 {add = true, strides = array<i32>} : memref<16384xf32, #tpu.memory_space<vmem>>, vector<16xf32>,
      %mul3A_811 = arith.constant 128 : i32
      %mul3A_812 = arith.muli %scan3A_735, %mul3A_811 : i32
      %add3A_813 = arith.constant 112 : i32
      %add3A_814 = arith.addi %mul3A_812, %add3A_813 : i32
      %get3A_815 = arith.index_cast %add3A_814 : i32 to index
      %get3A_816 = tpu.vector_load %arg5[%get3A_815] {strides = array<i32>} : memref<16384xf32, #tpu.memory_space<vmem>>, vector<16xf32>,
      %get3A_817 = vector.shape_cast %get3A_816 : vector<16xf32> to vector<16xf32>
      %swap3A_818 = arith.index_cast %add3A_814 : i32 to index
      %swap3A_819 = tpu.vector_load %arg8[%swap3A_818] {strides = array<i32>} : memref<16384xf32, #tpu.memory_space<vmem>>, vector<16xf32>,
      %swap3A_820 = vector.shape_cast %swap3A_819 : vector<16xf32> to vector<16xf32>
      %swap3A_821 = vector.shape_cast %get3A_817 : vector<16xf32> to vector<16xf32>
      tpu.vector_store %arg8[%swap3A_818], %swap3A_821 {add = true, strides = array<i32>} : memref<16384xf32, #tpu.memory_space<vmem>>, vector<16xf32>,
    }
    %scan3A_708 = arith.constant 128 : i32
    %dma_start3A_709 = arith.constant 0 : i32
    %dma_start3A_710 = tpu.memref_slice %arg4[%add3A_690] : memref<8388608xf32, #tpu.memory_space<hbm>> -> memref<16384xf32, #tpu.memory_space<hbm>>
    %dma_start3A_711 = tpu.memref_slice %arg13[%dma_start3A_709] : memref<3x!tpu.dma_semaphore, #tpu.memory_space<semaphore_mem>> -> memref<1x!tpu.dma_semaphore, #tpu.memory_space<semaphore_mem>>
    %dma_start3A_712 = tpu.memref_squeeze %dma_start3A_711 : memref<1x!tpu.dma_semaphore, #tpu.memory_space<semaphore_mem>> -> memref<!tpu.dma_semaphore, #tpu.memory_space<semaphore_mem>>
    %dma_start3A_713 = tpu.memref_slice %arg4[%add3A_690] : memref<8388608xf32, #tpu.memory_space<hbm>> -> memref<16384xf32, #tpu.memory_space<hbm>>
    tpu.enqueue_dma source(%arg8 : memref<16384xf32, #tpu.memory_space<vmem>>) target(%dma_start3A_713 : memref<16384xf32, #tpu.memory_space<hbm>>) target_semaphore(%dma_start3A_712 : memref<!tpu.dma_semaphore, #tpu.memory_space<semaphore_mem>>)
    %add3A_714 = arith.constant 212992 : i32
    %add3A_715 = arith.addi %mul3A_2, %add3A_714 : i32
    %dma_wait3A_716 = arith.constant 1 : i32
    %dma_wait3A_717 = tpu.memref_slice %arg4[%add3A_715] : memref<8388608xf32, #tpu.memory_space<hbm>> -> memref<16384xf32, #tpu.memory_space<hbm>>
    %dma_wait3A_718 = tpu.memref_slice %arg13[%dma_wait3A_716] : memref<3x!tpu.dma_semaphore, #tpu.memory_space<semaphore_mem>> -> memref<1x!tpu.dma_semaphore, #tpu.memory_space<semaphore_mem>>
    %dma_wait3A_719 = tpu.memref_squeeze %dma_wait3A_718 : memref<1x!tpu.dma_semaphore, #tpu.memory_space<semaphore_mem>> -> memref<!tpu.dma_semaphore, #tpu.memory_space<semaphore_mem>>
    %dma_wait3A_720 = tpu.memref_slice %arg4[%add3A_715] : memref<8388608xf32, #tpu.memory_space<hbm>> -> memref<16384xf32, #tpu.memory_space<hbm>>
    tpu.wait_dma2 semaphore(%dma_wait3A_719 : memref<!tpu.dma_semaphore, #tpu.memory_space<semaphore_mem>>) src(%arg9 : memref<16384xf32, #tpu.memory_space<vmem>>) dst(%dma_wait3A_720 : memref<16384xf32, #tpu.memory_space<hbm>>)
    %add3A_721 = arith.constant 229376 : i32
    %add3A_722 = arith.addi %mul3A_2, %add3A_721 : i32
    %dma_wait3A_723 = arith.constant 2 : i32
    %dma_wait3A_724 = tpu.memref_slice %arg4[%add3A_722] : memref<8388608xf32, #tpu.memory_space<hbm>> -> memref<16384xf32, #tpu.memory_space<hbm>>
    %dma_wait3A_725 = tpu.memref_slice %arg13[%dma_wait3A_723] : memref<3x!tpu.dma_semaphore, #tpu.memory_space<semaphore_mem>> -> memref<1x!tpu.dma_semaphore, #tpu.memory_space<semaphore_mem>>
    %dma_wait3A_726 = tpu.memref_squeeze %dma_wait3A_725 : memref<1x!tpu.dma_semaphore, #tpu.memory_space<semaphore_mem>> -> memref<!tpu.dma_semaphore, #tpu.memory_space<semaphore_mem>>
    %dma_wait3A_727 = tpu.memref_slice %arg4[%add3A_722] : memref<8388608xf32, #tpu.memory_space<hbm>> -> memref<16384xf32, #tpu.memory_space<hbm>>
    tpu.wait_dma2 semaphore(%dma_wait3A_726 : memref<!tpu.dma_semaphore, #tpu.memory_space<semaphore_mem>>) src(%arg10 : memref<16384xf32, #tpu.memory_space<vmem>>) dst(%dma_wait3A_727 : memref<16384xf32, #tpu.memory_space<hbm>>)
    %add3A_728 = arith.constant 245760 : i32
    %add3A_729 = arith.addi %mul3A_2, %add3A_728 : i32
    %dma_wait3A_730 = arith.constant 0 : i32
    %dma_wait3A_731 = tpu.memref_slice %arg4[%add3A_729] : memref<8388608xf32, #tpu.memory_space<hbm>> -> memref<16384xf32, #tpu.memory_space<hbm>>
    %dma_wait3A_732 = tpu.memref_slice %arg13[%dma_wait3A_730] : memref<3x!tpu.dma_semaphore, #tpu.memory_space<semaphore_mem>> -> memref<1x!tpu.dma_semaphore, #tpu.memory_space<semaphore_mem>>
    %dma_wait3A_733 = tpu.memref_squeeze %dma_wait3A_732 : memref<1x!tpu.dma_semaphore, #tpu.memory_space<semaphore_mem>> -> memref<!tpu.dma_semaphore, #tpu.memory_space<semaphore_mem>>
    %dma_wait3A_734 = tpu.memref_slice %arg4[%add3A_729] : memref<8388608xf32, #tpu.memory_space<hbm>> -> memref<16384xf32, #tpu.memory_space<hbm>>
    tpu.wait_dma2 semaphore(%dma_wait3A_733 : memref<!tpu.dma_semaphore, #tpu.memory_space<semaphore_mem>>) src(%arg8 : memref<16384xf32, #tpu.memory_space<vmem>>) dst(%dma_wait3A_734 : memref<16384xf32, #tpu.memory_space<hbm>>)
    return
  }
}

</mosaic_0001>

<sc_bundles>
// kernel: kernel.3.cloned.1.call-start
scs
__scs_entry_jumppad:
0x0: {  	(pc) =	sbr.rel $0x88, $3  }
0x1: {  	(tag) =	ssettag $0x0;
	lr =	simm.s32 $0x1  }
0x2: {  	[smem:$0x3F9F] =	sst lr;
	_ =	strace $0xD0000000  }
0x3: {  	_ = 	snop  }
0x4: {  	_ = 	snop  }
0x5: {  	_ = 	snop  }
0x6: {  	_ = 	snop  }
0x7: {  	_ = 	snop  }
__scs_overlays_trampoline_lowered:
0x8: {  	[smem:$0x3FAE] =	sst s0  }
0x9: {  	[smem:$0x3FAF] =	sst s1  }
0xa: {  	[smem:$0x3FB0] =	sst s2  }
0xb: {  	[smem:$0x3FB1] =	sst s3  }
0xc: {  	[smem:$0x3FB2] =	sst s4  }
0xd: {  	[smem:$0x3FB3] =	sst s5  }
0xe: {  	[smem:$0x3FB4] =	sst s6  }
0xf: {  	[smem:$0x3FB5] =	sst s7  }
0x10: {  	[smem:$0x3FB6] =	sst s8  }
0x11: {  	[smem:$0x3FB7] =	sst s9;
	s0 =	simm.s32 @!p0 $0x0  }
0x12: {  	s1 =	sld [smem:$0x3F9D];
	s0 =	simm.s32 @p0 $0x1  }
0x13: {  	[smem:$0x3FB8] =	sst s0;
	s0 =	simm.s32 @!p1 $0x0  }
0x14: {  	s2 =	sld [smem:$0x3F9C];
	s0 =	simm.s32 @p1 $0x1  }
0x15: {  	[smem:$0x3FB9] =	sst s0;
	s0 =	simm.s32 @!p2 $0x0  }
0x16: {  	s3 =	sld [smem:$0x3FDB];
	s0 =	simm.s32 @p2 $0x1  }
0x17: {  	s4 =	simm.s32 $0x1BF5;
	[smem:$0x3FBB] =	sst s0  }
0x18: {  	s0 =	sld [smem:$0x3F9E];
	_ =	swait.ge [sflag:s4], $0x0  }
0x19: {  	s7 =	sld [smem:$0x3F9F]  }
0x1a: {  	s8 =	sadd.s32 $0xFFFFE003, lr  }
0x1b: {  	s9 =	sadd.s32 $0xFFFFFEF7, lr;
	s5 =	simm.s32 $0xFFFFFFFF;
	p2 =	slt.u32 s8, $0xFFFFF086  }
0x1c: {  	p1 =	slt.u32 s9, $0xF7A;
	s5 =	simm.s32 @!p2 $0x0  }
0x1d: {  	s5 =	simm.s32 @p1 $0x1;
	p0 =	seq.s32 s7, s2  }
0x1e: {  	s7 =	smul.u32 @!p0 $0xF7A, s2;
	p2 =	seq.s32 @!p0 s5, $0x0  }
0x1f: {  	s9 =	smul.u32 $0xF7A, s1;
	s8 =	simm.s32 @!p0 $0x1BF5;
	p2 =	por !p2, p0  }
0x20: {  	[sflag:s8] =	ssyncset.s32 @!p0 $0xFFFFF086;
	s6 =	sadd.s32 @!p0 s3, s7;
	s7 =	simm.s32 @!p0 $0x108  }
0x21: {  	s3 =	sadd.s32 s3, s9;
	s6 =	sadd.s32 @!p0 $0x88, s6;
	s7 =	simm.s32 @p2 $0x1082  }
0x22: {  	[simem:s7], [sflag:s8] =	dma.local @!p0 [hbm:s6], $0xF7A  }
0x23: {  	s9 =	sor.u32 $0xD0000000, s2;
	s6 =	simm.s32 $0x108;
	_ =	swait.ge @!p0 [sflag:s8], $0x0  }
0x24: {  	s3 =	sadd.s32 $0x88, s3;
	s6 =	simm.s32 @!p1 $0x1082;
	[sflag:s4] =	ssyncset.s32 $0xFFFFF086  }
0x25: {  	[simem:s6], [sflag:s4] =	dma.local [hbm:s3], $0xF7A  }
0x26: {  	[smem:$0x3F9F] =	sst s1;
	(tag) =	ssettag s2;
	_ =	strace s9  }
0x27: {  	s1 =	sld [smem:$0x3FAF]  }
0x28: {  	s2 =	sld [smem:$0x3FB0]  }
0x29: {  	s4 =	sld [smem:$0x3FB2]  }
0x2a: {  	p0 =	seq.s32 s5, $0x0;
	s5 =	sld [smem:$0x3FB3]  }
0x2b: {  	s6 =	sld [smem:$0x3FB4]  }
0x2c: {  	s7 =	sld [smem:$0x3FB5]  }
0x2d: {  	s3 =	simm.s32 $0x108;
	s8 =	sld [smem:$0x3FB6]  }
0x2e: {  	s3 =	simm.s32 @!p0 $0x1082;
	s9 =	sld [smem:$0x3FB7]  }
0x2f: {  	lr =	sadd.s32 s0, s3;
	s0 =	sld [smem:$0x3FAE]  }
0x30: {  	s3 =	sld [smem:$0x3FB1]  }
0x31: {  	[smem:$0x3FBA] =	sst s10  }
0x32: {  	s10 =	sld [smem:$0x3FB8];
	_ =	sdelay $0x3  }
0x33: {  	p0 =	seq.s32 s10, $0x1;
	s10 =	sld [smem:$0x3FBA];
	_ =	sdelay $0x3  }
0x34: {  	[smem:$0x3FBA] =	sst s10  }
0x35: {  	s10 =	sld [smem:$0x3FB9];
	_ =	sdelay $0x3  }
0x36: {  	p1 =	seq.s32 s10, $0x1;
	s10 =	sld [smem:$0x3FBA];
	_ =	sdelay $0x3  }
0x37: {  	[smem:$0x3FBA] =	sst s10  }
0x38: {  	s10 =	sld [smem:$0x3FBB]  }
0x39: {  	_ = 	snop;
	(pc) =	sbr.ind lr, $3  }
0x3a: {  	_ = 	snop  }
0x3b: {  	_ = 	snop  }
0x3c: {  	p2 =	seq.s32 s10, $0x1;
	s10 =	sld [smem:$0x3FBA]  }
0x3d: {  	_ =	shalt  }
0x3e: {  	_ =	shalt  }
0x3f: {  	_ =	shalt  }
0x40: {  	_ =	shalt  }
0x41: {  	_ =	shalt  }
0x42: {  	_ =	shalt  }
0x43: {  	_ =	shalt  }
0x44: {  	_ =	shalt  }
0x45: {  	_ =	shalt  }
0x46: {  	_ =	shalt  }
0x47: {  	_ =	shalt  }
0x48: {  	_ =	shalt  }
0x49: {  	_ =	shalt  }
0x4a: {  	_ =	shalt  }
0x4b: {  	_ =	shalt  }
0x4c: {  	_ =	shalt  }
0x4d: {  	_ =	shalt  }
0x4e: {  	_ =	shalt  }
0x4f: {  	_ =	shalt  }
0x50: {  	_ =	shalt  }
0x51: {  	_ =	shalt  }
0x52: {  	_ =	shalt  }
0x53: {  	_ =	shalt  }
0x54: {  	_ =	shalt  }
0x55: {  	_ =	shalt  }
0x56: {  	_ =	shalt  }
0x57: {  	_ =	shalt  }
0x58: {  	_ =	shalt  }
0x59: {  	_ =	shalt  }
0x5a: {  	_ =	shalt  }
0x5b: {  	_ =	shalt  }
0x5c: {  	_ =	shalt  }
0x5d: {  	_ =	shalt  }
0x5e: {  	_ =	shalt  }
0x5f: {  	_ =	shalt  }
0x60: {  	_ =	shalt  }
0x61: {  	_ =	shalt  }
0x62: {  	_ =	shalt  }
0x63: {  	_ =	shalt  }
0x64: {  	_ =	shalt  }
0x65: {  	_ =	shalt  }
0x66: {  	_ =	shalt  }
0x67: {  	_ =	shalt  }
0x68: {  	_ =	shalt  }
0x69: {  	_ =	shalt  }
0x6a: {  	_ =	shalt  }
0x6b: {  	_ =	shalt  }
0x6c: {  	_ =	shalt  }
0x6d: {  	_ =	shalt  }
0x6e: {  	_ =	shalt  }
0x6f: {  	_ =	shalt  }
0x70: {  	_ =	shalt  }
0x71: {  	_ =	shalt  }
0x72: {  	_ =	shalt  }
0x73: {  	_ =	shalt  }
0x74: {  	_ =	shalt  }
0x75: {  	_ =	shalt  }
0x76: {  	_ =	shalt  }
0x77: {  	_ =	shalt  }
0x78: {  	_ =	shalt  }
0x79: {  	_ =	shalt  }
0x7a: {  	_ =	shalt  }
0x7b: {  	_ =	shalt  }
0x7c: {  	_ =	shalt  }
0x7d: {  	_ =	shalt  }
0x7e: {  	_ =	shalt  }
0x7f: {  	_ =	shalt  }
0x80: {  	_ =	shalt  }
0x81: {  	_ =	shalt  }
0x82: {  	_ =	shalt  }
0x83: {  	_ =	shalt  }
0x84: {  	_ =	shalt  }
0x85: {  	_ =	shalt  }
0x86: {  	_ =	shalt  }
0x87: {  	_ =	shalt  }
.Lfunc_end0:
.L_simem_size_0:
called_computation.1_lowered:
.L_overlay_start_0:
0x88: {  	s2 =	sld [smem:$0x3FD9]  }
0x89: {  	s3 =	sld [smem:$0x3FFE];
	_ =	sdelay $0x1  }
0x8a: {  	s1 =	srdreg.scid  }
0x8b: {  	s0 =	sand.u32 $0x1, s1  }
0x8c: {  	s17 =	sshll.u32 s0, $0xA;
	s2 =	sadd.s32 s3, s2  }
0x8d: {  	s2 =	sadd.s32 s2, s17  }
0x8e: {  	[smem:$0x3FC6] =	sst s2  }
0x8f: {  	_ = 	snop  }
0x90: {  	s2 =	sld [smem:$0x3FD0];
	(tm) =	ssettm $0x1  }
0x91: {  	s18 =	sld [smem:$0x3FFB];
	_ =	sdelay $0x3  }
0x92: {  	_ =	strace s18  }
0x93: {  	s3 =	sld [smem:$0x3FFC];
	_ =	sdelay $0x3  }
0x94: {  	_ =	strace s3  }
0x95: {  	s3 =	sld [smem:$0x3FFD];
	_ =	sdelay $0x3  }
0x96: {  	_ =	strace s3  }
0x97: {  	_ =	strace $0x8FFFFFFF  }
0x98: {  	s19 =	sld [smem:$0x3FDB];
	_ =	sdelay $0x1  }
0x99: {  	s4 =	simm.s32 $_scs_section_size  }
0x9a: {  	s5 =	simm.s32 $_size__tile_overlayer_lowered;
	s6 =	simm.s32 $_tile_overlayer_lowered  }
0x9b: {  	s22 =	simm.s32 $0x1BFF;
	s21 =	sshll.u32 s6, $0x1;
	s3 =	sadd.s32 s4, s19  }
0x9c: {  	s7 =	simm.s32 $0x0;
	s20 =	sshll.u32 s5, $0x1;
	s5 =	sadd.s32 s21, s3  }
0x9d: {  	[timem:s7], [sflag:s22] =	dma.local [hbm:s5], s20  }
0x9e: {  	_ =	swait.ge [sflag:s22], s20  }
0x9f: {  	s4 =	ssub.s32 $0x0, s20;
	[sflag:s22] =	ssyncset.done $0x0  }
0xa0: {  	[sflag:s22] =	ssyncadd.s32 s4;
	_ =	sdelay $0x1  }
0xa1: {  	s23 =	simm.s32 $0x1B8B  }
0xa2: {  	_ =	swait.ge [sflag:s23], $0x1  }
0xa3: {  	[sflag:s23] =	ssyncset.done $0x0  }
0xa4: {  	s25 =	simm.s32 $0x1B8E;
	s24 =	sld [smem:$0x3FFE];
	[sflag:s23] =	ssyncadd.s32 $0xFFFFFFFF  }
0xa5: {  	s26 =	simm.s32 $execute0_lowered;
	[smem:$0x3FD2] =	sst s25  }
0xa6: {  	s5 =	sshll.u32 s26, $0x1;
	_ =	strace $0x80000049;
	[dreg:$0x1] =	wrdreg $0xFFFFFFFF  }
0xa7: {  	s28 =	simm.s32 $_size_execute0_lowered;
	s3 =	sadd.s32 s3, s5;
	[dreg:$0x0] =	wrdreg $0x0  }
0xa8: {  	s5 =	sshll.u32 s28, $0x1;
	[dreg:$0x2] =	wrdreg s3  }
0xa9: {  	[dreg:$0x3] =	wrdreg s5  }
0xaa: {  	[dreg:$0x4] =	wrdreg $0xC0  }
0xab: {  	_ =	task [dreg:s7], $0x5FFFF  }
0xac: {  	[dreg:$0x1] =	wrdreg $0xFFFFFFFF  }
0xad: {  	[dreg:$0x0] =	wrdreg $0x60  }
0xae: {  	[dreg:$0x2] =	wrdreg s2  }
0xaf: {  	[dreg:$0x3] =	wrdreg s24  }
0xb0: {  	[dreg:$0x4] =	wrdreg $0x9  }
0xb1: {  	_ =	task.clear_ibuf [dreg:s7], $0x5FFFF;
	_ =	strace $0x90000049  }
0xb2: {  	s29 =	simm.s32 $0x9;
	_ =	strace $0x8000004B  }
0xb3: {  	_ =	swait.ge [sflag:s29], $0x1  }
0xb4: {  	[sflag:s29] =	ssyncadd.s32 $0xFFFFFFFF  }
0xb5: {  	_ =	strace $0x9000004B  }
0xb6: {  	_ =	sfence  }
0xb7: {  	s30 =	sld [smem:$0x0];
	_ =	sdelay $0x2  }
0xb8: {  	s31 =	sshll.u32 s1, $0xD;
	s1 =	sshrl.u32 s1, $0x2  }
0xb9: {  	s3 =	sand.u32 $0x4000, s31;
	s1 =	sadd.s32 s1, s30  }
0xba: {  	s0 =	sor.u32 s3, s0;
	s1 =	sshll.u32 s1, $0x11  }
0xbb: {  	s0 =	sor.u32 s1, s0  }
0xbc: {  	s0 =	sadd.s32 $0x8F2B, s0  }
0xbd: {  	[sflag:s0] =	ssyncadd.remote.s32 $0x1  }
0xbe: {  	_ =	sfence.sel $0xFFFF  }
0xbf: {  	[dreg:$0x0] =	wrdreg $0xFFFFFFFF;
	(pc) =	sbr.abs _section_cstart, $3  }
0xc0: {  	[dreg:$0x1] =	wrdreg $0xFFFFFFFF  }
0xc1: {  	_ =	task.clear_ibuf [dreg:s7], $0x2FFFF;
	_ =	strace $0x9FFFFFFF  }
0xc2: {  	(tm) =	ssettm $0x7FFFFFFF  }
0xc3: {  	_ =	shalt  }
tec
execute0_lowered:
.L_overlay_start_1:
0x0: {  	(tag) =	ssettag $0x1  }
0x1: {  	s0 =	srdreg.scid  }
0x2: {  	s1 =	stileid.u32;
	s0 =	sand.u32 $0x1, s0  }
0x3: {  	s1 =	sshll.u32 s1, $0x10;
	s2 =	sshll.u32 s0, $0xF  }
0x4: {  	s3 =	rddreg [dreg:$0x1];
	s0 =	ssub.s32 $0x2, s0;
	s1 =	sor.u32 s2, s1  }
0x5: {  	s26 =	sadd.s32 $0xA00, s3;
	s4 =	sshrl.u32 s0, $0x1;
	s5 =	sand.u32 $0x38000, s1  }
0x6: {  	s0 =	ssub.s32 s0, s4;
	s4 =	sor.u32 $0x800, s1;
	s6 =	sor.u32 $0x1800, s1  }
0x7: {  	s15 =	sadd.s32 s26, s5;
	s5 =	sor.u32 $0x1000, s1;
	s7 =	sand.u32 $0x38800, s4  }
0x8: {  	s9 =	sand.u32 $0x39800, s6;
	[dreg:$0x3] =	wrdreg s15;
	s7 =	sadd.s32 s26, s7  }
0x9: {  	s8 =	sand.u32 $0x39000, s5;
	s17 =	sadd.s32 s26, s9;
	[dreg:$0x4] =	wrdreg s7  }
0xa: {  	s9 =	sor.u32 $0x3000, s1;
	s16 =	sadd.s32 s26, s8;
	[dreg:$0x6] =	wrdreg s17  }
0xb: {  	s7 =	sor.u32 $0x2000, s1;
	s8 =	sor.u32 $0x2800, s1;
	s12 =	sand.u32 $0x3B000, s9  }
0xc: {  	[dreg:$0x5] =	wrdreg s16;
	s10 =	sand.u32 $0x3A000, s7;
	s11 =	sand.u32 $0x3A800, s8  }
0xd: {  	s19 =	sadd.s32 s26, s12;
	s12 =	sor.u32 $0x4800, s1;
	s10 =	sadd.s32 s26, s10  }
0xe: {  	s18 =	sadd.s32 s26, s11;
	[dreg:$0x9] =	wrdreg s19;
	s11 =	sor.u32 $0x4000, s1  }
0xf: {  	s15 =	sand.u32 $0x3C800, s12;
	s19 =	sor.u32 $0x7800, s1;
	[dreg:$0x7] =	wrdreg s10  }
0x10: {  	[dreg:$0x8] =	wrdreg s18;
	s10 =	sor.u32 $0x3800, s1;
	s14 =	sand.u32 $0x3C000, s11  }
0x11: {  	s21 =	sadd.s32 s26, s15;
	s15 =	sor.u32 $0x6000, s1;
	s13 =	sand.u32 $0x3B800, s10  }
0x12: {  	s20 =	sadd.s32 s26, s14;
	[dreg:$0xc] =	wrdreg s21;
	s14 =	sor.u32 $0x5800, s1  }
0x13: {  	s18 =	sand.u32 $0x3E000, s15;
	s13 =	sadd.s32 s26, s13;
	[dreg:$0xb] =	wrdreg s20  }
0x14: {  	s21 =	sand.u32 $0x3F800, s19;
	s23 =	sadd.s32 s26, s18;
	[dreg:$0xa] =	wrdreg s13  }
0x15: {  	s17 =	sand.u32 $0x3D800, s14;
	s2 =	sadd.s32 s26, s21;
	[dreg:$0xf] =	wrdreg s23  }
0x16: {  	s18 =	sor.u32 $0x7000, s1;
	s22 =	sadd.s32 s26, s17;
	[dreg:$0x12] =	wrdreg s2  }
0x17: {  	s20 =	sand.u32 $0x3F000, s18;
	s2 =	sadd.s32 $0x40A00, s3;
	s3 =	rddreg [dreg:$0x0]  }
0x18: {  	[dreg:$0xe] =	wrdreg s22;
	s25 =	sadd.s32 s26, s20  }
0x19: {  	s21 =	sadd.s32 s3, s4;
	[dreg:$0x11] =	wrdreg s25  }
0x1a: {  	s28 =	simm.s32 $0x4;
	s22 =	sadd.s32 s2, s4;
	[dreg:$0x15] =	wrdreg s21  }
0x1b: {  	s29 =	simm.s32 $0x7;
	s23 =	sadd.s32 s3, s5;
	[dreg:$0x16] =	wrdreg s22  }
0x1c: {  	s13 =	sor.u32 $0x5000, s1;
	s4 =	sadd.s32 s3, s7;
	[dreg:$0x17] =	wrdreg s23  }
0x1d: {  	s16 =	sand.u32 $0x3D000, s13;
	s20 =	sadd.s32 s2, s9;
	[dreg:$0x1b] =	wrdreg s4  }
0x1e: {  	s30 =	simm.s32 $0x2;
	s16 =	sadd.s32 s26, s16;
	[smem:$0x7F7] =	sst s20  }
0x1f: {  	s31 =	simm.s32 $0x5;
	s25 =	sadd.s32 s3, s6;
	[dreg:$0xd] =	wrdreg s16  }
0x20: {  	s21 =	sadd.s32 s3, s10;
	s22 =	sadd.s32 s2, s10;
	[dreg:$0x19] =	wrdreg s25  }
0x21: {  	s23 =	sadd.s32 s3, s11;
	s10 =	sadd.s32 s2, s14;
	[smem:$0x7F8] =	sst s21  }
0x22: {  	s20 =	smax.u32 s0, $0x1;
	s16 =	sor.u32 $0x6800, s1;
	[smem:$0x7F9] =	sst s22  }
0x23: {  	[smem:$0x7FA] =	sst s23;
	s25 =	sadd.s32 s3, s12;
	s24 =	sand.u32 $0x3E800, s16  }
0x24: {  	s0 =	simm.s32 $0x8;
	[smem:$0x7FC] =	sst s25;
	s17 =	sadd.s32 s26, s24  }
0x25: {  	s4 =	simm.s32 $0x0;
	s26 =	sadd.s32 s3, s1;
	[dreg:$0x10] =	wrdreg s17  }
0x26: {  	s21 =	simm.s32 $0xC000;
	s1 =	sadd.s32 s2, s1;
	[dreg:$0x13] =	wrdreg s26  }
0x27: {  	s22 =	simm.s32 $0x4000;
	s24 =	sadd.s32 s2, s5;
	[dreg:$0x14] =	wrdreg s1  }
0x28: {  	s23 =	simm.s32 $0x10000;
	s5 =	sadd.s32 s2, s7;
	[dreg:$0x18] =	wrdreg s24  }
0x29: {  	s25 =	simm.s32 $0x14000;
	s7 =	sadd.s32 s2, s8;
	[dreg:$0x1c] =	wrdreg s5  }
0x2a: {  	s17 =	simm.s32 $0x0;
	s26 =	sadd.s32 s2, s6;
	[dreg:$0x1e] =	wrdreg s7  }
0x2b: {  	s6 =	sadd.s32 s3, s8;
	s8 =	sadd.s32 s3, s9;
	[smem:$0x7FF] =	sst s17  }
0x2c: {  	s24 =	sadd.s32 s2, s11;
	s7 =	sadd.s32 s3, s13;
	[dreg:$0x1a] =	wrdreg s26  }
0x2d: {  	s9 =	sadd.s32 s3, s14;
	s11 =	sadd.s32 s3, s15;
	[dreg:$0x1d] =	wrdreg s6  }
0x2e: {  	s14 =	sadd.s32 s3, s18;
	s18 =	sadd.s32 s2, s18;
	[dreg:$0x1f] =	wrdreg s8  }
0x2f: {  	s1 =	simm.s32 $0x3;
	[smem:$0x7FB] =	sst s24;
	s26 =	sadd.s32 s2, s12  }
0x30: {  	s8 =	sadd.s32 s2, s13;
	s12 =	sadd.s32 s2, s15;
	s13 =	sadd.s32 s3, s16  }
0x31: {  	s15 =	sadd.s32 s3, s19;
	s16 =	sadd.s32 s2, s16;
	s19 =	sadd.s32 s2, s19  }
0x32: {  	s24 =	simm.s32 $0x8000;
	s2 =	simm.s32 $0x6;
	[smem:$0x7FD] =	sst s26  }
0x33: {  	s3 =	simm.s32 $0x9;
	s26 =	simm.s32 $0x1;
	_ =	strace $0x8000004A  }
.LBB2_1:
0x34: {  	s5 =	rddreg [dreg:$0x13]  }
0x35: {  	[tilespmem:s17], [sflag:$0x1] =	stream.linear.gather [hbm4b:s5+s17], $0x4000, $0x38;
	[tilespmem:$0x18000] =	vst v63  }
0x36: {  	s6 =	rddreg [dreg:$0x3]  }
0x37: {  	[tilespmem:s21], [sflag:$0x4] =	stream.linear.gather [hbm4b:s6+s17], $0x4000, $0x38;
	[tilespmem:$0x18000] =	vst v63  }
0x38: {  	s6 =	rddreg [dreg:$0x15]  }
0x39: {  	[tilespmem:s22], [sflag:$0x2] =	stream.linear.gather [hbm4b:s6+s17], $0x4000, $0x38;
	[tilespmem:$0x18000] =	vst v63  }
0x3a: {  	s6 =	rddreg [dreg:$0x4]  }
0x3b: {  	[tilespmem:s23], [sflag:$0x5] =	stream.linear.gather [hbm4b:s6+s17], $0x4000, $0x38;
	[tilespmem:$0x18000] =	vst v63  }
0x3c: {  	s6 =	rddreg [dreg:$0x17]  }
0x3d: {  	[tilespmem:s24], [sflag:$0x3] =	stream.linear.gather [hbm4b:s6+s17], $0x4000, $0x38;
	[tilespmem:$0x18000] =	vst v63  }
0x3e: {  	s6 =	rddreg [dreg:$0x5]  }
0x3f: {  	[tilespmem:s25], [sflag:$0x6] =	stream.linear.gather [hbm4b:s6+s17], $0x4000, $0x38;
	[tilespmem:$0x18000] =	vst v63  }
0x40: {  	_ =	swait.ge [sflag:s26], $0x4000  }
0x41: {  	[sflag:s26] =	ssyncset.done $0x0  }
0x42: {  	[sflag:s26] =	ssyncadd.s32 $0xFFFFC000  }
0x43: {  	_ =	swait.ge [sflag:s28], $0x4000  }
0x44: {  	[sflag:s28] =	ssyncset.done $0x0  }
0x45: {  	s5 =	simm.s32 $0x0;
	s6 =	simm.s32 $0x200;
	[sflag:s28] =	ssyncadd.s32 $0xFFFFC000  }
.LBB2_2:
0x46: {  	p0 =	sne.s32 s6, $0xFE00;
	v0 =	vld [tilespmem:s5+$0x70]  }
0x47: {  	v1 =	vld [tilespmem:s5+$0x0]  }
0x48: {  	v2 =	vld [tilespmem:s5+$0x10]  }
0x49: {  	v3 =	vld [tilespmem:s5+$0x20]  }
0x4a: {  	v4 =	vld [tilespmem:s5+$0x30]  }
0x4b: {  	[tilespmem:s5+$0xC070] =	vst.add.f32.msk $0xffff, v0  }
0x4c: {  	v0 =	vld [tilespmem:s5+$0x40]  }
0x4d: {  	v5 =	vld [tilespmem:s5+$0x50]  }
0x4e: {  	v6 =	vld [tilespmem:s5+$0x60]  }
0x4f: {  	[tilespmem:s5+$0xC000] =	vst.add.f32.msk $0xffff, v1  }
0x50: {  	[tilespmem:s5+$0xC010] =	vst.add.f32.msk $0xffff, v2  }
.Ltmp0:
0x51: {  	[tilespmem:s5+$0xC020] =	vst.add.f32.msk $0xffff, v3;
	(pc) =	sbr.rel @p0 .LBB2_2-.Ltmp0, $4  }
0x52: {  	[tilespmem:s5+$0xC030] =	vst.add.f32.msk $0xffff, v4  }
0x53: {  	[tilespmem:s5+$0xC040] =	vst.add.f32.msk $0xffff, v0  }
0x54: {  	[tilespmem:s5+$0xC050] =	vst.add.f32.msk $0xffff, v5  }
0x55: {  	[tilespmem:s5+$0xC060] =	vst.add.f32.msk $0xffff, v6;
	s5 =	sshra.s32 s6, $0x2;
	s6 =	sadd.s32 $0x200, s6  }
0x56: {  	v0 =	vld [tilespmem:s5+$0x70]  }
0x57: {  	v1 =	vld [tilespmem:s5+$0x0]  }
0x58: {  	v2 =	vld [tilespmem:s5+$0x10]  }
0x59: {  	v3 =	vld [tilespmem:s5+$0x20]  }
0x5a: {  	v4 =	vld [tilespmem:s5+$0x30]  }
0x5b: {  	v63 =	vld [tilespmem:s5+$0x40]  }
0x5c: {  	v5 =	vld [tilespmem:s5+$0x50]  }
0x5d: {  	v6 =	vld [tilespmem:s5+$0x60]  }
0x5e: {  	[tilespmem:s5+$0xC070] =	vst.add.f32.msk $0xffff, v0  }
0x5f: {  	[tilespmem:s5+$0xC000] =	vst.add.f32.msk $0xffff, v1  }
0x60: {  	[tilespmem:s5+$0xC010] =	vst.add.f32.msk $0xffff, v2  }
0x61: {  	[tilespmem:s5+$0xC020] =	vst.add.f32.msk $0xffff, v3  }
0x62: {  	[tilespmem:s5+$0xC030] =	vst.add.f32.msk $0xffff, v4  }
0x63: {  	[tilespmem:s5+$0xC040] =	vst.add.f32.msk $0xffff, v63  }
0x64: {  	[tilespmem:s5+$0xC050] =	vst.add.f32.msk $0xffff, v5  }
0x65: {  	s6 =	rddreg [dreg:$0x14];
	[tilespmem:s5+$0xC060] =	vst.add.f32.msk $0xffff, v6;
	s5 =	simm.s32 $0x0  }
0x66: {  	[hbm4b:s6+s5] =	stream.linear.scatter [tilespmem:s21], [sflag:$0x7], $0x4000, $0x38;
	[tilespmem:$0x18000] =	vst v63  }
0x67: {  	_ =	swait.ge [sflag:s29], $0x4000  }
0x68: {  	[sflag:s29] =	ssyncset.done $0x0  }
0x69: {  	s6 =	rddreg [dreg:$0x19];
	[sflag:s29] =	ssyncadd.s32 $0xFFFFC000  }
0x6a: {  	[tilespmem:s5], [sflag:$0x1] =	stream.linear.gather [hbm4b:s6+s5], $0x4000, $0x38;
	[tilespmem:$0x18000] =	vst v63  }
0x6b: {  	s6 =	rddreg [dreg:$0x6]  }
0x6c: {  	[tilespmem:s21], [sflag:$0x4] =	stream.linear.gather [hbm4b:s6+s5], $0x4000, $0x38;
	[tilespmem:$0x18000] =	vst v63  }
0x6d: {  	_ =	swait.ge [sflag:s30], $0x4000  }
0x6e: {  	[sflag:s30] =	ssyncset.done $0x0  }
0x6f: {  	[sflag:s30] =	ssyncadd.s32 $0xFFFFC000  }
0x70: {  	_ =	swait.ge [sflag:s31], $0x4000  }
0x71: {  	[sflag:s31] =	ssyncset.done $0x0  }
0x72: {  	s5 =	simm.s32 $0x0;
	s6 =	simm.s32 $0x200;
	[sflag:s31] =	ssyncadd.s32 $0xFFFFC000  }
.LBB2_4:
0x73: {  	p0 =	sne.s32 s6, $0xFE00;
	v0 =	vld [tilespmem:s5+$0x4070]  }
0x74: {  	v1 =	vld [tilespmem:s5+$0x4000]  }
0x75: {  	v2 =	vld [tilespmem:s5+$0x4010]  }
0x76: {  	v3 =	vld [tilespmem:s5+$0x4020]  }
0x77: {  	v4 =	vld [tilespmem:s5+$0x4030]  }
0x78: {  	[tilespmem:s5+$0x10070] =	vst.add.f32.msk $0xffff, v0  }
0x79: {  	v0 =	vld [tilespmem:s5+$0x4040]  }
0x7a: {  	v5 =	vld [tilespmem:s5+$0x4050]  }
0x7b: {  	v6 =	vld [tilespmem:s5+$0x4060]  }
0x7c: {  	[tilespmem:s5+$0x10000] =	vst.add.f32.msk $0xffff, v1  }
0x7d: {  	[tilespmem:s5+$0x10010] =	vst.add.f32.msk $0xffff, v2  }
.Ltmp1:
0x7e: {  	[tilespmem:s5+$0x10020] =	vst.add.f32.msk $0xffff, v3;
	(pc) =	sbr.rel @p0 .LBB2_4-.Ltmp1, $4  }
0x7f: {  	[tilespmem:s5+$0x10030] =	vst.add.f32.msk $0xffff, v4  }
0x80: {  	[tilespmem:s5+$0x10040] =	vst.add.f32.msk $0xffff, v0  }
0x81: {  	[tilespmem:s5+$0x10050] =	vst.add.f32.msk $0xffff, v5  }
0x82: {  	[tilespmem:s5+$0x10060] =	vst.add.f32.msk $0xffff, v6;
	s5 =	sshra.s32 s6, $0x2;
	s6 =	sadd.s32 $0x200, s6  }
0x83: {  	v0 =	vld [tilespmem:s5+$0x4070]  }
0x84: {  	v1 =	vld [tilespmem:s5+$0x4000]  }
0x85: {  	v2 =	vld [tilespmem:s5+$0x4010]  }
0x86: {  	v3 =	vld [tilespmem:s5+$0x4020]  }
0x87: {  	v4 =	vld [tilespmem:s5+$0x4030]  }
0x88: {  	v63 =	vld [tilespmem:s5+$0x4040]  }
0x89: {  	v5 =	vld [tilespmem:s5+$0x4050]  }
0x8a: {  	v6 =	vld [tilespmem:s5+$0x4060]  }
0x8b: {  	[tilespmem:s5+$0x10070] =	vst.add.f32.msk $0xffff, v0  }
0x8c: {  	[tilespmem:s5+$0x10000] =	vst.add.f32.msk $0xffff, v1  }
0x8d: {  	[tilespmem:s5+$0x10010] =	vst.add.f32.msk $0xffff, v2  }
0x8e: {  	[tilespmem:s5+$0x10020] =	vst.add.f32.msk $0xffff, v3  }
0x8f: {  	[tilespmem:s5+$0x10030] =	vst.add.f32.msk $0xffff, v4  }
0x90: {  	[tilespmem:s5+$0x10040] =	vst.add.f32.msk $0xffff, v63  }
0x91: {  	[tilespmem:s5+$0x10050] =	vst.add.f32.msk $0xffff, v5  }
0x92: {  	s6 =	rddreg [dreg:$0x16];
	[tilespmem:s5+$0x10060] =	vst.add.f32.msk $0xffff, v6;
	s5 =	simm.s32 $0x0  }
0x93: {  	[hbm4b:s6+s5] =	stream.linear.scatter [tilespmem:s23], [sflag:$0x8], $0x4000, $0x38;
	[tilespmem:$0x18000] =	vst v63  }
0x94: {  	_ =	swait.ge [sflag:s0], $0x4000  }
0x95: {  	[sflag:s0] =	ssyncset.done $0x0  }
0x96: {  	s6 =	rddreg [dreg:$0x1b];
	[sflag:s0] =	ssyncadd.s32 $0xFFFFC000  }
0x97: {  	[tilespmem:s22], [sflag:$0x2] =	stream.linear.gather [hbm4b:s6+s5], $0x4000, $0x38;
	[tilespmem:$0x18000] =	vst v63  }
0x98: {  	s6 =	rddreg [dreg:$0x7]  }
0x99: {  	[tilespmem:s23], [sflag:$0x5] =	stream.linear.gather [hbm4b:s6+s5], $0x4000, $0x38;
	[tilespmem:$0x18000] =	vst v63  }
0x9a: {  	_ =	swait.ge [sflag:s1], $0x4000  }
0x9b: {  	[sflag:s1] =	ssyncset.done $0x0  }
0x9c: {  	[sflag:s1] =	ssyncadd.s32 $0xFFFFC000  }
0x9d: {  	_ =	swait.ge [sflag:s2], $0x4000  }
0x9e: {  	[sflag:s2] =	ssyncset.done $0x0  }
0x9f: {  	s5 =	simm.s32 $0x0;
	s6 =	simm.s32 $0x200;
	[sflag:s2] =	ssyncadd.s32 $0xFFFFC000  }
.LBB2_6:
0xa0: {  	p0 =	sne.s32 s6, $0xFE00;
	v0 =	vld [tilespmem:s5+$0x8070]  }
0xa1: {  	v1 =	vld [tilespmem:s5+$0x8000]  }
0xa2: {  	v2 =	vld [tilespmem:s5+$0x8010]  }
0xa3: {  	v3 =	vld [tilespmem:s5+$0x8020]  }
0xa4: {  	v4 =	vld [tilespmem:s5+$0x8030]  }
0xa5: {  	[tilespmem:s5+$0x14070] =	vst.add.f32.msk $0xffff, v0  }
0xa6: {  	v0 =	vld [tilespmem:s5+$0x8040]  }
0xa7: {  	v5 =	vld [tilespmem:s5+$0x8050]  }
0xa8: {  	v6 =	vld [tilespmem:s5+$0x8060]  }
0xa9: {  	[tilespmem:s5+$0x14000] =	vst.add.f32.msk $0xffff, v1  }
0xaa: {  	[tilespmem:s5+$0x14010] =	vst.add.f32.msk $0xffff, v2  }
.Ltmp2:
0xab: {  	[tilespmem:s5+$0x14020] =	vst.add.f32.msk $0xffff, v3;
	(pc) =	sbr.rel @p0 .LBB2_6-.Ltmp2, $4  }
0xac: {  	[tilespmem:s5+$0x14030] =	vst.add.f32.msk $0xffff, v4  }
0xad: {  	[tilespmem:s5+$0x14040] =	vst.add.f32.msk $0xffff, v0  }
0xae: {  	[tilespmem:s5+$0x14050] =	vst.add.f32.msk $0xffff, v5  }
0xaf: {  	[tilespmem:s5+$0x14060] =	vst.add.f32.msk $0xffff, v6;
	s5 =	sshra.s32 s6, $0x2;
	s6 =	sadd.s32 $0x200, s6  }
0xb0: {  	v0 =	vld [tilespmem:s5+$0x8070]  }
0xb1: {  	v1 =	vld [tilespmem:s5+$0x8000]  }
0xb2: {  	v2 =	vld [tilespmem:s5+$0x8010]  }
0xb3: {  	v3 =	vld [tilespmem:s5+$0x8020]  }
0xb4: {  	v4 =	vld [tilespmem:s5+$0x8030]  }
0xb5: {  	v63 =	vld [tilespmem:s5+$0x8040]  }
0xb6: {  	v5 =	vld [tilespmem:s5+$0x8050]  }
0xb7: {  	v6 =	vld [tilespmem:s5+$0x8060]  }
0xb8: {  	[tilespmem:s5+$0x14070] =	vst.add.f32.msk $0xffff, v0  }
0xb9: {  	[tilespmem:s5+$0x14000] =	vst.add.f32.msk $0xffff, v1  }
0xba: {  	[tilespmem:s5+$0x14010] =	vst.add.f32.msk $0xffff, v2  }
0xbb: {  	[tilespmem:s5+$0x14020] =	vst.add.f32.msk $0xffff, v3  }
0xbc: {  	[tilespmem:s5+$0x14030] =	vst.add.f32.msk $0xffff, v4  }
0xbd: {  	[tilespmem:s5+$0x14040] =	vst.add.f32.msk $0xffff, v63  }
0xbe: {  	[tilespmem:s5+$0x14050] =	vst.add.f32.msk $0xffff, v5  }
0xbf: {  	s6 =	rddreg [dreg:$0x18];
	[tilespmem:s5+$0x14060] =	vst.add.f32.msk $0xffff, v6;
	s5 =	simm.s32 $0x0  }
0xc0: {  	[hbm4b:s6+s5] =	stream.linear.scatter [tilespmem:s25], [sflag:$0x9], $0x4000, $0x38;
	[tilespmem:$0x18000] =	vst v63  }
0xc1: {  	_ =	swait.ge [sflag:s3], $0x4000  }
0xc2: {  	[sflag:s3] =	ssyncset.done $0x0  }
0xc3: {  	s6 =	rddreg [dreg:$0x1d];
	[sflag:s3] =	ssyncadd.s32 $0xFFFFC000  }
0xc4: {  	[tilespmem:s24], [sflag:$0x3] =	stream.linear.gather [hbm4b:s6+s5], $0x4000, $0x38;
	[tilespmem:$0x18000] =	vst v63  }
0xc5: {  	s6 =	rddreg [dreg:$0x8]  }
0xc6: {  	[tilespmem:s25], [sflag:$0x6] =	stream.linear.gather [hbm4b:s6+s5], $0x4000, $0x38;
	[tilespmem:$0x18000] =	vst v63  }
0xc7: {  	_ =	swait.ge [sflag:s26], $0x4000  }
0xc8: {  	[sflag:s26] =	ssyncset.done $0x0  }
0xc9: {  	[sflag:s26] =	ssyncadd.s32 $0xFFFFC000  }
0xca: {  	_ =	swait.ge [sflag:s28], $0x4000  }
0xcb: {  	[sflag:s28] =	ssyncset.done $0x0  }
0xcc: {  	s5 =	simm.s32 $0x0;
	s6 =	simm.s32 $0x200;
	[sflag:s28] =	ssyncadd.s32 $0xFFFFC000  }
.LBB2_8:
0xcd: {  	p0 =	sne.s32 s6, $0xFE00;
	v0 =	vld [tilespmem:s5+$0x70]  }
0xce: {  	v1 =	vld [tilespmem:s5+$0x0]  }
0xcf: {  	v2 =	vld [tilespmem:s5+$0x10]  }
0xd0: {  	v3 =	vld [tilespmem:s5+$0x20]  }
0xd1: {  	v4 =	vld [tilespmem:s5+$0x30]  }
0xd2: {  	[tilespmem:s5+$0xC070] =	vst.add.f32.msk $0xffff, v0  }
0xd3: {  	v0 =	vld [tilespmem:s5+$0x40]  }
0xd4: {  	v5 =	vld [tilespmem:s5+$0x50]  }
0xd5: {  	v6 =	vld [tilespmem:s5+$0x60]  }
0xd6: {  	[tilespmem:s5+$0xC000] =	vst.add.f32.msk $0xffff, v1  }
0xd7: {  	[tilespmem:s5+$0xC010] =	vst.add.f32.msk $0xffff, v2  }
.Ltmp3:
0xd8: {  	[tilespmem:s5+$0xC020] =	vst.add.f32.msk $0xffff, v3;
	(pc) =	sbr.rel @p0 .LBB2_8-.Ltmp3, $4  }
0xd9: {  	[tilespmem:s5+$0xC030] =	vst.add.f32.msk $0xffff, v4  }
0xda: {  	[tilespmem:s5+$0xC040] =	vst.add.f32.msk $0xffff, v0  }
0xdb: {  	[tilespmem:s5+$0xC050] =	vst.add.f32.msk $0xffff, v5  }
0xdc: {  	[tilespmem:s5+$0xC060] =	vst.add.f32.msk $0xffff, v6;
	s5 =	sshra.s32 s6, $0x2;
	s6 =	sadd.s32 $0x200, s6  }
0xdd: {  	v0 =	vld [tilespmem:s5+$0x70]  }
0xde: {  	v1 =	vld [tilespmem:s5+$0x0]  }
0xdf: {  	v2 =	vld [tilespmem:s5+$0x10]  }
0xe0: {  	v3 =	vld [tilespmem:s5+$0x20]  }
0xe1: {  	v4 =	vld [tilespmem:s5+$0x30]  }
0xe2: {  	v63 =	vld [tilespmem:s5+$0x40]  }
0xe3: {  	v5 =	vld [tilespmem:s5+$0x50]  }
0xe4: {  	v6 =	vld [tilespmem:s5+$0x60]  }
0xe5: {  	[tilespmem:s5+$0xC070] =	vst.add.f32.msk $0xffff, v0  }
0xe6: {  	[tilespmem:s5+$0xC000] =	vst.add.f32.msk $0xffff, v1  }
0xe7: {  	[tilespmem:s5+$0xC010] =	vst.add.f32.msk $0xffff, v2  }
0xe8: {  	[tilespmem:s5+$0xC020] =	vst.add.f32.msk $0xffff, v3  }
0xe9: {  	[tilespmem:s5+$0xC030] =	vst.add.f32.msk $0xffff, v4  }
0xea: {  	[tilespmem:s5+$0xC040] =	vst.add.f32.msk $0xffff, v63  }
0xeb: {  	[tilespmem:s5+$0xC050] =	vst.add.f32.msk $0xffff, v5  }
0xec: {  	s6 =	rddreg [dreg:$0x1a];
	[tilespmem:s5+$0xC060] =	vst.add.f32.msk $0xffff, v6;
	s5 =	simm.s32 $0x0  }
0xed: {  	[hbm4b:s6+s5] =	stream.linear.scatter [tilespmem:s21], [sflag:$0x7], $0x4000, $0x38;
	[tilespmem:$0x18000] =	vst v63  }
0xee: {  	_ =	swait.ge [sflag:s29], $0x4000  }
0xef: {  	[sflag:s29] =	ssyncset.done $0x0  }
0xf0: {  	s6 =	rddreg [dreg:$0x1f];
	[sflag:s29] =	ssyncadd.s32 $0xFFFFC000  }
0xf1: {  	[tilespmem:s5], [sflag:$0x1] =	stream.linear.gather [hbm4b:s6+s5], $0x4000, $0x38;
	[tilespmem:$0x18000] =	vst v63  }
0xf2: {  	s6 =	rddreg [dreg:$0x9]  }
0xf3: {  	[tilespmem:s21], [sflag:$0x4] =	stream.linear.gather [hbm4b:s6+s5], $0x4000, $0x38;
	[tilespmem:$0x18000] =	vst v63  }
0xf4: {  	_ =	swait.ge [sflag:s30], $0x4000  }
0xf5: {  	[sflag:s30] =	ssyncset.done $0x0  }
0xf6: {  	[sflag:s30] =	ssyncadd.s32 $0xFFFFC000  }
0xf7: {  	_ =	swait.ge [sflag:s31], $0x4000  }
0xf8: {  	[sflag:s31] =	ssyncset.done $0x0  }
0xf9: {  	s5 =	simm.s32 $0x0;
	s6 =	simm.s32 $0x200;
	[sflag:s31] =	ssyncadd.s32 $0xFFFFC000  }
.LBB2_10:
0xfa: {  	p0 =	sne.s32 s6, $0xFE00;
	v0 =	vld [tilespmem:s5+$0x4070]  }
0xfb: {  	v1 =	vld [tilespmem:s5+$0x4000]  }
0xfc: {  	v2 =	vld [tilespmem:s5+$0x4010]  }
0xfd: {  	v3 =	vld [tilespmem:s5+$0x4020]  }
0xfe: {  	v4 =	vld [tilespmem:s5+$0x4030]  }
0xff: {  	[tilespmem:s5+$0x10070] =	vst.add.f32.msk $0xffff, v0  }
0x100: {  	v0 =	vld [tilespmem:s5+$0x4040]  }
0x101: {  	v5 =	vld [tilespmem:s5+$0x4050]  }
0x102: {  	v6 =	vld [tilespmem:s5+$0x4060]  }
0x103: {  	[tilespmem:s5+$0x10000] =	vst.add.f32.msk $0xffff, v1  }
0x104: {  	[tilespmem:s5+$0x10010] =	vst.add.f32.msk $0xffff, v2  }
.Ltmp4:
0x105: {  	[tilespmem:s5+$0x10020] =	vst.add.f32.msk $0xffff, v3;
	(pc) =	sbr.rel @p0 .LBB2_10-.Ltmp4, $4  }
0x106: {  	[tilespmem:s5+$0x10030] =	vst.add.f32.msk $0xffff, v4  }
0x107: {  	[tilespmem:s5+$0x10040] =	vst.add.f32.msk $0xffff, v0  }
0x108: {  	[tilespmem:s5+$0x10050] =	vst.add.f32.msk $0xffff, v5  }
0x109: {  	[tilespmem:s5+$0x10060] =	vst.add.f32.msk $0xffff, v6;
	s5 =	sshra.s32 s6, $0x2;
	s6 =	sadd.s32 $0x200, s6  }
0x10a: {  	v0 =	vld [tilespmem:s5+$0x4070]  }
0x10b: {  	v1 =	vld [tilespmem:s5+$0x4000]  }
0x10c: {  	v2 =	vld [tilespmem:s5+$0x4010]  }
0x10d: {  	v3 =	vld [tilespmem:s5+$0x4020]  }
0x10e: {  	v4 =	vld [tilespmem:s5+$0x4030]  }
0x10f: {  	v63 =	vld [tilespmem:s5+$0x4040]  }
0x110: {  	v5 =	vld [tilespmem:s5+$0x4050]  }
0x111: {  	v6 =	vld [tilespmem:s5+$0x4060]  }
0x112: {  	[tilespmem:s5+$0x10070] =	vst.add.f32.msk $0xffff, v0  }
0x113: {  	[tilespmem:s5+$0x10000] =	vst.add.f32.msk $0xffff, v1  }
0x114: {  	[tilespmem:s5+$0x10010] =	vst.add.f32.msk $0xffff, v2  }
0x115: {  	[tilespmem:s5+$0x10020] =	vst.add.f32.msk $0xffff, v3  }
0x116: {  	[tilespmem:s5+$0x10030] =	vst.add.f32.msk $0xffff, v4  }
0x117: {  	[tilespmem:s5+$0x10040] =	vst.add.f32.msk $0xffff, v63  }
0x118: {  	[tilespmem:s5+$0x10050] =	vst.add.f32.msk $0xffff, v5  }
0x119: {  	s6 =	rddreg [dreg:$0x1c];
	[tilespmem:s5+$0x10060] =	vst.add.f32.msk $0xffff, v6;
	s5 =	simm.s32 $0x0  }
0x11a: {  	[hbm4b:s6+s5] =	stream.linear.scatter [tilespmem:s23], [sflag:$0x8], $0x4000, $0x38;
	[tilespmem:$0x18000] =	vst v63  }
0x11b: {  	_ =	swait.ge [sflag:s0], $0x4000  }
0x11c: {  	s6 =	sld [smem:$0x7F8]  }
0x11d: {  	[sflag:s0] =	ssyncset.done $0x0  }
0x11e: {  	[sflag:s0] =	ssyncadd.s32 $0xFFFFC000  }
0x11f: {  	[tilespmem:s22], [sflag:$0x2] =	stream.linear.gather [hbm4b:s6+s5], $0x4000, $0x38;
	[tilespmem:$0x18000] =	vst v63  }
0x120: {  	s6 =	rddreg [dreg:$0xa]  }
0x121: {  	[tilespmem:s23], [sflag:$0x5] =	stream.linear.gather [hbm4b:s6+s5], $0x4000, $0x38;
	[tilespmem:$0x18000] =	vst v63  }
0x122: {  	_ =	swait.ge [sflag:s1], $0x4000  }
0x123: {  	[sflag:s1] =	ssyncset.done $0x0  }
0x124: {  	[sflag:s1] =	ssyncadd.s32 $0xFFFFC000  }
0x125: {  	_ =	swait.ge [sflag:s2], $0x4000  }
0x126: {  	[sflag:s2] =	ssyncset.done $0x0  }
0x127: {  	s5 =	simm.s32 $0x0;
	s6 =	simm.s32 $0x200;
	[sflag:s2] =	ssyncadd.s32 $0xFFFFC000  }
.LBB2_12:
0x128: {  	p0 =	sne.s32 s6, $0xFE00;
	v0 =	vld [tilespmem:s5+$0x8070]  }
0x129: {  	v1 =	vld [tilespmem:s5+$0x8000]  }
0x12a: {  	v2 =	vld [tilespmem:s5+$0x8010]  }
0x12b: {  	v3 =	vld [tilespmem:s5+$0x8020]  }
0x12c: {  	v4 =	vld [tilespmem:s5+$0x8030]  }
0x12d: {  	[tilespmem:s5+$0x14070] =	vst.add.f32.msk $0xffff, v0  }
0x12e: {  	v0 =	vld [tilespmem:s5+$0x8040]  }
0x12f: {  	v5 =	vld [tilespmem:s5+$0x8050]  }
0x130: {  	v6 =	vld [tilespmem:s5+$0x8060]  }
0x131: {  	[tilespmem:s5+$0x14000] =	vst.add.f32.msk $0xffff, v1  }
0x132: {  	[tilespmem:s5+$0x14010] =	vst.add.f32.msk $0xffff, v2  }
.Ltmp5:
0x133: {  	[tilespmem:s5+$0x14020] =	vst.add.f32.msk $0xffff, v3;
	(pc) =	sbr.rel @p0 .LBB2_12-.Ltmp5, $4  }
0x134: {  	[tilespmem:s5+$0x14030] =	vst.add.f32.msk $0xffff, v4  }
0x135: {  	[tilespmem:s5+$0x14040] =	vst.add.f32.msk $0xffff, v0  }
0x136: {  	[tilespmem:s5+$0x14050] =	vst.add.f32.msk $0xffff, v5  }
0x137: {  	[tilespmem:s5+$0x14060] =	vst.add.f32.msk $0xffff, v6;
	s5 =	sshra.s32 s6, $0x2;
	s6 =	sadd.s32 $0x200, s6  }
0x138: {  	v0 =	vld [tilespmem:s5+$0x8070]  }
0x139: {  	v1 =	vld [tilespmem:s5+$0x8000]  }
0x13a: {  	v2 =	vld [tilespmem:s5+$0x8010]  }
0x13b: {  	v3 =	vld [tilespmem:s5+$0x8020]  }
0x13c: {  	v4 =	vld [tilespmem:s5+$0x8030]  }
0x13d: {  	v63 =	vld [tilespmem:s5+$0x8040]  }
0x13e: {  	v5 =	vld [tilespmem:s5+$0x8050]  }
0x13f: {  	v6 =	vld [tilespmem:s5+$0x8060]  }
0x140: {  	[tilespmem:s5+$0x14070] =	vst.add.f32.msk $0xffff, v0  }
0x141: {  	[tilespmem:s5+$0x14000] =	vst.add.f32.msk $0xffff, v1  }
0x142: {  	[tilespmem:s5+$0x14010] =	vst.add.f32.msk $0xffff, v2  }
0x143: {  	[tilespmem:s5+$0x14020] =	vst.add.f32.msk $0xffff, v3  }
0x144: {  	[tilespmem:s5+$0x14030] =	vst.add.f32.msk $0xffff, v4  }
0x145: {  	[tilespmem:s5+$0x14040] =	vst.add.f32.msk $0xffff, v63  }
0x146: {  	[tilespmem:s5+$0x14050] =	vst.add.f32.msk $0xffff, v5  }
0x147: {  	s6 =	rddreg [dreg:$0x1e];
	[tilespmem:s5+$0x14060] =	vst.add.f32.msk $0xffff, v6;
	s5 =	simm.s32 $0x0  }
0x148: {  	[hbm4b:s6+s5] =	stream.linear.scatter [tilespmem:s25], [sflag:$0x9], $0x4000, $0x38;
	[tilespmem:$0x18000] =	vst v63  }
0x149: {  	_ =	swait.ge [sflag:s3], $0x4000  }
0x14a: {  	s6 =	sld [smem:$0x7FA]  }
0x14b: {  	[sflag:s3] =	ssyncset.done $0x0  }
0x14c: {  	[sflag:s3] =	ssyncadd.s32 $0xFFFFC000  }
0x14d: {  	[tilespmem:s24], [sflag:$0x3] =	stream.linear.gather [hbm4b:s6+s5], $0x4000, $0x38;
	[tilespmem:$0x18000] =	vst v63  }
0x14e: {  	s6 =	rddreg [dreg:$0xb]  }
0x14f: {  	[tilespmem:s25], [sflag:$0x6] =	stream.linear.gather [hbm4b:s6+s5], $0x4000, $0x38;
	[tilespmem:$0x18000] =	vst v63  }
0x150: {  	_ =	swait.ge [sflag:s26], $0x4000  }
0x151: {  	[sflag:s26] =	ssyncset.done $0x0  }
0x152: {  	[sflag:s26] =	ssyncadd.s32 $0xFFFFC000  }
0x153: {  	_ =	swait.ge [sflag:s28], $0x4000  }
0x154: {  	[sflag:s28] =	ssyncset.done $0x0  }
0x155: {  	s5 =	simm.s32 $0x0;
	s6 =	simm.s32 $0x200;
	[sflag:s28] =	ssyncadd.s32 $0xFFFFC000  }
.LBB2_14:
0x156: {  	p0 =	sne.s32 s6, $0xFE00;
	v0 =	vld [tilespmem:s5+$0x70]  }
0x157: {  	v1 =	vld [tilespmem:s5+$0x0]  }
0x158: {  	v2 =	vld [tilespmem:s5+$0x10]  }
0x159: {  	v3 =	vld [tilespmem:s5+$0x20]  }
0x15a: {  	v4 =	vld [tilespmem:s5+$0x30]  }
0x15b: {  	[tilespmem:s5+$0xC070] =	vst.add.f32.msk $0xffff, v0  }
0x15c: {  	v0 =	vld [tilespmem:s5+$0x40]  }
0x15d: {  	v5 =	vld [tilespmem:s5+$0x50]  }
0x15e: {  	v6 =	vld [tilespmem:s5+$0x60]  }
0x15f: {  	[tilespmem:s5+$0xC000] =	vst.add.f32.msk $0xffff, v1  }
0x160: {  	[tilespmem:s5+$0xC010] =	vst.add.f32.msk $0xffff, v2  }
.Ltmp6:
0x161: {  	[tilespmem:s5+$0xC020] =	vst.add.f32.msk $0xffff, v3;
	(pc) =	sbr.rel @p0 .LBB2_14-.Ltmp6, $4  }
0x162: {  	[tilespmem:s5+$0xC030] =	vst.add.f32.msk $0xffff, v4  }
0x163: {  	[tilespmem:s5+$0xC040] =	vst.add.f32.msk $0xffff, v0  }
0x164: {  	[tilespmem:s5+$0xC050] =	vst.add.f32.msk $0xffff, v5  }
0x165: {  	[tilespmem:s5+$0xC060] =	vst.add.f32.msk $0xffff, v6;
	s5 =	sshra.s32 s6, $0x2;
	s6 =	sadd.s32 $0x200, s6  }
0x166: {  	v0 =	vld [tilespmem:s5+$0x70]  }
0x167: {  	v1 =	vld [tilespmem:s5+$0x0]  }
0x168: {  	v2 =	vld [tilespmem:s5+$0x10]  }
0x169: {  	v3 =	vld [tilespmem:s5+$0x20]  }
0x16a: {  	v4 =	vld [tilespmem:s5+$0x30]  }
0x16b: {  	v63 =	vld [tilespmem:s5+$0x40]  }
0x16c: {  	v5 =	vld [tilespmem:s5+$0x50]  }
0x16d: {  	v6 =	vld [tilespmem:s5+$0x60]  }
0x16e: {  	[tilespmem:s5+$0xC070] =	vst.add.f32.msk $0xffff, v0  }
0x16f: {  	[tilespmem:s5+$0xC000] =	vst.add.f32.msk $0xffff, v1  }
0x170: {  	[tilespmem:s5+$0xC010] =	vst.add.f32.msk $0xffff, v2  }
0x171: {  	[tilespmem:s5+$0xC020] =	vst.add.f32.msk $0xffff, v3  }
0x172: {  	[tilespmem:s5+$0xC030] =	vst.add.f32.msk $0xffff, v4  }
0x173: {  	s6 =	sld [smem:$0x7F7];
	[tilespmem:s5+$0xC040] =	vst.add.f32.msk $0xffff, v63  }
0x174: {  	[tilespmem:s5+$0xC050] =	vst.add.f32.msk $0xffff, v5  }
0x175: {  	[tilespmem:s5+$0xC060] =	vst.add.f32.msk $0xffff, v6;
	s5 =	simm.s32 $0x0  }
0x176: {  	[hbm4b:s6+s5] =	stream.linear.scatter [tilespmem:s21], [sflag:$0x7], $0x4000, $0x38;
	[tilespmem:$0x18000] =	vst v63  }
0x177: {  	_ =	swait.ge [sflag:s29], $0x4000  }
0x178: {  	s6 =	sld [smem:$0x7FC]  }
0x179: {  	[sflag:s29] =	ssyncset.done $0x0  }
0x17a: {  	[sflag:s29] =	ssyncadd.s32 $0xFFFFC000  }
0x17b: {  	[tilespmem:s5], [sflag:$0x1] =	stream.linear.gather [hbm4b:s6+s5], $0x4000, $0x38;
	[tilespmem:$0x18000] =	vst v63  }
0x17c: {  	s6 =	rddreg [dreg:$0xc]  }
0x17d: {  	[tilespmem:s21], [sflag:$0x4] =	stream.linear.gather [hbm4b:s6+s5], $0x4000, $0x38;
	[tilespmem:$0x18000] =	vst v63  }
0x17e: {  	_ =	swait.ge [sflag:s30], $0x4000  }
0x17f: {  	[sflag:s30] =	ssyncset.done $0x0  }
0x180: {  	[sflag:s30] =	ssyncadd.s32 $0xFFFFC000  }
0x181: {  	_ =	swait.ge [sflag:s31], $0x4000  }
0x182: {  	[sflag:s31] =	ssyncset.done $0x0  }
0x183: {  	s5 =	simm.s32 $0x0;
	s6 =	simm.s32 $0x200;
	[sflag:s31] =	ssyncadd.s32 $0xFFFFC000  }
.LBB2_16:
0x184: {  	p0 =	sne.s32 s6, $0xFE00;
	v0 =	vld [tilespmem:s5+$0x4070]  }
0x185: {  	v1 =	vld [tilespmem:s5+$0x4000]  }
0x186: {  	v2 =	vld [tilespmem:s5+$0x4010]  }
0x187: {  	v3 =	vld [tilespmem:s5+$0x4020]  }
0x188: {  	v4 =	vld [tilespmem:s5+$0x4030]  }
0x189: {  	[tilespmem:s5+$0x10070] =	vst.add.f32.msk $0xffff, v0  }
0x18a: {  	v0 =	vld [tilespmem:s5+$0x4040]  }
0x18b: {  	v5 =	vld [tilespmem:s5+$0x4050]  }
0x18c: {  	v6 =	vld [tilespmem:s5+$0x4060]  }
0x18d: {  	[tilespmem:s5+$0x10000] =	vst.add.f32.msk $0xffff, v1  }
0x18e: {  	[tilespmem:s5+$0x10010] =	vst.add.f32.msk $0xffff, v2  }
.Ltmp7:
0x18f: {  	[tilespmem:s5+$0x10020] =	vst.add.f32.msk $0xffff, v3;
	(pc) =	sbr.rel @p0 .LBB2_16-.Ltmp7, $4  }
0x190: {  	[tilespmem:s5+$0x10030] =	vst.add.f32.msk $0xffff, v4  }
0x191: {  	[tilespmem:s5+$0x10040] =	vst.add.f32.msk $0xffff, v0  }
0x192: {  	[tilespmem:s5+$0x10050] =	vst.add.f32.msk $0xffff, v5  }
0x193: {  	[tilespmem:s5+$0x10060] =	vst.add.f32.msk $0xffff, v6;
	s5 =	sshra.s32 s6, $0x2;
	s6 =	sadd.s32 $0x200, s6  }
0x194: {  	v0 =	vld [tilespmem:s5+$0x4070]  }
0x195: {  	v1 =	vld [tilespmem:s5+$0x4000]  }
0x196: {  	v2 =	vld [tilespmem:s5+$0x4010]  }
0x197: {  	v3 =	vld [tilespmem:s5+$0x4020]  }
0x198: {  	v4 =	vld [tilespmem:s5+$0x4030]  }
0x199: {  	v63 =	vld [tilespmem:s5+$0x4040]  }
0x19a: {  	v5 =	vld [tilespmem:s5+$0x4050]  }
0x19b: {  	v6 =	vld [tilespmem:s5+$0x4060]  }
0x19c: {  	[tilespmem:s5+$0x10070] =	vst.add.f32.msk $0xffff, v0  }
0x19d: {  	[tilespmem:s5+$0x10000] =	vst.add.f32.msk $0xffff, v1  }
0x19e: {  	[tilespmem:s5+$0x10010] =	vst.add.f32.msk $0xffff, v2  }
0x19f: {  	[tilespmem:s5+$0x10020] =	vst.add.f32.msk $0xffff, v3  }
0x1a0: {  	[tilespmem:s5+$0x10030] =	vst.add.f32.msk $0xffff, v4  }
0x1a1: {  	s6 =	sld [smem:$0x7F9];
	[tilespmem:s5+$0x10040] =	vst.add.f32.msk $0xffff, v63  }
0x1a2: {  	[tilespmem:s5+$0x10050] =	vst.add.f32.msk $0xffff, v5  }
0x1a3: {  	[tilespmem:s5+$0x10060] =	vst.add.f32.msk $0xffff, v6;
	s5 =	simm.s32 $0x0  }
0x1a4: {  	[hbm4b:s6+s5] =	stream.linear.scatter [tilespmem:s23], [sflag:$0x8], $0x4000, $0x38;
	[tilespmem:$0x18000] =	vst v63  }
0x1a5: {  	_ =	swait.ge [sflag:s0], $0x4000  }
0x1a6: {  	[sflag:s0] =	ssyncset.done $0x0  }
0x1a7: {  	[sflag:s0] =	ssyncadd.s32 $0xFFFFC000  }
0x1a8: {  	[tilespmem:s22], [sflag:$0x2] =	stream.linear.gather [hbm4b:s7+s5], $0x4000, $0x38;
	[tilespmem:$0x18000] =	vst v63  }
0x1a9: {  	s6 =	rddreg [dreg:$0xd]  }
0x1aa: {  	[tilespmem:s23], [sflag:$0x5] =	stream.linear.gather [hbm4b:s6+s5], $0x4000, $0x38;
	[tilespmem:$0x18000] =	vst v63  }
0x1ab: {  	_ =	swait.ge [sflag:s1], $0x4000  }
0x1ac: {  	[sflag:s1] =	ssyncset.done $0x0  }
0x1ad: {  	[sflag:s1] =	ssyncadd.s32 $0xFFFFC000  }
0x1ae: {  	_ =	swait.ge [sflag:s2], $0x4000  }
0x1af: {  	[sflag:s2] =	ssyncset.done $0x0  }
0x1b0: {  	s5 =	simm.s32 $0x0;
	s6 =	simm.s32 $0x200;
	[sflag:s2] =	ssyncadd.s32 $0xFFFFC000  }
.LBB2_18:
0x1b1: {  	p0 =	sne.s32 s6, $0xFE00;
	v0 =	vld [tilespmem:s5+$0x8070]  }
0x1b2: {  	v1 =	vld [tilespmem:s5+$0x8000]  }
0x1b3: {  	v2 =	vld [tilespmem:s5+$0x8010]  }
0x1b4: {  	v3 =	vld [tilespmem:s5+$0x8020]  }
0x1b5: {  	v4 =	vld [tilespmem:s5+$0x8030]  }
0x1b6: {  	[tilespmem:s5+$0x14070] =	vst.add.f32.msk $0xffff, v0  }
0x1b7: {  	v0 =	vld [tilespmem:s5+$0x8040]  }
0x1b8: {  	v5 =	vld [tilespmem:s5+$0x8050]  }
0x1b9: {  	v6 =	vld [tilespmem:s5+$0x8060]  }
0x1ba: {  	[tilespmem:s5+$0x14000] =	vst.add.f32.msk $0xffff, v1  }
0x1bb: {  	[tilespmem:s5+$0x14010] =	vst.add.f32.msk $0xffff, v2  }
.Ltmp8:
0x1bc: {  	[tilespmem:s5+$0x14020] =	vst.add.f32.msk $0xffff, v3;
	(pc) =	sbr.rel @p0 .LBB2_18-.Ltmp8, $4  }
0x1bd: {  	[tilespmem:s5+$0x14030] =	vst.add.f32.msk $0xffff, v4  }
0x1be: {  	[tilespmem:s5+$0x14040] =	vst.add.f32.msk $0xffff, v0  }
0x1bf: {  	[tilespmem:s5+$0x14050] =	vst.add.f32.msk $0xffff, v5  }
0x1c0: {  	[tilespmem:s5+$0x14060] =	vst.add.f32.msk $0xffff, v6;
	s5 =	sshra.s32 s6, $0x2;
	s6 =	sadd.s32 $0x200, s6  }
0x1c1: {  	v0 =	vld [tilespmem:s5+$0x8070]  }
0x1c2: {  	v1 =	vld [tilespmem:s5+$0x8000]  }
0x1c3: {  	v2 =	vld [tilespmem:s5+$0x8010]  }
0x1c4: {  	v3 =	vld [tilespmem:s5+$0x8020]  }
0x1c5: {  	v4 =	vld [tilespmem:s5+$0x8030]  }
0x1c6: {  	v63 =	vld [tilespmem:s5+$0x8040]  }
0x1c7: {  	v5 =	vld [tilespmem:s5+$0x8050]  }
0x1c8: {  	v6 =	vld [tilespmem:s5+$0x8060]  }
0x1c9: {  	[tilespmem:s5+$0x14070] =	vst.add.f32.msk $0xffff, v0  }
0x1ca: {  	[tilespmem:s5+$0x14000] =	vst.add.f32.msk $0xffff, v1  }
0x1cb: {  	[tilespmem:s5+$0x14010] =	vst.add.f32.msk $0xffff, v2  }
0x1cc: {  	[tilespmem:s5+$0x14020] =	vst.add.f32.msk $0xffff, v3  }
0x1cd: {  	[tilespmem:s5+$0x14030] =	vst.add.f32.msk $0xffff, v4  }
0x1ce: {  	s6 =	sld [smem:$0x7FB];
	[tilespmem:s5+$0x14040] =	vst.add.f32.msk $0xffff, v63  }
0x1cf: {  	[tilespmem:s5+$0x14050] =	vst.add.f32.msk $0xffff, v5  }
0x1d0: {  	[tilespmem:s5+$0x14060] =	vst.add.f32.msk $0xffff, v6;
	s5 =	simm.s32 $0x0  }
0x1d1: {  	[hbm4b:s6+s5] =	stream.linear.scatter [tilespmem:s25], [sflag:$0x9], $0x4000, $0x38;
	[tilespmem:$0x18000] =	vst v63  }
0x1d2: {  	_ =	swait.ge [sflag:s3], $0x4000  }
0x1d3: {  	[sflag:s3] =	ssyncset.done $0x0  }
0x1d4: {  	[sflag:s3] =	ssyncadd.s32 $0xFFFFC000  }
0x1d5: {  	[tilespmem:s24], [sflag:$0x3] =	stream.linear.gather [hbm4b:s9+s5], $0x4000, $0x38;
	[tilespmem:$0x18000] =	vst v63  }
0x1d6: {  	s6 =	rddreg [dreg:$0xe]  }
0x1d7: {  	[tilespmem:s25], [sflag:$0x6] =	stream.linear.gather [hbm4b:s6+s5], $0x4000, $0x38;
	[tilespmem:$0x18000] =	vst v63  }
0x1d8: {  	_ =	swait.ge [sflag:s26], $0x4000  }
0x1d9: {  	[sflag:s26] =	ssyncset.done $0x0  }
0x1da: {  	[sflag:s26] =	ssyncadd.s32 $0xFFFFC000  }
0x1db: {  	_ =	swait.ge [sflag:s28], $0x4000  }
0x1dc: {  	[sflag:s28] =	ssyncset.done $0x0  }
0x1dd: {  	s5 =	simm.s32 $0x0;
	s6 =	simm.s32 $0x200;
	[sflag:s28] =	ssyncadd.s32 $0xFFFFC000  }
.LBB2_20:
0x1de: {  	p0 =	sne.s32 s6, $0xFE00;
	v0 =	vld [tilespmem:s5+$0x70]  }
0x1df: {  	v1 =	vld [tilespmem:s5+$0x0]  }
0x1e0: {  	v2 =	vld [tilespmem:s5+$0x10]  }
0x1e1: {  	v3 =	vld [tilespmem:s5+$0x20]  }
0x1e2: {  	v4 =	vld [tilespmem:s5+$0x30]  }
0x1e3: {  	[tilespmem:s5+$0xC070] =	vst.add.f32.msk $0xffff, v0  }
0x1e4: {  	v0 =	vld [tilespmem:s5+$0x40]  }
0x1e5: {  	v5 =	vld [tilespmem:s5+$0x50]  }
0x1e6: {  	v6 =	vld [tilespmem:s5+$0x60]  }
0x1e7: {  	[tilespmem:s5+$0xC000] =	vst.add.f32.msk $0xffff, v1  }
0x1e8: {  	[tilespmem:s5+$0xC010] =	vst.add.f32.msk $0xffff, v2  }
.Ltmp9:
0x1e9: {  	[tilespmem:s5+$0xC020] =	vst.add.f32.msk $0xffff, v3;
	(pc) =	sbr.rel @p0 .LBB2_20-.Ltmp9, $4  }
0x1ea: {  	[tilespmem:s5+$0xC030] =	vst.add.f32.msk $0xffff, v4  }
0x1eb: {  	[tilespmem:s5+$0xC040] =	vst.add.f32.msk $0xffff, v0  }
0x1ec: {  	[tilespmem:s5+$0xC050] =	vst.add.f32.msk $0xffff, v5  }
0x1ed: {  	[tilespmem:s5+$0xC060] =	vst.add.f32.msk $0xffff, v6;
	s5 =	sshra.s32 s6, $0x2;
	s6 =	sadd.s32 $0x200, s6  }
0x1ee: {  	v0 =	vld [tilespmem:s5+$0x70]  }
0x1ef: {  	v1 =	vld [tilespmem:s5+$0x0]  }
0x1f0: {  	v2 =	vld [tilespmem:s5+$0x10]  }
0x1f1: {  	v3 =	vld [tilespmem:s5+$0x20]  }
0x1f2: {  	v4 =	vld [tilespmem:s5+$0x30]  }
0x1f3: {  	v63 =	vld [tilespmem:s5+$0x40]  }
0x1f4: {  	v5 =	vld [tilespmem:s5+$0x50]  }
0x1f5: {  	v6 =	vld [tilespmem:s5+$0x60]  }
0x1f6: {  	[tilespmem:s5+$0xC070] =	vst.add.f32.msk $0xffff, v0  }
0x1f7: {  	[tilespmem:s5+$0xC000] =	vst.add.f32.msk $0xffff, v1  }
0x1f8: {  	[tilespmem:s5+$0xC010] =	vst.add.f32.msk $0xffff, v2  }
0x1f9: {  	[tilespmem:s5+$0xC020] =	vst.add.f32.msk $0xffff, v3  }
0x1fa: {  	[tilespmem:s5+$0xC030] =	vst.add.f32.msk $0xffff, v4  }
0x1fb: {  	s6 =	sld [smem:$0x7FD];
	[tilespmem:s5+$0xC040] =	vst.add.f32.msk $0xffff, v63  }
0x1fc: {  	[tilespmem:s5+$0xC050] =	vst.add.f32.msk $0xffff, v5  }
0x1fd: {  	[tilespmem:s5+$0xC060] =	vst.add.f32.msk $0xffff, v6;
	s5 =	simm.s32 $0x0  }
0x1fe: {  	[hbm4b:s6+s5] =	stream.linear.scatter [tilespmem:s21], [sflag:$0x7], $0x4000, $0x38;
	[tilespmem:$0x18000] =	vst v63  }
0x1ff: {  	_ =	swait.ge [sflag:s29], $0x4000  }
0x200: {  	[sflag:s29] =	ssyncset.done $0x0  }
0x201: {  	[sflag:s29] =	ssyncadd.s32 $0xFFFFC000  }
0x202: {  	[tilespmem:s5], [sflag:$0x1] =	stream.linear.gather [hbm4b:s11+s5], $0x4000, $0x38;
	[tilespmem:$0x18000] =	vst v63  }
0x203: {  	s6 =	rddreg [dreg:$0xf]  }
0x204: {  	[tilespmem:s21], [sflag:$0x4] =	stream.linear.gather [hbm4b:s6+s5], $0x4000, $0x38;
	[tilespmem:$0x18000] =	vst v63  }
0x205: {  	_ =	swait.ge [sflag:s30], $0x4000  }
0x206: {  	[sflag:s30] =	ssyncset.done $0x0  }
0x207: {  	[sflag:s30] =	ssyncadd.s32 $0xFFFFC000  }
0x208: {  	_ =	swait.ge [sflag:s31], $0x4000  }
0x209: {  	[sflag:s31] =	ssyncset.done $0x0  }
0x20a: {  	s5 =	simm.s32 $0x0;
	s6 =	simm.s32 $0x200;
	[sflag:s31] =	ssyncadd.s32 $0xFFFFC000  }
.LBB2_22:
0x20b: {  	p0 =	sne.s32 s6, $0xFE00;
	v0 =	vld [tilespmem:s5+$0x4070]  }
0x20c: {  	v1 =	vld [tilespmem:s5+$0x4000]  }
0x20d: {  	v2 =	vld [tilespmem:s5+$0x4010]  }
0x20e: {  	v3 =	vld [tilespmem:s5+$0x4020]  }
0x20f: {  	v4 =	vld [tilespmem:s5+$0x4030]  }
0x210: {  	[tilespmem:s5+$0x10070] =	vst.add.f32.msk $0xffff, v0  }
0x211: {  	v0 =	vld [tilespmem:s5+$0x4040]  }
0x212: {  	v5 =	vld [tilespmem:s5+$0x4050]  }
0x213: {  	v6 =	vld [tilespmem:s5+$0x4060]  }
0x214: {  	[tilespmem:s5+$0x10000] =	vst.add.f32.msk $0xffff, v1  }
0x215: {  	[tilespmem:s5+$0x10010] =	vst.add.f32.msk $0xffff, v2  }
.Ltmp10:
0x216: {  	[tilespmem:s5+$0x10020] =	vst.add.f32.msk $0xffff, v3;
	(pc) =	sbr.rel @p0 .LBB2_22-.Ltmp10, $4  }
0x217: {  	[tilespmem:s5+$0x10030] =	vst.add.f32.msk $0xffff, v4  }
0x218: {  	[tilespmem:s5+$0x10040] =	vst.add.f32.msk $0xffff, v0  }
0x219: {  	[tilespmem:s5+$0x10050] =	vst.add.f32.msk $0xffff, v5  }
0x21a: {  	[tilespmem:s5+$0x10060] =	vst.add.f32.msk $0xffff, v6;
	s5 =	sshra.s32 s6, $0x2;
	s6 =	sadd.s32 $0x200, s6  }
0x21b: {  	v0 =	vld [tilespmem:s5+$0x4070]  }
0x21c: {  	v1 =	vld [tilespmem:s5+$0x4000]  }
0x21d: {  	v2 =	vld [tilespmem:s5+$0x4010]  }
0x21e: {  	v3 =	vld [tilespmem:s5+$0x4020]  }
0x21f: {  	v4 =	vld [tilespmem:s5+$0x4030]  }
0x220: {  	v63 =	vld [tilespmem:s5+$0x4040]  }
0x221: {  	v5 =	vld [tilespmem:s5+$0x4050]  }
0x222: {  	v6 =	vld [tilespmem:s5+$0x4060]  }
0x223: {  	[tilespmem:s5+$0x10070] =	vst.add.f32.msk $0xffff, v0  }
0x224: {  	[tilespmem:s5+$0x10000] =	vst.add.f32.msk $0xffff, v1  }
0x225: {  	[tilespmem:s5+$0x10010] =	vst.add.f32.msk $0xffff, v2  }
0x226: {  	[tilespmem:s5+$0x10020] =	vst.add.f32.msk $0xffff, v3  }
0x227: {  	[tilespmem:s5+$0x10030] =	vst.add.f32.msk $0xffff, v4  }
0x228: {  	[tilespmem:s5+$0x10040] =	vst.add.f32.msk $0xffff, v63  }
0x229: {  	[tilespmem:s5+$0x10050] =	vst.add.f32.msk $0xffff, v5  }
0x22a: {  	[tilespmem:s5+$0x10060] =	vst.add.f32.msk $0xffff, v6;
	s5 =	simm.s32 $0x0  }
0x22b: {  	[hbm4b:s8+s5] =	stream.linear.scatter [tilespmem:s23], [sflag:$0x8], $0x4000, $0x38;
	[tilespmem:$0x18000] =	vst v63  }
0x22c: {  	_ =	swait.ge [sflag:s0], $0x4000  }
0x22d: {  	[sflag:s0] =	ssyncset.done $0x0  }
0x22e: {  	[sflag:s0] =	ssyncadd.s32 $0xFFFFC000  }
0x22f: {  	[tilespmem:s22], [sflag:$0x2] =	stream.linear.gather [hbm4b:s13+s5], $0x4000, $0x38;
	[tilespmem:$0x18000] =	vst v63  }
0x230: {  	s6 =	rddreg [dreg:$0x10]  }
0x231: {  	[tilespmem:s23], [sflag:$0x5] =	stream.linear.gather [hbm4b:s6+s5], $0x4000, $0x38;
	[tilespmem:$0x18000] =	vst v63  }
0x232: {  	_ =	swait.ge [sflag:s1], $0x4000  }
0x233: {  	[sflag:s1] =	ssyncset.done $0x0  }
0x234: {  	[sflag:s1] =	ssyncadd.s32 $0xFFFFC000  }
0x235: {  	_ =	swait.ge [sflag:s2], $0x4000  }
0x236: {  	[sflag:s2] =	ssyncset.done $0x0  }
0x237: {  	s5 =	simm.s32 $0x0;
	s6 =	simm.s32 $0x200;
	[sflag:s2] =	ssyncadd.s32 $0xFFFFC000  }
.LBB2_24:
0x238: {  	p0 =	sne.s32 s6, $0xFE00;
	v0 =	vld [tilespmem:s5+$0x8070]  }
0x239: {  	v1 =	vld [tilespmem:s5+$0x8000]  }
0x23a: {  	v2 =	vld [tilespmem:s5+$0x8010]  }
0x23b: {  	v3 =	vld [tilespmem:s5+$0x8020]  }
0x23c: {  	v4 =	vld [tilespmem:s5+$0x8030]  }
0x23d: {  	[tilespmem:s5+$0x14070] =	vst.add.f32.msk $0xffff, v0  }
0x23e: {  	v0 =	vld [tilespmem:s5+$0x8040]  }
0x23f: {  	v5 =	vld [tilespmem:s5+$0x8050]  }
0x240: {  	v6 =	vld [tilespmem:s5+$0x8060]  }
0x241: {  	[tilespmem:s5+$0x14000] =	vst.add.f32.msk $0xffff, v1  }
0x242: {  	[tilespmem:s5+$0x14010] =	vst.add.f32.msk $0xffff, v2  }
.Ltmp11:
0x243: {  	[tilespmem:s5+$0x14020] =	vst.add.f32.msk $0xffff, v3;
	(pc) =	sbr.rel @p0 .LBB2_24-.Ltmp11, $4  }
0x244: {  	[tilespmem:s5+$0x14030] =	vst.add.f32.msk $0xffff, v4  }
0x245: {  	[tilespmem:s5+$0x14040] =	vst.add.f32.msk $0xffff, v0  }
0x246: {  	[tilespmem:s5+$0x14050] =	vst.add.f32.msk $0xffff, v5  }
0x247: {  	[tilespmem:s5+$0x14060] =	vst.add.f32.msk $0xffff, v6;
	s5 =	sshra.s32 s6, $0x2;
	s6 =	sadd.s32 $0x200, s6  }
0x248: {  	v0 =	vld [tilespmem:s5+$0x8070]  }
0x249: {  	v1 =	vld [tilespmem:s5+$0x8000]  }
0x24a: {  	v2 =	vld [tilespmem:s5+$0x8010]  }
0x24b: {  	v3 =	vld [tilespmem:s5+$0x8020]  }
0x24c: {  	v4 =	vld [tilespmem:s5+$0x8030]  }
0x24d: {  	v63 =	vld [tilespmem:s5+$0x8040]  }
0x24e: {  	v5 =	vld [tilespmem:s5+$0x8050]  }
0x24f: {  	v6 =	vld [tilespmem:s5+$0x8060]  }
0x250: {  	[tilespmem:s5+$0x14070] =	vst.add.f32.msk $0xffff, v0  }
0x251: {  	[tilespmem:s5+$0x14000] =	vst.add.f32.msk $0xffff, v1  }
0x252: {  	[tilespmem:s5+$0x14010] =	vst.add.f32.msk $0xffff, v2  }
0x253: {  	[tilespmem:s5+$0x14020] =	vst.add.f32.msk $0xffff, v3  }
0x254: {  	[tilespmem:s5+$0x14030] =	vst.add.f32.msk $0xffff, v4  }
0x255: {  	[tilespmem:s5+$0x14040] =	vst.add.f32.msk $0xffff, v63  }
0x256: {  	[tilespmem:s5+$0x14050] =	vst.add.f32.msk $0xffff, v5  }
0x257: {  	[tilespmem:s5+$0x14060] =	vst.add.f32.msk $0xffff, v6;
	s5 =	simm.s32 $0x0  }
0x258: {  	[hbm4b:s10+s5] =	stream.linear.scatter [tilespmem:s25], [sflag:$0x9], $0x4000, $0x38;
	[tilespmem:$0x18000] =	vst v63  }
0x259: {  	_ =	swait.ge [sflag:s3], $0x4000  }
0x25a: {  	[sflag:s3] =	ssyncset.done $0x0  }
0x25b: {  	[sflag:s3] =	ssyncadd.s32 $0xFFFFC000  }
0x25c: {  	[tilespmem:s24], [sflag:$0x3] =	stream.linear.gather [hbm4b:s14+s5], $0x4000, $0x38;
	[tilespmem:$0x18000] =	vst v63  }
0x25d: {  	s6 =	rddreg [dreg:$0x11]  }
0x25e: {  	[tilespmem:s25], [sflag:$0x6] =	stream.linear.gather [hbm4b:s6+s5], $0x4000, $0x38;
	[tilespmem:$0x18000] =	vst v63  }
0x25f: {  	_ =	swait.ge [sflag:s26], $0x4000  }
0x260: {  	[sflag:s26] =	ssyncset.done $0x0  }
0x261: {  	[sflag:s26] =	ssyncadd.s32 $0xFFFFC000  }
0x262: {  	_ =	swait.ge [sflag:s28], $0x4000  }
0x263: {  	[sflag:s28] =	ssyncset.done $0x0  }
0x264: {  	s5 =	simm.s32 $0x0;
	s6 =	simm.s32 $0x200;
	[sflag:s28] =	ssyncadd.s32 $0xFFFFC000  }
.LBB2_26:
0x265: {  	p0 =	sne.s32 s6, $0xFE00;
	v0 =	vld [tilespmem:s5+$0x70]  }
0x266: {  	v1 =	vld [tilespmem:s5+$0x0]  }
0x267: {  	v2 =	vld [tilespmem:s5+$0x10]  }
0x268: {  	v3 =	vld [tilespmem:s5+$0x20]  }
0x269: {  	v4 =	vld [tilespmem:s5+$0x30]  }
0x26a: {  	[tilespmem:s5+$0xC070] =	vst.add.f32.msk $0xffff, v0  }
0x26b: {  	v0 =	vld [tilespmem:s5+$0x40]  }
0x26c: {  	v5 =	vld [tilespmem:s5+$0x50]  }
0x26d: {  	v6 =	vld [tilespmem:s5+$0x60]  }
0x26e: {  	[tilespmem:s5+$0xC000] =	vst.add.f32.msk $0xffff, v1  }
0x26f: {  	[tilespmem:s5+$0xC010] =	vst.add.f32.msk $0xffff, v2  }
.Ltmp12:
0x270: {  	[tilespmem:s5+$0xC020] =	vst.add.f32.msk $0xffff, v3;
	(pc) =	sbr.rel @p0 .LBB2_26-.Ltmp12, $4  }
0x271: {  	[tilespmem:s5+$0xC030] =	vst.add.f32.msk $0xffff, v4  }
0x272: {  	[tilespmem:s5+$0xC040] =	vst.add.f32.msk $0xffff, v0  }
0x273: {  	[tilespmem:s5+$0xC050] =	vst.add.f32.msk $0xffff, v5  }
0x274: {  	[tilespmem:s5+$0xC060] =	vst.add.f32.msk $0xffff, v6;
	s5 =	sshra.s32 s6, $0x2;
	s6 =	sadd.s32 $0x200, s6  }
0x275: {  	v0 =	vld [tilespmem:s5+$0x70]  }
0x276: {  	v1 =	vld [tilespmem:s5+$0x0]  }
0x277: {  	v2 =	vld [tilespmem:s5+$0x10]  }
0x278: {  	v3 =	vld [tilespmem:s5+$0x20]  }
0x279: {  	v4 =	vld [tilespmem:s5+$0x30]  }
0x27a: {  	v63 =	vld [tilespmem:s5+$0x40]  }
0x27b: {  	v5 =	vld [tilespmem:s5+$0x50]  }
0x27c: {  	v6 =	vld [tilespmem:s5+$0x60]  }
0x27d: {  	[tilespmem:s5+$0xC070] =	vst.add.f32.msk $0xffff, v0  }
0x27e: {  	[tilespmem:s5+$0xC000] =	vst.add.f32.msk $0xffff, v1  }
0x27f: {  	[tilespmem:s5+$0xC010] =	vst.add.f32.msk $0xffff, v2  }
0x280: {  	[tilespmem:s5+$0xC020] =	vst.add.f32.msk $0xffff, v3  }
0x281: {  	[tilespmem:s5+$0xC030] =	vst.add.f32.msk $0xffff, v4  }
0x282: {  	[tilespmem:s5+$0xC040] =	vst.add.f32.msk $0xffff, v63  }
0x283: {  	[tilespmem:s5+$0xC050] =	vst.add.f32.msk $0xffff, v5  }
0x284: {  	[tilespmem:s5+$0xC060] =	vst.add.f32.msk $0xffff, v6;
	s5 =	simm.s32 $0x0  }
0x285: {  	[hbm4b:s12+s5] =	stream.linear.scatter [tilespmem:s21], [sflag:$0x7], $0x4000, $0x38;
	[tilespmem:$0x18000] =	vst v63  }
0x286: {  	_ =	swait.ge [sflag:s29], $0x4000  }
0x287: {  	[sflag:s29] =	ssyncset.done $0x0  }
0x288: {  	[sflag:s29] =	ssyncadd.s32 $0xFFFFC000  }
0x289: {  	[tilespmem:s5], [sflag:$0x1] =	stream.linear.gather [hbm4b:s15+s5], $0x4000, $0x38;
	[tilespmem:$0x18000] =	vst v63  }
0x28a: {  	s6 =	rddreg [dreg:$0x12]  }
0x28b: {  	[tilespmem:s21], [sflag:$0x4] =	stream.linear.gather [hbm4b:s6+s5], $0x4000, $0x38;
	[tilespmem:$0x18000] =	vst v63  }
0x28c: {  	_ =	swait.ge [sflag:s30], $0x4000  }
0x28d: {  	[sflag:s30] =	ssyncset.done $0x0  }
0x28e: {  	[sflag:s30] =	ssyncadd.s32 $0xFFFFC000  }
0x28f: {  	_ =	swait.ge [sflag:s31], $0x4000  }
0x290: {  	[sflag:s31] =	ssyncset.done $0x0  }
0x291: {  	s5 =	simm.s32 $0x0;
	s6 =	simm.s32 $0x200;
	[sflag:s31] =	ssyncadd.s32 $0xFFFFC000  }
.LBB2_28:
0x292: {  	p0 =	sne.s32 s6, $0xFE00;
	v0 =	vld [tilespmem:s5+$0x4070]  }
0x293: {  	v1 =	vld [tilespmem:s5+$0x4000]  }
0x294: {  	v2 =	vld [tilespmem:s5+$0x4010]  }
0x295: {  	v3 =	vld [tilespmem:s5+$0x4020]  }
0x296: {  	v4 =	vld [tilespmem:s5+$0x4030]  }
0x297: {  	[tilespmem:s5+$0x10070] =	vst.add.f32.msk $0xffff, v0  }
0x298: {  	v0 =	vld [tilespmem:s5+$0x4040]  }
0x299: {  	v5 =	vld [tilespmem:s5+$0x4050]  }
0x29a: {  	v6 =	vld [tilespmem:s5+$0x4060]  }
0x29b: {  	[tilespmem:s5+$0x10000] =	vst.add.f32.msk $0xffff, v1  }
0x29c: {  	[tilespmem:s5+$0x10010] =	vst.add.f32.msk $0xffff, v2  }
.Ltmp13:
0x29d: {  	[tilespmem:s5+$0x10020] =	vst.add.f32.msk $0xffff, v3;
	(pc) =	sbr.rel @p0 .LBB2_28-.Ltmp13, $4  }
0x29e: {  	[tilespmem:s5+$0x10030] =	vst.add.f32.msk $0xffff, v4  }
0x29f: {  	[tilespmem:s5+$0x10040] =	vst.add.f32.msk $0xffff, v0  }
0x2a0: {  	[tilespmem:s5+$0x10050] =	vst.add.f32.msk $0xffff, v5  }
0x2a1: {  	[tilespmem:s5+$0x10060] =	vst.add.f32.msk $0xffff, v6;
	s5 =	sshra.s32 s6, $0x2;
	s6 =	sadd.s32 $0x200, s6  }
0x2a2: {  	v0 =	vld [tilespmem:s5+$0x4070]  }
0x2a3: {  	v1 =	vld [tilespmem:s5+$0x4000]  }
0x2a4: {  	v2 =	vld [tilespmem:s5+$0x4010]  }
0x2a5: {  	v3 =	vld [tilespmem:s5+$0x4020]  }
0x2a6: {  	v4 =	vld [tilespmem:s5+$0x4030]  }
0x2a7: {  	v63 =	vld [tilespmem:s5+$0x4040]  }
0x2a8: {  	v5 =	vld [tilespmem:s5+$0x4050]  }
0x2a9: {  	v6 =	vld [tilespmem:s5+$0x4060]  }
0x2aa: {  	[tilespmem:s5+$0x10070] =	vst.add.f32.msk $0xffff, v0  }
0x2ab: {  	[tilespmem:s5+$0x10000] =	vst.add.f32.msk $0xffff, v1  }
0x2ac: {  	[tilespmem:s5+$0x10010] =	vst.add.f32.msk $0xffff, v2  }
0x2ad: {  	[tilespmem:s5+$0x10020] =	vst.add.f32.msk $0xffff, v3  }
0x2ae: {  	[tilespmem:s5+$0x10030] =	vst.add.f32.msk $0xffff, v4  }
0x2af: {  	[tilespmem:s5+$0x10040] =	vst.add.f32.msk $0xffff, v63  }
0x2b0: {  	[tilespmem:s5+$0x10050] =	vst.add.f32.msk $0xffff, v5  }
0x2b1: {  	s6 =	simm.s32 $0x0;
	[tilespmem:s5+$0x10060] =	vst.add.f32.msk $0xffff, v6  }
0x2b2: {  	[hbm4b:s16+s6] =	stream.linear.scatter [tilespmem:s23], [sflag:$0x8], $0x4000, $0x38;
	[tilespmem:$0x18000] =	vst v63  }
0x2b3: {  	_ =	swait.ge [sflag:s1], $0x4000  }
0x2b4: {  	[sflag:s1] =	ssyncset.done $0x0  }
0x2b5: {  	[sflag:s1] =	ssyncadd.s32 $0xFFFFC000  }
0x2b6: {  	_ =	swait.ge [sflag:s2], $0x4000  }
0x2b7: {  	[sflag:s2] =	ssyncset.done $0x0  }
0x2b8: {  	s5 =	simm.s32 $0x0;
	s6 =	simm.s32 $0x200;
	[sflag:s2] =	ssyncadd.s32 $0xFFFFC000  }
.LBB2_30:
0x2b9: {  	p0 =	sne.s32 s6, $0xFE00;
	v0 =	vld [tilespmem:s5+$0x8070]  }
0x2ba: {  	v1 =	vld [tilespmem:s5+$0x8000]  }
0x2bb: {  	v2 =	vld [tilespmem:s5+$0x8010]  }
0x2bc: {  	v3 =	vld [tilespmem:s5+$0x8020]  }
0x2bd: {  	v4 =	vld [tilespmem:s5+$0x8030]  }
0x2be: {  	[tilespmem:s5+$0x14070] =	vst.add.f32.msk $0xffff, v0  }
0x2bf: {  	v0 =	vld [tilespmem:s5+$0x8040]  }
0x2c0: {  	v5 =	vld [tilespmem:s5+$0x8050]  }
0x2c1: {  	v6 =	vld [tilespmem:s5+$0x8060]  }
0x2c2: {  	[tilespmem:s5+$0x14000] =	vst.add.f32.msk $0xffff, v1  }
0x2c3: {  	[tilespmem:s5+$0x14010] =	vst.add.f32.msk $0xffff, v2  }
.Ltmp14:
0x2c4: {  	[tilespmem:s5+$0x14020] =	vst.add.f32.msk $0xffff, v3;
	(pc) =	sbr.rel @p0 .LBB2_30-.Ltmp14, $4  }
0x2c5: {  	[tilespmem:s5+$0x14030] =	vst.add.f32.msk $0xffff, v4  }
0x2c6: {  	[tilespmem:s5+$0x14040] =	vst.add.f32.msk $0xffff, v0  }
0x2c7: {  	[tilespmem:s5+$0x14050] =	vst.add.f32.msk $0xffff, v5  }
0x2c8: {  	[tilespmem:s5+$0x14060] =	vst.add.f32.msk $0xffff, v6;
	s5 =	sshra.s32 s6, $0x2;
	s6 =	sadd.s32 $0x200, s6  }
0x2c9: {  	v0 =	vld [tilespmem:s5+$0x8070]  }
0x2ca: {  	v1 =	vld [tilespmem:s5+$0x8000]  }
0x2cb: {  	v2 =	vld [tilespmem:s5+$0x8010]  }
0x2cc: {  	v3 =	vld [tilespmem:s5+$0x8020]  }
0x2cd: {  	v4 =	vld [tilespmem:s5+$0x8030]  }
0x2ce: {  	v63 =	vld [tilespmem:s5+$0x8040]  }
0x2cf: {  	v5 =	vld [tilespmem:s5+$0x8050]  }
0x2d0: {  	v6 =	vld [tilespmem:s5+$0x8060]  }
0x2d1: {  	[tilespmem:s5+$0x14070] =	vst.add.f32.msk $0xffff, v0  }
0x2d2: {  	[tilespmem:s5+$0x14000] =	vst.add.f32.msk $0xffff, v1  }
0x2d3: {  	[tilespmem:s5+$0x14010] =	vst.add.f32.msk $0xffff, v2  }
0x2d4: {  	[tilespmem:s5+$0x14020] =	vst.add.f32.msk $0xffff, v3  }
0x2d5: {  	[tilespmem:s5+$0x14030] =	vst.add.f32.msk $0xffff, v4  }
0x2d6: {  	[tilespmem:s5+$0x14040] =	vst.add.f32.msk $0xffff, v63  }
0x2d7: {  	[tilespmem:s5+$0x14050] =	vst.add.f32.msk $0xffff, v5  }
0x2d8: {  	s6 =	simm.s32 $0x0;
	[tilespmem:s5+$0x14060] =	vst.add.f32.msk $0xffff, v6  }
0x2d9: {  	[hbm4b:s18+s6] =	stream.linear.scatter [tilespmem:s25], [sflag:$0x9], $0x4000, $0x38;
	[tilespmem:$0x18000] =	vst v63  }
0x2da: {  	_ =	swait.ge [sflag:s26], $0x4000  }
0x2db: {  	[sflag:s26] =	ssyncset.done $0x0  }
0x2dc: {  	[sflag:s26] =	ssyncadd.s32 $0xFFFFC000  }
0x2dd: {  	_ =	swait.ge [sflag:s28], $0x4000  }
0x2de: {  	[sflag:s28] =	ssyncset.done $0x0  }
0x2df: {  	s5 =	simm.s32 $0x0;
	s6 =	simm.s32 $0x200;
	[sflag:s28] =	ssyncadd.s32 $0xFFFFC000  }
.LBB2_32:
0x2e0: {  	p0 =	sne.s32 s6, $0xFE00;
	v0 =	vld [tilespmem:s5+$0x70]  }
0x2e1: {  	v1 =	vld [tilespmem:s5+$0x0]  }
0x2e2: {  	v2 =	vld [tilespmem:s5+$0x10]  }
0x2e3: {  	v3 =	vld [tilespmem:s5+$0x20]  }
0x2e4: {  	v4 =	vld [tilespmem:s5+$0x30]  }
0x2e5: {  	[tilespmem:s5+$0xC070] =	vst.add.f32.msk $0xffff, v0  }
0x2e6: {  	v0 =	vld [tilespmem:s5+$0x40]  }
0x2e7: {  	v5 =	vld [tilespmem:s5+$0x50]  }
0x2e8: {  	v6 =	vld [tilespmem:s5+$0x60]  }
0x2e9: {  	[tilespmem:s5+$0xC000] =	vst.add.f32.msk $0xffff, v1  }
0x2ea: {  	[tilespmem:s5+$0xC010] =	vst.add.f32.msk $0xffff, v2  }
.Ltmp15:
0x2eb: {  	[tilespmem:s5+$0xC020] =	vst.add.f32.msk $0xffff, v3;
	(pc) =	sbr.rel @p0 .LBB2_32-.Ltmp15, $4  }
0x2ec: {  	[tilespmem:s5+$0xC030] =	vst.add.f32.msk $0xffff, v4  }
0x2ed: {  	[tilespmem:s5+$0xC040] =	vst.add.f32.msk $0xffff, v0  }
0x2ee: {  	[tilespmem:s5+$0xC050] =	vst.add.f32.msk $0xffff, v5  }
0x2ef: {  	[tilespmem:s5+$0xC060] =	vst.add.f32.msk $0xffff, v6;
	s5 =	sshra.s32 s6, $0x2;
	s6 =	sadd.s32 $0x200, s6  }
0x2f0: {  	v0 =	vld [tilespmem:s5+$0x70]  }
0x2f1: {  	v1 =	vld [tilespmem:s5+$0x0]  }
0x2f2: {  	v2 =	vld [tilespmem:s5+$0x10]  }
0x2f3: {  	v3 =	vld [tilespmem:s5+$0x20]  }
0x2f4: {  	v4 =	vld [tilespmem:s5+$0x30]  }
0x2f5: {  	v63 =	vld [tilespmem:s5+$0x40]  }
0x2f6: {  	v5 =	vld [tilespmem:s5+$0x50]  }
0x2f7: {  	v6 =	vld [tilespmem:s5+$0x60]  }
0x2f8: {  	[tilespmem:s5+$0xC070] =	vst.add.f32.msk $0xffff, v0  }
0x2f9: {  	[tilespmem:s5+$0xC000] =	vst.add.f32.msk $0xffff, v1  }
0x2fa: {  	[tilespmem:s5+$0xC010] =	vst.add.f32.msk $0xffff, v2  }
0x2fb: {  	[tilespmem:s5+$0xC020] =	vst.add.f32.msk $0xffff, v3  }
0x2fc: {  	[tilespmem:s5+$0xC030] =	vst.add.f32.msk $0xffff, v4  }
0x2fd: {  	[tilespmem:s5+$0xC040] =	vst.add.f32.msk $0xffff, v63  }
0x2fe: {  	[tilespmem:s5+$0xC050] =	vst.add.f32.msk $0xffff, v5  }
0x2ff: {  	[tilespmem:s5+$0xC060] =	vst.add.f32.msk $0xffff, v6  }
0x300: {  	[hbm4b:s19+s17] =	stream.linear.scatter [tilespmem:s21], [sflag:$0x7], $0x4000, $0x38;
	[tilespmem:$0x18000] =	vst v63  }
0x301: {  	_ =	swait.ge [sflag:s0], $0x4000  }
0x302: {  	[sflag:s0] =	ssyncset.done $0x0  }
0x303: {  	s4 =	sadd.s32 $0x1, s4;
	[sflag:s0] =	ssyncadd.s32 $0xFFFFC000  }
0x304: {  	p0 =	sne.s32 s4, s20;
	_ =	swait.ge [sflag:s3], $0x4000  }
.Ltmp16:
0x305: {  	[sflag:s3] =	ssyncset.done $0x0;
	(pc) =	sbr.rel @p0 .LBB2_1-.Ltmp16, $4  }
0x306: {  	[sflag:s3] =	ssyncadd.s32 $0xFFFFC000  }
0x307: {  	_ =	swait.ge [sflag:s29], $0x4000  }
0x308: {  	[sflag:s29] =	ssyncset.done $0x0  }
0x309: {  	[sflag:s29] =	ssyncadd.s32 $0xFFFFC000  }
0x30a: {  	_ =	sfence.sel $0x180000  }
0x30b: {  	[bflag:$0x0] =	sbarrier.arrive $0xFFFF  }
0x30c: {  	_ =	strace $0x9000004A  }
0x30d: {  	s0 =	stileid.u32;
	[bflag:$0x2] =	sbarrier.arrive $0xFFFF  }
0x30e: {  	p0 =	sne.s32 s0, $0x0;
	s0 =	rddreg [dreg:$0x2]  }
0x30f: {  	s0 =	sadd.s32 @!p0 $0x100000, s0  }
0x310: {  	[sflag:s0] =	ssyncadd.tile.s32 @!p0 $0x1;
	_ =	shalt  }
.Lfunc_end2:
_tile_overlayer_lowered:
.L_overlay_start_2:
0x311: {  	(tag) =	ssettag $0x2  }
0x312: {  	s0 =	rddreg [dreg:$0x0];
	s2 =	stileid.u32  }
0x313: {  	s1 =	rddreg [dreg:$0x1];
	p0 =	sne.s32 s2, $0x0  }
0x314: {  	s3 =	rddreg [dreg:$0x2];
	[bflag:$0x3] =	sbarrier.arrive $0xFFFF;
	s2 =	simm.s32 @!p0 $0x1C0A  }
0x315: {  	[timem:s3], [sflag:s2] =	dma.local @!p0 [hbm:s0], s1  }
0x316: {  	s0 =	simm.s32 @!p0 $0xA  }
0x317: {  	_ =	swait.ge @!p0 [sflag:s0], s1  }
0x318: {  	s1 =	ssub.s32 @!p0 $0x0, s1;
	[sflag:s0] =	ssyncset.done @!p0 $0x0  }
0x319: {  	[sflag:s0] =	ssyncadd.s32 @!p0 s1  }
0x31a: {  	[bflag:$0x3] =	sbarrier.arrive $0xFFFF  }
0x31b: {  	_ =	shalt  }

// kernel: sparse-core-data-format-call.cloned.1.call-start
scs
called_computation_lowered:
.L_overlay_start_0:
0x0: {  	s2 =	sld [smem:$0x3FD9]  }
0x1: {  	s3 =	sld [smem:$0x3FFE];
	_ =	sdelay $0x1  }
0x2: {  	s1 =	srdreg.scid  }
0x3: {  	s0 =	sand.u32 $0x1, s1  }
0x4: {  	s19 =	sshll.u32 s0, $0xA;
	s2 =	sadd.s32 s3, s2  }
0x5: {  	s2 =	sadd.s32 s2, s19  }
0x6: {  	[smem:$0x3FC6] =	sst s2  }
0x7: {  	_ = 	snop  }
0x8: {  	s2 =	sld [smem:$0x3FC9]  }
0x9: {  	s20 =	sld [smem:$0x3FD0];
	(tm) =	ssettm $0x1  }
0xa: {  	s4 =	sld [smem:$0x3FFB];
	_ =	sdelay $0x3  }
0xb: {  	_ =	strace s4  }
0xc: {  	s4 =	sld [smem:$0x3FFC];
	_ =	sdelay $0x3  }
0xd: {  	_ =	strace s4  }
0xe: {  	s4 =	sld [smem:$0x3FFD];
	_ =	sdelay $0x3  }
0xf: {  	_ =	strace s4  }
0x10: {  	_ =	strace $0x8FFFFFFF  }
0x11: {  	s21 =	sld [smem:$0x3FDB];
	_ =	sdelay $0x1  }
0x12: {  	s5 =	simm.s32 $_scs_section_size  }
0x13: {  	s6 =	simm.s32 $_size__tile_overlayer_lowered;
	s7 =	simm.s32 $_tile_overlayer_lowered  }
0x14: {  	s24 =	simm.s32 $0x1BFF;
	s23 =	sshll.u32 s7, $0x1;
	s4 =	sadd.s32 s5, s21  }
0x15: {  	s8 =	simm.s32 $0x0;
	s22 =	sshll.u32 s6, $0x1;
	s6 =	sadd.s32 s23, s4  }
0x16: {  	[timem:s8], [sflag:s24] =	dma.local [hbm:s6], s22  }
0x17: {  	_ =	swait.ge [sflag:s24], s22  }
0x18: {  	s5 =	ssub.s32 $0x0, s22;
	[sflag:s24] =	ssyncset.done $0x0  }
0x19: {  	[sflag:s24] =	ssyncadd.s32 s5;
	_ =	sdelay $0x1  }
0x1a: {  	s25 =	simm.s32 $0x1B8B  }
0x1b: {  	_ =	swait.ge [sflag:s25], $0x1  }
0x1c: {  	[sflag:s25] =	ssyncset.done $0x0  }
0x1d: {  	s26 =	simm.s32 $0x1B8E;
	[sflag:s25] =	ssyncadd.s32 $0xFFFFFFFF  }
0x1e: {  	s27 =	simm.s32 $execute0_lowered;
	[smem:$0x3FD2] =	sst s26  }
0x1f: {  	s5 =	sshll.u32 s27, $0x1;
	_ =	strace $0x80000046;
	[dreg:$0x1] =	wrdreg $0xFFFFFFFF  }
0x20: {  	s28 =	simm.s32 $_size_execute0_lowered;
	s4 =	sadd.s32 s4, s5;
	[dreg:$0x0] =	wrdreg $0x0  }
0x21: {  	s5 =	sshll.u32 s28, $0x1;
	[dreg:$0x2] =	wrdreg s4  }
0x22: {  	[dreg:$0x3] =	wrdreg s5  }
0x23: {  	[dreg:$0x4] =	wrdreg $0xC0  }
0x24: {  	_ =	task [dreg:s8], $0x5FFFF  }
0x25: {  	[dreg:$0x1] =	wrdreg $0xFFFFFFFF  }
0x26: {  	[dreg:$0x0] =	wrdreg $0x60  }
0x27: {  	[dreg:$0x2] =	wrdreg s2  }
0x28: {  	[dreg:$0x3] =	wrdreg s20  }
0x29: {  	[dreg:$0x4] =	wrdreg $0x9  }
0x2a: {  	_ =	task.clear_ibuf [dreg:s8], $0x5FFFF;
	_ =	strace $0x90000046  }
0x2b: {  	s29 =	simm.s32 $0x9;
	_ =	strace $0x80000048  }
0x2c: {  	_ =	swait.ge [sflag:s29], $0x1  }
0x2d: {  	[sflag:s29] =	ssyncadd.s32 $0xFFFFFFFF  }
0x2e: {  	_ =	strace $0x90000048  }
0x2f: {  	_ =	sfence  }
0x30: {  	s30 =	sld [smem:$0x0];
	_ =	sdelay $0x2  }
0x31: {  	s31 =	sshll.u32 s1, $0xD;
	s1 =	sshrl.u32 s1, $0x2  }
0x32: {  	s3 =	sand.u32 $0x4000, s31;
	s1 =	sadd.s32 s1, s30  }
0x33: {  	s0 =	sor.u32 s3, s0;
	s1 =	sshll.u32 s1, $0x11  }
0x34: {  	s0 =	sor.u32 s1, s0  }
0x35: {  	s0 =	sadd.s32 $0x8F2B, s0  }
0x36: {  	[sflag:s0] =	ssyncadd.remote.s32 $0x1  }
0x37: {  	_ =	sfence.sel $0xFFFF  }
0x38: {  	[dreg:$0x0] =	wrdreg $0xFFFFFFFF;
	(pc) =	sbr.abs _section_cstart, $3  }
0x39: {  	[dreg:$0x1] =	wrdreg $0xFFFFFFFF  }
0x3a: {  	_ =	task.clear_ibuf [dreg:s8], $0x2FFFF;
	_ =	strace $0x9FFFFFFF  }
0x3b: {  	(tm) =	ssettm $0x7FFFFFFF  }
tec
execute0_lowered:
.L_overlay_start_1:
0x0: {  	(tag) =	ssettag $0x1  }
0x1: {  	s0 =	srdreg.scid  }
0x2: {  	s1 =	sshll.u32 s0, $0x4  }
0x3: {  	s2 =	rddreg [dreg:$0x0];
	s0 =	stileid.u32;
	s1 =	sand.u32 $0x10, s1  }
0x4: {  	s4 =	rddreg [dreg:$0x1];
	s1 =	sor.u32 s0, s1  }
0x5: {  	s7 =	simm.s32 $0x1;
	s8 =	simm.s32 $0x2;
	s3 =	sshll.u32 s1, $0x1  }
0x6: {  	s9 =	simm.s32 $0x0;
	s12 =	simm.s32 $0x0;
	s6 =	ssub.s32 $0x400, s3  }
.Ltmp0:
0x7: {  	s11 =	simm.s32 $0x0;
	s5 =	sand.u32 $0x3E, s6;
	(pc) =	sbr.rel .LBB1_1-.Ltmp0, $4  }
0x8: {  	s1 =	rddreg [dreg:$0x2];
	_ =	strace $0x80000047;
	p0 =	sne.s32 s5, $0x0  }
0x9: {  	s6 =	sshrl.u32 s6, $0x6;
	s5 =	simm.s32 $0x1;
	s7 =	simm.s32 @!p0 $0x0  }
0xa: {  	s10 =	smov.u32 s3;
	[sflag:s5] =	ssyncpa.u1 $0x0;
	s6 =	sadd.s32 s7, s6  }
0xb: {  	[sflag:s8] =	ssyncpa.u1 $0x0;
	s8 =	simm.s32 $0x0;
	s7 =	sadd.s32 $0x1, s6  }
.LBB1_9:
0xc: {  	s14 =	sadd.s32 $0x40, s10  }
0xd: {  	p1 =	sgt.s32 s14, $0x3FF  }
0xe: {  	s14 =	smov.u32 @p1 s3;
	p1 =	sne.s32 s11, s7  }
.Ltmp1:
0xf: {  	p0 =	slt.u32 s11, $0x2;
	(pc) =	sbr.rel @!p1 .LBB1_10-.Ltmp1, $4  }
0x10: {  	s13 =	simm.s32 @!p0 $0x2  }
0x11: {  	s15 =	sadd.s32 $0x1, s11;
	_ =	swait.ge @!p0 [sflag:s13], $0x4000  }
0x12: {  	s12 =	smov.u32 s10;
	s9 =	sadd.s32 $0x4000, s9;
	[sflag:s13] =	ssyncset.done @!p0 $0x0  }
0x13: {  	s11 =	smov.u32 s15;
	s10 =	smov.u32 s14;
	[sflag:s13] =	ssyncadd.s32 @!p0 $0xFFFFC000  }
.LBB1_1:
0x14: {  	p0 =	sge.u32 s11, s6  }
0x15: {  	s13 =	sxor.u32 @!p0 $0xFFFFFFFF, s11  }
0x16: {  	s31 =	sadd.s32 $0xFFFFFFFF, s11;
	s14 =	sshll.u32 @!p0 s10, $0xA;
	s13 =	sshll.u32 @!p0 s13, $0xE  }
0x17: {  	s15 =	simm.s32 @!p0 $0x0;
	s14 =	sadd.s32 @!p0 s2, s14;
	s13 =	sand.u32 @!p0 $0x4000, s13  }
0x18: {  	[tilespmem:s13], [sflag:$0x1] =	stream.linear.gather @!p0 [hbm4b:s14+s15], $0x4000, $0x38;
	[tilespmem:$0x10000] =	vst v63  }
0x19: {  	p0 =	sge.u32 s31, s6  }
.Ltmp2:
0x1a: {  	_ = 	snop;
	(pc) =	sbr.rel @p0 .LBB1_9-.Ltmp2, $1  }
0x1b: {  	_ =	sdelay $0x3  }
0x1c: {  	s13 =	sshll.u32 s9, $0x2  }
0x1d: {  	_ =	swait.ge [sflag:s5], $0x4000;
	s14 =	sshll.u32 s11, $0xE;
	s16 =	simm.s32 $0x0  }
0x1e: {  	p1 =	por $0x1, $0x1;
	s13 =	sand.u32 $0x10000, s13;
	[sflag:s5] =	ssyncset.done $0x0  }
0x1f: {  	s14 =	sand.u32 $0x4000, s14;
	s15 =	sshrl.u32 s13, $0x2;
	[sflag:s5] =	ssyncadd.s32 $0xFFFFC000  }
0x20: {  	s13 =	sor.u32 $0x8000, s14;
	s14 =	sadd.s32 $0x8040, s15;
	s15 =	sadd.s32 $0x40, s15  }
.LBB1_3:
0x21: {  	s16 =	sshll.u32 s16, $0x2  }
0x22: {  	p0 =	por p1, p1;
	s17 =	sshra.s32 s16, $0x2  }
0x23: {  	s18 =	simm.s32 $0x0;
	s16 =	sadd.s32 s17, s14;
	s17 =	sadd.s32 s17, s15  }
.LBB1_4:
0x24: {  	v0 =	vmov s17;
	_ =	sdelay $0x3  }
0x25: {  	s20 =	simm.s32 $0x0  }
0x26: {  	v6 =	vld.idx.msk [tilespmem:v0+s20+$0x30 ss:$0x1], $0xffff  }
0x27: {  	v7 =	vld.idx.msk [tilespmem:v0+s20+$0xFFFFFFC0 ss:$0x1], $0xffff  }
0x28: {  	v5 =	vld.idx.msk [tilespmem:v0+s20+$0xFFFFFFD0 ss:$0x1], $0xffff  }
0x29: {  	v4 =	vld.idx.msk [tilespmem:v0+s20+$0xFFFFFFE0 ss:$0x1], $0xffff  }
0x2a: {  	v3 =	vld.idx.msk [tilespmem:v0+s20+$0xFFFFFFF0 ss:$0x1], $0xffff  }
0x2b: {  	v1 =	vld.idx.msk [tilespmem:v0+s20+$0x0 ss:$0x1], $0xffff  }
0x2c: {  	v2 =	vld.idx.msk [tilespmem:v0+s20+$0x10 ss:$0x1], $0xffff;
	[tilespmem:s16+$0x30] =	vst v6  }
0x2d: {  	s19 =	simm.s32 $0x80;
	s21 =	simm.s32 $0x400;
	[tilespmem:s16+$0xFFFFFFC0] =	vst v7;
	v6 =	vld.idx.msk [tilespmem:v0+s20+$0x20 ss:$0x1], $0xffff;
	s20 =	smov.u32 s16  }
.LBB1_5:
0x2e: {  	p1 =	sne.s32 s21, $0xE00;
	v7 =	vld.idx.msk [tilespmem:v0+s19+$0x30 ss:$0x1], $0xffff;
	[tilespmem:s20+$0xFFFFFFD0] =	vst v5  }
0x2f: {  	v8 =	vld.idx.msk [tilespmem:v0+s19+$0xFFFFFFC0 ss:$0x1], $0xffff;
	[tilespmem:s20+$0xFFFFFFE0] =	vst v4  }
0x30: {  	v5 =	vld.idx.msk [tilespmem:v0+s19+$0xFFFFFFD0 ss:$0x1], $0xffff;
	[tilespmem:s20+$0xFFFFFFF0] =	vst v3  }
.Ltmp3:
0x31: {  	v4 =	vld.idx.msk [tilespmem:v0+s19+$0xFFFFFFE0 ss:$0x1], $0xffff;
	[tilespmem:s20+$0x0] =	vst v1;
	(pc) =	sbr.rel @p1 .LBB1_5-.Ltmp3, $4  }
0x32: {  	v3 =	vld.idx.msk [tilespmem:v0+s19+$0xFFFFFFF0 ss:$0x1], $0xffff;
	[tilespmem:s20+$0x10] =	vst v2  }
0x33: {  	v1 =	vld.idx.msk [tilespmem:v0+s19+$0x0 ss:$0x1], $0xffff;
	[tilespmem:s20+$0x20] =	vst v6;
	s20 =	sadd.s32 $0x400, s20  }
0x34: {  	v2 =	vld.idx.msk [tilespmem:v0+s19+$0x10 ss:$0x1], $0xffff;
	[tilespmem:s20+$0x30] =	vst v7  }
0x35: {  	[tilespmem:s20+$0xFFFFFFC0] =	vst v8;
	v6 =	vld.idx.msk [tilespmem:v0+s19+$0x20 ss:$0x1], $0xffff;
	s19 =	sshra.s32 s21, $0x2;
	s21 =	sadd.s32 $0x200, s21  }
0x36: {  	_ =	sdelay $0x2  }
0x37: {  	[tilespmem:s20+$0xFFFFFFD0] =	vst v5  }
0x38: {  	v56 =	vld.idx.msk [tilespmem:v0+s19+$0x30 ss:$0x1], $0xffff;
	[tilespmem:s20+$0xFFFFFFE0] =	vst v4  }
0x39: {  	v57 =	vld.idx.msk [tilespmem:v0+s19+$0xFFFFFFC0 ss:$0x1], $0xffff;
	[tilespmem:s20+$0xFFFFFFF0] =	vst v3  }
0x3a: {  	v58 =	vld.idx.msk [tilespmem:v0+s19+$0xFFFFFFD0 ss:$0x1], $0xffff;
	[tilespmem:s20+$0x0] =	vst v1  }
0x3b: {  	v59 =	vld.idx.msk [tilespmem:v0+s19+$0xFFFFFFE0 ss:$0x1], $0xffff;
	[tilespmem:s20+$0x10] =	vst v2  }
0x3c: {  	v60 =	vld.idx.msk [tilespmem:v0+s19+$0xFFFFFFF0 ss:$0x1], $0xffff;
	s31 =	sadd.s32 $0x400, s20;
	[tilespmem:s20+$0x20] =	vst v6  }
0x3d: {  	v61 =	vld.idx.msk [tilespmem:v0+s19+$0x0 ss:$0x1], $0xffff;
	[tilespmem:s31+$0x30] =	vst v56  }
0x3e: {  	v62 =	vld.idx.msk [tilespmem:v0+s19+$0x10 ss:$0x1], $0xffff;
	s18 =	sadd.s32 $0x1, s18;
	[tilespmem:s31+$0xFFFFFFC0] =	vst v57  }
0x3f: {  	v63 =	vld.idx.msk [tilespmem:v0+s19+$0x20 ss:$0x1], $0xffff;
	p1 =	sne.s32 s18, $0x8;
	[tilespmem:s31+$0xFFFFFFD0] =	vst v58  }
.Ltmp4:
0x40: {  	[tilespmem:s31+$0xFFFFFFE0] =	vst v59;
	(pc) =	sbr.rel @p1 .LBB1_4-.Ltmp4, $4  }
0x41: {  	[tilespmem:s31+$0xFFFFFFF0] =	vst v60  }
0x42: {  	[tilespmem:s31+$0x0] =	vst v61  }
0x43: {  	[tilespmem:s31+$0x10] =	vst v62  }
0x44: {  	s16 =	sadd.s32 $0x80, s16;
	s17 =	sadd.s32 $0x400, s17;
	[tilespmem:s31+$0x20] =	vst v63  }
.Ltmp5:
0x45: {  	(pc) =	sbr.rel @p0 .LBB1_3-.Ltmp5, $2  }
0x46: {  	_ =	sdelay $0x2  }
0x47: {  	s16 =	simm.s32 $0x2000;
	p1 =	por $0x0, $0x0  }
.Ltmp6:
0x48: {  	(pc) =	sbr.rel .LBB1_9-.Ltmp6, $4  }
0x49: {  	_ = 	snop  }
0x4a: {  	s12 =	sshll.u32 s12, $0xA  }
0x4b: {  	s12 =	sadd.s32 s4, s12  }
0x4c: {  	[hbm4b:s12+s8] =	stream.linear.scatter [tilespmem:s13], [sflag:$0x2], $0x4000, $0x38;
	[tilespmem:$0x10000] =	vst v63  }
.LBB1_10:
0x4d: {  	_ =	sfence.sel $0x180000  }
0x4e: {  	s2 =	simm.s32 $0x1;
	[bflag:$0x0] =	sbarrier.arrive $0xFFFF  }
0x4f: {  	s31 =	simm.s32 $0x2;
	[sflag:s2] =	ssyncpa.u1 $0x1  }
0x50: {  	[sflag:s31] =	ssyncpa.u1 $0x1  }
0x51: {  	p0 =	sne.s32 s0, $0x0;
	_ =	strace $0x90000047  }
0x52: {  	s0 =	sadd.s32 @!p0 $0x100000, s1;
	[bflag:$0x2] =	sbarrier.arrive $0xFFFF  }
0x53: {  	[sflag:s0] =	ssyncadd.tile.s32 @!p0 $0x1;
	_ =	shalt  }
.Lfunc_end1:
_tile_overlayer_lowered:
.L_overlay_start_2:
0x54: {  	(tag) =	ssettag $0x2  }
0x55: {  	s0 =	rddreg [dreg:$0x0];
	s2 =	stileid.u32  }
0x56: {  	s1 =	rddreg [dreg:$0x1];
	p0 =	sne.s32 s2, $0x0  }
0x57: {  	s3 =	rddreg [dreg:$0x2];
	[bflag:$0x3] =	sbarrier.arrive $0xFFFF;
	s2 =	simm.s32 @!p0 $0x1C01  }
0x58: {  	[timem:s3], [sflag:s2] =	dma.local @!p0 [hbm:s0], s1  }
0x59: {  	s0 =	simm.s32 @!p0 $0x1  }
0x5a: {  	_ =	swait.ge @!p0 [sflag:s0], s1  }
0x5b: {  	s1 =	ssub.s32 @!p0 $0x0, s1;
	[sflag:s0] =	ssyncset.done @!p0 $0x0  }
0x5c: {  	[sflag:s0] =	ssyncadd.s32 @!p0 s1  }
0x5d: {  	[bflag:$0x3] =	sbarrier.arrive $0xFFFF  }
0x5e: {  	_ =	shalt  }

</sc_bundles>
